<compile_context>
chip_gen: v7x
topology: tpu7x:2x2x1
jax: 0.10.2.dev20260603
libtpu: 0.0.44.dev20260713+nightly
codegen_flags: <defaults>
</compile_context>

<pallas_src>
import functools

import jax
import jax.numpy as jnp
from jax import lax
from jax.experimental import pallas as pl
from jax.experimental.pallas import tpu as pltpu
from jax.experimental.pallas import tpu_sc as plsc

N = 50000
E = 800000
VOCAB = 10000
EMB = 64
HID = 128
HEADS = 4
OUT = HID // HEADS
G = 64
NC = 2

NCORE = 2
NSUB = 16
NW = NCORE * NSUB
CH = 128

NP_ = 50176
VP = 10240
BN = 512
NB = NP_ // BN
VB = VP // BN

CHN = 112
NPW = NP_ // NW
NCH_N = NPW // CHN

ETOT = E + N
EPAD = 851968
EPW = EPAD // NW
NCH_E = EPW // CH

MW = 40
NPS = NP_ // NSUB

BE = 2048
GE = EPAD // BE

_mesh = plsc.VectorSubcoreMesh(core_axis_name="c", subcore_axis_name="s")


def _f32(shape):
  return jax.ShapeDtypeStruct(shape, jnp.float32)


@functools.partial(
    pl.kernel,
    mesh=_mesh,
    out_type=[_f32((NP_, HID)), _f32((NP_, 8))],
    scratch_types=[
        pltpu.VMEM((CHN,), jnp.int32),
        pltpu.VMEM((CHN, HID), jnp.float32),
        pltpu.VMEM((CHN, 8), jnp.float32),
    ],
    compiler_params=pltpu.CompilerParams(use_tc_tiling_on_sc=False),
)
def _sc_node_gather(x_hbm, ew, asad_t, hw_out, asad_out, idx_v, rows_v, a_v):
  wid = lax.axis_index("s") * NCORE + lax.axis_index("c")

  @pl.loop(0, NCH_N)
  def _chunk(ch):
    base = wid * NPW + ch * CHN
    pltpu.sync_copy(x_hbm.at[pl.ds(base, CHN)], idx_v)
    pltpu.sync_copy(ew.at[idx_v], rows_v)
    pltpu.sync_copy(rows_v, hw_out.at[pl.ds(base, CHN)])
    pltpu.sync_copy(asad_t.at[idx_v], a_v)
    pltpu.sync_copy(a_v, asad_out.at[pl.ds(base, CHN)])


@functools.partial(
    pl.kernel,
    mesh=_mesh,
    out_type=[_f32((EPAD, 8)), _f32((EPAD, 8)), _f32((EPAD, HID))],
    scratch_types=[
        pltpu.VMEM((CH,), jnp.int32),
        pltpu.VMEM((CH,), jnp.int32),
        pltpu.VMEM((CH, 8), jnp.float32),
        pltpu.VMEM((CH, 8), jnp.float32),
        pltpu.VMEM((CH, HID), jnp.float32),
    ],
    compiler_params=pltpu.CompilerParams(use_tc_tiling_on_sc=False),
)
def _sc_edge_gather(src_hbm, dst_hbm, asad, hw,
                    se_out, de_out, rows_out,
                    srcv, dstv, s_v, d_v, rows_v):
  wid = lax.axis_index("s") * NCORE + lax.axis_index("c")

  @pl.loop(0, NCH_E)
  def _chunk(ch):
    base = wid * EPW + ch * CH
    pltpu.sync_copy(src_hbm.at[pl.ds(base, CH)], srcv)
    pltpu.sync_copy(dst_hbm.at[pl.ds(base, CH)], dstv)
    pltpu.sync_copy(asad.at[srcv], s_v)
    pltpu.sync_copy(s_v, se_out.at[pl.ds(base, CH)])
    pltpu.sync_copy(asad.at[dstv], d_v)
    pltpu.sync_copy(d_v, de_out.at[pl.ds(base, CH)])
    pltpu.sync_copy(hw.at[srcv], rows_v)
    pltpu.sync_copy(rows_v, rows_out.at[pl.ds(base, CH)])


@functools.partial(
    pl.kernel,
    mesh=_mesh,
    out_type=[_f32((NCORE, NP_, MW)) for _ in range(HEADS)],
    scratch_types=[
        pltpu.VMEM((CH,), jnp.int32),
        pltpu.VMEM((CH, MW), jnp.float32),
        pltpu.VMEM_SHARED((NP_, MW), jnp.float32),
    ],
    compiler_params=pltpu.CompilerParams(use_tc_tiling_on_sc=False),
)
def _sc_edge_scatter(dst_hbm, msg0, msg1, msg2, msg3, zeros_hbm,
                     acc0, acc1, acc2, acc3,
                     dstv, msgv, acc_sh):
  cid = lax.axis_index("c")
  sid = lax.axis_index("s")
  wid = sid * NCORE + cid

  for msg, acc in ((msg0, acc0), (msg1, acc1), (msg2, acc2), (msg3, acc3)):
    pltpu.sync_copy(zeros_hbm, acc_sh.at[pl.ds(sid * NPS, NPS)])
    plsc.subcore_barrier()

    @pl.loop(0, NCH_E)
    def _chunk(ch):
      base = wid * EPW + ch * CH
      pltpu.sync_copy(dst_hbm.at[pl.ds(base, CH)], dstv)
      pltpu.sync_copy(msg.at[pl.ds(base, CH)], msgv)
      pltpu.sync_copy(msgv, acc_sh.at[dstv], add=True)

    plsc.subcore_barrier()
    pltpu.sync_copy(acc_sh.at[pl.ds(sid * NPS, NPS)],
                    acc.at[cid, pl.ds(sid * NPS, NPS)])
    plsc.subcore_barrier()


def _tc_vocab_body(emb_ref, w_ref, am_ref, ew_out, asad_out):
  ew = jnp.dot(emb_ref[...], w_ref[...], preferred_element_type=jnp.float32)
  ew_out[...] = ew
  asad_out[...] = jnp.dot(ew, am_ref[...], preferred_element_type=jnp.float32)


def _tc_vocab(emb_pad, W1, asadm):
  return pl.pallas_call(
      _tc_vocab_body,
      grid=(VB,),
      in_specs=[
          pl.BlockSpec((BN, EMB), lambda i: (i, 0)),
          pl.BlockSpec((EMB, HID), lambda i: (0, 0)),
          pl.BlockSpec((HID, 8), lambda i: (0, 0)),
      ],
      out_specs=[pl.BlockSpec((BN, HID), lambda i: (i, 0)),
                 pl.BlockSpec((BN, 8), lambda i: (i, 0))],
      out_shape=[_f32((VP, HID)), _f32((VP, 8))],
  )(emb_pad, W1, asadm)


def _tc_edge_body(se_ref, de_ref, rows_ref, *outs):
  v = se_ref[...][:, :HEADS] + de_ref[...][:, HEADS:]
  w = jnp.exp(jnp.maximum(v, 0.2 * v))
  rows = rows_ref[...]
  pad = jnp.zeros((BE, MW - OUT - HEADS), jnp.float32)
  for h in range(HEADS):
    msg = rows[:, h * OUT:(h + 1) * OUT] * w[:, h:h + 1]
    outs[h][...] = jnp.concatenate([msg, w, pad], axis=1)


def _tc_edge(se, de, rows):
  return pl.pallas_call(
      _tc_edge_body,
      grid=(GE,),
      in_specs=[
          pl.BlockSpec((BE, 8), lambda i: (i, 0)),
          pl.BlockSpec((BE, 8), lambda i: (i, 0)),
          pl.BlockSpec((BE, HID), lambda i: (i, 0)),
      ],
      out_specs=[pl.BlockSpec((BE, MW), lambda i: (i, 0))
                 for _ in range(HEADS)],
      out_shape=[_f32((EPAD, MW)) for _ in range(HEADS)],
  )(se, de, rows)


def _node_features(a_refs, b_ref):
  parts = []
  for h in range(HEADS):
    acc = a_refs[h][0] + a_refs[h][1]
    den = acc[:, OUT + h:OUT + h + 1] + 1e-16
    parts.append(acc[:, :OUT] / den)
  hcat = jnp.concatenate(parts, axis=1)
  return jnp.maximum(hcat + b_ref[...], 0.0)


def _tc_prep_body(a0, a1, a2, a3, b_ref, w_ref, am_ref, hw_out, asad_out):
  hnode = _node_features((a0, a1, a2, a3), b_ref)
  hw = jnp.dot(hnode, w_ref[...], preferred_element_type=jnp.float32)
  hw_out[...] = hw
  asad_out[...] = jnp.dot(hw, am_ref[...], preferred_element_type=jnp.float32)


def _tc_prep(accs, b, W, asadm):
  return pl.pallas_call(
      _tc_prep_body,
      grid=(NB,),
      in_specs=[pl.BlockSpec((NCORE, BN, MW), lambda i: (0, i, 0))
                for _ in range(HEADS)] + [
          pl.BlockSpec((1, HID), lambda i: (0, 0)),
          pl.BlockSpec((HID, HID), lambda i: (0, 0)),
          pl.BlockSpec((HID, 8), lambda i: (0, 0)),
      ],
      out_specs=[pl.BlockSpec((BN, HID), lambda i: (i, 0)),
                 pl.BlockSpec((BN, 8), lambda i: (i, 0))],
      out_shape=[_f32((NP_, HID)), _f32((NP_, 8))],
  )(*accs, b, W, asadm)


def _tc_pool_body(a0, a1, a2, a3, b_ref, batch_ref, wl_ref, bl_ref,
                  out_ref, seg_ref, cnt_ref):
  i = pl.program_id(0)
  hnode = _node_features((a0, a1, a2, a3), b_ref)
  giota = lax.broadcasted_iota(jnp.int32, (BN, G), 1)
  onehot = (batch_ref[...] == giota).astype(jnp.float32)
  dn = (((0,), (0,)), ((), ()))
  segpart = lax.dot_general(onehot, hnode, dn,
                            preferred_element_type=jnp.float32)
  cntpart = lax.dot_general(onehot, jnp.ones((BN, HID), jnp.float32), dn,
                            preferred_element_type=jnp.float32)

  @pl.when(i == 0)
  def _():
    seg_ref[...] = jnp.zeros_like(seg_ref)
    cnt_ref[...] = jnp.zeros_like(cnt_ref)

  seg_ref[...] += segpart
  cnt_ref[...] += cntpart

  @pl.when(i == NB - 1)
  def _():
    pooled = seg_ref[...] / jnp.maximum(cnt_ref[...], 1.0)
    out_ref[...] = jnp.dot(pooled, wl_ref[...],
                           preferred_element_type=jnp.float32) + bl_ref[...]


def _tc_pool(accs, b, batch2d, wlp, blp):
  return pl.pallas_call(
      _tc_pool_body,
      grid=(NB,),
      in_specs=[pl.BlockSpec((NCORE, BN, MW), lambda i: (0, i, 0))
                for _ in range(HEADS)] + [
          pl.BlockSpec((1, HID), lambda i: (0, 0)),
          pl.BlockSpec((BN, 1), lambda i: (i, 0)),
          pl.BlockSpec((HID, HID), lambda i: (0, 0)),
          pl.BlockSpec((1, HID), lambda i: (0, 0)),
      ],
      out_specs=pl.BlockSpec((G, HID), lambda i: (0, 0)),
      out_shape=_f32((G, HID)),
      scratch_shapes=[pltpu.VMEM((G, HID), jnp.float32),
                      pltpu.VMEM((G, HID), jnp.float32)],
  )(*accs, b, batch2d, wlp, blp)


def _asadm(a_src, a_dst):
  mask = (jnp.arange(HID)[:, None] // OUT == jnp.arange(HEADS)[None, :])
  mask = mask.astype(jnp.float32)
  asm = mask * a_src.reshape(HID)[:, None]
  adm = mask * a_dst.reshape(HID)[:, None]
  return jnp.concatenate([asm, adm], axis=1)


def kernel(x, edge_index, batch, emb_table,
           W1, a_src1, a_dst1, b1, W2, a_src2, a_dst2, b2,
           W3, a_src3, a_dst3, b3, Wl, bl):
  i32 = jnp.int32
  x_pad = jnp.concatenate([x.astype(i32), jnp.zeros((NP_ - N,), i32)])
  loops = jnp.arange(N, dtype=i32)
  npad = EPAD - ETOT
  pad_fill = jnp.arange(npad, dtype=i32) % 64
  src = jnp.concatenate([edge_index[0].astype(i32), loops, pad_fill])
  dst = jnp.concatenate([edge_index[1].astype(i32), loops, N + pad_fill])
  batch2d = jnp.concatenate(
      [batch.astype(i32), jnp.full((NP_ - N,), G, i32)]).reshape(NP_, 1)
  emb_pad = jnp.concatenate(
      [emb_table, jnp.zeros((VP - VOCAB, EMB), jnp.float32)])
  wlp = jnp.zeros((HID, HID), jnp.float32).at[:, :NC].set(Wl)
  blp = jnp.zeros((1, HID), jnp.float32).at[0, :NC].set(bl)
  zeros_sh = jnp.zeros((NPS, MW), jnp.float32)

  ew, asad_t = _tc_vocab(emb_pad, W1, _asadm(a_src1, a_dst1))
  hw, asad = _sc_node_gather(x_pad, ew, asad_t)

  accs = None
  for li, (W, a_s, a_d, b) in enumerate((
      (None, None, None, b1), (W2, a_src2, a_dst2, b2),
      (W3, a_src3, a_dst3, b3))):
    if li > 0:
      hw, asad = _tc_prep(accs, b_prev.reshape(1, HID), W, _asadm(a_s, a_d))
    se, de, rows = _sc_edge_gather(src, dst, asad, hw)
    msgs = _tc_edge(se, de, rows)
    accs = _sc_edge_scatter(dst, *msgs, zeros_sh)
    b_prev = b

  out = _tc_pool(accs, b3.reshape(1, HID), batch2d, wlp, blp)
  return out[:, :NC]

# --- scband reference (transcript-rebuilt; emitter-appended) ---
"""Pipeline reference for scband-sprgnn-88648124990884 (READ-ONLY COPY).

The authoritative reference and input builder live on the scoring server;
editing this copy changes nothing except your own understanding.
"""

import jax, jax.numpy as jnp
import numpy as np

N = 50000
E = 800000
VOCAB = 10000
EMB = 64
HID = 128
HEADS = 4
OUT = HID // HEADS
G = 64
NC = 2

def setup_inputs(seed: int = 0) -> dict:
    key = jax.random.key(seed)
    ks = jax.random.split(key, 24)
    x = jax.random.randint(ks[0], (N,), 0, VOCAB, dtype=jnp.int64 if jax.config.jax_enable_x64 else jnp.int32)
    edge_index = jax.random.randint(ks[1], (2, E), 0, N, dtype=jnp.int64 if jax.config.jax_enable_x64 else jnp.int32)
    batch = jnp.sort(jax.random.randint(ks[2], (N,), 0, G, dtype=jnp.int64 if jax.config.jax_enable_x64 else jnp.int32))
    emb_table = jax.random.normal(ks[3], (VOCAB, EMB), jnp.float32) * 0.05
    emb_table = emb_table.at[0].set(0.0)  # padding_idx=0
    def lin(k, fi, fo):
        return jax.random.normal(k, (fi, fo), jnp.float32) * (1.0 / np.sqrt(fi))
    W1 = lin(ks[4], EMB, HID)
    a_src1 = jax.random.normal(ks[5], (HEADS, OUT), jnp.float32) * 0.1
    a_dst1 = jax.random.normal(ks[6], (HEADS, OUT), jnp.float32) * 0.1
    b1 = jnp.zeros((HID,), jnp.float32)
    W2 = lin(ks[7], HID, HID)
    a_src2 = jax.random.normal(ks[8], (HEADS, OUT), jnp.float32) * 0.1
    a_dst2 = jax.random.normal(ks[9], (HEADS, OUT), jnp.float32) * 0.1
    b2 = jnp.zeros((HID,), jnp.float32)
    W3 = lin(ks[10], HID, HID)
    a_src3 = jax.random.normal(ks[11], (HEADS, OUT), jnp.float32) * 0.1
    a_dst3 = jax.random.normal(ks[12], (HEADS, OUT), jnp.float32) * 0.1
    b3 = jnp.zeros((HID,), jnp.float32)
    Wl = lin(ks[13], HID, NC)
    bl = jnp.zeros((NC,), jnp.float32)
    return dict(x=x, edge_index=edge_index, batch=batch, emb_table=emb_table,
                W1=W1, a_src1=a_src1, a_dst1=a_dst1, b1=b1,
                W2=W2, a_src2=a_src2, a_dst2=a_dst2, b2=b2,
                W3=W3, a_src3=a_src3, a_dst3=a_dst3, b3=b3,
                Wl=Wl, bl=bl)

def _gat_conv(h, src, dst, W, a_s, a_d, b):
    # PyG GATConv (eval mode, self-loops already appended): linear -> per-head
    # attention logits -> leaky_relu(0.2) -> softmax over incoming edges per dst
    # -> weighted scatter-add -> concat heads + bias.
    hW = (h @ W).reshape(-1, HEADS, OUT)
    alpha_s = jnp.sum(hW * a_s, axis=-1)  # [N, HEADS]
    alpha_d = jnp.sum(hW * a_d, axis=-1)  # [N, HEADS]
    e = jax.nn.leaky_relu(alpha_s[src] + alpha_d[dst], negative_slope=0.2)  # [Etot, HEADS]
    m = jax.lax.stop_gradient(jax.ops.segment_max(e, dst, num_segments=N))
    ex = jnp.exp(e - m[dst])
    den = jax.ops.segment_sum(ex, dst, num_segments=N)
    alpha = ex / (den[dst] + 1e-16)
    msg = hW[src] * alpha[:, :, None]
    out = jax.ops.segment_sum(msg, dst, num_segments=N)
    return out.reshape(-1, HID) + b

def reference(x, edge_index, batch, emb_table, W1, a_src1, a_dst1, b1, W2, a_src2, a_dst2, b2, W3, a_src3, a_dst3, b3, Wl, bl):
    loops = jnp.arange(N, dtype=edge_index.dtype)
    src = jnp.concatenate([edge_index[0], loops])
    dst = jnp.concatenate([edge_index[1], loops])
    h = emb_table[x]
    h = jax.nn.relu(_gat_conv(h, src, dst, W1, a_src1, a_dst1, b1))
    h = jax.nn.relu(_gat_conv(h, src, dst, W2, a_src2, a_dst2, b2))
    h = jax.nn.relu(_gat_conv(h, src, dst, W3, a_src3, a_dst3, b3))
    sums = jax.ops.segment_sum(h, batch, num_segments=G)
    cnts = jax.ops.segment_sum(jnp.ones((N,), jnp.float32), batch, num_segments=G)
    pooled = sums / jnp.maximum(cnts, 1.0)[:, None]
    return pooled @ Wl + bl

if __name__ == "__main__":
    import jax
    _d = setup_inputs()
    print(jax.jit(kernel)(*tuple(_d.values())))

</pallas_src>

<mosaic_0001>
#map = affine_map<(d0, d1) -> (0)>
#map1 = affine_map<(d0, d1) -> (0, 0)>
module attributes {stable_mosaic.version = 14 : i64} {
  func.func @_sc_edge_gather(%arg0: i32, %arg1: i32, %arg2: memref<851968xi32, #tpu.memory_space<hbm>>, %arg3: memref<851968xi32, #tpu.memory_space<hbm>>, %arg4: memref<50176x8xf32, #tpu.memory_space<hbm>>, %arg5: memref<50176x128xf32, #tpu.memory_space<hbm>>, %arg6: memref<851968x8xf32, #tpu.memory_space<hbm>>, %arg7: memref<851968x8xf32, #tpu.memory_space<hbm>>, %arg8: memref<851968x128xf32, #tpu.memory_space<hbm>>, %arg9: memref<128xi32, #tpu.memory_space<vmem>>, %arg10: memref<128xi32, #tpu.memory_space<vmem>>, %arg11: memref<128x8xf32, #tpu.memory_space<vmem>>, %arg12: memref<128x8xf32, #tpu.memory_space<vmem>>, %arg13: memref<128x128xf32, #tpu.memory_space<vmem>>) attributes {dimension_semantics = [#tpu.dimension_semantics<core_parallel>, #tpu.dimension_semantics<subcore_parallel>], iteration_bounds = array<i64: 2, 16>, scalar_prefetch = 0 : i64, scratch_operands = 5 : i64, tpu.core_type = #tpu.core_type<sc_vector_subcore>, window_params = [{transform_indices = #map}, {transform_indices = #map}, {transform_indices = #map1}, {transform_indices = #map1}, {transform_indices = #map1}, {transform_indices = #map1}, {transform_indices = #map1}]} {
    %mul3A = arith.constant 2 : i32
    %mul3A_0 = arith.muli %arg1, %mul3A : i32
    %add3A = arith.addi %mul3A_0, %arg0 : i32
    %scan3A = arith.constant 0 : i32
    %scan3A_1 = arith.constant 208 : i32
    %scan3A_2 = arith.addi %scan3A, %scan3A_1 : i32
    %scan3A_3 = arith.constant 1 : i32
    scf.for %scan3A_5 = %scan3A to %scan3A_2 step %scan3A_3  : i32 {
      %mul3A_6 = arith.constant 1 : i32
      %mul3A_7 = arith.muli %scan3A_5, %mul3A_6 : i32
      %add3A_8 = arith.constant 0 : i32
      %add3A_9 = arith.addi %add3A_8, %mul3A_7 : i32
      %mul3A_10 = arith.constant 26624 : i32
      %mul3A_11 = arith.muli %add3A, %mul3A_10 : i32
      %mul3A_12 = arith.constant 128 : i32
      %mul3A_13 = arith.muli %add3A_9, %mul3A_12 : i32
      %add3A_14 = arith.addi %mul3A_11, %mul3A_13 : i32
      "tpu.region"() ({
        %run_scoped3A = tpu.sem_alloc : memref<!tpu.dma_semaphore, #tpu.memory_space<semaphore_mem>>
        %dma_start3A = tpu.memref_slice %arg2[%add3A_14] : memref<851968xi32, #tpu.memory_space<hbm>> -> memref<128xi32, #tpu.memory_space<hbm>>
        %dma_start3A_15 = tpu.memref_slice %arg2[%add3A_14] : memref<851968xi32, #tpu.memory_space<hbm>> -> memref<128xi32, #tpu.memory_space<hbm>>
        tpu.enqueue_dma source(%dma_start3A_15 : memref<128xi32, #tpu.memory_space<hbm>>) target(%arg9 : memref<128xi32, #tpu.memory_space<vmem>>) target_semaphore(%run_scoped3A : memref<!tpu.dma_semaphore, #tpu.memory_space<semaphore_mem>>)
        %dma_wait3A = tpu.memref_slice %arg2[%add3A_14] : memref<851968xi32, #tpu.memory_space<hbm>> -> memref<128xi32, #tpu.memory_space<hbm>>
        %dma_wait3A_16 = tpu.memref_slice %arg2[%add3A_14] : memref<851968xi32, #tpu.memory_space<hbm>> -> memref<128xi32, #tpu.memory_space<hbm>>
        tpu.wait_dma2 semaphore(%run_scoped3A : memref<!tpu.dma_semaphore, #tpu.memory_space<semaphore_mem>>) src(%dma_wait3A_16 : memref<128xi32, #tpu.memory_space<hbm>>) dst(%arg9 : memref<128xi32, #tpu.memory_space<vmem>>)
        tpu.yield
      }) : () -> ()
      "tpu.region"() ({
        %run_scoped3A = tpu.sem_alloc : memref<!tpu.dma_semaphore, #tpu.memory_space<semaphore_mem>>
        %dma_start3A = tpu.memref_slice %arg3[%add3A_14] : memref<851968xi32, #tpu.memory_space<hbm>> -> memref<128xi32, #tpu.memory_space<hbm>>
        %dma_start3A_15 = tpu.memref_slice %arg3[%add3A_14] : memref<851968xi32, #tpu.memory_space<hbm>> -> memref<128xi32, #tpu.memory_space<hbm>>
        tpu.enqueue_dma source(%dma_start3A_15 : memref<128xi32, #tpu.memory_space<hbm>>) target(%arg10 : memref<128xi32, #tpu.memory_space<vmem>>) target_semaphore(%run_scoped3A : memref<!tpu.dma_semaphore, #tpu.memory_space<semaphore_mem>>)
        %dma_wait3A = tpu.memref_slice %arg3[%add3A_14] : memref<851968xi32, #tpu.memory_space<hbm>> -> memref<128xi32, #tpu.memory_space<hbm>>
        %dma_wait3A_16 = tpu.memref_slice %arg3[%add3A_14] : memref<851968xi32, #tpu.memory_space<hbm>> -> memref<128xi32, #tpu.memory_space<hbm>>
        tpu.wait_dma2 semaphore(%run_scoped3A : memref<!tpu.dma_semaphore, #tpu.memory_space<semaphore_mem>>) src(%dma_wait3A_16 : memref<128xi32, #tpu.memory_space<hbm>>) dst(%arg10 : memref<128xi32, #tpu.memory_space<vmem>>)
        tpu.yield
      }) : () -> ()
      "tpu.region"() ({
        %run_scoped3A = tpu.sem_alloc : memref<!tpu.dma_semaphore, #tpu.memory_space<semaphore_mem>>
        %dma_start3A = arith.constant 0 : i32
        %dma_start3A_15 = arith.constant 0 : i32
        %dma_start3A_16 = tpu.memref_slice %arg4[%dma_start3A, %dma_start3A_15] : memref<50176x8xf32, #tpu.memory_space<hbm>> -> memref<50176x8xf32, #tpu.memory_space<hbm>>
        tpu.enqueue_indirect_dma source(%dma_start3A_16 : memref<50176x8xf32, #tpu.memory_space<hbm>>) target(%arg11 : memref<128x8xf32, #tpu.memory_space<vmem>>) offsets(%arg9 : memref<128xi32, #tpu.memory_space<vmem>>) semaphore(%run_scoped3A : memref<!tpu.dma_semaphore, #tpu.memory_space<semaphore_mem>>)
        %dma_wait3A = arith.constant 0 : i32
        %dma_wait3A_17 = arith.constant 0 : i32
        %dma_wait3A_18 = tpu.memref_slice %arg4[%dma_wait3A, %dma_wait3A_17] : memref<50176x8xf32, #tpu.memory_space<hbm>> -> memref<50176x8xf32, #tpu.memory_space<hbm>>
        tpu.wait_indirect_dma semaphore(%run_scoped3A : memref<!tpu.dma_semaphore, #tpu.memory_space<semaphore_mem>>) src(%dma_wait3A_18 : memref<50176x8xf32, #tpu.memory_space<hbm>>) dst(%arg11 : memref<128x8xf32, #tpu.memory_space<vmem>>)
        tpu.yield
      }) : () -> ()
      "tpu.region"() ({
        %run_scoped3A = tpu.sem_alloc : memref<!tpu.dma_semaphore, #tpu.memory_space<semaphore_mem>>
        %dma_start3A = arith.constant 0 : i32
        %dma_start3A_15 = tpu.memref_slice %arg6[%add3A_14, %dma_start3A] : memref<851968x8xf32, #tpu.memory_space<hbm>> -> memref<128x8xf32, #tpu.memory_space<hbm>>
        %dma_start3A_16 = arith.constant 0 : i32
        %dma_start3A_17 = tpu.memref_slice %arg6[%add3A_14, %dma_start3A_16] : memref<851968x8xf32, #tpu.memory_space<hbm>> -> memref<128x8xf32, #tpu.memory_space<hbm>>
        tpu.enqueue_dma source(%arg11 : memref<128x8xf32, #tpu.memory_space<vmem>>) target(%dma_start3A_17 : memref<128x8xf32, #tpu.memory_space<hbm>>) target_semaphore(%run_scoped3A : memref<!tpu.dma_semaphore, #tpu.memory_space<semaphore_mem>>)
        %dma_wait3A = arith.constant 0 : i32
        %dma_wait3A_18 = tpu.memref_slice %arg6[%add3A_14, %dma_wait3A] : memref<851968x8xf32, #tpu.memory_space<hbm>> -> memref<128x8xf32, #tpu.memory_space<hbm>>
        %dma_wait3A_19 = arith.constant 0 : i32
        %dma_wait3A_20 = tpu.memref_slice %arg6[%add3A_14, %dma_wait3A_19] : memref<851968x8xf32, #tpu.memory_space<hbm>> -> memref<128x8xf32, #tpu.memory_space<hbm>>
        tpu.wait_dma2 semaphore(%run_scoped3A : memref<!tpu.dma_semaphore, #tpu.memory_space<semaphore_mem>>) src(%arg11 : memref<128x8xf32, #tpu.memory_space<vmem>>) dst(%dma_wait3A_20 : memref<128x8xf32, #tpu.memory_space<hbm>>)
        tpu.yield
      }) : () -> ()
      "tpu.region"() ({
        %run_scoped3A = tpu.sem_alloc : memref<!tpu.dma_semaphore, #tpu.memory_space<semaphore_mem>>
        %dma_start3A = arith.constant 0 : i32
        %dma_start3A_15 = arith.constant 0 : i32
        %dma_start3A_16 = tpu.memref_slice %arg4[%dma_start3A, %dma_start3A_15] : memref<50176x8xf32, #tpu.memory_space<hbm>> -> memref<50176x8xf32, #tpu.memory_space<hbm>>
        tpu.enqueue_indirect_dma source(%dma_start3A_16 : memref<50176x8xf32, #tpu.memory_space<hbm>>) target(%arg12 : memref<128x8xf32, #tpu.memory_space<vmem>>) offsets(%arg10 : memref<128xi32, #tpu.memory_space<vmem>>) semaphore(%run_scoped3A : memref<!tpu.dma_semaphore, #tpu.memory_space<semaphore_mem>>)
        %dma_wait3A = arith.constant 0 : i32
        %dma_wait3A_17 = arith.constant 0 : i32
        %dma_wait3A_18 = tpu.memref_slice %arg4[%dma_wait3A, %dma_wait3A_17] : memref<50176x8xf32, #tpu.memory_space<hbm>> -> memref<50176x8xf32, #tpu.memory_space<hbm>>
        tpu.wait_indirect_dma semaphore(%run_scoped3A : memref<!tpu.dma_semaphore, #tpu.memory_space<semaphore_mem>>) src(%dma_wait3A_18 : memref<50176x8xf32, #tpu.memory_space<hbm>>) dst(%arg12 : memref<128x8xf32, #tpu.memory_space<vmem>>)
        tpu.yield
      }) : () -> ()
      "tpu.region"() ({
        %run_scoped3A = tpu.sem_alloc : memref<!tpu.dma_semaphore, #tpu.memory_space<semaphore_mem>>
        %dma_start3A = arith.constant 0 : i32
        %dma_start3A_15 = tpu.memref_slice %arg7[%add3A_14, %dma_start3A] : memref<851968x8xf32, #tpu.memory_space<hbm>> -> memref<128x8xf32, #tpu.memory_space<hbm>>
        %dma_start3A_16 = arith.constant 0 : i32
        %dma_start3A_17 = tpu.memref_slice %arg7[%add3A_14, %dma_start3A_16] : memref<851968x8xf32, #tpu.memory_space<hbm>> -> memref<128x8xf32, #tpu.memory_space<hbm>>
        tpu.enqueue_dma source(%arg12 : memref<128x8xf32, #tpu.memory_space<vmem>>) target(%dma_start3A_17 : memref<128x8xf32, #tpu.memory_space<hbm>>) target_semaphore(%run_scoped3A : memref<!tpu.dma_semaphore, #tpu.memory_space<semaphore_mem>>)
        %dma_wait3A = arith.constant 0 : i32
        %dma_wait3A_18 = tpu.memref_slice %arg7[%add3A_14, %dma_wait3A] : memref<851968x8xf32, #tpu.memory_space<hbm>> -> memref<128x8xf32, #tpu.memory_space<hbm>>
        %dma_wait3A_19 = arith.constant 0 : i32
        %dma_wait3A_20 = tpu.memref_slice %arg7[%add3A_14, %dma_wait3A_19] : memref<851968x8xf32, #tpu.memory_space<hbm>> -> memref<128x8xf32, #tpu.memory_space<hbm>>
        tpu.wait_dma2 semaphore(%run_scoped3A : memref<!tpu.dma_semaphore, #tpu.memory_space<semaphore_mem>>) src(%arg12 : memref<128x8xf32, #tpu.memory_space<vmem>>) dst(%dma_wait3A_20 : memref<128x8xf32, #tpu.memory_space<hbm>>)
        tpu.yield
      }) : () -> ()
      "tpu.region"() ({
        %run_scoped3A = tpu.sem_alloc : memref<!tpu.dma_semaphore, #tpu.memory_space<semaphore_mem>>
        %dma_start3A = arith.constant 0 : i32
        %dma_start3A_15 = arith.constant 0 : i32
        %dma_start3A_16 = tpu.memref_slice %arg5[%dma_start3A, %dma_start3A_15] : memref<50176x128xf32, #tpu.memory_space<hbm>> -> memref<50176x128xf32, #tpu.memory_space<hbm>>
        tpu.enqueue_indirect_dma source(%dma_start3A_16 : memref<50176x128xf32, #tpu.memory_space<hbm>>) target(%arg13 : memref<128x128xf32, #tpu.memory_space<vmem>>) offsets(%arg9 : memref<128xi32, #tpu.memory_space<vmem>>) semaphore(%run_scoped3A : memref<!tpu.dma_semaphore, #tpu.memory_space<semaphore_mem>>)
        %dma_wait3A = arith.constant 0 : i32
        %dma_wait3A_17 = arith.constant 0 : i32
        %dma_wait3A_18 = tpu.memref_slice %arg5[%dma_wait3A, %dma_wait3A_17] : memref<50176x128xf32, #tpu.memory_space<hbm>> -> memref<50176x128xf32, #tpu.memory_space<hbm>>
        tpu.wait_indirect_dma semaphore(%run_scoped3A : memref<!tpu.dma_semaphore, #tpu.memory_space<semaphore_mem>>) src(%dma_wait3A_18 : memref<50176x128xf32, #tpu.memory_space<hbm>>) dst(%arg13 : memref<128x128xf32, #tpu.memory_space<vmem>>)
        tpu.yield
      }) : () -> ()
      "tpu.region"() ({
        %run_scoped3A = tpu.sem_alloc : memref<!tpu.dma_semaphore, #tpu.memory_space<semaphore_mem>>
        %dma_start3A = arith.constant 0 : i32
        %dma_start3A_15 = tpu.memref_slice %arg8[%add3A_14, %dma_start3A] : memref<851968x128xf32, #tpu.memory_space<hbm>> -> memref<128x128xf32, #tpu.memory_space<hbm>>
        %dma_start3A_16 = arith.constant 0 : i32
        %dma_start3A_17 = tpu.memref_slice %arg8[%add3A_14, %dma_start3A_16] : memref<851968x128xf32, #tpu.memory_space<hbm>> -> memref<128x128xf32, #tpu.memory_space<hbm>>
        tpu.enqueue_dma source(%arg13 : memref<128x128xf32, #tpu.memory_space<vmem>>) target(%dma_start3A_17 : memref<128x128xf32, #tpu.memory_space<hbm>>) target_semaphore(%run_scoped3A : memref<!tpu.dma_semaphore, #tpu.memory_space<semaphore_mem>>)
        %dma_wait3A = arith.constant 0 : i32
        %dma_wait3A_18 = tpu.memref_slice %arg8[%add3A_14, %dma_wait3A] : memref<851968x128xf32, #tpu.memory_space<hbm>> -> memref<128x128xf32, #tpu.memory_space<hbm>>
        %dma_wait3A_19 = arith.constant 0 : i32
        %dma_wait3A_20 = tpu.memref_slice %arg8[%add3A_14, %dma_wait3A_19] : memref<851968x128xf32, #tpu.memory_space<hbm>> -> memref<128x128xf32, #tpu.memory_space<hbm>>
        tpu.wait_dma2 semaphore(%run_scoped3A : memref<!tpu.dma_semaphore, #tpu.memory_space<semaphore_mem>>) src(%arg13 : memref<128x128xf32, #tpu.memory_space<vmem>>) dst(%dma_wait3A_20 : memref<128x128xf32, #tpu.memory_space<hbm>>)
        tpu.yield
      }) : () -> ()
    }
    %scan3A_4 = arith.constant 208 : i32
    return
  }
}

#map = affine_map<(d0, d1) -> (0)>
#map1 = affine_map<(d0, d1) -> (0, 0)>
module attributes {stable_mosaic.version = 14 : i64} {
  func.func @_sc_edge_gather(%arg0: i32, %arg1: i32, %arg2: memref<851968xi32, #tpu.memory_space<hbm>>, %arg3: memref<851968xi32, #tpu.memory_space<hbm>>, %arg4: memref<50176x8xf32, #tpu.memory_space<hbm>>, %arg5: memref<50176x128xf32, #tpu.memory_space<hbm>>, %arg6: memref<851968x8xf32, #tpu.memory_space<hbm>>, %arg7: memref<851968x8xf32, #tpu.memory_space<hbm>>, %arg8: memref<851968x128xf32, #tpu.memory_space<hbm>>, %arg9: memref<128xi32, #tpu.memory_space<vmem>>, %arg10: memref<128xi32, #tpu.memory_space<vmem>>, %arg11: memref<128x8xf32, #tpu.memory_space<vmem>>, %arg12: memref<128x8xf32, #tpu.memory_space<vmem>>, %arg13: memref<128x128xf32, #tpu.memory_space<vmem>>) attributes {dimension_semantics = [#tpu.dimension_semantics<core_parallel>, #tpu.dimension_semantics<subcore_parallel>], iteration_bounds = array<i64: 2, 16>, scalar_prefetch = 0 : i64, scratch_operands = 5 : i64, tpu.core_type = #tpu.core_type<sc_vector_subcore>, window_params = [{transform_indices = #map}, {transform_indices = #map}, {transform_indices = #map1}, {transform_indices = #map1}, {transform_indices = #map1}, {transform_indices = #map1}, {transform_indices = #map1}]} {
    %mul3A = arith.constant 2 : i32
    %mul3A_0 = arith.muli %arg1, %mul3A : i32
    %add3A = arith.addi %mul3A_0, %arg0 : i32
    %scan3A = arith.constant 0 : i32
    %scan3A_1 = arith.constant 208 : i32
    %scan3A_2 = arith.addi %scan3A, %scan3A_1 : i32
    %scan3A_3 = arith.constant 1 : i32
    scf.for %scan3A_5 = %scan3A to %scan3A_2 step %scan3A_3  : i32 {
      %mul3A_6 = arith.constant 1 : i32
      %mul3A_7 = arith.muli %scan3A_5, %mul3A_6 : i32
      %add3A_8 = arith.constant 0 : i32
      %add3A_9 = arith.addi %add3A_8, %mul3A_7 : i32
      %mul3A_10 = arith.constant 26624 : i32
      %mul3A_11 = arith.muli %add3A, %mul3A_10 : i32
      %mul3A_12 = arith.constant 128 : i32
      %mul3A_13 = arith.muli %add3A_9, %mul3A_12 : i32
      %add3A_14 = arith.addi %mul3A_11, %mul3A_13 : i32
      "tpu.region"() ({
        %run_scoped3A = tpu.sem_alloc : memref<!tpu.dma_semaphore, #tpu.memory_space<semaphore_mem>>
        %dma_start3A = tpu.memref_slice %arg2[%add3A_14] : memref<851968xi32, #tpu.memory_space<hbm>> -> memref<128xi32, #tpu.memory_space<hbm>>
        %dma_start3A_15 = tpu.memref_slice %arg2[%add3A_14] : memref<851968xi32, #tpu.memory_space<hbm>> -> memref<128xi32, #tpu.memory_space<hbm>>
        tpu.enqueue_dma source(%dma_start3A_15 : memref<128xi32, #tpu.memory_space<hbm>>) target(%arg9 : memref<128xi32, #tpu.memory_space<vmem>>) target_semaphore(%run_scoped3A : memref<!tpu.dma_semaphore, #tpu.memory_space<semaphore_mem>>)
        %dma_wait3A = tpu.memref_slice %arg2[%add3A_14] : memref<851968xi32, #tpu.memory_space<hbm>> -> memref<128xi32, #tpu.memory_space<hbm>>
        %dma_wait3A_16 = tpu.memref_slice %arg2[%add3A_14] : memref<851968xi32, #tpu.memory_space<hbm>> -> memref<128xi32, #tpu.memory_space<hbm>>
        tpu.wait_dma2 semaphore(%run_scoped3A : memref<!tpu.dma_semaphore, #tpu.memory_space<semaphore_mem>>) src(%dma_wait3A_16 : memref<128xi32, #tpu.memory_space<hbm>>) dst(%arg9 : memref<128xi32, #tpu.memory_space<vmem>>)
        tpu.yield
      }) : () -> ()
      "tpu.region"() ({
        %run_scoped3A = tpu.sem_alloc : memref<!tpu.dma_semaphore, #tpu.memory_space<semaphore_mem>>
        %dma_start3A = tpu.memref_slice %arg3[%add3A_14] : memref<851968xi32, #tpu.memory_space<hbm>> -> memref<128xi32, #tpu.memory_space<hbm>>
        %dma_start3A_15 = tpu.memref_slice %arg3[%add3A_14] : memref<851968xi32, #tpu.memory_space<hbm>> -> memref<128xi32, #tpu.memory_space<hbm>>
        tpu.enqueue_dma source(%dma_start3A_15 : memref<128xi32, #tpu.memory_space<hbm>>) target(%arg10 : memref<128xi32, #tpu.memory_space<vmem>>) target_semaphore(%run_scoped3A : memref<!tpu.dma_semaphore, #tpu.memory_space<semaphore_mem>>)
        %dma_wait3A = tpu.memref_slice %arg3[%add3A_14] : memref<851968xi32, #tpu.memory_space<hbm>> -> memref<128xi32, #tpu.memory_space<hbm>>
        %dma_wait3A_16 = tpu.memref_slice %arg3[%add3A_14] : memref<851968xi32, #tpu.memory_space<hbm>> -> memref<128xi32, #tpu.memory_space<hbm>>
        tpu.wait_dma2 semaphore(%run_scoped3A : memref<!tpu.dma_semaphore, #tpu.memory_space<semaphore_mem>>) src(%dma_wait3A_16 : memref<128xi32, #tpu.memory_space<hbm>>) dst(%arg10 : memref<128xi32, #tpu.memory_space<vmem>>)
        tpu.yield
      }) : () -> ()
      "tpu.region"() ({
        %run_scoped3A = tpu.sem_alloc : memref<!tpu.dma_semaphore, #tpu.memory_space<semaphore_mem>>
        %dma_start3A = arith.constant 0 : i32
        %dma_start3A_15 = arith.constant 0 : i32
        %dma_start3A_16 = tpu.memref_slice %arg4[%dma_start3A, %dma_start3A_15] : memref<50176x8xf32, #tpu.memory_space<hbm>> -> memref<50176x8xf32, #tpu.memory_space<hbm>>
        tpu.enqueue_indirect_dma source(%dma_start3A_16 : memref<50176x8xf32, #tpu.memory_space<hbm>>) target(%arg11 : memref<128x8xf32, #tpu.memory_space<vmem>>) offsets(%arg9 : memref<128xi32, #tpu.memory_space<vmem>>) semaphore(%run_scoped3A : memref<!tpu.dma_semaphore, #tpu.memory_space<semaphore_mem>>)
        %dma_wait3A = arith.constant 0 : i32
        %dma_wait3A_17 = arith.constant 0 : i32
        %dma_wait3A_18 = tpu.memref_slice %arg4[%dma_wait3A, %dma_wait3A_17] : memref<50176x8xf32, #tpu.memory_space<hbm>> -> memref<50176x8xf32, #tpu.memory_space<hbm>>
        tpu.wait_indirect_dma semaphore(%run_scoped3A : memref<!tpu.dma_semaphore, #tpu.memory_space<semaphore_mem>>) src(%dma_wait3A_18 : memref<50176x8xf32, #tpu.memory_space<hbm>>) dst(%arg11 : memref<128x8xf32, #tpu.memory_space<vmem>>)
        tpu.yield
      }) : () -> ()
      "tpu.region"() ({
        %run_scoped3A = tpu.sem_alloc : memref<!tpu.dma_semaphore, #tpu.memory_space<semaphore_mem>>
        %dma_start3A = arith.constant 0 : i32
        %dma_start3A_15 = tpu.memref_slice %arg6[%add3A_14, %dma_start3A] : memref<851968x8xf32, #tpu.memory_space<hbm>> -> memref<128x8xf32, #tpu.memory_space<hbm>>
        %dma_start3A_16 = arith.constant 0 : i32
        %dma_start3A_17 = tpu.memref_slice %arg6[%add3A_14, %dma_start3A_16] : memref<851968x8xf32, #tpu.memory_space<hbm>> -> memref<128x8xf32, #tpu.memory_space<hbm>>
        tpu.enqueue_dma source(%arg11 : memref<128x8xf32, #tpu.memory_space<vmem>>) target(%dma_start3A_17 : memref<128x8xf32, #tpu.memory_space<hbm>>) target_semaphore(%run_scoped3A : memref<!tpu.dma_semaphore, #tpu.memory_space<semaphore_mem>>)
        %dma_wait3A = arith.constant 0 : i32
        %dma_wait3A_18 = tpu.memref_slice %arg6[%add3A_14, %dma_wait3A] : memref<851968x8xf32, #tpu.memory_space<hbm>> -> memref<128x8xf32, #tpu.memory_space<hbm>>
        %dma_wait3A_19 = arith.constant 0 : i32
        %dma_wait3A_20 = tpu.memref_slice %arg6[%add3A_14, %dma_wait3A_19] : memref<851968x8xf32, #tpu.memory_space<hbm>> -> memref<128x8xf32, #tpu.memory_space<hbm>>
        tpu.wait_dma2 semaphore(%run_scoped3A : memref<!tpu.dma_semaphore, #tpu.memory_space<semaphore_mem>>) src(%arg11 : memref<128x8xf32, #tpu.memory_space<vmem>>) dst(%dma_wait3A_20 : memref<128x8xf32, #tpu.memory_space<hbm>>)
        tpu.yield
      }) : () -> ()
      "tpu.region"() ({
        %run_scoped3A = tpu.sem_alloc : memref<!tpu.dma_semaphore, #tpu.memory_space<semaphore_mem>>
        %dma_start3A = arith.constant 0 : i32
        %dma_start3A_15 = arith.constant 0 : i32
        %dma_start3A_16 = tpu.memref_slice %arg4[%dma_start3A, %dma_start3A_15] : memref<50176x8xf32, #tpu.memory_space<hbm>> -> memref<50176x8xf32, #tpu.memory_space<hbm>>
        tpu.enqueue_indirect_dma source(%dma_start3A_16 : memref<50176x8xf32, #tpu.memory_space<hbm>>) target(%arg12 : memref<128x8xf32, #tpu.memory_space<vmem>>) offsets(%arg10 : memref<128xi32, #tpu.memory_space<vmem>>) semaphore(%run_scoped3A : memref<!tpu.dma_semaphore, #tpu.memory_space<semaphore_mem>>)
        %dma_wait3A = arith.constant 0 : i32
        %dma_wait3A_17 = arith.constant 0 : i32
        %dma_wait3A_18 = tpu.memref_slice %arg4[%dma_wait3A, %dma_wait3A_17] : memref<50176x8xf32, #tpu.memory_space<hbm>> -> memref<50176x8xf32, #tpu.memory_space<hbm>>
        tpu.wait_indirect_dma semaphore(%run_scoped3A : memref<!tpu.dma_semaphore, #tpu.memory_space<semaphore_mem>>) src(%dma_wait3A_18 : memref<50176x8xf32, #tpu.memory_space<hbm>>) dst(%arg12 : memref<128x8xf32, #tpu.memory_space<vmem>>)
        tpu.yield
      }) : () -> ()
      "tpu.region"() ({
        %run_scoped3A = tpu.sem_alloc : memref<!tpu.dma_semaphore, #tpu.memory_space<semaphore_mem>>
        %dma_start3A = arith.constant 0 : i32
        %dma_start3A_15 = tpu.memref_slice %arg7[%add3A_14, %dma_start3A] : memref<851968x8xf32, #tpu.memory_space<hbm>> -> memref<128x8xf32, #tpu.memory_space<hbm>>
        %dma_start3A_16 = arith.constant 0 : i32
        %dma_start3A_17 = tpu.memref_slice %arg7[%add3A_14, %dma_start3A_16] : memref<851968x8xf32, #tpu.memory_space<hbm>> -> memref<128x8xf32, #tpu.memory_space<hbm>>
        tpu.enqueue_dma source(%arg12 : memref<128x8xf32, #tpu.memory_space<vmem>>) target(%dma_start3A_17 : memref<128x8xf32, #tpu.memory_space<hbm>>) target_semaphore(%run_scoped3A : memref<!tpu.dma_semaphore, #tpu.memory_space<semaphore_mem>>)
        %dma_wait3A = arith.constant 0 : i32
        %dma_wait3A_18 = tpu.memref_slice %arg7[%add3A_14, %dma_wait3A] : memref<851968x8xf32, #tpu.memory_space<hbm>> -> memref<128x8xf32, #tpu.memory_space<hbm>>
        %dma_wait3A_19 = arith.constant 0 : i32
        %dma_wait3A_20 = tpu.memref_slice %arg7[%add3A_14, %dma_wait3A_19] : memref<851968x8xf32, #tpu.memory_space<hbm>> -> memref<128x8xf32, #tpu.memory_space<hbm>>
        tpu.wait_dma2 semaphore(%run_scoped3A : memref<!tpu.dma_semaphore, #tpu.memory_space<semaphore_mem>>) src(%arg12 : memref<128x8xf32, #tpu.memory_space<vmem>>) dst(%dma_wait3A_20 : memref<128x8xf32, #tpu.memory_space<hbm>>)
        tpu.yield
      }) : () -> ()
      "tpu.region"() ({
        %run_scoped3A = tpu.sem_alloc : memref<!tpu.dma_semaphore, #tpu.memory_space<semaphore_mem>>
        %dma_start3A = arith.constant 0 : i32
        %dma_start3A_15 = arith.constant 0 : i32
        %dma_start3A_16 = tpu.memref_slice %arg5[%dma_start3A, %dma_start3A_15] : memref<50176x128xf32, #tpu.memory_space<hbm>> -> memref<50176x128xf32, #tpu.memory_space<hbm>>
        tpu.enqueue_indirect_dma source(%dma_start3A_16 : memref<50176x128xf32, #tpu.memory_space<hbm>>) target(%arg13 : memref<128x128xf32, #tpu.memory_space<vmem>>) offsets(%arg9 : memref<128xi32, #tpu.memory_space<vmem>>) semaphore(%run_scoped3A : memref<!tpu.dma_semaphore, #tpu.memory_space<semaphore_mem>>)
        %dma_wait3A = arith.constant 0 : i32
        %dma_wait3A_17 = arith.constant 0 : i32
        %dma_wait3A_18 = tpu.memref_slice %arg5[%dma_wait3A, %dma_wait3A_17] : memref<50176x128xf32, #tpu.memory_space<hbm>> -> memref<50176x128xf32, #tpu.memory_space<hbm>>
        tpu.wait_indirect_dma semaphore(%run_scoped3A : memref<!tpu.dma_semaphore, #tpu.memory_space<semaphore_mem>>) src(%dma_wait3A_18 : memref<50176x128xf32, #tpu.memory_space<hbm>>) dst(%arg13 : memref<128x128xf32, #tpu.memory_space<vmem>>)
        tpu.yield
      }) : () -> ()
      "tpu.region"() ({
        %run_scoped3A = tpu.sem_alloc : memref<!tpu.dma_semaphore, #tpu.memory_space<semaphore_mem>>
        %dma_start3A = arith.constant 0 : i32
        %dma_start3A_15 = tpu.memref_slice %arg8[%add3A_14, %dma_start3A] : memref<851968x128xf32, #tpu.memory_space<hbm>> -> memref<128x128xf32, #tpu.memory_space<hbm>>
        %dma_start3A_16 = arith.constant 0 : i32
        %dma_start3A_17 = tpu.memref_slice %arg8[%add3A_14, %dma_start3A_16] : memref<851968x128xf32, #tpu.memory_space<hbm>> -> memref<128x128xf32, #tpu.memory_space<hbm>>
        tpu.enqueue_dma source(%arg13 : memref<128x128xf32, #tpu.memory_space<vmem>>) target(%dma_start3A_17 : memref<128x128xf32, #tpu.memory_space<hbm>>) target_semaphore(%run_scoped3A : memref<!tpu.dma_semaphore, #tpu.memory_space<semaphore_mem>>)
        %dma_wait3A = arith.constant 0 : i32
        %dma_wait3A_18 = tpu.memref_slice %arg8[%add3A_14, %dma_wait3A] : memref<851968x128xf32, #tpu.memory_space<hbm>> -> memref<128x128xf32, #tpu.memory_space<hbm>>
        %dma_wait3A_19 = arith.constant 0 : i32
        %dma_wait3A_20 = tpu.memref_slice %arg8[%add3A_14, %dma_wait3A_19] : memref<851968x128xf32, #tpu.memory_space<hbm>> -> memref<128x128xf32, #tpu.memory_space<hbm>>
        tpu.wait_dma2 semaphore(%run_scoped3A : memref<!tpu.dma_semaphore, #tpu.memory_space<semaphore_mem>>) src(%arg13 : memref<128x128xf32, #tpu.memory_space<vmem>>) dst(%dma_wait3A_20 : memref<128x128xf32, #tpu.memory_space<hbm>>)
        tpu.yield
      }) : () -> ()
    }
    %scan3A_4 = arith.constant 208 : i32
    return
  }
}

#map = affine_map<(d0, d1) -> (0)>
#map1 = affine_map<(d0, d1) -> (0, 0)>
module attributes {stable_mosaic.version = 14 : i64} {
  func.func @_sc_node_gather(%arg0: i32, %arg1: i32, %arg2: memref<50176xi32, #tpu.memory_space<hbm>>, %arg3: memref<10240x128xf32, #tpu.memory_space<hbm>>, %arg4: memref<10240x8xf32, #tpu.memory_space<hbm>>, %arg5: memref<50176x128xf32, #tpu.memory_space<hbm>>, %arg6: memref<50176x8xf32, #tpu.memory_space<hbm>>, %arg7: memref<112xi32, #tpu.memory_space<vmem>>, %arg8: memref<112x128xf32, #tpu.memory_space<vmem>>, %arg9: memref<112x8xf32, #tpu.memory_space<vmem>>) attributes {dimension_semantics = [#tpu.dimension_semantics<core_parallel>, #tpu.dimension_semantics<subcore_parallel>], iteration_bounds = array<i64: 2, 16>, scalar_prefetch = 0 : i64, scratch_operands = 3 : i64, tpu.core_type = #tpu.core_type<sc_vector_subcore>, window_params = [{transform_indices = #map}, {transform_indices = #map1}, {transform_indices = #map1}, {transform_indices = #map1}, {transform_indices = #map1}]} {
    %mul3A = arith.constant 2 : i32
    %mul3A_0 = arith.muli %arg1, %mul3A : i32
    %add3A = arith.addi %mul3A_0, %arg0 : i32
    %scan3A = arith.constant 0 : i32
    %scan3A_1 = arith.constant 14 : i32
    %scan3A_2 = arith.addi %scan3A, %scan3A_1 : i32
    %scan3A_3 = arith.constant 1 : i32
    scf.for %scan3A_5 = %scan3A to %scan3A_2 step %scan3A_3  : i32 {
      %mul3A_6 = arith.constant 1 : i32
      %mul3A_7 = arith.muli %scan3A_5, %mul3A_6 : i32
      %add3A_8 = arith.constant 0 : i32
      %add3A_9 = arith.addi %add3A_8, %mul3A_7 : i32
      %mul3A_10 = arith.constant 1568 : i32
      %mul3A_11 = arith.muli %add3A, %mul3A_10 : i32
      %mul3A_12 = arith.constant 112 : i32
      %mul3A_13 = arith.muli %add3A_9, %mul3A_12 : i32
      %add3A_14 = arith.addi %mul3A_11, %mul3A_13 : i32
      "tpu.region"() ({
        %run_scoped3A = tpu.sem_alloc : memref<!tpu.dma_semaphore, #tpu.memory_space<semaphore_mem>>
        %dma_start3A = tpu.memref_slice %arg2[%add3A_14] : memref<50176xi32, #tpu.memory_space<hbm>> -> memref<112xi32, #tpu.memory_space<hbm>>
        %dma_start3A_15 = tpu.memref_slice %arg2[%add3A_14] : memref<50176xi32, #tpu.memory_space<hbm>> -> memref<112xi32, #tpu.memory_space<hbm>>
        tpu.enqueue_dma source(%dma_start3A_15 : memref<112xi32, #tpu.memory_space<hbm>>) target(%arg7 : memref<112xi32, #tpu.memory_space<vmem>>) target_semaphore(%run_scoped3A : memref<!tpu.dma_semaphore, #tpu.memory_space<semaphore_mem>>)
        %dma_wait3A = tpu.memref_slice %arg2[%add3A_14] : memref<50176xi32, #tpu.memory_space<hbm>> -> memref<112xi32, #tpu.memory_space<hbm>>
        %dma_wait3A_16 = tpu.memref_slice %arg2[%add3A_14] : memref<50176xi32, #tpu.memory_space<hbm>> -> memref<112xi32, #tpu.memory_space<hbm>>
        tpu.wait_dma2 semaphore(%run_scoped3A : memref<!tpu.dma_semaphore, #tpu.memory_space<semaphore_mem>>) src(%dma_wait3A_16 : memref<112xi32, #tpu.memory_space<hbm>>) dst(%arg7 : memref<112xi32, #tpu.memory_space<vmem>>)
        tpu.yield
      }) : () -> ()
      "tpu.region"() ({
        %run_scoped3A = tpu.sem_alloc : memref<!tpu.dma_semaphore, #tpu.memory_space<semaphore_mem>>
        %dma_start3A = arith.constant 0 : i32
        %dma_start3A_15 = arith.constant 0 : i32
        %dma_start3A_16 = tpu.memref_slice %arg3[%dma_start3A, %dma_start3A_15] : memref<10240x128xf32, #tpu.memory_space<hbm>> -> memref<10240x128xf32, #tpu.memory_space<hbm>>
        tpu.enqueue_indirect_dma source(%dma_start3A_16 : memref<10240x128xf32, #tpu.memory_space<hbm>>) target(%arg8 : memref<112x128xf32, #tpu.memory_space<vmem>>) offsets(%arg7 : memref<112xi32, #tpu.memory_space<vmem>>) semaphore(%run_scoped3A : memref<!tpu.dma_semaphore, #tpu.memory_space<semaphore_mem>>)
        %dma_wait3A = arith.constant 0 : i32
        %dma_wait3A_17 = arith.constant 0 : i32
        %dma_wait3A_18 = tpu.memref_slice %arg3[%dma_wait3A, %dma_wait3A_17] : memref<10240x128xf32, #tpu.memory_space<hbm>> -> memref<10240x128xf32, #tpu.memory_space<hbm>>
        tpu.wait_indirect_dma semaphore(%run_scoped3A : memref<!tpu.dma_semaphore, #tpu.memory_space<semaphore_mem>>) src(%dma_wait3A_18 : memref<10240x128xf32, #tpu.memory_space<hbm>>) dst(%arg8 : memref<112x128xf32, #tpu.memory_space<vmem>>)
        tpu.yield
      }) : () -> ()
      "tpu.region"() ({
        %run_scoped3A = tpu.sem_alloc : memref<!tpu.dma_semaphore, #tpu.memory_space<semaphore_mem>>
        %dma_start3A = arith.constant 0 : i32
        %dma_start3A_15 = tpu.memref_slice %arg5[%add3A_14, %dma_start3A] : memref<50176x128xf32, #tpu.memory_space<hbm>> -> memref<112x128xf32, #tpu.memory_space<hbm>>
        %dma_start3A_16 = arith.constant 0 : i32
        %dma_start3A_17 = tpu.memref_slice %arg5[%add3A_14, %dma_start3A_16] : memref<50176x128xf32, #tpu.memory_space<hbm>> -> memref<112x128xf32, #tpu.memory_space<hbm>>
        tpu.enqueue_dma source(%arg8 : memref<112x128xf32, #tpu.memory_space<vmem>>) target(%dma_start3A_17 : memref<112x128xf32, #tpu.memory_space<hbm>>) target_semaphore(%run_scoped3A : memref<!tpu.dma_semaphore, #tpu.memory_space<semaphore_mem>>)
        %dma_wait3A = arith.constant 0 : i32
        %dma_wait3A_18 = tpu.memref_slice %arg5[%add3A_14, %dma_wait3A] : memref<50176x128xf32, #tpu.memory_space<hbm>> -> memref<112x128xf32, #tpu.memory_space<hbm>>
        %dma_wait3A_19 = arith.constant 0 : i32
        %dma_wait3A_20 = tpu.memref_slice %arg5[%add3A_14, %dma_wait3A_19] : memref<50176x128xf32, #tpu.memory_space<hbm>> -> memref<112x128xf32, #tpu.memory_space<hbm>>
        tpu.wait_dma2 semaphore(%run_scoped3A : memref<!tpu.dma_semaphore, #tpu.memory_space<semaphore_mem>>) src(%arg8 : memref<112x128xf32, #tpu.memory_space<vmem>>) dst(%dma_wait3A_20 : memref<112x128xf32, #tpu.memory_space<hbm>>)
        tpu.yield
      }) : () -> ()
      "tpu.region"() ({
        %run_scoped3A = tpu.sem_alloc : memref<!tpu.dma_semaphore, #tpu.memory_space<semaphore_mem>>
        %dma_start3A = arith.constant 0 : i32
        %dma_start3A_15 = arith.constant 0 : i32
        %dma_start3A_16 = tpu.memref_slice %arg4[%dma_start3A, %dma_start3A_15] : memref<10240x8xf32, #tpu.memory_space<hbm>> -> memref<10240x8xf32, #tpu.memory_space<hbm>>
        tpu.enqueue_indirect_dma source(%dma_start3A_16 : memref<10240x8xf32, #tpu.memory_space<hbm>>) target(%arg9 : memref<112x8xf32, #tpu.memory_space<vmem>>) offsets(%arg7 : memref<112xi32, #tpu.memory_space<vmem>>) semaphore(%run_scoped3A : memref<!tpu.dma_semaphore, #tpu.memory_space<semaphore_mem>>)
        %dma_wait3A = arith.constant 0 : i32
        %dma_wait3A_17 = arith.constant 0 : i32
        %dma_wait3A_18 = tpu.memref_slice %arg4[%dma_wait3A, %dma_wait3A_17] : memref<10240x8xf32, #tpu.memory_space<hbm>> -> memref<10240x8xf32, #tpu.memory_space<hbm>>
        tpu.wait_indirect_dma semaphore(%run_scoped3A : memref<!tpu.dma_semaphore, #tpu.memory_space<semaphore_mem>>) src(%dma_wait3A_18 : memref<10240x8xf32, #tpu.memory_space<hbm>>) dst(%arg9 : memref<112x8xf32, #tpu.memory_space<vmem>>)
        tpu.yield
      }) : () -> ()
      "tpu.region"() ({
        %run_scoped3A = tpu.sem_alloc : memref<!tpu.dma_semaphore, #tpu.memory_space<semaphore_mem>>
        %dma_start3A = arith.constant 0 : i32
        %dma_start3A_15 = tpu.memref_slice %arg6[%add3A_14, %dma_start3A] : memref<50176x8xf32, #tpu.memory_space<hbm>> -> memref<112x8xf32, #tpu.memory_space<hbm>>
        %dma_start3A_16 = arith.constant 0 : i32
        %dma_start3A_17 = tpu.memref_slice %arg6[%add3A_14, %dma_start3A_16] : memref<50176x8xf32, #tpu.memory_space<hbm>> -> memref<112x8xf32, #tpu.memory_space<hbm>>
        tpu.enqueue_dma source(%arg9 : memref<112x8xf32, #tpu.memory_space<vmem>>) target(%dma_start3A_17 : memref<112x8xf32, #tpu.memory_space<hbm>>) target_semaphore(%run_scoped3A : memref<!tpu.dma_semaphore, #tpu.memory_space<semaphore_mem>>)
        %dma_wait3A = arith.constant 0 : i32
        %dma_wait3A_18 = tpu.memref_slice %arg6[%add3A_14, %dma_wait3A] : memref<50176x8xf32, #tpu.memory_space<hbm>> -> memref<112x8xf32, #tpu.memory_space<hbm>>
        %dma_wait3A_19 = arith.constant 0 : i32
        %dma_wait3A_20 = tpu.memref_slice %arg6[%add3A_14, %dma_wait3A_19] : memref<50176x8xf32, #tpu.memory_space<hbm>> -> memref<112x8xf32, #tpu.memory_space<hbm>>
        tpu.wait_dma2 semaphore(%run_scoped3A : memref<!tpu.dma_semaphore, #tpu.memory_space<semaphore_mem>>) src(%arg9 : memref<112x8xf32, #tpu.memory_space<vmem>>) dst(%dma_wait3A_20 : memref<112x8xf32, #tpu.memory_space<hbm>>)
        tpu.yield
      }) : () -> ()
    }
    %scan3A_4 = arith.constant 14 : i32
    return
  }
}

#map = affine_map<(d0, d1) -> (0)>
#map1 = affine_map<(d0, d1) -> (0, 0)>
#map2 = affine_map<(d0, d1) -> (0, 0, 0)>
module attributes {stable_mosaic.version = 14 : i64} {
  func.func @_sc_edge_scatter(%arg0: i32, %arg1: i32, %arg2: memref<851968xi32, #tpu.memory_space<hbm>>, %arg3: memref<851968x40xf32, #tpu.memory_space<hbm>>, %arg4: memref<851968x40xf32, #tpu.memory_space<hbm>>, %arg5: memref<851968x40xf32, #tpu.memory_space<hbm>>, %arg6: memref<851968x40xf32, #tpu.memory_space<hbm>>, %arg7: memref<3136x40xf32, #tpu.memory_space<hbm>>, %arg8: memref<2x50176x40xf32, #tpu.memory_space<hbm>>, %arg9: memref<2x50176x40xf32, #tpu.memory_space<hbm>>, %arg10: memref<2x50176x40xf32, #tpu.memory_space<hbm>>, %arg11: memref<2x50176x40xf32, #tpu.memory_space<hbm>>, %arg12: memref<128xi32, #tpu.memory_space<vmem>>, %arg13: memref<128x40xf32, #tpu.memory_space<vmem>>, %arg14: memref<50176x40xf32, #tpu.memory_space<vmem_shared>>) attributes {dimension_semantics = [#tpu.dimension_semantics<core_parallel>, #tpu.dimension_semantics<subcore_parallel>], iteration_bounds = array<i64: 2, 16>, scalar_prefetch = 0 : i64, scratch_operands = 3 : i64, tpu.core_type = #tpu.core_type<sc_vector_subcore>, window_params = [{transform_indices = #map}, {transform_indices = #map1}, {transform_indices = #map1}, {transform_indices = #map1}, {transform_indices = #map1}, {transform_indices = #map1}, {transform_indices = #map2}, {transform_indices = #map2}, {transform_indices = #map2}, {transform_indices = #map2}]} {
    %mul3A = arith.constant 2 : i32
    %mul3A_0 = arith.muli %arg1, %mul3A : i32
    %add3A = arith.addi %mul3A_0, %arg0 : i32
    %mul3A_1 = arith.constant 3136 : i32
    %mul3A_2 = arith.muli %arg1, %mul3A_1 : i32
    "tpu.region"() ({
      %run_scoped3A = tpu.sem_alloc : memref<!tpu.dma_semaphore, #tpu.memory_space<semaphore_mem>>
      %dma_start3A = arith.constant 0 : i32
      %dma_start3A_55 = tpu.memref_slice %arg14[%mul3A_2, %dma_start3A] : memref<50176x40xf32, #tpu.memory_space<vmem_shared>> -> memref<3136x40xf32, #tpu.memory_space<vmem_shared>>
      tpu.enqueue_dma source(%arg7 : memref<3136x40xf32, #tpu.memory_space<hbm>>) target(%dma_start3A_55 : memref<3136x40xf32, #tpu.memory_space<vmem_shared>>) target_semaphore(%run_scoped3A : memref<!tpu.dma_semaphore, #tpu.memory_space<semaphore_mem>>)
      %dma_wait3A = arith.constant 0 : i32
      %dma_wait3A_56 = tpu.memref_slice %arg14[%mul3A_2, %dma_wait3A] : memref<50176x40xf32, #tpu.memory_space<vmem_shared>> -> memref<3136x40xf32, #tpu.memory_space<vmem_shared>>
      tpu.wait_dma2 semaphore(%run_scoped3A : memref<!tpu.dma_semaphore, #tpu.memory_space<semaphore_mem>>) src(%arg7 : memref<3136x40xf32, #tpu.memory_space<hbm>>) dst(%dma_wait3A_56 : memref<3136x40xf32, #tpu.memory_space<vmem_shared>>)
      tpu.yield
    }) : () -> ()
    %barrier3A = arith.constant 0 : index
    tpu.barrier barrier_id(%barrier3A)
    %scan3A = arith.constant 0 : i32
    %scan3A_3 = arith.constant 208 : i32
    %scan3A_4 = arith.addi %scan3A, %scan3A_3 : i32
    %scan3A_5 = arith.constant 1 : i32
    scf.for %scan3A_55 = %scan3A to %scan3A_4 step %scan3A_5  : i32 {
      %mul3A_56 = arith.constant 1 : i32
      %mul3A_57 = arith.muli %scan3A_55, %mul3A_56 : i32
      %add3A_58 = arith.constant 0 : i32
      %add3A_59 = arith.addi %add3A_58, %mul3A_57 : i32
      %mul3A_60 = arith.constant 26624 : i32
      %mul3A_61 = arith.muli %add3A, %mul3A_60 : i32
      %mul3A_62 = arith.constant 128 : i32
      %mul3A_63 = arith.muli %add3A_59, %mul3A_62 : i32
      %add3A_64 = arith.addi %mul3A_61, %mul3A_63 : i32
      "tpu.region"() ({
        %run_scoped3A = tpu.sem_alloc : memref<!tpu.dma_semaphore, #tpu.memory_space<semaphore_mem>>
        %dma_start3A = tpu.memref_slice %arg2[%add3A_64] : memref<851968xi32, #tpu.memory_space<hbm>> -> memref<128xi32, #tpu.memory_space<hbm>>
        %dma_start3A_65 = tpu.memref_slice %arg2[%add3A_64] : memref<851968xi32, #tpu.memory_space<hbm>> -> memref<128xi32, #tpu.memory_space<hbm>>
        tpu.enqueue_dma source(%dma_start3A_65 : memref<128xi32, #tpu.memory_space<hbm>>) target(%arg12 : memref<128xi32, #tpu.memory_space<vmem>>) target_semaphore(%run_scoped3A : memref<!tpu.dma_semaphore, #tpu.memory_space<semaphore_mem>>)
        %dma_wait3A = tpu.memref_slice %arg2[%add3A_64] : memref<851968xi32, #tpu.memory_space<hbm>> -> memref<128xi32, #tpu.memory_space<hbm>>
        %dma_wait3A_66 = tpu.memref_slice %arg2[%add3A_64] : memref<851968xi32, #tpu.memory_space<hbm>> -> memref<128xi32, #tpu.memory_space<hbm>>
        tpu.wait_dma2 semaphore(%run_scoped3A : memref<!tpu.dma_semaphore, #tpu.memory_space<semaphore_mem>>) src(%dma_wait3A_66 : memref<128xi32, #tpu.memory_space<hbm>>) dst(%arg12 : memref<128xi32, #tpu.memory_space<vmem>>)
        tpu.yield
      }) : () -> ()
      "tpu.region"() ({
        %run_scoped3A = tpu.sem_alloc : memref<!tpu.dma_semaphore, #tpu.memory_space<semaphore_mem>>
        %dma_start3A = arith.constant 0 : i32
        %dma_start3A_65 = tpu.memref_slice %arg3[%add3A_64, %dma_start3A] : memref<851968x40xf32, #tpu.memory_space<hbm>> -> memref<128x40xf32, #tpu.memory_space<hbm>>
        %dma_start3A_66 = arith.constant 0 : i32
        %dma_start3A_67 = tpu.memref_slice %arg3[%add3A_64, %dma_start3A_66] : memref<851968x40xf32, #tpu.memory_space<hbm>> -> memref<128x40xf32, #tpu.memory_space<hbm>>
        tpu.enqueue_dma source(%dma_start3A_67 : memref<128x40xf32, #tpu.memory_space<hbm>>) target(%arg13 : memref<128x40xf32, #tpu.memory_space<vmem>>) target_semaphore(%run_scoped3A : memref<!tpu.dma_semaphore, #tpu.memory_space<semaphore_mem>>)
        %dma_wait3A = arith.constant 0 : i32
        %dma_wait3A_68 = tpu.memref_slice %arg3[%add3A_64, %dma_wait3A] : memref<851968x40xf32, #tpu.memory_space<hbm>> -> memref<128x40xf32, #tpu.memory_space<hbm>>
        %dma_wait3A_69 = arith.constant 0 : i32
        %dma_wait3A_70 = tpu.memref_slice %arg3[%add3A_64, %dma_wait3A_69] : memref<851968x40xf32, #tpu.memory_space<hbm>> -> memref<128x40xf32, #tpu.memory_space<hbm>>
        tpu.wait_dma2 semaphore(%run_scoped3A : memref<!tpu.dma_semaphore, #tpu.memory_space<semaphore_mem>>) src(%dma_wait3A_70 : memref<128x40xf32, #tpu.memory_space<hbm>>) dst(%arg13 : memref<128x40xf32, #tpu.memory_space<vmem>>)
        tpu.yield
      }) : () -> ()
      "tpu.region"() ({
        %run_scoped3A = tpu.sem_alloc : memref<!tpu.dma_semaphore, #tpu.memory_space<semaphore_mem>>
        %dma_start3A = arith.constant 0 : i32
        %dma_start3A_65 = arith.constant 0 : i32
        %dma_start3A_66 = tpu.memref_slice %arg14[%dma_start3A, %dma_start3A_65] : memref<50176x40xf32, #tpu.memory_space<vmem_shared>> -> memref<50176x40xf32, #tpu.memory_space<vmem_shared>>
        tpu.enqueue_indirect_dma source(%arg13 : memref<128x40xf32, #tpu.memory_space<vmem>>) target(%dma_start3A_66 : memref<50176x40xf32, #tpu.memory_space<vmem_shared>>) offsets(%arg12 : memref<128xi32, #tpu.memory_space<vmem>>) semaphore(%run_scoped3A : memref<!tpu.dma_semaphore, #tpu.memory_space<semaphore_mem>>) {add = true}
        %dma_wait3A = arith.constant 0 : i32
        %dma_wait3A_67 = arith.constant 0 : i32
        %dma_wait3A_68 = tpu.memref_slice %arg14[%dma_wait3A, %dma_wait3A_67] : memref<50176x40xf32, #tpu.memory_space<vmem_shared>> -> memref<50176x40xf32, #tpu.memory_space<vmem_shared>>
        tpu.wait_indirect_dma semaphore(%run_scoped3A : memref<!tpu.dma_semaphore, #tpu.memory_space<semaphore_mem>>) src(%arg13 : memref<128x40xf32, #tpu.memory_space<vmem>>) dst(%dma_wait3A_68 : memref<50176x40xf32, #tpu.memory_space<vmem_shared>>)
        tpu.yield
      }) : () -> ()
    }
    %scan3A_6 = arith.constant 208 : i32
    %barrier3A_7 = arith.constant 0 : index
    tpu.barrier barrier_id(%barrier3A_7)
    %mul3A_8 = arith.constant 3136 : i32
    %mul3A_9 = arith.muli %arg1, %mul3A_8 : i32
    %mul3A_10 = arith.constant 3136 : i32
    %mul3A_11 = arith.muli %arg1, %mul3A_10 : i32
    "tpu.region"() ({
      %run_scoped3A = tpu.sem_alloc : memref<!tpu.dma_semaphore, #tpu.memory_space<semaphore_mem>>
      %dma_start3A = arith.constant 0 : i32
      %dma_start3A_55 = tpu.memref_slice %arg8[%arg0, %mul3A_11, %dma_start3A] : memref<2x50176x40xf32, #tpu.memory_space<hbm>> -> memref<1x3136x40xf32, #tpu.memory_space<hbm>>
      %dma_start3A_56 = tpu.memref_squeeze %dma_start3A_55 : memref<1x3136x40xf32, #tpu.memory_space<hbm>> -> memref<3136x40xf32, #tpu.memory_space<hbm>>
      %dma_start3A_57 = arith.constant 0 : i32
      %dma_start3A_58 = tpu.memref_slice %arg14[%mul3A_9, %dma_start3A_57] : memref<50176x40xf32, #tpu.memory_space<vmem_shared>> -> memref<3136x40xf32, #tpu.memory_space<vmem_shared>>
      tpu.enqueue_dma source(%dma_start3A_58 : memref<3136x40xf32, #tpu.memory_space<vmem_shared>>) target(%dma_start3A_56 : memref<3136x40xf32, #tpu.memory_space<hbm>>) target_semaphore(%run_scoped3A : memref<!tpu.dma_semaphore, #tpu.memory_space<semaphore_mem>>)
      %dma_wait3A = arith.constant 0 : i32
      %dma_wait3A_59 = tpu.memref_slice %arg8[%arg0, %mul3A_11, %dma_wait3A] : memref<2x50176x40xf32, #tpu.memory_space<hbm>> -> memref<1x3136x40xf32, #tpu.memory_space<hbm>>
      %dma_wait3A_60 = tpu.memref_squeeze %dma_wait3A_59 : memref<1x3136x40xf32, #tpu.memory_space<hbm>> -> memref<3136x40xf32, #tpu.memory_space<hbm>>
      %dma_wait3A_61 = arith.constant 0 : i32
      %dma_wait3A_62 = tpu.memref_slice %arg14[%mul3A_9, %dma_wait3A_61] : memref<50176x40xf32, #tpu.memory_space<vmem_shared>> -> memref<3136x40xf32, #tpu.memory_space<vmem_shared>>
      tpu.wait_dma2 semaphore(%run_scoped3A : memref<!tpu.dma_semaphore, #tpu.memory_space<semaphore_mem>>) src(%dma_wait3A_62 : memref<3136x40xf32, #tpu.memory_space<vmem_shared>>) dst(%dma_wait3A_60 : memref<3136x40xf32, #tpu.memory_space<hbm>>)
      tpu.yield
    }) : () -> ()
    %barrier3A_12 = arith.constant 0 : index
    tpu.barrier barrier_id(%barrier3A_12)
    %mul3A_13 = arith.constant 3136 : i32
    %mul3A_14 = arith.muli %arg1, %mul3A_13 : i32
    "tpu.region"() ({
      %run_scoped3A = tpu.sem_alloc : memref<!tpu.dma_semaphore, #tpu.memory_space<semaphore_mem>>
      %dma_start3A = arith.constant 0 : i32
      %dma_start3A_55 = tpu.memref_slice %arg14[%mul3A_14, %dma_start3A] : memref<50176x40xf32, #tpu.memory_space<vmem_shared>> -> memref<3136x40xf32, #tpu.memory_space<vmem_shared>>
      tpu.enqueue_dma source(%arg7 : memref<3136x40xf32, #tpu.memory_space<hbm>>) target(%dma_start3A_55 : memref<3136x40xf32, #tpu.memory_space<vmem_shared>>) target_semaphore(%run_scoped3A : memref<!tpu.dma_semaphore, #tpu.memory_space<semaphore_mem>>)
      %dma_wait3A = arith.constant 0 : i32
      %dma_wait3A_56 = tpu.memref_slice %arg14[%mul3A_14, %dma_wait3A] : memref<50176x40xf32, #tpu.memory_space<vmem_shared>> -> memref<3136x40xf32, #tpu.memory_space<vmem_shared>>
      tpu.wait_dma2 semaphore(%run_scoped3A : memref<!tpu.dma_semaphore, #tpu.memory_space<semaphore_mem>>) src(%arg7 : memref<3136x40xf32, #tpu.memory_space<hbm>>) dst(%dma_wait3A_56 : memref<3136x40xf32, #tpu.memory_space<vmem_shared>>)
      tpu.yield
    }) : () -> ()
    %barrier3A_15 = arith.constant 0 : index
    tpu.barrier barrier_id(%barrier3A_15)
    %scan3A_16 = arith.constant 0 : i32
    %scan3A_17 = arith.constant 208 : i32
    %scan3A_18 = arith.addi %scan3A_16, %scan3A_17 : i32
    %scan3A_19 = arith.constant 1 : i32
    scf.for %scan3A_55 = %scan3A_16 to %scan3A_18 step %scan3A_19  : i32 {
      %mul3A_56 = arith.constant 1 : i32
      %mul3A_57 = arith.muli %scan3A_55, %mul3A_56 : i32
      %add3A_58 = arith.constant 0 : i32
      %add3A_59 = arith.addi %add3A_58, %mul3A_57 : i32
      %mul3A_60 = arith.constant 26624 : i32
      %mul3A_61 = arith.muli %add3A, %mul3A_60 : i32
      %mul3A_62 = arith.constant 128 : i32
      %mul3A_63 = arith.muli %add3A_59, %mul3A_62 : i32
      %add3A_64 = arith.addi %mul3A_61, %mul3A_63 : i32
      "tpu.region"() ({
        %run_scoped3A = tpu.sem_alloc : memref<!tpu.dma_semaphore, #tpu.memory_space<semaphore_mem>>
        %dma_start3A = tpu.memref_slice %arg2[%add3A_64] : memref<851968xi32, #tpu.memory_space<hbm>> -> memref<128xi32, #tpu.memory_space<hbm>>
        %dma_start3A_65 = tpu.memref_slice %arg2[%add3A_64] : memref<851968xi32, #tpu.memory_space<hbm>> -> memref<128xi32, #tpu.memory_space<hbm>>
        tpu.enqueue_dma source(%dma_start3A_65 : memref<128xi32, #tpu.memory_space<hbm>>) target(%arg12 : memref<128xi32, #tpu.memory_space<vmem>>) target_semaphore(%run_scoped3A : memref<!tpu.dma_semaphore, #tpu.memory_space<semaphore_mem>>)
        %dma_wait3A = tpu.memref_slice %arg2[%add3A_64] : memref<851968xi32, #tpu.memory_space<hbm>> -> memref<128xi32, #tpu.memory_space<hbm>>
        %dma_wait3A_66 = tpu.memref_slice %arg2[%add3A_64] : memref<851968xi32, #tpu.memory_space<hbm>> -> memref<128xi32, #tpu.memory_space<hbm>>
        tpu.wait_dma2 semaphore(%run_scoped3A : memref<!tpu.dma_semaphore, #tpu.memory_space<semaphore_mem>>) src(%dma_wait3A_66 : memref<128xi32, #tpu.memory_space<hbm>>) dst(%arg12 : memref<128xi32, #tpu.memory_space<vmem>>)
        tpu.yield
      }) : () -> ()
      "tpu.region"() ({
        %run_scoped3A = tpu.sem_alloc : memref<!tpu.dma_semaphore, #tpu.memory_space<semaphore_mem>>
        %dma_start3A = arith.constant 0 : i32
        %dma_start3A_65 = tpu.memref_slice %arg4[%add3A_64, %dma_start3A] : memref<851968x40xf32, #tpu.memory_space<hbm>> -> memref<128x40xf32, #tpu.memory_space<hbm>>
        %dma_start3A_66 = arith.constant 0 : i32
        %dma_start3A_67 = tpu.memref_slice %arg4[%add3A_64, %dma_start3A_66] : memref<851968x40xf32, #tpu.memory_space<hbm>> -> memref<128x40xf32, #tpu.memory_space<hbm>>
        tpu.enqueue_dma source(%dma_start3A_67 : memref<128x40xf32, #tpu.memory_space<hbm>>) target(%arg13 : memref<128x40xf32, #tpu.memory_space<vmem>>) target_semaphore(%run_scoped3A : memref<!tpu.dma_semaphore, #tpu.memory_space<semaphore_mem>>)
        %dma_wait3A = arith.constant 0 : i32
        %dma_wait3A_68 = tpu.memref_slice %arg4[%add3A_64, %dma_wait3A] : memref<851968x40xf32, #tpu.memory_space<hbm>> -> memref<128x40xf32, #tpu.memory_space<hbm>>
        %dma_wait3A_69 = arith.constant 0 : i32
        %dma_wait3A_70 = tpu.memref_slice %arg4[%add3A_64, %dma_wait3A_69] : memref<851968x40xf32, #tpu.memory_space<hbm>> -> memref<128x40xf32, #tpu.memory_space<hbm>>
        tpu.wait_dma2 semaphore(%run_scoped3A : memref<!tpu.dma_semaphore, #tpu.memory_space<semaphore_mem>>) src(%dma_wait3A_70 : memref<128x40xf32, #tpu.memory_space<hbm>>) dst(%arg13 : memref<128x40xf32, #tpu.memory_space<vmem>>)
        tpu.yield
      }) : () -> ()
      "tpu.region"() ({
        %run_scoped3A = tpu.sem_alloc : memref<!tpu.dma_semaphore, #tpu.memory_space<semaphore_mem>>
        %dma_start3A = arith.constant 0 : i32
        %dma_start3A_65 = arith.constant 0 : i32
        %dma_start3A_66 = tpu.memref_slice %arg14[%dma_start3A, %dma_start3A_65] : memref<50176x40xf32, #tpu.memory_space<vmem_shared>> -> memref<50176x40xf32, #tpu.memory_space<vmem_shared>>
        tpu.enqueue_indirect_dma source(%arg13 : memref<128x40xf32, #tpu.memory_space<vmem>>) target(%dma_start3A_66 : memref<50176x40xf32, #tpu.memory_space<vmem_shared>>) offsets(%arg12 : memref<128xi32, #tpu.memory_space<vmem>>) semaphore(%run_scoped3A : memref<!tpu.dma_semaphore, #tpu.memory_space<semaphore_mem>>) {add = true}
        %dma_wait3A = arith.constant 0 : i32
        %dma_wait3A_67 = arith.constant 0 : i32
        %dma_wait3A_68 = tpu.memref_slice %arg14[%dma_wait3A, %dma_wait3A_67] : memref<50176x40xf32, #tpu.memory_space<vmem_shared>> -> memref<50176x40xf32, #tpu.memory_space<vmem_shared>>
        tpu.wait_indirect_dma semaphore(%run_scoped3A : memref<!tpu.dma_semaphore, #tpu.memory_space<semaphore_mem>>) src(%arg13 : memref<128x40xf32, #tpu.memory_space<vmem>>) dst(%dma_wait3A_68 : memref<50176x40xf32, #tpu.memory_space<vmem_shared>>)
        tpu.yield
      }) : () -> ()
    }
    %scan3A_20 = arith.constant 208 : i32
    %barrier3A_21 = arith.constant 0 : index
    tpu.barrier barrier_id(%barrier3A_21)
    %mul3A_22 = arith.constant 3136 : i32
    %mul3A_23 = arith.muli %arg1, %mul3A_22 : i32
    %mul3A_24 = arith.constant 3136 : i32
    %mul3A_25 = arith.muli %arg1, %mul3A_24 : i32
    "tpu.region"() ({
      %run_scoped3A = tpu.sem_alloc : memref<!tpu.dma_semaphore, #tpu.memory_space<semaphore_mem>>
      %dma_start3A = arith.constant 0 : i32
      %dma_start3A_55 = tpu.memref_slice %arg9[%arg0, %mul3A_25, %dma_start3A] : memref<2x50176x40xf32, #tpu.memory_space<hbm>> -> memref<1x3136x40xf32, #tpu.memory_space<hbm>>
      %dma_start3A_56 = tpu.memref_squeeze %dma_start3A_55 : memref<1x3136x40xf32, #tpu.memory_space<hbm>> -> memref<3136x40xf32, #tpu.memory_space<hbm>>
      %dma_start3A_57 = arith.constant 0 : i32
      %dma_start3A_58 = tpu.memref_slice %arg14[%mul3A_23, %dma_start3A_57] : memref<50176x40xf32, #tpu.memory_space<vmem_shared>> -> memref<3136x40xf32, #tpu.memory_space<vmem_shared>>
      tpu.enqueue_dma source(%dma_start3A_58 : memref<3136x40xf32, #tpu.memory_space<vmem_shared>>) target(%dma_start3A_56 : memref<3136x40xf32, #tpu.memory_space<hbm>>) target_semaphore(%run_scoped3A : memref<!tpu.dma_semaphore, #tpu.memory_space<semaphore_mem>>)
      %dma_wait3A = arith.constant 0 : i32
      %dma_wait3A_59 = tpu.memref_slice %arg9[%arg0, %mul3A_25, %dma_wait3A] : memref<2x50176x40xf32, #tpu.memory_space<hbm>> -> memref<1x3136x40xf32, #tpu.memory_space<hbm>>
      %dma_wait3A_60 = tpu.memref_squeeze %dma_wait3A_59 : memref<1x3136x40xf32, #tpu.memory_space<hbm>> -> memref<3136x40xf32, #tpu.memory_space<hbm>>
      %dma_wait3A_61 = arith.constant 0 : i32
      %dma_wait3A_62 = tpu.memref_slice %arg14[%mul3A_23, %dma_wait3A_61] : memref<50176x40xf32, #tpu.memory_space<vmem_shared>> -> memref<3136x40xf32, #tpu.memory_space<vmem_shared>>
      tpu.wait_dma2 semaphore(%run_scoped3A : memref<!tpu.dma_semaphore, #tpu.memory_space<semaphore_mem>>) src(%dma_wait3A_62 : memref<3136x40xf32, #tpu.memory_space<vmem_shared>>) dst(%dma_wait3A_60 : memref<3136x40xf32, #tpu.memory_space<hbm>>)
      tpu.yield
    }) : () -> ()
    %barrier3A_26 = arith.constant 0 : index
    tpu.barrier barrier_id(%barrier3A_26)
    %mul3A_27 = arith.constant 3136 : i32
    %mul3A_28 = arith.muli %arg1, %mul3A_27 : i32
    "tpu.region"() ({
      %run_scoped3A = tpu.sem_alloc : memref<!tpu.dma_semaphore, #tpu.memory_space<semaphore_mem>>
      %dma_start3A = arith.constant 0 : i32
      %dma_start3A_55 = tpu.memref_slice %arg14[%mul3A_28, %dma_start3A] : memref<50176x40xf32, #tpu.memory_space<vmem_shared>> -> memref<3136x40xf32, #tpu.memory_space<vmem_shared>>
      tpu.enqueue_dma source(%arg7 : memref<3136x40xf32, #tpu.memory_space<hbm>>) target(%dma_start3A_55 : memref<3136x40xf32, #tpu.memory_space<vmem_shared>>) target_semaphore(%run_scoped3A : memref<!tpu.dma_semaphore, #tpu.memory_space<semaphore_mem>>)
      %dma_wait3A = arith.constant 0 : i32
      %dma_wait3A_56 = tpu.memref_slice %arg14[%mul3A_28, %dma_wait3A] : memref<50176x40xf32, #tpu.memory_space<vmem_shared>> -> memref<3136x40xf32, #tpu.memory_space<vmem_shared>>
      tpu.wait_dma2 semaphore(%run_scoped3A : memref<!tpu.dma_semaphore, #tpu.memory_space<semaphore_mem>>) src(%arg7 : memref<3136x40xf32, #tpu.memory_space<hbm>>) dst(%dma_wait3A_56 : memref<3136x40xf32, #tpu.memory_space<vmem_shared>>)
      tpu.yield
    }) : () -> ()
    %barrier3A_29 = arith.constant 0 : index
    tpu.barrier barrier_id(%barrier3A_29)
    %scan3A_30 = arith.constant 0 : i32
    %scan3A_31 = arith.constant 208 : i32
    %scan3A_32 = arith.addi %scan3A_30, %scan3A_31 : i32
    %scan3A_33 = arith.constant 1 : i32
    scf.for %scan3A_55 = %scan3A_30 to %scan3A_32 step %scan3A_33  : i32 {
      %mul3A_56 = arith.constant 1 : i32
      %mul3A_57 = arith.muli %scan3A_55, %mul3A_56 : i32
      %add3A_58 = arith.constant 0 : i32
      %add3A_59 = arith.addi %add3A_58, %mul3A_57 : i32
      %mul3A_60 = arith.constant 26624 : i32
      %mul3A_61 = arith.muli %add3A, %mul3A_60 : i32
      %mul3A_62 = arith.constant 128 : i32
      %mul3A_63 = arith.muli %add3A_59, %mul3A_62 : i32
      %add3A_64 = arith.addi %mul3A_61, %mul3A_63 : i32
      "tpu.region"() ({
        %run_scoped3A = tpu.sem_alloc : memref<!tpu.dma_semaphore, #tpu.memory_space<semaphore_mem>>
        %dma_start3A = tpu.memref_slice %arg2[%add3A_64] : memref<851968xi32, #tpu.memory_space<hbm>> -> memref<128xi32, #tpu.memory_space<hbm>>
        %dma_start3A_65 = tpu.memref_slice %arg2[%add3A_64] : memref<851968xi32, #tpu.memory_space<hbm>> -> memref<128xi32, #tpu.memory_space<hbm>>
        tpu.enqueue_dma source(%dma_start3A_65 : memref<128xi32, #tpu.memory_space<hbm>>) target(%arg12 : memref<128xi32, #tpu.memory_space<vmem>>) target_semaphore(%run_scoped3A : memref<!tpu.dma_semaphore, #tpu.memory_space<semaphore_mem>>)
        %dma_wait3A = tpu.memref_slice %arg2[%add3A_64] : memref<851968xi32, #tpu.memory_space<hbm>> -> memref<128xi32, #tpu.memory_space<hbm>>
        %dma_wait3A_66 = tpu.memref_slice %arg2[%add3A_64] : memref<851968xi32, #tpu.memory_space<hbm>> -> memref<128xi32, #tpu.memory_space<hbm>>
        tpu.wait_dma2 semaphore(%run_scoped3A : memref<!tpu.dma_semaphore, #tpu.memory_space<semaphore_mem>>) src(%dma_wait3A_66 : memref<128xi32, #tpu.memory_space<hbm>>) dst(%arg12 : memref<128xi32, #tpu.memory_space<vmem>>)
        tpu.yield
      }) : () -> ()
      "tpu.region"() ({
        %run_scoped3A = tpu.sem_alloc : memref<!tpu.dma_semaphore, #tpu.memory_space<semaphore_mem>>
        %dma_start3A = arith.constant 0 : i32
        %dma_start3A_65 = tpu.memref_slice %arg5[%add3A_64, %dma_start3A] : memref<851968x40xf32, #tpu.memory_space<hbm>> -> memref<128x40xf32, #tpu.memory_space<hbm>>
        %dma_start3A_66 = arith.constant 0 : i32
        %dma_start3A_67 = tpu.memref_slice %arg5[%add3A_64, %dma_start3A_66] : memref<851968x40xf32, #tpu.memory_space<hbm>> -> memref<128x40xf32, #tpu.memory_space<hbm>>
        tpu.enqueue_dma source(%dma_start3A_67 : memref<128x40xf32, #tpu.memory_space<hbm>>) target(%arg13 : memref<128x40xf32, #tpu.memory_space<vmem>>) target_semaphore(%run_scoped3A : memref<!tpu.dma_semaphore, #tpu.memory_space<semaphore_mem>>)
        %dma_wait3A = arith.constant 0 : i32
        %dma_wait3A_68 = tpu.memref_slice %arg5[%add3A_64, %dma_wait3A] : memref<851968x40xf32, #tpu.memory_space<hbm>> -> memref<128x40xf32, #tpu.memory_space<hbm>>
        %dma_wait3A_69 = arith.constant 0 : i32
        %dma_wait3A_70 = tpu.memref_slice %arg5[%add3A_64, %dma_wait3A_69] : memref<851968x40xf32, #tpu.memory_space<hbm>> -> memref<128x40xf32, #tpu.memory_space<hbm>>
        tpu.wait_dma2 semaphore(%run_scoped3A : memref<!tpu.dma_semaphore, #tpu.memory_space<semaphore_mem>>) src(%dma_wait3A_70 : memref<128x40xf32, #tpu.memory_space<hbm>>) dst(%arg13 : memref<128x40xf32, #tpu.memory_space<vmem>>)
        tpu.yield
      }) : () -> ()
      "tpu.region"() ({
        %run_scoped3A = tpu.sem_alloc : memref<!tpu.dma_semaphore, #tpu.memory_space<semaphore_mem>>
        %dma_start3A = arith.constant 0 : i32
        %dma_start3A_65 = arith.constant 0 : i32
        %dma_start3A_66 = tpu.memref_slice %arg14[%dma_start3A, %dma_start3A_65] : memref<50176x40xf32, #tpu.memory_space<vmem_shared>> -> memref<50176x40xf32, #tpu.memory_space<vmem_shared>>
        tpu.enqueue_indirect_dma source(%arg13 : memref<128x40xf32, #tpu.memory_space<vmem>>) target(%dma_start3A_66 : memref<50176x40xf32, #tpu.memory_space<vmem_shared>>) offsets(%arg12 : memref<128xi32, #tpu.memory_space<vmem>>) semaphore(%run_scoped3A : memref<!tpu.dma_semaphore, #tpu.memory_space<semaphore_mem>>) {add = true}
        %dma_wait3A = arith.constant 0 : i32
        %dma_wait3A_67 = arith.constant 0 : i32
        %dma_wait3A_68 = tpu.memref_slice %arg14[%dma_wait3A, %dma_wait3A_67] : memref<50176x40xf32, #tpu.memory_space<vmem_shared>> -> memref<50176x40xf32, #tpu.memory_space<vmem_shared>>
        tpu.wait_indirect_dma semaphore(%run_scoped3A : memref<!tpu.dma_semaphore, #tpu.memory_space<semaphore_mem>>) src(%arg13 : memref<128x40xf32, #tpu.memory_space<vmem>>) dst(%dma_wait3A_68 : memref<50176x40xf32, #tpu.memory_space<vmem_shared>>)
        tpu.yield
      }) : () -> ()
    }
    %scan3A_34 = arith.constant 208 : i32
    %barrier3A_35 = arith.constant 0 : index
    tpu.barrier barrier_id(%barrier3A_35)
    %mul3A_36 = arith.constant 3136 : i32
    %mul3A_37 = arith.muli %arg1, %mul3A_36 : i32
    %mul3A_38 = arith.constant 3136 : i32
    %mul3A_39 = arith.muli %arg1, %mul3A_38 : i32
    "tpu.region"() ({
      %run_scoped3A = tpu.sem_alloc : memref<!tpu.dma_semaphore, #tpu.memory_space<semaphore_mem>>
      %dma_start3A = arith.constant 0 : i32
      %dma_start3A_55 = tpu.memref_slice %arg10[%arg0, %mul3A_39, %dma_start3A] : memref<2x50176x40xf32, #tpu.memory_space<hbm>> -> memref<1x3136x40xf32, #tpu.memory_space<hbm>>
      %dma_start3A_56 = tpu.memref_squeeze %dma_start3A_55 : memref<1x3136x40xf32, #tpu.memory_space<hbm>> -> memref<3136x40xf32, #tpu.memory_space<hbm>>
      %dma_start3A_57 = arith.constant 0 : i32
      %dma_start3A_58 = tpu.memref_slice %arg14[%mul3A_37, %dma_start3A_57] : memref<50176x40xf32, #tpu.memory_space<vmem_shared>> -> memref<3136x40xf32, #tpu.memory_space<vmem_shared>>
      tpu.enqueue_dma source(%dma_start3A_58 : memref<3136x40xf32, #tpu.memory_space<vmem_shared>>) target(%dma_start3A_56 : memref<3136x40xf32, #tpu.memory_space<hbm>>) target_semaphore(%run_scoped3A : memref<!tpu.dma_semaphore, #tpu.memory_space<semaphore_mem>>)
      %dma_wait3A = arith.constant 0 : i32
      %dma_wait3A_59 = tpu.memref_slice %arg10[%arg0, %mul3A_39, %dma_wait3A] : memref<2x50176x40xf32, #tpu.memory_space<hbm>> -> memref<1x3136x40xf32, #tpu.memory_space<hbm>>
      %dma_wait3A_60 = tpu.memref_squeeze %dma_wait3A_59 : memref<1x3136x40xf32, #tpu.memory_space<hbm>> -> memref<3136x40xf32, #tpu.memory_space<hbm>>
      %dma_wait3A_61 = arith.constant 0 : i32
      %dma_wait3A_62 = tpu.memref_slice %arg14[%mul3A_37, %dma_wait3A_61] : memref<50176x40xf32, #tpu.memory_space<vmem_shared>> -> memref<3136x40xf32, #tpu.memory_space<vmem_shared>>
      tpu.wait_dma2 semaphore(%run_scoped3A : memref<!tpu.dma_semaphore, #tpu.memory_space<semaphore_mem>>) src(%dma_wait3A_62 : memref<3136x40xf32, #tpu.memory_space<vmem_shared>>) dst(%dma_wait3A_60 : memref<3136x40xf32, #tpu.memory_space<hbm>>)
      tpu.yield
    }) : () -> ()
    %barrier3A_40 = arith.constant 0 : index
    tpu.barrier barrier_id(%barrier3A_40)
    %mul3A_41 = arith.constant 3136 : i32
    %mul3A_42 = arith.muli %arg1, %mul3A_41 : i32
    "tpu.region"() ({
      %run_scoped3A = tpu.sem_alloc : memref<!tpu.dma_semaphore, #tpu.memory_space<semaphore_mem>>
      %dma_start3A = arith.constant 0 : i32
      %dma_start3A_55 = tpu.memref_slice %arg14[%mul3A_42, %dma_start3A] : memref<50176x40xf32, #tpu.memory_space<vmem_shared>> -> memref<3136x40xf32, #tpu.memory_space<vmem_shared>>
      tpu.enqueue_dma source(%arg7 : memref<3136x40xf32, #tpu.memory_space<hbm>>) target(%dma_start3A_55 : memref<3136x40xf32, #tpu.memory_space<vmem_shared>>) target_semaphore(%run_scoped3A : memref<!tpu.dma_semaphore, #tpu.memory_space<semaphore_mem>>)
      %dma_wait3A = arith.constant 0 : i32
      %dma_wait3A_56 = tpu.memref_slice %arg14[%mul3A_42, %dma_wait3A] : memref<50176x40xf32, #tpu.memory_space<vmem_shared>> -> memref<3136x40xf32, #tpu.memory_space<vmem_shared>>
      tpu.wait_dma2 semaphore(%run_scoped3A : memref<!tpu.dma_semaphore, #tpu.memory_space<semaphore_mem>>) src(%arg7 : memref<3136x40xf32, #tpu.memory_space<hbm>>) dst(%dma_wait3A_56 : memref<3136x40xf32, #tpu.memory_space<vmem_shared>>)
      tpu.yield
    }) : () -> ()
    %barrier3A_43 = arith.constant 0 : index
    tpu.barrier barrier_id(%barrier3A_43)
    %scan3A_44 = arith.constant 0 : i32
    %scan3A_45 = arith.constant 208 : i32
    %scan3A_46 = arith.addi %scan3A_44, %scan3A_45 : i32
    %scan3A_47 = arith.constant 1 : i32
    scf.for %scan3A_55 = %scan3A_44 to %scan3A_46 step %scan3A_47  : i32 {
      %mul3A_56 = arith.constant 1 : i32
      %mul3A_57 = arith.muli %scan3A_55, %mul3A_56 : i32
      %add3A_58 = arith.constant 0 : i32
      %add3A_59 = arith.addi %add3A_58, %mul3A_57 : i32
      %mul3A_60 = arith.constant 26624 : i32
      %mul3A_61 = arith.muli %add3A, %mul3A_60 : i32
      %mul3A_62 = arith.constant 128 : i32
      %mul3A_63 = arith.muli %add3A_59, %mul3A_62 : i32
      %add3A_64 = arith.addi %mul3A_61, %mul3A_63 : i32
      "tpu.region"() ({
        %run_scoped3A = tpu.sem_alloc : memref<!tpu.dma_semaphore, #tpu.memory_space<semaphore_mem>>
        %dma_start3A = tpu.memref_slice %arg2[%add3A_64] : memref<851968xi32, #tpu.memory_space<hbm>> -> memref<128xi32, #tpu.memory_space<hbm>>
        %dma_start3A_65 = tpu.memref_slice %arg2[%add3A_64] : memref<851968xi32, #tpu.memory_space<hbm>> -> memref<128xi32, #tpu.memory_space<hbm>>
        tpu.enqueue_dma source(%dma_start3A_65 : memref<128xi32, #tpu.memory_space<hbm>>) target(%arg12 : memref<128xi32, #tpu.memory_space<vmem>>) target_semaphore(%run_scoped3A : memref<!tpu.dma_semaphore, #tpu.memory_space<semaphore_mem>>)
        %dma_wait3A = tpu.memref_slice %arg2[%add3A_64] : memref<851968xi32, #tpu.memory_space<hbm>> -> memref<128xi32, #tpu.memory_space<hbm>>
        %dma_wait3A_66 = tpu.memref_slice %arg2[%add3A_64] : memref<851968xi32, #tpu.memory_space<hbm>> -> memref<128xi32, #tpu.memory_space<hbm>>
        tpu.wait_dma2 semaphore(%run_scoped3A : memref<!tpu.dma_semaphore, #tpu.memory_space<semaphore_mem>>) src(%dma_wait3A_66 : memref<128xi32, #tpu.memory_space<hbm>>) dst(%arg12 : memref<128xi32, #tpu.memory_space<vmem>>)
        tpu.yield
      }) : () -> ()
      "tpu.region"() ({
        %run_scoped3A = tpu.sem_alloc : memref<!tpu.dma_semaphore, #tpu.memory_space<semaphore_mem>>
        %dma_start3A = arith.constant 0 : i32
        %dma_start3A_65 = tpu.memref_slice %arg6[%add3A_64, %dma_start3A] : memref<851968x40xf32, #tpu.memory_space<hbm>> -> memref<128x40xf32, #tpu.memory_space<hbm>>
        %dma_start3A_66 = arith.constant 0 : i32
        %dma_start3A_67 = tpu.memref_slice %arg6[%add3A_64, %dma_start3A_66] : memref<851968x40xf32, #tpu.memory_space<hbm>> -> memref<128x40xf32, #tpu.memory_space<hbm>>
        tpu.enqueue_dma source(%dma_start3A_67 : memref<128x40xf32, #tpu.memory_space<hbm>>) target(%arg13 : memref<128x40xf32, #tpu.memory_space<vmem>>) target_semaphore(%run_scoped3A : memref<!tpu.dma_semaphore, #tpu.memory_space<semaphore_mem>>)
        %dma_wait3A = arith.constant 0 : i32
        %dma_wait3A_68 = tpu.memref_slice %arg6[%add3A_64, %dma_wait3A] : memref<851968x40xf32, #tpu.memory_space<hbm>> -> memref<128x40xf32, #tpu.memory_space<hbm>>
        %dma_wait3A_69 = arith.constant 0 : i32
        %dma_wait3A_70 = tpu.memref_slice %arg6[%add3A_64, %dma_wait3A_69] : memref<851968x40xf32, #tpu.memory_space<hbm>> -> memref<128x40xf32, #tpu.memory_space<hbm>>
        tpu.wait_dma2 semaphore(%run_scoped3A : memref<!tpu.dma_semaphore, #tpu.memory_space<semaphore_mem>>) src(%dma_wait3A_70 : memref<128x40xf32, #tpu.memory_space<hbm>>) dst(%arg13 : memref<128x40xf32, #tpu.memory_space<vmem>>)
        tpu.yield
      }) : () -> ()
      "tpu.region"() ({
        %run_scoped3A = tpu.sem_alloc : memref<!tpu.dma_semaphore, #tpu.memory_space<semaphore_mem>>
        %dma_start3A = arith.constant 0 : i32
        %dma_start3A_65 = arith.constant 0 : i32
        %dma_start3A_66 = tpu.memref_slice %arg14[%dma_start3A, %dma_start3A_65] : memref<50176x40xf32, #tpu.memory_space<vmem_shared>> -> memref<50176x40xf32, #tpu.memory_space<vmem_shared>>
        tpu.enqueue_indirect_dma source(%arg13 : memref<128x40xf32, #tpu.memory_space<vmem>>) target(%dma_start3A_66 : memref<50176x40xf32, #tpu.memory_space<vmem_shared>>) offsets(%arg12 : memref<128xi32, #tpu.memory_space<vmem>>) semaphore(%run_scoped3A : memref<!tpu.dma_semaphore, #tpu.memory_space<semaphore_mem>>) {add = true}
        %dma_wait3A = arith.constant 0 : i32
        %dma_wait3A_67 = arith.constant 0 : i32
        %dma_wait3A_68 = tpu.memref_slice %arg14[%dma_wait3A, %dma_wait3A_67] : memref<50176x40xf32, #tpu.memory_space<vmem_shared>> -> memref<50176x40xf32, #tpu.memory_space<vmem_shared>>
        tpu.wait_indirect_dma semaphore(%run_scoped3A : memref<!tpu.dma_semaphore, #tpu.memory_space<semaphore_mem>>) src(%arg13 : memref<128x40xf32, #tpu.memory_space<vmem>>) dst(%dma_wait3A_68 : memref<50176x40xf32, #tpu.memory_space<vmem_shared>>)
        tpu.yield
      }) : () -> ()
    }
    %scan3A_48 = arith.constant 208 : i32
    %barrier3A_49 = arith.constant 0 : index
    tpu.barrier barrier_id(%barrier3A_49)
    %mul3A_50 = arith.constant 3136 : i32
    %mul3A_51 = arith.muli %arg1, %mul3A_50 : i32
    %mul3A_52 = arith.constant 3136 : i32
    %mul3A_53 = arith.muli %arg1, %mul3A_52 : i32
    "tpu.region"() ({
      %run_scoped3A = tpu.sem_alloc : memref<!tpu.dma_semaphore, #tpu.memory_space<semaphore_mem>>
      %dma_start3A = arith.constant 0 : i32
      %dma_start3A_55 = tpu.memref_slice %arg11[%arg0, %mul3A_53, %dma_start3A] : memref<2x50176x40xf32, #tpu.memory_space<hbm>> -> memref<1x3136x40xf32, #tpu.memory_space<hbm>>
      %dma_start3A_56 = tpu.memref_squeeze %dma_start3A_55 : memref<1x3136x40xf32, #tpu.memory_space<hbm>> -> memref<3136x40xf32, #tpu.memory_space<hbm>>
      %dma_start3A_57 = arith.constant 0 : i32
      %dma_start3A_58 = tpu.memref_slice %arg14[%mul3A_51, %dma_start3A_57] : memref<50176x40xf32, #tpu.memory_space<vmem_shared>> -> memref<3136x40xf32, #tpu.memory_space<vmem_shared>>
      tpu.enqueue_dma source(%dma_start3A_58 : memref<3136x40xf32, #tpu.memory_space<vmem_shared>>) target(%dma_start3A_56 : memref<3136x40xf32, #tpu.memory_space<hbm>>) target_semaphore(%run_scoped3A : memref<!tpu.dma_semaphore, #tpu.memory_space<semaphore_mem>>)
      %dma_wait3A = arith.constant 0 : i32
      %dma_wait3A_59 = tpu.memref_slice %arg11[%arg0, %mul3A_53, %dma_wait3A] : memref<2x50176x40xf32, #tpu.memory_space<hbm>> -> memref<1x3136x40xf32, #tpu.memory_space<hbm>>
      %dma_wait3A_60 = tpu.memref_squeeze %dma_wait3A_59 : memref<1x3136x40xf32, #tpu.memory_space<hbm>> -> memref<3136x40xf32, #tpu.memory_space<hbm>>
      %dma_wait3A_61 = arith.constant 0 : i32
      %dma_wait3A_62 = tpu.memref_slice %arg14[%mul3A_51, %dma_wait3A_61] : memref<50176x40xf32, #tpu.memory_space<vmem_shared>> -> memref<3136x40xf32, #tpu.memory_space<vmem_shared>>
      tpu.wait_dma2 semaphore(%run_scoped3A : memref<!tpu.dma_semaphore, #tpu.memory_space<semaphore_mem>>) src(%dma_wait3A_62 : memref<3136x40xf32, #tpu.memory_space<vmem_shared>>) dst(%dma_wait3A_60 : memref<3136x40xf32, #tpu.memory_space<hbm>>)
      tpu.yield
    }) : () -> ()
    %barrier3A_54 = arith.constant 0 : index
    tpu.barrier barrier_id(%barrier3A_54)
    return
  }
}

#map = affine_map<(d0, d1) -> (0)>
#map1 = affine_map<(d0, d1) -> (0, 0)>
#map2 = affine_map<(d0, d1) -> (0, 0, 0)>
module attributes {stable_mosaic.version = 14 : i64} {
  func.func @_sc_edge_scatter(%arg0: i32, %arg1: i32, %arg2: memref<851968xi32, #tpu.memory_space<hbm>>, %arg3: memref<851968x40xf32, #tpu.memory_space<hbm>>, %arg4: memref<851968x40xf32, #tpu.memory_space<hbm>>, %arg5: memref<851968x40xf32, #tpu.memory_space<hbm>>, %arg6: memref<851968x40xf32, #tpu.memory_space<hbm>>, %arg7: memref<3136x40xf32, #tpu.memory_space<hbm>>, %arg8: memref<2x50176x40xf32, #tpu.memory_space<hbm>>, %arg9: memref<2x50176x40xf32, #tpu.memory_space<hbm>>, %arg10: memref<2x50176x40xf32, #tpu.memory_space<hbm>>, %arg11: memref<2x50176x40xf32, #tpu.memory_space<hbm>>, %arg12: memref<128xi32, #tpu.memory_space<vmem>>, %arg13: memref<128x40xf32, #tpu.memory_space<vmem>>, %arg14: memref<50176x40xf32, #tpu.memory_space<vmem_shared>>) attributes {dimension_semantics = [#tpu.dimension_semantics<core_parallel>, #tpu.dimension_semantics<subcore_parallel>], iteration_bounds = array<i64: 2, 16>, scalar_prefetch = 0 : i64, scratch_operands = 3 : i64, tpu.core_type = #tpu.core_type<sc_vector_subcore>, window_params = [{transform_indices = #map}, {transform_indices = #map1}, {transform_indices = #map1}, {transform_indices = #map1}, {transform_indices = #map1}, {transform_indices = #map1}, {transform_indices = #map2}, {transform_indices = #map2}, {transform_indices = #map2}, {transform_indices = #map2}]} {
    %mul3A = arith.constant 2 : i32
    %mul3A_0 = arith.muli %arg1, %mul3A : i32
    %add3A = arith.addi %mul3A_0, %arg0 : i32
    %mul3A_1 = arith.constant 3136 : i32
    %mul3A_2 = arith.muli %arg1, %mul3A_1 : i32
    "tpu.region"() ({
      %run_scoped3A = tpu.sem_alloc : memref<!tpu.dma_semaphore, #tpu.memory_space<semaphore_mem>>
      %dma_start3A = arith.constant 0 : i32
      %dma_start3A_55 = tpu.memref_slice %arg14[%mul3A_2, %dma_start3A] : memref<50176x40xf32, #tpu.memory_space<vmem_shared>> -> memref<3136x40xf32, #tpu.memory_space<vmem_shared>>
      tpu.enqueue_dma source(%arg7 : memref<3136x40xf32, #tpu.memory_space<hbm>>) target(%dma_start3A_55 : memref<3136x40xf32, #tpu.memory_space<vmem_shared>>) target_semaphore(%run_scoped3A : memref<!tpu.dma_semaphore, #tpu.memory_space<semaphore_mem>>)
      %dma_wait3A = arith.constant 0 : i32
      %dma_wait3A_56 = tpu.memref_slice %arg14[%mul3A_2, %dma_wait3A] : memref<50176x40xf32, #tpu.memory_space<vmem_shared>> -> memref<3136x40xf32, #tpu.memory_space<vmem_shared>>
      tpu.wait_dma2 semaphore(%run_scoped3A : memref<!tpu.dma_semaphore, #tpu.memory_space<semaphore_mem>>) src(%arg7 : memref<3136x40xf32, #tpu.memory_space<hbm>>) dst(%dma_wait3A_56 : memref<3136x40xf32, #tpu.memory_space<vmem_shared>>)
      tpu.yield
    }) : () -> ()
    %barrier3A = arith.constant 0 : index
    tpu.barrier barrier_id(%barrier3A)
    %scan3A = arith.constant 0 : i32
    %scan3A_3 = arith.constant 208 : i32
    %scan3A_4 = arith.addi %scan3A, %scan3A_3 : i32
    %scan3A_5 = arith.constant 1 : i32
    scf.for %scan3A_55 = %scan3A to %scan3A_4 step %scan3A_5  : i32 {
      %mul3A_56 = arith.constant 1 : i32
      %mul3A_57 = arith.muli %scan3A_55, %mul3A_56 : i32
      %add3A_58 = arith.constant 0 : i32
      %add3A_59 = arith.addi %add3A_58, %mul3A_57 : i32
      %mul3A_60 = arith.constant 26624 : i32
      %mul3A_61 = arith.muli %add3A, %mul3A_60 : i32
      %mul3A_62 = arith.constant 128 : i32
      %mul3A_63 = arith.muli %add3A_59, %mul3A_62 : i32
      %add3A_64 = arith.addi %mul3A_61, %mul3A_63 : i32
      "tpu.region"() ({
        %run_scoped3A = tpu.sem_alloc : memref<!tpu.dma_semaphore, #tpu.memory_space<semaphore_mem>>
        %dma_start3A = tpu.memref_slice %arg2[%add3A_64] : memref<851968xi32, #tpu.memory_space<hbm>> -> memref<128xi32, #tpu.memory_space<hbm>>
        %dma_start3A_65 = tpu.memref_slice %arg2[%add3A_64] : memref<851968xi32, #tpu.memory_space<hbm>> -> memref<128xi32, #tpu.memory_space<hbm>>
        tpu.enqueue_dma source(%dma_start3A_65 : memref<128xi32, #tpu.memory_space<hbm>>) target(%arg12 : memref<128xi32, #tpu.memory_space<vmem>>) target_semaphore(%run_scoped3A : memref<!tpu.dma_semaphore, #tpu.memory_space<semaphore_mem>>)
        %dma_wait3A = tpu.memref_slice %arg2[%add3A_64] : memref<851968xi32, #tpu.memory_space<hbm>> -> memref<128xi32, #tpu.memory_space<hbm>>
        %dma_wait3A_66 = tpu.memref_slice %arg2[%add3A_64] : memref<851968xi32, #tpu.memory_space<hbm>> -> memref<128xi32, #tpu.memory_space<hbm>>
        tpu.wait_dma2 semaphore(%run_scoped3A : memref<!tpu.dma_semaphore, #tpu.memory_space<semaphore_mem>>) src(%dma_wait3A_66 : memref<128xi32, #tpu.memory_space<hbm>>) dst(%arg12 : memref<128xi32, #tpu.memory_space<vmem>>)
        tpu.yield
      }) : () -> ()
      "tpu.region"() ({
        %run_scoped3A = tpu.sem_alloc : memref<!tpu.dma_semaphore, #tpu.memory_space<semaphore_mem>>
        %dma_start3A = arith.constant 0 : i32
        %dma_start3A_65 = tpu.memref_slice %arg3[%add3A_64, %dma_start3A] : memref<851968x40xf32, #tpu.memory_space<hbm>> -> memref<128x40xf32, #tpu.memory_space<hbm>>
        %dma_start3A_66 = arith.constant 0 : i32
        %dma_start3A_67 = tpu.memref_slice %arg3[%add3A_64, %dma_start3A_66] : memref<851968x40xf32, #tpu.memory_space<hbm>> -> memref<128x40xf32, #tpu.memory_space<hbm>>
        tpu.enqueue_dma source(%dma_start3A_67 : memref<128x40xf32, #tpu.memory_space<hbm>>) target(%arg13 : memref<128x40xf32, #tpu.memory_space<vmem>>) target_semaphore(%run_scoped3A : memref<!tpu.dma_semaphore, #tpu.memory_space<semaphore_mem>>)
        %dma_wait3A = arith.constant 0 : i32
        %dma_wait3A_68 = tpu.memref_slice %arg3[%add3A_64, %dma_wait3A] : memref<851968x40xf32, #tpu.memory_space<hbm>> -> memref<128x40xf32, #tpu.memory_space<hbm>>
        %dma_wait3A_69 = arith.constant 0 : i32
        %dma_wait3A_70 = tpu.memref_slice %arg3[%add3A_64, %dma_wait3A_69] : memref<851968x40xf32, #tpu.memory_space<hbm>> -> memref<128x40xf32, #tpu.memory_space<hbm>>
        tpu.wait_dma2 semaphore(%run_scoped3A : memref<!tpu.dma_semaphore, #tpu.memory_space<semaphore_mem>>) src(%dma_wait3A_70 : memref<128x40xf32, #tpu.memory_space<hbm>>) dst(%arg13 : memref<128x40xf32, #tpu.memory_space<vmem>>)
        tpu.yield
      }) : () -> ()
      "tpu.region"() ({
        %run_scoped3A = tpu.sem_alloc : memref<!tpu.dma_semaphore, #tpu.memory_space<semaphore_mem>>
        %dma_start3A = arith.constant 0 : i32
        %dma_start3A_65 = arith.constant 0 : i32
        %dma_start3A_66 = tpu.memref_slice %arg14[%dma_start3A, %dma_start3A_65] : memref<50176x40xf32, #tpu.memory_space<vmem_shared>> -> memref<50176x40xf32, #tpu.memory_space<vmem_shared>>
        tpu.enqueue_indirect_dma source(%arg13 : memref<128x40xf32, #tpu.memory_space<vmem>>) target(%dma_start3A_66 : memref<50176x40xf32, #tpu.memory_space<vmem_shared>>) offsets(%arg12 : memref<128xi32, #tpu.memory_space<vmem>>) semaphore(%run_scoped3A : memref<!tpu.dma_semaphore, #tpu.memory_space<semaphore_mem>>) {add = true}
        %dma_wait3A = arith.constant 0 : i32
        %dma_wait3A_67 = arith.constant 0 : i32
        %dma_wait3A_68 = tpu.memref_slice %arg14[%dma_wait3A, %dma_wait3A_67] : memref<50176x40xf32, #tpu.memory_space<vmem_shared>> -> memref<50176x40xf32, #tpu.memory_space<vmem_shared>>
        tpu.wait_indirect_dma semaphore(%run_scoped3A : memref<!tpu.dma_semaphore, #tpu.memory_space<semaphore_mem>>) src(%arg13 : memref<128x40xf32, #tpu.memory_space<vmem>>) dst(%dma_wait3A_68 : memref<50176x40xf32, #tpu.memory_space<vmem_shared>>)
        tpu.yield
      }) : () -> ()
    }
    %scan3A_6 = arith.constant 208 : i32
    %barrier3A_7 = arith.constant 0 : index
    tpu.barrier barrier_id(%barrier3A_7)
    %mul3A_8 = arith.constant 3136 : i32
    %mul3A_9 = arith.muli %arg1, %mul3A_8 : i32
    %mul3A_10 = arith.constant 3136 : i32
    %mul3A_11 = arith.muli %arg1, %mul3A_10 : i32
    "tpu.region"() ({
      %run_scoped3A = tpu.sem_alloc : memref<!tpu.dma_semaphore, #tpu.memory_space<semaphore_mem>>
      %dma_start3A = arith.constant 0 : i32
      %dma_start3A_55 = tpu.memref_slice %arg8[%arg0, %mul3A_11, %dma_start3A] : memref<2x50176x40xf32, #tpu.memory_space<hbm>> -> memref<1x3136x40xf32, #tpu.memory_space<hbm>>
      %dma_start3A_56 = tpu.memref_squeeze %dma_start3A_55 : memref<1x3136x40xf32, #tpu.memory_space<hbm>> -> memref<3136x40xf32, #tpu.memory_space<hbm>>
      %dma_start3A_57 = arith.constant 0 : i32
      %dma_start3A_58 = tpu.memref_slice %arg14[%mul3A_9, %dma_start3A_57] : memref<50176x40xf32, #tpu.memory_space<vmem_shared>> -> memref<3136x40xf32, #tpu.memory_space<vmem_shared>>
      tpu.enqueue_dma source(%dma_start3A_58 : memref<3136x40xf32, #tpu.memory_space<vmem_shared>>) target(%dma_start3A_56 : memref<3136x40xf32, #tpu.memory_space<hbm>>) target_semaphore(%run_scoped3A : memref<!tpu.dma_semaphore, #tpu.memory_space<semaphore_mem>>)
      %dma_wait3A = arith.constant 0 : i32
      %dma_wait3A_59 = tpu.memref_slice %arg8[%arg0, %mul3A_11, %dma_wait3A] : memref<2x50176x40xf32, #tpu.memory_space<hbm>> -> memref<1x3136x40xf32, #tpu.memory_space<hbm>>
      %dma_wait3A_60 = tpu.memref_squeeze %dma_wait3A_59 : memref<1x3136x40xf32, #tpu.memory_space<hbm>> -> memref<3136x40xf32, #tpu.memory_space<hbm>>
      %dma_wait3A_61 = arith.constant 0 : i32
      %dma_wait3A_62 = tpu.memref_slice %arg14[%mul3A_9, %dma_wait3A_61] : memref<50176x40xf32, #tpu.memory_space<vmem_shared>> -> memref<3136x40xf32, #tpu.memory_space<vmem_shared>>
      tpu.wait_dma2 semaphore(%run_scoped3A : memref<!tpu.dma_semaphore, #tpu.memory_space<semaphore_mem>>) src(%dma_wait3A_62 : memref<3136x40xf32, #tpu.memory_space<vmem_shared>>) dst(%dma_wait3A_60 : memref<3136x40xf32, #tpu.memory_space<hbm>>)
      tpu.yield
    }) : () -> ()
    %barrier3A_12 = arith.constant 0 : index
    tpu.barrier barrier_id(%barrier3A_12)
    %mul3A_13 = arith.constant 3136 : i32
    %mul3A_14 = arith.muli %arg1, %mul3A_13 : i32
    "tpu.region"() ({
      %run_scoped3A = tpu.sem_alloc : memref<!tpu.dma_semaphore, #tpu.memory_space<semaphore_mem>>
      %dma_start3A = arith.constant 0 : i32
      %dma_start3A_55 = tpu.memref_slice %arg14[%mul3A_14, %dma_start3A] : memref<50176x40xf32, #tpu.memory_space<vmem_shared>> -> memref<3136x40xf32, #tpu.memory_space<vmem_shared>>
      tpu.enqueue_dma source(%arg7 : memref<3136x40xf32, #tpu.memory_space<hbm>>) target(%dma_start3A_55 : memref<3136x40xf32, #tpu.memory_space<vmem_shared>>) target_semaphore(%run_scoped3A : memref<!tpu.dma_semaphore, #tpu.memory_space<semaphore_mem>>)
      %dma_wait3A = arith.constant 0 : i32
      %dma_wait3A_56 = tpu.memref_slice %arg14[%mul3A_14, %dma_wait3A] : memref<50176x40xf32, #tpu.memory_space<vmem_shared>> -> memref<3136x40xf32, #tpu.memory_space<vmem_shared>>
      tpu.wait_dma2 semaphore(%run_scoped3A : memref<!tpu.dma_semaphore, #tpu.memory_space<semaphore_mem>>) src(%arg7 : memref<3136x40xf32, #tpu.memory_space<hbm>>) dst(%dma_wait3A_56 : memref<3136x40xf32, #tpu.memory_space<vmem_shared>>)
      tpu.yield
    }) : () -> ()
    %barrier3A_15 = arith.constant 0 : index
    tpu.barrier barrier_id(%barrier3A_15)
    %scan3A_16 = arith.constant 0 : i32
    %scan3A_17 = arith.constant 208 : i32
    %scan3A_18 = arith.addi %scan3A_16, %scan3A_17 : i32
    %scan3A_19 = arith.constant 1 : i32
    scf.for %scan3A_55 = %scan3A_16 to %scan3A_18 step %scan3A_19  : i32 {
      %mul3A_56 = arith.constant 1 : i32
      %mul3A_57 = arith.muli %scan3A_55, %mul3A_56 : i32
      %add3A_58 = arith.constant 0 : i32
      %add3A_59 = arith.addi %add3A_58, %mul3A_57 : i32
      %mul3A_60 = arith.constant 26624 : i32
      %mul3A_61 = arith.muli %add3A, %mul3A_60 : i32
      %mul3A_62 = arith.constant 128 : i32
      %mul3A_63 = arith.muli %add3A_59, %mul3A_62 : i32
      %add3A_64 = arith.addi %mul3A_61, %mul3A_63 : i32
      "tpu.region"() ({
        %run_scoped3A = tpu.sem_alloc : memref<!tpu.dma_semaphore, #tpu.memory_space<semaphore_mem>>
        %dma_start3A = tpu.memref_slice %arg2[%add3A_64] : memref<851968xi32, #tpu.memory_space<hbm>> -> memref<128xi32, #tpu.memory_space<hbm>>
        %dma_start3A_65 = tpu.memref_slice %arg2[%add3A_64] : memref<851968xi32, #tpu.memory_space<hbm>> -> memref<128xi32, #tpu.memory_space<hbm>>
        tpu.enqueue_dma source(%dma_start3A_65 : memref<128xi32, #tpu.memory_space<hbm>>) target(%arg12 : memref<128xi32, #tpu.memory_space<vmem>>) target_semaphore(%run_scoped3A : memref<!tpu.dma_semaphore, #tpu.memory_space<semaphore_mem>>)
        %dma_wait3A = tpu.memref_slice %arg2[%add3A_64] : memref<851968xi32, #tpu.memory_space<hbm>> -> memref<128xi32, #tpu.memory_space<hbm>>
        %dma_wait3A_66 = tpu.memref_slice %arg2[%add3A_64] : memref<851968xi32, #tpu.memory_space<hbm>> -> memref<128xi32, #tpu.memory_space<hbm>>
        tpu.wait_dma2 semaphore(%run_scoped3A : memref<!tpu.dma_semaphore, #tpu.memory_space<semaphore_mem>>) src(%dma_wait3A_66 : memref<128xi32, #tpu.memory_space<hbm>>) dst(%arg12 : memref<128xi32, #tpu.memory_space<vmem>>)
        tpu.yield
      }) : () -> ()
      "tpu.region"() ({
        %run_scoped3A = tpu.sem_alloc : memref<!tpu.dma_semaphore, #tpu.memory_space<semaphore_mem>>
        %dma_start3A = arith.constant 0 : i32
        %dma_start3A_65 = tpu.memref_slice %arg4[%add3A_64, %dma_start3A] : memref<851968x40xf32, #tpu.memory_space<hbm>> -> memref<128x40xf32, #tpu.memory_space<hbm>>
        %dma_start3A_66 = arith.constant 0 : i32
        %dma_start3A_67 = tpu.memref_slice %arg4[%add3A_64, %dma_start3A_66] : memref<851968x40xf32, #tpu.memory_space<hbm>> -> memref<128x40xf32, #tpu.memory_space<hbm>>
        tpu.enqueue_dma source(%dma_start3A_67 : memref<128x40xf32, #tpu.memory_space<hbm>>) target(%arg13 : memref<128x40xf32, #tpu.memory_space<vmem>>) target_semaphore(%run_scoped3A : memref<!tpu.dma_semaphore, #tpu.memory_space<semaphore_mem>>)
        %dma_wait3A = arith.constant 0 : i32
        %dma_wait3A_68 = tpu.memref_slice %arg4[%add3A_64, %dma_wait3A] : memref<851968x40xf32, #tpu.memory_space<hbm>> -> memref<128x40xf32, #tpu.memory_space<hbm>>
        %dma_wait3A_69 = arith.constant 0 : i32
        %dma_wait3A_70 = tpu.memref_slice %arg4[%add3A_64, %dma_wait3A_69] : memref<851968x40xf32, #tpu.memory_space<hbm>> -> memref<128x40xf32, #tpu.memory_space<hbm>>
        tpu.wait_dma2 semaphore(%run_scoped3A : memref<!tpu.dma_semaphore, #tpu.memory_space<semaphore_mem>>) src(%dma_wait3A_70 : memref<128x40xf32, #tpu.memory_space<hbm>>) dst(%arg13 : memref<128x40xf32, #tpu.memory_space<vmem>>)
        tpu.yield
      }) : () -> ()
      "tpu.region"() ({
        %run_scoped3A = tpu.sem_alloc : memref<!tpu.dma_semaphore, #tpu.memory_space<semaphore_mem>>
        %dma_start3A = arith.constant 0 : i32
        %dma_start3A_65 = arith.constant 0 : i32
        %dma_start3A_66 = tpu.memref_slice %arg14[%dma_start3A, %dma_start3A_65] : memref<50176x40xf32, #tpu.memory_space<vmem_shared>> -> memref<50176x40xf32, #tpu.memory_space<vmem_shared>>
        tpu.enqueue_indirect_dma source(%arg13 : memref<128x40xf32, #tpu.memory_space<vmem>>) target(%dma_start3A_66 : memref<50176x40xf32, #tpu.memory_space<vmem_shared>>) offsets(%arg12 : memref<128xi32, #tpu.memory_space<vmem>>) semaphore(%run_scoped3A : memref<!tpu.dma_semaphore, #tpu.memory_space<semaphore_mem>>) {add = true}
        %dma_wait3A = arith.constant 0 : i32
        %dma_wait3A_67 = arith.constant 0 : i32
        %dma_wait3A_68 = tpu.memref_slice %arg14[%dma_wait3A, %dma_wait3A_67] : memref<50176x40xf32, #tpu.memory_space<vmem_shared>> -> memref<50176x40xf32, #tpu.memory_space<vmem_shared>>
        tpu.wait_indirect_dma semaphore(%run_scoped3A : memref<!tpu.dma_semaphore, #tpu.memory_space<semaphore_mem>>) src(%arg13 : memref<128x40xf32, #tpu.memory_space<vmem>>) dst(%dma_wait3A_68 : memref<50176x40xf32, #tpu.memory_space<vmem_shared>>)
        tpu.yield
      }) : () -> ()
    }
    %scan3A_20 = arith.constant 208 : i32
    %barrier3A_21 = arith.constant 0 : index
    tpu.barrier barrier_id(%barrier3A_21)
    %mul3A_22 = arith.constant 3136 : i32
    %mul3A_23 = arith.muli %arg1, %mul3A_22 : i32
    %mul3A_24 = arith.constant 3136 : i32
    %mul3A_25 = arith.muli %arg1, %mul3A_24 : i32
    "tpu.region"() ({
      %run_scoped3A = tpu.sem_alloc : memref<!tpu.dma_semaphore, #tpu.memory_space<semaphore_mem>>
      %dma_start3A = arith.constant 0 : i32
      %dma_start3A_55 = tpu.memref_slice %arg9[%arg0, %mul3A_25, %dma_start3A] : memref<2x50176x40xf32, #tpu.memory_space<hbm>> -> memref<1x3136x40xf32, #tpu.memory_space<hbm>>
      %dma_start3A_56 = tpu.memref_squeeze %dma_start3A_55 : memref<1x3136x40xf32, #tpu.memory_space<hbm>> -> memref<3136x40xf32, #tpu.memory_space<hbm>>
      %dma_start3A_57 = arith.constant 0 : i32
      %dma_start3A_58 = tpu.memref_slice %arg14[%mul3A_23, %dma_start3A_57] : memref<50176x40xf32, #tpu.memory_space<vmem_shared>> -> memref<3136x40xf32, #tpu.memory_space<vmem_shared>>
      tpu.enqueue_dma source(%dma_start3A_58 : memref<3136x40xf32, #tpu.memory_space<vmem_shared>>) target(%dma_start3A_56 : memref<3136x40xf32, #tpu.memory_space<hbm>>) target_semaphore(%run_scoped3A : memref<!tpu.dma_semaphore, #tpu.memory_space<semaphore_mem>>)
      %dma_wait3A = arith.constant 0 : i32
      %dma_wait3A_59 = tpu.memref_slice %arg9[%arg0, %mul3A_25, %dma_wait3A] : memref<2x50176x40xf32, #tpu.memory_space<hbm>> -> memref<1x3136x40xf32, #tpu.memory_space<hbm>>
      %dma_wait3A_60 = tpu.memref_squeeze %dma_wait3A_59 : memref<1x3136x40xf32, #tpu.memory_space<hbm>> -> memref<3136x40xf32, #tpu.memory_space<hbm>>
      %dma_wait3A_61 = arith.constant 0 : i32
      %dma_wait3A_62 = tpu.memref_slice %arg14[%mul3A_23, %dma_wait3A_61] : memref<50176x40xf32, #tpu.memory_space<vmem_shared>> -> memref<3136x40xf32, #tpu.memory_space<vmem_shared>>
      tpu.wait_dma2 semaphore(%run_scoped3A : memref<!tpu.dma_semaphore, #tpu.memory_space<semaphore_mem>>) src(%dma_wait3A_62 : memref<3136x40xf32, #tpu.memory_space<vmem_shared>>) dst(%dma_wait3A_60 : memref<3136x40xf32, #tpu.memory_space<hbm>>)
      tpu.yield
    }) : () -> ()
    %barrier3A_26 = arith.constant 0 : index
    tpu.barrier barrier_id(%barrier3A_26)
    %mul3A_27 = arith.constant 3136 : i32
    %mul3A_28 = arith.muli %arg1, %mul3A_27 : i32
    "tpu.region"() ({
      %run_scoped3A = tpu.sem_alloc : memref<!tpu.dma_semaphore, #tpu.memory_space<semaphore_mem>>
      %dma_start3A = arith.constant 0 : i32
      %dma_start3A_55 = tpu.memref_slice %arg14[%mul3A_28, %dma_start3A] : memref<50176x40xf32, #tpu.memory_space<vmem_shared>> -> memref<3136x40xf32, #tpu.memory_space<vmem_shared>>
      tpu.enqueue_dma source(%arg7 : memref<3136x40xf32, #tpu.memory_space<hbm>>) target(%dma_start3A_55 : memref<3136x40xf32, #tpu.memory_space<vmem_shared>>) target_semaphore(%run_scoped3A : memref<!tpu.dma_semaphore, #tpu.memory_space<semaphore_mem>>)
      %dma_wait3A = arith.constant 0 : i32
      %dma_wait3A_56 = tpu.memref_slice %arg14[%mul3A_28, %dma_wait3A] : memref<50176x40xf32, #tpu.memory_space<vmem_shared>> -> memref<3136x40xf32, #tpu.memory_space<vmem_shared>>
      tpu.wait_dma2 semaphore(%run_scoped3A : memref<!tpu.dma_semaphore, #tpu.memory_space<semaphore_mem>>) src(%arg7 : memref<3136x40xf32, #tpu.memory_space<hbm>>) dst(%dma_wait3A_56 : memref<3136x40xf32, #tpu.memory_space<vmem_shared>>)
      tpu.yield
    }) : () -> ()
    %barrier3A_29 = arith.constant 0 : index
    tpu.barrier barrier_id(%barrier3A_29)
    %scan3A_30 = arith.constant 0 : i32
    %scan3A_31 = arith.constant 208 : i32
    %scan3A_32 = arith.addi %scan3A_30, %scan3A_31 : i32
    %scan3A_33 = arith.constant 1 : i32
    scf.for %scan3A_55 = %scan3A_30 to %scan3A_32 step %scan3A_33  : i32 {
      %mul3A_56 = arith.constant 1 : i32
      %mul3A_57 = arith.muli %scan3A_55, %mul3A_56 : i32
      %add3A_58 = arith.constant 0 : i32
      %add3A_59 = arith.addi %add3A_58, %mul3A_57 : i32
      %mul3A_60 = arith.constant 26624 : i32
      %mul3A_61 = arith.muli %add3A, %mul3A_60 : i32
      %mul3A_62 = arith.constant 128 : i32
      %mul3A_63 = arith.muli %add3A_59, %mul3A_62 : i32
      %add3A_64 = arith.addi %mul3A_61, %mul3A_63 : i32
      "tpu.region"() ({
        %run_scoped3A = tpu.sem_alloc : memref<!tpu.dma_semaphore, #tpu.memory_space<semaphore_mem>>
        %dma_start3A = tpu.memref_slice %arg2[%add3A_64] : memref<851968xi32, #tpu.memory_space<hbm>> -> memref<128xi32, #tpu.memory_space<hbm>>
        %dma_start3A_65 = tpu.memref_slice %arg2[%add3A_64] : memref<851968xi32, #tpu.memory_space<hbm>> -> memref<128xi32, #tpu.memory_space<hbm>>
        tpu.enqueue_dma source(%dma_start3A_65 : memref<128xi32, #tpu.memory_space<hbm>>) target(%arg12 : memref<128xi32, #tpu.memory_space<vmem>>) target_semaphore(%run_scoped3A : memref<!tpu.dma_semaphore, #tpu.memory_space<semaphore_mem>>)
        %dma_wait3A = tpu.memref_slice %arg2[%add3A_64] : memref<851968xi32, #tpu.memory_space<hbm>> -> memref<128xi32, #tpu.memory_space<hbm>>
        %dma_wait3A_66 = tpu.memref_slice %arg2[%add3A_64] : memref<851968xi32, #tpu.memory_space<hbm>> -> memref<128xi32, #tpu.memory_space<hbm>>
        tpu.wait_dma2 semaphore(%run_scoped3A : memref<!tpu.dma_semaphore, #tpu.memory_space<semaphore_mem>>) src(%dma_wait3A_66 : memref<128xi32, #tpu.memory_space<hbm>>) dst(%arg12 : memref<128xi32, #tpu.memory_space<vmem>>)
        tpu.yield
      }) : () -> ()
      "tpu.region"() ({
        %run_scoped3A = tpu.sem_alloc : memref<!tpu.dma_semaphore, #tpu.memory_space<semaphore_mem>>
        %dma_start3A = arith.constant 0 : i32
        %dma_start3A_65 = tpu.memref_slice %arg5[%add3A_64, %dma_start3A] : memref<851968x40xf32, #tpu.memory_space<hbm>> -> memref<128x40xf32, #tpu.memory_space<hbm>>
        %dma_start3A_66 = arith.constant 0 : i32
        %dma_start3A_67 = tpu.memref_slice %arg5[%add3A_64, %dma_start3A_66] : memref<851968x40xf32, #tpu.memory_space<hbm>> -> memref<128x40xf32, #tpu.memory_space<hbm>>
        tpu.enqueue_dma source(%dma_start3A_67 : memref<128x40xf32, #tpu.memory_space<hbm>>) target(%arg13 : memref<128x40xf32, #tpu.memory_space<vmem>>) target_semaphore(%run_scoped3A : memref<!tpu.dma_semaphore, #tpu.memory_space<semaphore_mem>>)
        %dma_wait3A = arith.constant 0 : i32
        %dma_wait3A_68 = tpu.memref_slice %arg5[%add3A_64, %dma_wait3A] : memref<851968x40xf32, #tpu.memory_space<hbm>> -> memref<128x40xf32, #tpu.memory_space<hbm>>
        %dma_wait3A_69 = arith.constant 0 : i32
        %dma_wait3A_70 = tpu.memref_slice %arg5[%add3A_64, %dma_wait3A_69] : memref<851968x40xf32, #tpu.memory_space<hbm>> -> memref<128x40xf32, #tpu.memory_space<hbm>>
        tpu.wait_dma2 semaphore(%run_scoped3A : memref<!tpu.dma_semaphore, #tpu.memory_space<semaphore_mem>>) src(%dma_wait3A_70 : memref<128x40xf32, #tpu.memory_space<hbm>>) dst(%arg13 : memref<128x40xf32, #tpu.memory_space<vmem>>)
        tpu.yield
      }) : () -> ()
      "tpu.region"() ({
        %run_scoped3A = tpu.sem_alloc : memref<!tpu.dma_semaphore, #tpu.memory_space<semaphore_mem>>
        %dma_start3A = arith.constant 0 : i32
        %dma_start3A_65 = arith.constant 0 : i32
        %dma_start3A_66 = tpu.memref_slice %arg14[%dma_start3A, %dma_start3A_65] : memref<50176x40xf32, #tpu.memory_space<vmem_shared>> -> memref<50176x40xf32, #tpu.memory_space<vmem_shared>>
        tpu.enqueue_indirect_dma source(%arg13 : memref<128x40xf32, #tpu.memory_space<vmem>>) target(%dma_start3A_66 : memref<50176x40xf32, #tpu.memory_space<vmem_shared>>) offsets(%arg12 : memref<128xi32, #tpu.memory_space<vmem>>) semaphore(%run_scoped3A : memref<!tpu.dma_semaphore, #tpu.memory_space<semaphore_mem>>) {add = true}
        %dma_wait3A = arith.constant 0 : i32
        %dma_wait3A_67 = arith.constant 0 : i32
        %dma_wait3A_68 = tpu.memref_slice %arg14[%dma_wait3A, %dma_wait3A_67] : memref<50176x40xf32, #tpu.memory_space<vmem_shared>> -> memref<50176x40xf32, #tpu.memory_space<vmem_shared>>
        tpu.wait_indirect_dma semaphore(%run_scoped3A : memref<!tpu.dma_semaphore, #tpu.memory_space<semaphore_mem>>) src(%arg13 : memref<128x40xf32, #tpu.memory_space<vmem>>) dst(%dma_wait3A_68 : memref<50176x40xf32, #tpu.memory_space<vmem_shared>>)
        tpu.yield
      }) : () -> ()
    }
    %scan3A_34 = arith.constant 208 : i32
    %barrier3A_35 = arith.constant 0 : index
    tpu.barrier barrier_id(%barrier3A_35)
    %mul3A_36 = arith.constant 3136 : i32
    %mul3A_37 = arith.muli %arg1, %mul3A_36 : i32
    %mul3A_38 = arith.constant 3136 : i32
    %mul3A_39 = arith.muli %arg1, %mul3A_38 : i32
    "tpu.region"() ({
      %run_scoped3A = tpu.sem_alloc : memref<!tpu.dma_semaphore, #tpu.memory_space<semaphore_mem>>
      %dma_start3A = arith.constant 0 : i32
      %dma_start3A_55 = tpu.memref_slice %arg10[%arg0, %mul3A_39, %dma_start3A] : memref<2x50176x40xf32, #tpu.memory_space<hbm>> -> memref<1x3136x40xf32, #tpu.memory_space<hbm>>
      %dma_start3A_56 = tpu.memref_squeeze %dma_start3A_55 : memref<1x3136x40xf32, #tpu.memory_space<hbm>> -> memref<3136x40xf32, #tpu.memory_space<hbm>>
      %dma_start3A_57 = arith.constant 0 : i32
      %dma_start3A_58 = tpu.memref_slice %arg14[%mul3A_37, %dma_start3A_57] : memref<50176x40xf32, #tpu.memory_space<vmem_shared>> -> memref<3136x40xf32, #tpu.memory_space<vmem_shared>>
      tpu.enqueue_dma source(%dma_start3A_58 : memref<3136x40xf32, #tpu.memory_space<vmem_shared>>) target(%dma_start3A_56 : memref<3136x40xf32, #tpu.memory_space<hbm>>) target_semaphore(%run_scoped3A : memref<!tpu.dma_semaphore, #tpu.memory_space<semaphore_mem>>)
      %dma_wait3A = arith.constant 0 : i32
      %dma_wait3A_59 = tpu.memref_slice %arg10[%arg0, %mul3A_39, %dma_wait3A] : memref<2x50176x40xf32, #tpu.memory_space<hbm>> -> memref<1x3136x40xf32, #tpu.memory_space<hbm>>
      %dma_wait3A_60 = tpu.memref_squeeze %dma_wait3A_59 : memref<1x3136x40xf32, #tpu.memory_space<hbm>> -> memref<3136x40xf32, #tpu.memory_space<hbm>>
      %dma_wait3A_61 = arith.constant 0 : i32
      %dma_wait3A_62 = tpu.memref_slice %arg14[%mul3A_37, %dma_wait3A_61] : memref<50176x40xf32, #tpu.memory_space<vmem_shared>> -> memref<3136x40xf32, #tpu.memory_space<vmem_shared>>
      tpu.wait_dma2 semaphore(%run_scoped3A : memref<!tpu.dma_semaphore, #tpu.memory_space<semaphore_mem>>) src(%dma_wait3A_62 : memref<3136x40xf32, #tpu.memory_space<vmem_shared>>) dst(%dma_wait3A_60 : memref<3136x40xf32, #tpu.memory_space<hbm>>)
      tpu.yield
    }) : () -> ()
    %barrier3A_40 = arith.constant 0 : index
    tpu.barrier barrier_id(%barrier3A_40)
    %mul3A_41 = arith.constant 3136 : i32
    %mul3A_42 = arith.muli %arg1, %mul3A_41 : i32
    "tpu.region"() ({
      %run_scoped3A = tpu.sem_alloc : memref<!tpu.dma_semaphore, #tpu.memory_space<semaphore_mem>>
      %dma_start3A = arith.constant 0 : i32
      %dma_start3A_55 = tpu.memref_slice %arg14[%mul3A_42, %dma_start3A] : memref<50176x40xf32, #tpu.memory_space<vmem_shared>> -> memref<3136x40xf32, #tpu.memory_space<vmem_shared>>
      tpu.enqueue_dma source(%arg7 : memref<3136x40xf32, #tpu.memory_space<hbm>>) target(%dma_start3A_55 : memref<3136x40xf32, #tpu.memory_space<vmem_shared>>) target_semaphore(%run_scoped3A : memref<!tpu.dma_semaphore, #tpu.memory_space<semaphore_mem>>)
      %dma_wait3A = arith.constant 0 : i32
      %dma_wait3A_56 = tpu.memref_slice %arg14[%mul3A_42, %dma_wait3A] : memref<50176x40xf32, #tpu.memory_space<vmem_shared>> -> memref<3136x40xf32, #tpu.memory_space<vmem_shared>>
      tpu.wait_dma2 semaphore(%run_scoped3A : memref<!tpu.dma_semaphore, #tpu.memory_space<semaphore_mem>>) src(%arg7 : memref<3136x40xf32, #tpu.memory_space<hbm>>) dst(%dma_wait3A_56 : memref<3136x40xf32, #tpu.memory_space<vmem_shared>>)
      tpu.yield
    }) : () -> ()
    %barrier3A_43 = arith.constant 0 : index
    tpu.barrier barrier_id(%barrier3A_43)
    %scan3A_44 = arith.constant 0 : i32
    %scan3A_45 = arith.constant 208 : i32
    %scan3A_46 = arith.addi %scan3A_44, %scan3A_45 : i32
    %scan3A_47 = arith.constant 1 : i32
    scf.for %scan3A_55 = %scan3A_44 to %scan3A_46 step %scan3A_47  : i32 {
      %mul3A_56 = arith.constant 1 : i32
      %mul3A_57 = arith.muli %scan3A_55, %mul3A_56 : i32
      %add3A_58 = arith.constant 0 : i32
      %add3A_59 = arith.addi %add3A_58, %mul3A_57 : i32
      %mul3A_60 = arith.constant 26624 : i32
      %mul3A_61 = arith.muli %add3A, %mul3A_60 : i32
      %mul3A_62 = arith.constant 128 : i32
      %mul3A_63 = arith.muli %add3A_59, %mul3A_62 : i32
      %add3A_64 = arith.addi %mul3A_61, %mul3A_63 : i32
      "tpu.region"() ({
        %run_scoped3A = tpu.sem_alloc : memref<!tpu.dma_semaphore, #tpu.memory_space<semaphore_mem>>
        %dma_start3A = tpu.memref_slice %arg2[%add3A_64] : memref<851968xi32, #tpu.memory_space<hbm>> -> memref<128xi32, #tpu.memory_space<hbm>>
        %dma_start3A_65 = tpu.memref_slice %arg2[%add3A_64] : memref<851968xi32, #tpu.memory_space<hbm>> -> memref<128xi32, #tpu.memory_space<hbm>>
        tpu.enqueue_dma source(%dma_start3A_65 : memref<128xi32, #tpu.memory_space<hbm>>) target(%arg12 : memref<128xi32, #tpu.memory_space<vmem>>) target_semaphore(%run_scoped3A : memref<!tpu.dma_semaphore, #tpu.memory_space<semaphore_mem>>)
        %dma_wait3A = tpu.memref_slice %arg2[%add3A_64] : memref<851968xi32, #tpu.memory_space<hbm>> -> memref<128xi32, #tpu.memory_space<hbm>>
        %dma_wait3A_66 = tpu.memref_slice %arg2[%add3A_64] : memref<851968xi32, #tpu.memory_space<hbm>> -> memref<128xi32, #tpu.memory_space<hbm>>
        tpu.wait_dma2 semaphore(%run_scoped3A : memref<!tpu.dma_semaphore, #tpu.memory_space<semaphore_mem>>) src(%dma_wait3A_66 : memref<128xi32, #tpu.memory_space<hbm>>) dst(%arg12 : memref<128xi32, #tpu.memory_space<vmem>>)
        tpu.yield
      }) : () -> ()
      "tpu.region"() ({
        %run_scoped3A = tpu.sem_alloc : memref<!tpu.dma_semaphore, #tpu.memory_space<semaphore_mem>>
        %dma_start3A = arith.constant 0 : i32
        %dma_start3A_65 = tpu.memref_slice %arg6[%add3A_64, %dma_start3A] : memref<851968x40xf32, #tpu.memory_space<hbm>> -> memref<128x40xf32, #tpu.memory_space<hbm>>
        %dma_start3A_66 = arith.constant 0 : i32
        %dma_start3A_67 = tpu.memref_slice %arg6[%add3A_64, %dma_start3A_66] : memref<851968x40xf32, #tpu.memory_space<hbm>> -> memref<128x40xf32, #tpu.memory_space<hbm>>
        tpu.enqueue_dma source(%dma_start3A_67 : memref<128x40xf32, #tpu.memory_space<hbm>>) target(%arg13 : memref<128x40xf32, #tpu.memory_space<vmem>>) target_semaphore(%run_scoped3A : memref<!tpu.dma_semaphore, #tpu.memory_space<semaphore_mem>>)
        %dma_wait3A = arith.constant 0 : i32
        %dma_wait3A_68 = tpu.memref_slice %arg6[%add3A_64, %dma_wait3A] : memref<851968x40xf32, #tpu.memory_space<hbm>> -> memref<128x40xf32, #tpu.memory_space<hbm>>
        %dma_wait3A_69 = arith.constant 0 : i32
        %dma_wait3A_70 = tpu.memref_slice %arg6[%add3A_64, %dma_wait3A_69] : memref<851968x40xf32, #tpu.memory_space<hbm>> -> memref<128x40xf32, #tpu.memory_space<hbm>>
        tpu.wait_dma2 semaphore(%run_scoped3A : memref<!tpu.dma_semaphore, #tpu.memory_space<semaphore_mem>>) src(%dma_wait3A_70 : memref<128x40xf32, #tpu.memory_space<hbm>>) dst(%arg13 : memref<128x40xf32, #tpu.memory_space<vmem>>)
        tpu.yield
      }) : () -> ()
      "tpu.region"() ({
        %run_scoped3A = tpu.sem_alloc : memref<!tpu.dma_semaphore, #tpu.memory_space<semaphore_mem>>
        %dma_start3A = arith.constant 0 : i32
        %dma_start3A_65 = arith.constant 0 : i32
        %dma_start3A_66 = tpu.memref_slice %arg14[%dma_start3A, %dma_start3A_65] : memref<50176x40xf32, #tpu.memory_space<vmem_shared>> -> memref<50176x40xf32, #tpu.memory_space<vmem_shared>>
        tpu.enqueue_indirect_dma source(%arg13 : memref<128x40xf32, #tpu.memory_space<vmem>>) target(%dma_start3A_66 : memref<50176x40xf32, #tpu.memory_space<vmem_shared>>) offsets(%arg12 : memref<128xi32, #tpu.memory_space<vmem>>) semaphore(%run_scoped3A : memref<!tpu.dma_semaphore, #tpu.memory_space<semaphore_mem>>) {add = true}
        %dma_wait3A = arith.constant 0 : i32
        %dma_wait3A_67 = arith.constant 0 : i32
        %dma_wait3A_68 = tpu.memref_slice %arg14[%dma_wait3A, %dma_wait3A_67] : memref<50176x40xf32, #tpu.memory_space<vmem_shared>> -> memref<50176x40xf32, #tpu.memory_space<vmem_shared>>
        tpu.wait_indirect_dma semaphore(%run_scoped3A : memref<!tpu.dma_semaphore, #tpu.memory_space<semaphore_mem>>) src(%arg13 : memref<128x40xf32, #tpu.memory_space<vmem>>) dst(%dma_wait3A_68 : memref<50176x40xf32, #tpu.memory_space<vmem_shared>>)
        tpu.yield
      }) : () -> ()
    }
    %scan3A_48 = arith.constant 208 : i32
    %barrier3A_49 = arith.constant 0 : index
    tpu.barrier barrier_id(%barrier3A_49)
    %mul3A_50 = arith.constant 3136 : i32
    %mul3A_51 = arith.muli %arg1, %mul3A_50 : i32
    %mul3A_52 = arith.constant 3136 : i32
    %mul3A_53 = arith.muli %arg1, %mul3A_52 : i32
    "tpu.region"() ({
      %run_scoped3A = tpu.sem_alloc : memref<!tpu.dma_semaphore, #tpu.memory_space<semaphore_mem>>
      %dma_start3A = arith.constant 0 : i32
      %dma_start3A_55 = tpu.memref_slice %arg11[%arg0, %mul3A_53, %dma_start3A] : memref<2x50176x40xf32, #tpu.memory_space<hbm>> -> memref<1x3136x40xf32, #tpu.memory_space<hbm>>
      %dma_start3A_56 = tpu.memref_squeeze %dma_start3A_55 : memref<1x3136x40xf32, #tpu.memory_space<hbm>> -> memref<3136x40xf32, #tpu.memory_space<hbm>>
      %dma_start3A_57 = arith.constant 0 : i32
      %dma_start3A_58 = tpu.memref_slice %arg14[%mul3A_51, %dma_start3A_57] : memref<50176x40xf32, #tpu.memory_space<vmem_shared>> -> memref<3136x40xf32, #tpu.memory_space<vmem_shared>>
      tpu.enqueue_dma source(%dma_start3A_58 : memref<3136x40xf32, #tpu.memory_space<vmem_shared>>) target(%dma_start3A_56 : memref<3136x40xf32, #tpu.memory_space<hbm>>) target_semaphore(%run_scoped3A : memref<!tpu.dma_semaphore, #tpu.memory_space<semaphore_mem>>)
      %dma_wait3A = arith.constant 0 : i32
      %dma_wait3A_59 = tpu.memref_slice %arg11[%arg0, %mul3A_53, %dma_wait3A] : memref<2x50176x40xf32, #tpu.memory_space<hbm>> -> memref<1x3136x40xf32, #tpu.memory_space<hbm>>
      %dma_wait3A_60 = tpu.memref_squeeze %dma_wait3A_59 : memref<1x3136x40xf32, #tpu.memory_space<hbm>> -> memref<3136x40xf32, #tpu.memory_space<hbm>>
      %dma_wait3A_61 = arith.constant 0 : i32
      %dma_wait3A_62 = tpu.memref_slice %arg14[%mul3A_51, %dma_wait3A_61] : memref<50176x40xf32, #tpu.memory_space<vmem_shared>> -> memref<3136x40xf32, #tpu.memory_space<vmem_shared>>
      tpu.wait_dma2 semaphore(%run_scoped3A : memref<!tpu.dma_semaphore, #tpu.memory_space<semaphore_mem>>) src(%dma_wait3A_62 : memref<3136x40xf32, #tpu.memory_space<vmem_shared>>) dst(%dma_wait3A_60 : memref<3136x40xf32, #tpu.memory_space<hbm>>)
      tpu.yield
    }) : () -> ()
    %barrier3A_54 = arith.constant 0 : index
    tpu.barrier barrier_id(%barrier3A_54)
    return
  }
}

#map = affine_map<(d0, d1) -> (0)>
#map1 = affine_map<(d0, d1) -> (0, 0)>
module attributes {stable_mosaic.version = 14 : i64} {
  func.func @_sc_edge_gather(%arg0: i32, %arg1: i32, %arg2: memref<851968xi32, #tpu.memory_space<hbm>>, %arg3: memref<851968xi32, #tpu.memory_space<hbm>>, %arg4: memref<50176x8xf32, #tpu.memory_space<hbm>>, %arg5: memref<50176x128xf32, #tpu.memory_space<hbm>>, %arg6: memref<851968x8xf32, #tpu.memory_space<hbm>>, %arg7: memref<851968x8xf32, #tpu.memory_space<hbm>>, %arg8: memref<851968x128xf32, #tpu.memory_space<hbm>>, %arg9: memref<128xi32, #tpu.memory_space<vmem>>, %arg10: memref<128xi32, #tpu.memory_space<vmem>>, %arg11: memref<128x8xf32, #tpu.memory_space<vmem>>, %arg12: memref<128x8xf32, #tpu.memory_space<vmem>>, %arg13: memref<128x128xf32, #tpu.memory_space<vmem>>) attributes {dimension_semantics = [#tpu.dimension_semantics<core_parallel>, #tpu.dimension_semantics<subcore_parallel>], iteration_bounds = array<i64: 2, 16>, scalar_prefetch = 0 : i64, scratch_operands = 5 : i64, tpu.core_type = #tpu.core_type<sc_vector_subcore>, window_params = [{transform_indices = #map}, {transform_indices = #map}, {transform_indices = #map1}, {transform_indices = #map1}, {transform_indices = #map1}, {transform_indices = #map1}, {transform_indices = #map1}]} {
    %mul3A = arith.constant 2 : i32
    %mul3A_0 = arith.muli %arg1, %mul3A : i32
    %add3A = arith.addi %mul3A_0, %arg0 : i32
    %scan3A = arith.constant 0 : i32
    %scan3A_1 = arith.constant 208 : i32
    %scan3A_2 = arith.addi %scan3A, %scan3A_1 : i32
    %scan3A_3 = arith.constant 1 : i32
    scf.for %scan3A_5 = %scan3A to %scan3A_2 step %scan3A_3  : i32 {
      %mul3A_6 = arith.constant 1 : i32
      %mul3A_7 = arith.muli %scan3A_5, %mul3A_6 : i32
      %add3A_8 = arith.constant 0 : i32
      %add3A_9 = arith.addi %add3A_8, %mul3A_7 : i32
      %mul3A_10 = arith.constant 26624 : i32
      %mul3A_11 = arith.muli %add3A, %mul3A_10 : i32
      %mul3A_12 = arith.constant 128 : i32
      %mul3A_13 = arith.muli %add3A_9, %mul3A_12 : i32
      %add3A_14 = arith.addi %mul3A_11, %mul3A_13 : i32
      "tpu.region"() ({
        %run_scoped3A = tpu.sem_alloc : memref<!tpu.dma_semaphore, #tpu.memory_space<semaphore_mem>>
        %dma_start3A = tpu.memref_slice %arg2[%add3A_14] : memref<851968xi32, #tpu.memory_space<hbm>> -> memref<128xi32, #tpu.memory_space<hbm>>
        %dma_start3A_15 = tpu.memref_slice %arg2[%add3A_14] : memref<851968xi32, #tpu.memory_space<hbm>> -> memref<128xi32, #tpu.memory_space<hbm>>
        tpu.enqueue_dma source(%dma_start3A_15 : memref<128xi32, #tpu.memory_space<hbm>>) target(%arg9 : memref<128xi32, #tpu.memory_space<vmem>>) target_semaphore(%run_scoped3A : memref<!tpu.dma_semaphore, #tpu.memory_space<semaphore_mem>>)
        %dma_wait3A = tpu.memref_slice %arg2[%add3A_14] : memref<851968xi32, #tpu.memory_space<hbm>> -> memref<128xi32, #tpu.memory_space<hbm>>
        %dma_wait3A_16 = tpu.memref_slice %arg2[%add3A_14] : memref<851968xi32, #tpu.memory_space<hbm>> -> memref<128xi32, #tpu.memory_space<hbm>>
        tpu.wait_dma2 semaphore(%run_scoped3A : memref<!tpu.dma_semaphore, #tpu.memory_space<semaphore_mem>>) src(%dma_wait3A_16 : memref<128xi32, #tpu.memory_space<hbm>>) dst(%arg9 : memref<128xi32, #tpu.memory_space<vmem>>)
        tpu.yield
      }) : () -> ()
      "tpu.region"() ({
        %run_scoped3A = tpu.sem_alloc : memref<!tpu.dma_semaphore, #tpu.memory_space<semaphore_mem>>
        %dma_start3A = tpu.memref_slice %arg3[%add3A_14] : memref<851968xi32, #tpu.memory_space<hbm>> -> memref<128xi32, #tpu.memory_space<hbm>>
        %dma_start3A_15 = tpu.memref_slice %arg3[%add3A_14] : memref<851968xi32, #tpu.memory_space<hbm>> -> memref<128xi32, #tpu.memory_space<hbm>>
        tpu.enqueue_dma source(%dma_start3A_15 : memref<128xi32, #tpu.memory_space<hbm>>) target(%arg10 : memref<128xi32, #tpu.memory_space<vmem>>) target_semaphore(%run_scoped3A : memref<!tpu.dma_semaphore, #tpu.memory_space<semaphore_mem>>)
        %dma_wait3A = tpu.memref_slice %arg3[%add3A_14] : memref<851968xi32, #tpu.memory_space<hbm>> -> memref<128xi32, #tpu.memory_space<hbm>>
        %dma_wait3A_16 = tpu.memref_slice %arg3[%add3A_14] : memref<851968xi32, #tpu.memory_space<hbm>> -> memref<128xi32, #tpu.memory_space<hbm>>
        tpu.wait_dma2 semaphore(%run_scoped3A : memref<!tpu.dma_semaphore, #tpu.memory_space<semaphore_mem>>) src(%dma_wait3A_16 : memref<128xi32, #tpu.memory_space<hbm>>) dst(%arg10 : memref<128xi32, #tpu.memory_space<vmem>>)
        tpu.yield
      }) : () -> ()
      "tpu.region"() ({
        %run_scoped3A = tpu.sem_alloc : memref<!tpu.dma_semaphore, #tpu.memory_space<semaphore_mem>>
        %dma_start3A = arith.constant 0 : i32
        %dma_start3A_15 = arith.constant 0 : i32
        %dma_start3A_16 = tpu.memref_slice %arg4[%dma_start3A, %dma_start3A_15] : memref<50176x8xf32, #tpu.memory_space<hbm>> -> memref<50176x8xf32, #tpu.memory_space<hbm>>
        tpu.enqueue_indirect_dma source(%dma_start3A_16 : memref<50176x8xf32, #tpu.memory_space<hbm>>) target(%arg11 : memref<128x8xf32, #tpu.memory_space<vmem>>) offsets(%arg9 : memref<128xi32, #tpu.memory_space<vmem>>) semaphore(%run_scoped3A : memref<!tpu.dma_semaphore, #tpu.memory_space<semaphore_mem>>)
        %dma_wait3A = arith.constant 0 : i32
        %dma_wait3A_17 = arith.constant 0 : i32
        %dma_wait3A_18 = tpu.memref_slice %arg4[%dma_wait3A, %dma_wait3A_17] : memref<50176x8xf32, #tpu.memory_space<hbm>> -> memref<50176x8xf32, #tpu.memory_space<hbm>>
        tpu.wait_indirect_dma semaphore(%run_scoped3A : memref<!tpu.dma_semaphore, #tpu.memory_space<semaphore_mem>>) src(%dma_wait3A_18 : memref<50176x8xf32, #tpu.memory_space<hbm>>) dst(%arg11 : memref<128x8xf32, #tpu.memory_space<vmem>>)
        tpu.yield
      }) : () -> ()
      "tpu.region"() ({
        %run_scoped3A = tpu.sem_alloc : memref<!tpu.dma_semaphore, #tpu.memory_space<semaphore_mem>>
        %dma_start3A = arith.constant 0 : i32
        %dma_start3A_15 = tpu.memref_slice %arg6[%add3A_14, %dma_start3A] : memref<851968x8xf32, #tpu.memory_space<hbm>> -> memref<128x8xf32, #tpu.memory_space<hbm>>
        %dma_start3A_16 = arith.constant 0 : i32
        %dma_start3A_17 = tpu.memref_slice %arg6[%add3A_14, %dma_start3A_16] : memref<851968x8xf32, #tpu.memory_space<hbm>> -> memref<128x8xf32, #tpu.memory_space<hbm>>
        tpu.enqueue_dma source(%arg11 : memref<128x8xf32, #tpu.memory_space<vmem>>) target(%dma_start3A_17 : memref<128x8xf32, #tpu.memory_space<hbm>>) target_semaphore(%run_scoped3A : memref<!tpu.dma_semaphore, #tpu.memory_space<semaphore_mem>>)
        %dma_wait3A = arith.constant 0 : i32
        %dma_wait3A_18 = tpu.memref_slice %arg6[%add3A_14, %dma_wait3A] : memref<851968x8xf32, #tpu.memory_space<hbm>> -> memref<128x8xf32, #tpu.memory_space<hbm>>
        %dma_wait3A_19 = arith.constant 0 : i32
        %dma_wait3A_20 = tpu.memref_slice %arg6[%add3A_14, %dma_wait3A_19] : memref<851968x8xf32, #tpu.memory_space<hbm>> -> memref<128x8xf32, #tpu.memory_space<hbm>>
        tpu.wait_dma2 semaphore(%run_scoped3A : memref<!tpu.dma_semaphore, #tpu.memory_space<semaphore_mem>>) src(%arg11 : memref<128x8xf32, #tpu.memory_space<vmem>>) dst(%dma_wait3A_20 : memref<128x8xf32, #tpu.memory_space<hbm>>)
        tpu.yield
      }) : () -> ()
      "tpu.region"() ({
        %run_scoped3A = tpu.sem_alloc : memref<!tpu.dma_semaphore, #tpu.memory_space<semaphore_mem>>
        %dma_start3A = arith.constant 0 : i32
        %dma_start3A_15 = arith.constant 0 : i32
        %dma_start3A_16 = tpu.memref_slice %arg4[%dma_start3A, %dma_start3A_15] : memref<50176x8xf32, #tpu.memory_space<hbm>> -> memref<50176x8xf32, #tpu.memory_space<hbm>>
        tpu.enqueue_indirect_dma source(%dma_start3A_16 : memref<50176x8xf32, #tpu.memory_space<hbm>>) target(%arg12 : memref<128x8xf32, #tpu.memory_space<vmem>>) offsets(%arg10 : memref<128xi32, #tpu.memory_space<vmem>>) semaphore(%run_scoped3A : memref<!tpu.dma_semaphore, #tpu.memory_space<semaphore_mem>>)
        %dma_wait3A = arith.constant 0 : i32
        %dma_wait3A_17 = arith.constant 0 : i32
        %dma_wait3A_18 = tpu.memref_slice %arg4[%dma_wait3A, %dma_wait3A_17] : memref<50176x8xf32, #tpu.memory_space<hbm>> -> memref<50176x8xf32, #tpu.memory_space<hbm>>
        tpu.wait_indirect_dma semaphore(%run_scoped3A : memref<!tpu.dma_semaphore, #tpu.memory_space<semaphore_mem>>) src(%dma_wait3A_18 : memref<50176x8xf32, #tpu.memory_space<hbm>>) dst(%arg12 : memref<128x8xf32, #tpu.memory_space<vmem>>)
        tpu.yield
      }) : () -> ()
      "tpu.region"() ({
        %run_scoped3A = tpu.sem_alloc : memref<!tpu.dma_semaphore, #tpu.memory_space<semaphore_mem>>
        %dma_start3A = arith.constant 0 : i32
        %dma_start3A_15 = tpu.memref_slice %arg7[%add3A_14, %dma_start3A] : memref<851968x8xf32, #tpu.memory_space<hbm>> -> memref<128x8xf32, #tpu.memory_space<hbm>>
        %dma_start3A_16 = arith.constant 0 : i32
        %dma_start3A_17 = tpu.memref_slice %arg7[%add3A_14, %dma_start3A_16] : memref<851968x8xf32, #tpu.memory_space<hbm>> -> memref<128x8xf32, #tpu.memory_space<hbm>>
        tpu.enqueue_dma source(%arg12 : memref<128x8xf32, #tpu.memory_space<vmem>>) target(%dma_start3A_17 : memref<128x8xf32, #tpu.memory_space<hbm>>) target_semaphore(%run_scoped3A : memref<!tpu.dma_semaphore, #tpu.memory_space<semaphore_mem>>)
        %dma_wait3A = arith.constant 0 : i32
        %dma_wait3A_18 = tpu.memref_slice %arg7[%add3A_14, %dma_wait3A] : memref<851968x8xf32, #tpu.memory_space<hbm>> -> memref<128x8xf32, #tpu.memory_space<hbm>>
        %dma_wait3A_19 = arith.constant 0 : i32
        %dma_wait3A_20 = tpu.memref_slice %arg7[%add3A_14, %dma_wait3A_19] : memref<851968x8xf32, #tpu.memory_space<hbm>> -> memref<128x8xf32, #tpu.memory_space<hbm>>
        tpu.wait_dma2 semaphore(%run_scoped3A : memref<!tpu.dma_semaphore, #tpu.memory_space<semaphore_mem>>) src(%arg12 : memref<128x8xf32, #tpu.memory_space<vmem>>) dst(%dma_wait3A_20 : memref<128x8xf32, #tpu.memory_space<hbm>>)
        tpu.yield
      }) : () -> ()
      "tpu.region"() ({
        %run_scoped3A = tpu.sem_alloc : memref<!tpu.dma_semaphore, #tpu.memory_space<semaphore_mem>>
        %dma_start3A = arith.constant 0 : i32
        %dma_start3A_15 = arith.constant 0 : i32
        %dma_start3A_16 = tpu.memref_slice %arg5[%dma_start3A, %dma_start3A_15] : memref<50176x128xf32, #tpu.memory_space<hbm>> -> memref<50176x128xf32, #tpu.memory_space<hbm>>
        tpu.enqueue_indirect_dma source(%dma_start3A_16 : memref<50176x128xf32, #tpu.memory_space<hbm>>) target(%arg13 : memref<128x128xf32, #tpu.memory_space<vmem>>) offsets(%arg9 : memref<128xi32, #tpu.memory_space<vmem>>) semaphore(%run_scoped3A : memref<!tpu.dma_semaphore, #tpu.memory_space<semaphore_mem>>)
        %dma_wait3A = arith.constant 0 : i32
        %dma_wait3A_17 = arith.constant 0 : i32
        %dma_wait3A_18 = tpu.memref_slice %arg5[%dma_wait3A, %dma_wait3A_17] : memref<50176x128xf32, #tpu.memory_space<hbm>> -> memref<50176x128xf32, #tpu.memory_space<hbm>>
        tpu.wait_indirect_dma semaphore(%run_scoped3A : memref<!tpu.dma_semaphore, #tpu.memory_space<semaphore_mem>>) src(%dma_wait3A_18 : memref<50176x128xf32, #tpu.memory_space<hbm>>) dst(%arg13 : memref<128x128xf32, #tpu.memory_space<vmem>>)
        tpu.yield
      }) : () -> ()
      "tpu.region"() ({
        %run_scoped3A = tpu.sem_alloc : memref<!tpu.dma_semaphore, #tpu.memory_space<semaphore_mem>>
        %dma_start3A = arith.constant 0 : i32
        %dma_start3A_15 = tpu.memref_slice %arg8[%add3A_14, %dma_start3A] : memref<851968x128xf32, #tpu.memory_space<hbm>> -> memref<128x128xf32, #tpu.memory_space<hbm>>
        %dma_start3A_16 = arith.constant 0 : i32
        %dma_start3A_17 = tpu.memref_slice %arg8[%add3A_14, %dma_start3A_16] : memref<851968x128xf32, #tpu.memory_space<hbm>> -> memref<128x128xf32, #tpu.memory_space<hbm>>
        tpu.enqueue_dma source(%arg13 : memref<128x128xf32, #tpu.memory_space<vmem>>) target(%dma_start3A_17 : memref<128x128xf32, #tpu.memory_space<hbm>>) target_semaphore(%run_scoped3A : memref<!tpu.dma_semaphore, #tpu.memory_space<semaphore_mem>>)
        %dma_wait3A = arith.constant 0 : i32
        %dma_wait3A_18 = tpu.memref_slice %arg8[%add3A_14, %dma_wait3A] : memref<851968x128xf32, #tpu.memory_space<hbm>> -> memref<128x128xf32, #tpu.memory_space<hbm>>
        %dma_wait3A_19 = arith.constant 0 : i32
        %dma_wait3A_20 = tpu.memref_slice %arg8[%add3A_14, %dma_wait3A_19] : memref<851968x128xf32, #tpu.memory_space<hbm>> -> memref<128x128xf32, #tpu.memory_space<hbm>>
        tpu.wait_dma2 semaphore(%run_scoped3A : memref<!tpu.dma_semaphore, #tpu.memory_space<semaphore_mem>>) src(%arg13 : memref<128x128xf32, #tpu.memory_space<vmem>>) dst(%dma_wait3A_20 : memref<128x128xf32, #tpu.memory_space<hbm>>)
        tpu.yield
      }) : () -> ()
    }
    %scan3A_4 = arith.constant 208 : i32
    return
  }
}

#map = affine_map<(d0, d1) -> (0)>
#map1 = affine_map<(d0, d1) -> (0, 0)>
#map2 = affine_map<(d0, d1) -> (0, 0, 0)>
module attributes {stable_mosaic.version = 14 : i64} {
  func.func @_sc_edge_scatter(%arg0: i32, %arg1: i32, %arg2: memref<851968xi32, #tpu.memory_space<hbm>>, %arg3: memref<851968x40xf32, #tpu.memory_space<hbm>>, %arg4: memref<851968x40xf32, #tpu.memory_space<hbm>>, %arg5: memref<851968x40xf32, #tpu.memory_space<hbm>>, %arg6: memref<851968x40xf32, #tpu.memory_space<hbm>>, %arg7: memref<3136x40xf32, #tpu.memory_space<hbm>>, %arg8: memref<2x50176x40xf32, #tpu.memory_space<hbm>>, %arg9: memref<2x50176x40xf32, #tpu.memory_space<hbm>>, %arg10: memref<2x50176x40xf32, #tpu.memory_space<hbm>>, %arg11: memref<2x50176x40xf32, #tpu.memory_space<hbm>>, %arg12: memref<128xi32, #tpu.memory_space<vmem>>, %arg13: memref<128x40xf32, #tpu.memory_space<vmem>>, %arg14: memref<50176x40xf32, #tpu.memory_space<vmem_shared>>) attributes {dimension_semantics = [#tpu.dimension_semantics<core_parallel>, #tpu.dimension_semantics<subcore_parallel>], iteration_bounds = array<i64: 2, 16>, scalar_prefetch = 0 : i64, scratch_operands = 3 : i64, tpu.core_type = #tpu.core_type<sc_vector_subcore>, window_params = [{transform_indices = #map}, {transform_indices = #map1}, {transform_indices = #map1}, {transform_indices = #map1}, {transform_indices = #map1}, {transform_indices = #map1}, {transform_indices = #map2}, {transform_indices = #map2}, {transform_indices = #map2}, {transform_indices = #map2}]} {
    %mul3A = arith.constant 2 : i32
    %mul3A_0 = arith.muli %arg1, %mul3A : i32
    %add3A = arith.addi %mul3A_0, %arg0 : i32
    %mul3A_1 = arith.constant 3136 : i32
    %mul3A_2 = arith.muli %arg1, %mul3A_1 : i32
    "tpu.region"() ({
      %run_scoped3A = tpu.sem_alloc : memref<!tpu.dma_semaphore, #tpu.memory_space<semaphore_mem>>
      %dma_start3A = arith.constant 0 : i32
      %dma_start3A_55 = tpu.memref_slice %arg14[%mul3A_2, %dma_start3A] : memref<50176x40xf32, #tpu.memory_space<vmem_shared>> -> memref<3136x40xf32, #tpu.memory_space<vmem_shared>>
      tpu.enqueue_dma source(%arg7 : memref<3136x40xf32, #tpu.memory_space<hbm>>) target(%dma_start3A_55 : memref<3136x40xf32, #tpu.memory_space<vmem_shared>>) target_semaphore(%run_scoped3A : memref<!tpu.dma_semaphore, #tpu.memory_space<semaphore_mem>>)
      %dma_wait3A = arith.constant 0 : i32
      %dma_wait3A_56 = tpu.memref_slice %arg14[%mul3A_2, %dma_wait3A] : memref<50176x40xf32, #tpu.memory_space<vmem_shared>> -> memref<3136x40xf32, #tpu.memory_space<vmem_shared>>
      tpu.wait_dma2 semaphore(%run_scoped3A : memref<!tpu.dma_semaphore, #tpu.memory_space<semaphore_mem>>) src(%arg7 : memref<3136x40xf32, #tpu.memory_space<hbm>>) dst(%dma_wait3A_56 : memref<3136x40xf32, #tpu.memory_space<vmem_shared>>)
      tpu.yield
    }) : () -> ()
    %barrier3A = arith.constant 0 : index
    tpu.barrier barrier_id(%barrier3A)
    %scan3A = arith.constant 0 : i32
    %scan3A_3 = arith.constant 208 : i32
    %scan3A_4 = arith.addi %scan3A, %scan3A_3 : i32
    %scan3A_5 = arith.constant 1 : i32
    scf.for %scan3A_55 = %scan3A to %scan3A_4 step %scan3A_5  : i32 {
      %mul3A_56 = arith.constant 1 : i32
      %mul3A_57 = arith.muli %scan3A_55, %mul3A_56 : i32
      %add3A_58 = arith.constant 0 : i32
      %add3A_59 = arith.addi %add3A_58, %mul3A_57 : i32
      %mul3A_60 = arith.constant 26624 : i32
      %mul3A_61 = arith.muli %add3A, %mul3A_60 : i32
      %mul3A_62 = arith.constant 128 : i32
      %mul3A_63 = arith.muli %add3A_59, %mul3A_62 : i32
      %add3A_64 = arith.addi %mul3A_61, %mul3A_63 : i32
      "tpu.region"() ({
        %run_scoped3A = tpu.sem_alloc : memref<!tpu.dma_semaphore, #tpu.memory_space<semaphore_mem>>
        %dma_start3A = tpu.memref_slice %arg2[%add3A_64] : memref<851968xi32, #tpu.memory_space<hbm>> -> memref<128xi32, #tpu.memory_space<hbm>>
        %dma_start3A_65 = tpu.memref_slice %arg2[%add3A_64] : memref<851968xi32, #tpu.memory_space<hbm>> -> memref<128xi32, #tpu.memory_space<hbm>>
        tpu.enqueue_dma source(%dma_start3A_65 : memref<128xi32, #tpu.memory_space<hbm>>) target(%arg12 : memref<128xi32, #tpu.memory_space<vmem>>) target_semaphore(%run_scoped3A : memref<!tpu.dma_semaphore, #tpu.memory_space<semaphore_mem>>)
        %dma_wait3A = tpu.memref_slice %arg2[%add3A_64] : memref<851968xi32, #tpu.memory_space<hbm>> -> memref<128xi32, #tpu.memory_space<hbm>>
        %dma_wait3A_66 = tpu.memref_slice %arg2[%add3A_64] : memref<851968xi32, #tpu.memory_space<hbm>> -> memref<128xi32, #tpu.memory_space<hbm>>
        tpu.wait_dma2 semaphore(%run_scoped3A : memref<!tpu.dma_semaphore, #tpu.memory_space<semaphore_mem>>) src(%dma_wait3A_66 : memref<128xi32, #tpu.memory_space<hbm>>) dst(%arg12 : memref<128xi32, #tpu.memory_space<vmem>>)
        tpu.yield
      }) : () -> ()
      "tpu.region"() ({
        %run_scoped3A = tpu.sem_alloc : memref<!tpu.dma_semaphore, #tpu.memory_space<semaphore_mem>>
        %dma_start3A = arith.constant 0 : i32
        %dma_start3A_65 = tpu.memref_slice %arg3[%add3A_64, %dma_start3A] : memref<851968x40xf32, #tpu.memory_space<hbm>> -> memref<128x40xf32, #tpu.memory_space<hbm>>
        %dma_start3A_66 = arith.constant 0 : i32
        %dma_start3A_67 = tpu.memref_slice %arg3[%add3A_64, %dma_start3A_66] : memref<851968x40xf32, #tpu.memory_space<hbm>> -> memref<128x40xf32, #tpu.memory_space<hbm>>
        tpu.enqueue_dma source(%dma_start3A_67 : memref<128x40xf32, #tpu.memory_space<hbm>>) target(%arg13 : memref<128x40xf32, #tpu.memory_space<vmem>>) target_semaphore(%run_scoped3A : memref<!tpu.dma_semaphore, #tpu.memory_space<semaphore_mem>>)
        %dma_wait3A = arith.constant 0 : i32
        %dma_wait3A_68 = tpu.memref_slice %arg3[%add3A_64, %dma_wait3A] : memref<851968x40xf32, #tpu.memory_space<hbm>> -> memref<128x40xf32, #tpu.memory_space<hbm>>
        %dma_wait3A_69 = arith.constant 0 : i32
        %dma_wait3A_70 = tpu.memref_slice %arg3[%add3A_64, %dma_wait3A_69] : memref<851968x40xf32, #tpu.memory_space<hbm>> -> memref<128x40xf32, #tpu.memory_space<hbm>>
        tpu.wait_dma2 semaphore(%run_scoped3A : memref<!tpu.dma_semaphore, #tpu.memory_space<semaphore_mem>>) src(%dma_wait3A_70 : memref<128x40xf32, #tpu.memory_space<hbm>>) dst(%arg13 : memref<128x40xf32, #tpu.memory_space<vmem>>)
        tpu.yield
      }) : () -> ()
      "tpu.region"() ({
        %run_scoped3A = tpu.sem_alloc : memref<!tpu.dma_semaphore, #tpu.memory_space<semaphore_mem>>
        %dma_start3A = arith.constant 0 : i32
        %dma_start3A_65 = arith.constant 0 : i32
        %dma_start3A_66 = tpu.memref_slice %arg14[%dma_start3A, %dma_start3A_65] : memref<50176x40xf32, #tpu.memory_space<vmem_shared>> -> memref<50176x40xf32, #tpu.memory_space<vmem_shared>>
        tpu.enqueue_indirect_dma source(%arg13 : memref<128x40xf32, #tpu.memory_space<vmem>>) target(%dma_start3A_66 : memref<50176x40xf32, #tpu.memory_space<vmem_shared>>) offsets(%arg12 : memref<128xi32, #tpu.memory_space<vmem>>) semaphore(%run_scoped3A : memref<!tpu.dma_semaphore, #tpu.memory_space<semaphore_mem>>) {add = true}
        %dma_wait3A = arith.constant 0 : i32
        %dma_wait3A_67 = arith.constant 0 : i32
        %dma_wait3A_68 = tpu.memref_slice %arg14[%dma_wait3A, %dma_wait3A_67] : memref<50176x40xf32, #tpu.memory_space<vmem_shared>> -> memref<50176x40xf32, #tpu.memory_space<vmem_shared>>
        tpu.wait_indirect_dma semaphore(%run_scoped3A : memref<!tpu.dma_semaphore, #tpu.memory_space<semaphore_mem>>) src(%arg13 : memref<128x40xf32, #tpu.memory_space<vmem>>) dst(%dma_wait3A_68 : memref<50176x40xf32, #tpu.memory_space<vmem_shared>>)
        tpu.yield
      }) : () -> ()
    }
    %scan3A_6 = arith.constant 208 : i32
    %barrier3A_7 = arith.constant 0 : index
    tpu.barrier barrier_id(%barrier3A_7)
    %mul3A_8 = arith.constant 3136 : i32
    %mul3A_9 = arith.muli %arg1, %mul3A_8 : i32
    %mul3A_10 = arith.constant 3136 : i32
    %mul3A_11 = arith.muli %arg1, %mul3A_10 : i32
    "tpu.region"() ({
      %run_scoped3A = tpu.sem_alloc : memref<!tpu.dma_semaphore, #tpu.memory_space<semaphore_mem>>
      %dma_start3A = arith.constant 0 : i32
      %dma_start3A_55 = tpu.memref_slice %arg8[%arg0, %mul3A_11, %dma_start3A] : memref<2x50176x40xf32, #tpu.memory_space<hbm>> -> memref<1x3136x40xf32, #tpu.memory_space<hbm>>
      %dma_start3A_56 = tpu.memref_squeeze %dma_start3A_55 : memref<1x3136x40xf32, #tpu.memory_space<hbm>> -> memref<3136x40xf32, #tpu.memory_space<hbm>>
      %dma_start3A_57 = arith.constant 0 : i32
      %dma_start3A_58 = tpu.memref_slice %arg14[%mul3A_9, %dma_start3A_57] : memref<50176x40xf32, #tpu.memory_space<vmem_shared>> -> memref<3136x40xf32, #tpu.memory_space<vmem_shared>>
      tpu.enqueue_dma source(%dma_start3A_58 : memref<3136x40xf32, #tpu.memory_space<vmem_shared>>) target(%dma_start3A_56 : memref<3136x40xf32, #tpu.memory_space<hbm>>) target_semaphore(%run_scoped3A : memref<!tpu.dma_semaphore, #tpu.memory_space<semaphore_mem>>)
      %dma_wait3A = arith.constant 0 : i32
      %dma_wait3A_59 = tpu.memref_slice %arg8[%arg0, %mul3A_11, %dma_wait3A] : memref<2x50176x40xf32, #tpu.memory_space<hbm>> -> memref<1x3136x40xf32, #tpu.memory_space<hbm>>
      %dma_wait3A_60 = tpu.memref_squeeze %dma_wait3A_59 : memref<1x3136x40xf32, #tpu.memory_space<hbm>> -> memref<3136x40xf32, #tpu.memory_space<hbm>>
      %dma_wait3A_61 = arith.constant 0 : i32
      %dma_wait3A_62 = tpu.memref_slice %arg14[%mul3A_9, %dma_wait3A_61] : memref<50176x40xf32, #tpu.memory_space<vmem_shared>> -> memref<3136x40xf32, #tpu.memory_space<vmem_shared>>
      tpu.wait_dma2 semaphore(%run_scoped3A : memref<!tpu.dma_semaphore, #tpu.memory_space<semaphore_mem>>) src(%dma_wait3A_62 : memref<3136x40xf32, #tpu.memory_space<vmem_shared>>) dst(%dma_wait3A_60 : memref<3136x40xf32, #tpu.memory_space<hbm>>)
      tpu.yield
    }) : () -> ()
    %barrier3A_12 = arith.constant 0 : index
    tpu.barrier barrier_id(%barrier3A_12)
    %mul3A_13 = arith.constant 3136 : i32
    %mul3A_14 = arith.muli %arg1, %mul3A_13 : i32
    "tpu.region"() ({
      %run_scoped3A = tpu.sem_alloc : memref<!tpu.dma_semaphore, #tpu.memory_space<semaphore_mem>>
      %dma_start3A = arith.constant 0 : i32
      %dma_start3A_55 = tpu.memref_slice %arg14[%mul3A_14, %dma_start3A] : memref<50176x40xf32, #tpu.memory_space<vmem_shared>> -> memref<3136x40xf32, #tpu.memory_space<vmem_shared>>
      tpu.enqueue_dma source(%arg7 : memref<3136x40xf32, #tpu.memory_space<hbm>>) target(%dma_start3A_55 : memref<3136x40xf32, #tpu.memory_space<vmem_shared>>) target_semaphore(%run_scoped3A : memref<!tpu.dma_semaphore, #tpu.memory_space<semaphore_mem>>)
      %dma_wait3A = arith.constant 0 : i32
      %dma_wait3A_56 = tpu.memref_slice %arg14[%mul3A_14, %dma_wait3A] : memref<50176x40xf32, #tpu.memory_space<vmem_shared>> -> memref<3136x40xf32, #tpu.memory_space<vmem_shared>>
      tpu.wait_dma2 semaphore(%run_scoped3A : memref<!tpu.dma_semaphore, #tpu.memory_space<semaphore_mem>>) src(%arg7 : memref<3136x40xf32, #tpu.memory_space<hbm>>) dst(%dma_wait3A_56 : memref<3136x40xf32, #tpu.memory_space<vmem_shared>>)
      tpu.yield
    }) : () -> ()
    %barrier3A_15 = arith.constant 0 : index
    tpu.barrier barrier_id(%barrier3A_15)
    %scan3A_16 = arith.constant 0 : i32
    %scan3A_17 = arith.constant 208 : i32
    %scan3A_18 = arith.addi %scan3A_16, %scan3A_17 : i32
    %scan3A_19 = arith.constant 1 : i32
    scf.for %scan3A_55 = %scan3A_16 to %scan3A_18 step %scan3A_19  : i32 {
      %mul3A_56 = arith.constant 1 : i32
      %mul3A_57 = arith.muli %scan3A_55, %mul3A_56 : i32
      %add3A_58 = arith.constant 0 : i32
      %add3A_59 = arith.addi %add3A_58, %mul3A_57 : i32
      %mul3A_60 = arith.constant 26624 : i32
      %mul3A_61 = arith.muli %add3A, %mul3A_60 : i32
      %mul3A_62 = arith.constant 128 : i32
      %mul3A_63 = arith.muli %add3A_59, %mul3A_62 : i32
      %add3A_64 = arith.addi %mul3A_61, %mul3A_63 : i32
      "tpu.region"() ({
        %run_scoped3A = tpu.sem_alloc : memref<!tpu.dma_semaphore, #tpu.memory_space<semaphore_mem>>
        %dma_start3A = tpu.memref_slice %arg2[%add3A_64] : memref<851968xi32, #tpu.memory_space<hbm>> -> memref<128xi32, #tpu.memory_space<hbm>>
        %dma_start3A_65 = tpu.memref_slice %arg2[%add3A_64] : memref<851968xi32, #tpu.memory_space<hbm>> -> memref<128xi32, #tpu.memory_space<hbm>>
        tpu.enqueue_dma source(%dma_start3A_65 : memref<128xi32, #tpu.memory_space<hbm>>) target(%arg12 : memref<128xi32, #tpu.memory_space<vmem>>) target_semaphore(%run_scoped3A : memref<!tpu.dma_semaphore, #tpu.memory_space<semaphore_mem>>)
        %dma_wait3A = tpu.memref_slice %arg2[%add3A_64] : memref<851968xi32, #tpu.memory_space<hbm>> -> memref<128xi32, #tpu.memory_space<hbm>>
        %dma_wait3A_66 = tpu.memref_slice %arg2[%add3A_64] : memref<851968xi32, #tpu.memory_space<hbm>> -> memref<128xi32, #tpu.memory_space<hbm>>
        tpu.wait_dma2 semaphore(%run_scoped3A : memref<!tpu.dma_semaphore, #tpu.memory_space<semaphore_mem>>) src(%dma_wait3A_66 : memref<128xi32, #tpu.memory_space<hbm>>) dst(%arg12 : memref<128xi32, #tpu.memory_space<vmem>>)
        tpu.yield
      }) : () -> ()
      "tpu.region"() ({
        %run_scoped3A = tpu.sem_alloc : memref<!tpu.dma_semaphore, #tpu.memory_space<semaphore_mem>>
        %dma_start3A = arith.constant 0 : i32
        %dma_start3A_65 = tpu.memref_slice %arg4[%add3A_64, %dma_start3A] : memref<851968x40xf32, #tpu.memory_space<hbm>> -> memref<128x40xf32, #tpu.memory_space<hbm>>
        %dma_start3A_66 = arith.constant 0 : i32
        %dma_start3A_67 = tpu.memref_slice %arg4[%add3A_64, %dma_start3A_66] : memref<851968x40xf32, #tpu.memory_space<hbm>> -> memref<128x40xf32, #tpu.memory_space<hbm>>
        tpu.enqueue_dma source(%dma_start3A_67 : memref<128x40xf32, #tpu.memory_space<hbm>>) target(%arg13 : memref<128x40xf32, #tpu.memory_space<vmem>>) target_semaphore(%run_scoped3A : memref<!tpu.dma_semaphore, #tpu.memory_space<semaphore_mem>>)
        %dma_wait3A = arith.constant 0 : i32
        %dma_wait3A_68 = tpu.memref_slice %arg4[%add3A_64, %dma_wait3A] : memref<851968x40xf32, #tpu.memory_space<hbm>> -> memref<128x40xf32, #tpu.memory_space<hbm>>
        %dma_wait3A_69 = arith.constant 0 : i32
        %dma_wait3A_70 = tpu.memref_slice %arg4[%add3A_64, %dma_wait3A_69] : memref<851968x40xf32, #tpu.memory_space<hbm>> -> memref<128x40xf32, #tpu.memory_space<hbm>>
        tpu.wait_dma2 semaphore(%run_scoped3A : memref<!tpu.dma_semaphore, #tpu.memory_space<semaphore_mem>>) src(%dma_wait3A_70 : memref<128x40xf32, #tpu.memory_space<hbm>>) dst(%arg13 : memref<128x40xf32, #tpu.memory_space<vmem>>)
        tpu.yield
      }) : () -> ()
      "tpu.region"() ({
        %run_scoped3A = tpu.sem_alloc : memref<!tpu.dma_semaphore, #tpu.memory_space<semaphore_mem>>
        %dma_start3A = arith.constant 0 : i32
        %dma_start3A_65 = arith.constant 0 : i32
        %dma_start3A_66 = tpu.memref_slice %arg14[%dma_start3A, %dma_start3A_65] : memref<50176x40xf32, #tpu.memory_space<vmem_shared>> -> memref<50176x40xf32, #tpu.memory_space<vmem_shared>>
        tpu.enqueue_indirect_dma source(%arg13 : memref<128x40xf32, #tpu.memory_space<vmem>>) target(%dma_start3A_66 : memref<50176x40xf32, #tpu.memory_space<vmem_shared>>) offsets(%arg12 : memref<128xi32, #tpu.memory_space<vmem>>) semaphore(%run_scoped3A : memref<!tpu.dma_semaphore, #tpu.memory_space<semaphore_mem>>) {add = true}
        %dma_wait3A = arith.constant 0 : i32
        %dma_wait3A_67 = arith.constant 0 : i32
        %dma_wait3A_68 = tpu.memref_slice %arg14[%dma_wait3A, %dma_wait3A_67] : memref<50176x40xf32, #tpu.memory_space<vmem_shared>> -> memref<50176x40xf32, #tpu.memory_space<vmem_shared>>
        tpu.wait_indirect_dma semaphore(%run_scoped3A : memref<!tpu.dma_semaphore, #tpu.memory_space<semaphore_mem>>) src(%arg13 : memref<128x40xf32, #tpu.memory_space<vmem>>) dst(%dma_wait3A_68 : memref<50176x40xf32, #tpu.memory_space<vmem_shared>>)
        tpu.yield
      }) : () -> ()
    }
    %scan3A_20 = arith.constant 208 : i32
    %barrier3A_21 = arith.constant 0 : index
    tpu.barrier barrier_id(%barrier3A_21)
    %mul3A_22 = arith.constant 3136 : i32
    %mul3A_23 = arith.muli %arg1, %mul3A_22 : i32
    %mul3A_24 = arith.constant 3136 : i32
    %mul3A_25 = arith.muli %arg1, %mul3A_24 : i32
    "tpu.region"() ({
      %run_scoped3A = tpu.sem_alloc : memref<!tpu.dma_semaphore, #tpu.memory_space<semaphore_mem>>
      %dma_start3A = arith.constant 0 : i32
      %dma_start3A_55 = tpu.memref_slice %arg9[%arg0, %mul3A_25, %dma_start3A] : memref<2x50176x40xf32, #tpu.memory_space<hbm>> -> memref<1x3136x40xf32, #tpu.memory_space<hbm>>
      %dma_start3A_56 = tpu.memref_squeeze %dma_start3A_55 : memref<1x3136x40xf32, #tpu.memory_space<hbm>> -> memref<3136x40xf32, #tpu.memory_space<hbm>>
      %dma_start3A_57 = arith.constant 0 : i32
      %dma_start3A_58 = tpu.memref_slice %arg14[%mul3A_23, %dma_start3A_57] : memref<50176x40xf32, #tpu.memory_space<vmem_shared>> -> memref<3136x40xf32, #tpu.memory_space<vmem_shared>>
      tpu.enqueue_dma source(%dma_start3A_58 : memref<3136x40xf32, #tpu.memory_space<vmem_shared>>) target(%dma_start3A_56 : memref<3136x40xf32, #tpu.memory_space<hbm>>) target_semaphore(%run_scoped3A : memref<!tpu.dma_semaphore, #tpu.memory_space<semaphore_mem>>)
      %dma_wait3A = arith.constant 0 : i32
      %dma_wait3A_59 = tpu.memref_slice %arg9[%arg0, %mul3A_25, %dma_wait3A] : memref<2x50176x40xf32, #tpu.memory_space<hbm>> -> memref<1x3136x40xf32, #tpu.memory_space<hbm>>
      %dma_wait3A_60 = tpu.memref_squeeze %dma_wait3A_59 : memref<1x3136x40xf32, #tpu.memory_space<hbm>> -> memref<3136x40xf32, #tpu.memory_space<hbm>>
      %dma_wait3A_61 = arith.constant 0 : i32
      %dma_wait3A_62 = tpu.memref_slice %arg14[%mul3A_23, %dma_wait3A_61] : memref<50176x40xf32, #tpu.memory_space<vmem_shared>> -> memref<3136x40xf32, #tpu.memory_space<vmem_shared>>
      tpu.wait_dma2 semaphore(%run_scoped3A : memref<!tpu.dma_semaphore, #tpu.memory_space<semaphore_mem>>) src(%dma_wait3A_62 : memref<3136x40xf32, #tpu.memory_space<vmem_shared>>) dst(%dma_wait3A_60 : memref<3136x40xf32, #tpu.memory_space<hbm>>)
      tpu.yield
    }) : () -> ()
    %barrier3A_26 = arith.constant 0 : index
    tpu.barrier barrier_id(%barrier3A_26)
    %mul3A_27 = arith.constant 3136 : i32
    %mul3A_28 = arith.muli %arg1, %mul3A_27 : i32
    "tpu.region"() ({
      %run_scoped3A = tpu.sem_alloc : memref<!tpu.dma_semaphore, #tpu.memory_space<semaphore_mem>>
      %dma_start3A = arith.constant 0 : i32
      %dma_start3A_55 = tpu.memref_slice %arg14[%mul3A_28, %dma_start3A] : memref<50176x40xf32, #tpu.memory_space<vmem_shared>> -> memref<3136x40xf32, #tpu.memory_space<vmem_shared>>
      tpu.enqueue_dma source(%arg7 : memref<3136x40xf32, #tpu.memory_space<hbm>>) target(%dma_start3A_55 : memref<3136x40xf32, #tpu.memory_space<vmem_shared>>) target_semaphore(%run_scoped3A : memref<!tpu.dma_semaphore, #tpu.memory_space<semaphore_mem>>)
      %dma_wait3A = arith.constant 0 : i32
      %dma_wait3A_56 = tpu.memref_slice %arg14[%mul3A_28, %dma_wait3A] : memref<50176x40xf32, #tpu.memory_space<vmem_shared>> -> memref<3136x40xf32, #tpu.memory_space<vmem_shared>>
      tpu.wait_dma2 semaphore(%run_scoped3A : memref<!tpu.dma_semaphore, #tpu.memory_space<semaphore_mem>>) src(%arg7 : memref<3136x40xf32, #tpu.memory_space<hbm>>) dst(%dma_wait3A_56 : memref<3136x40xf32, #tpu.memory_space<vmem_shared>>)
      tpu.yield
    }) : () -> ()
    %barrier3A_29 = arith.constant 0 : index
    tpu.barrier barrier_id(%barrier3A_29)
    %scan3A_30 = arith.constant 0 : i32
    %scan3A_31 = arith.constant 208 : i32
    %scan3A_32 = arith.addi %scan3A_30, %scan3A_31 : i32
    %scan3A_33 = arith.constant 1 : i32
    scf.for %scan3A_55 = %scan3A_30 to %scan3A_32 step %scan3A_33  : i32 {
      %mul3A_56 = arith.constant 1 : i32
      %mul3A_57 = arith.muli %scan3A_55, %mul3A_56 : i32
      %add3A_58 = arith.constant 0 : i32
      %add3A_59 = arith.addi %add3A_58, %mul3A_57 : i32
      %mul3A_60 = arith.constant 26624 : i32
      %mul3A_61 = arith.muli %add3A, %mul3A_60 : i32
      %mul3A_62 = arith.constant 128 : i32
      %mul3A_63 = arith.muli %add3A_59, %mul3A_62 : i32
      %add3A_64 = arith.addi %mul3A_61, %mul3A_63 : i32
      "tpu.region"() ({
        %run_scoped3A = tpu.sem_alloc : memref<!tpu.dma_semaphore, #tpu.memory_space<semaphore_mem>>
        %dma_start3A = tpu.memref_slice %arg2[%add3A_64] : memref<851968xi32, #tpu.memory_space<hbm>> -> memref<128xi32, #tpu.memory_space<hbm>>
        %dma_start3A_65 = tpu.memref_slice %arg2[%add3A_64] : memref<851968xi32, #tpu.memory_space<hbm>> -> memref<128xi32, #tpu.memory_space<hbm>>
        tpu.enqueue_dma source(%dma_start3A_65 : memref<128xi32, #tpu.memory_space<hbm>>) target(%arg12 : memref<128xi32, #tpu.memory_space<vmem>>) target_semaphore(%run_scoped3A : memref<!tpu.dma_semaphore, #tpu.memory_space<semaphore_mem>>)
        %dma_wait3A = tpu.memref_slice %arg2[%add3A_64] : memref<851968xi32, #tpu.memory_space<hbm>> -> memref<128xi32, #tpu.memory_space<hbm>>
        %dma_wait3A_66 = tpu.memref_slice %arg2[%add3A_64] : memref<851968xi32, #tpu.memory_space<hbm>> -> memref<128xi32, #tpu.memory_space<hbm>>
        tpu.wait_dma2 semaphore(%run_scoped3A : memref<!tpu.dma_semaphore, #tpu.memory_space<semaphore_mem>>) src(%dma_wait3A_66 : memref<128xi32, #tpu.memory_space<hbm>>) dst(%arg12 : memref<128xi32, #tpu.memory_space<vmem>>)
        tpu.yield
      }) : () -> ()
      "tpu.region"() ({
        %run_scoped3A = tpu.sem_alloc : memref<!tpu.dma_semaphore, #tpu.memory_space<semaphore_mem>>
        %dma_start3A = arith.constant 0 : i32
        %dma_start3A_65 = tpu.memref_slice %arg5[%add3A_64, %dma_start3A] : memref<851968x40xf32, #tpu.memory_space<hbm>> -> memref<128x40xf32, #tpu.memory_space<hbm>>
        %dma_start3A_66 = arith.constant 0 : i32
        %dma_start3A_67 = tpu.memref_slice %arg5[%add3A_64, %dma_start3A_66] : memref<851968x40xf32, #tpu.memory_space<hbm>> -> memref<128x40xf32, #tpu.memory_space<hbm>>
        tpu.enqueue_dma source(%dma_start3A_67 : memref<128x40xf32, #tpu.memory_space<hbm>>) target(%arg13 : memref<128x40xf32, #tpu.memory_space<vmem>>) target_semaphore(%run_scoped3A : memref<!tpu.dma_semaphore, #tpu.memory_space<semaphore_mem>>)
        %dma_wait3A = arith.constant 0 : i32
        %dma_wait3A_68 = tpu.memref_slice %arg5[%add3A_64, %dma_wait3A] : memref<851968x40xf32, #tpu.memory_space<hbm>> -> memref<128x40xf32, #tpu.memory_space<hbm>>
        %dma_wait3A_69 = arith.constant 0 : i32
        %dma_wait3A_70 = tpu.memref_slice %arg5[%add3A_64, %dma_wait3A_69] : memref<851968x40xf32, #tpu.memory_space<hbm>> -> memref<128x40xf32, #tpu.memory_space<hbm>>
        tpu.wait_dma2 semaphore(%run_scoped3A : memref<!tpu.dma_semaphore, #tpu.memory_space<semaphore_mem>>) src(%dma_wait3A_70 : memref<128x40xf32, #tpu.memory_space<hbm>>) dst(%arg13 : memref<128x40xf32, #tpu.memory_space<vmem>>)
        tpu.yield
      }) : () -> ()
      "tpu.region"() ({
        %run_scoped3A = tpu.sem_alloc : memref<!tpu.dma_semaphore, #tpu.memory_space<semaphore_mem>>
        %dma_start3A = arith.constant 0 : i32
        %dma_start3A_65 = arith.constant 0 : i32
        %dma_start3A_66 = tpu.memref_slice %arg14[%dma_start3A, %dma_start3A_65] : memref<50176x40xf32, #tpu.memory_space<vmem_shared>> -> memref<50176x40xf32, #tpu.memory_space<vmem_shared>>
        tpu.enqueue_indirect_dma source(%arg13 : memref<128x40xf32, #tpu.memory_space<vmem>>) target(%dma_start3A_66 : memref<50176x40xf32, #tpu.memory_space<vmem_shared>>) offsets(%arg12 : memref<128xi32, #tpu.memory_space<vmem>>) semaphore(%run_scoped3A : memref<!tpu.dma_semaphore, #tpu.memory_space<semaphore_mem>>) {add = true}
        %dma_wait3A = arith.constant 0 : i32
        %dma_wait3A_67 = arith.constant 0 : i32
        %dma_wait3A_68 = tpu.memref_slice %arg14[%dma_wait3A, %dma_wait3A_67] : memref<50176x40xf32, #tpu.memory_space<vmem_shared>> -> memref<50176x40xf32, #tpu.memory_space<vmem_shared>>
        tpu.wait_indirect_dma semaphore(%run_scoped3A : memref<!tpu.dma_semaphore, #tpu.memory_space<semaphore_mem>>) src(%arg13 : memref<128x40xf32, #tpu.memory_space<vmem>>) dst(%dma_wait3A_68 : memref<50176x40xf32, #tpu.memory_space<vmem_shared>>)
        tpu.yield
      }) : () -> ()
    }
    %scan3A_34 = arith.constant 208 : i32
    %barrier3A_35 = arith.constant 0 : index
    tpu.barrier barrier_id(%barrier3A_35)
    %mul3A_36 = arith.constant 3136 : i32
    %mul3A_37 = arith.muli %arg1, %mul3A_36 : i32
    %mul3A_38 = arith.constant 3136 : i32
    %mul3A_39 = arith.muli %arg1, %mul3A_38 : i32
    "tpu.region"() ({
      %run_scoped3A = tpu.sem_alloc : memref<!tpu.dma_semaphore, #tpu.memory_space<semaphore_mem>>
      %dma_start3A = arith.constant 0 : i32
      %dma_start3A_55 = tpu.memref_slice %arg10[%arg0, %mul3A_39, %dma_start3A] : memref<2x50176x40xf32, #tpu.memory_space<hbm>> -> memref<1x3136x40xf32, #tpu.memory_space<hbm>>
      %dma_start3A_56 = tpu.memref_squeeze %dma_start3A_55 : memref<1x3136x40xf32, #tpu.memory_space<hbm>> -> memref<3136x40xf32, #tpu.memory_space<hbm>>
      %dma_start3A_57 = arith.constant 0 : i32
      %dma_start3A_58 = tpu.memref_slice %arg14[%mul3A_37, %dma_start3A_57] : memref<50176x40xf32, #tpu.memory_space<vmem_shared>> -> memref<3136x40xf32, #tpu.memory_space<vmem_shared>>
      tpu.enqueue_dma source(%dma_start3A_58 : memref<3136x40xf32, #tpu.memory_space<vmem_shared>>) target(%dma_start3A_56 : memref<3136x40xf32, #tpu.memory_space<hbm>>) target_semaphore(%run_scoped3A : memref<!tpu.dma_semaphore, #tpu.memory_space<semaphore_mem>>)
      %dma_wait3A = arith.constant 0 : i32
      %dma_wait3A_59 = tpu.memref_slice %arg10[%arg0, %mul3A_39, %dma_wait3A] : memref<2x50176x40xf32, #tpu.memory_space<hbm>> -> memref<1x3136x40xf32, #tpu.memory_space<hbm>>
      %dma_wait3A_60 = tpu.memref_squeeze %dma_wait3A_59 : memref<1x3136x40xf32, #tpu.memory_space<hbm>> -> memref<3136x40xf32, #tpu.memory_space<hbm>>
      %dma_wait3A_61 = arith.constant 0 : i32
      %dma_wait3A_62 = tpu.memref_slice %arg14[%mul3A_37, %dma_wait3A_61] : memref<50176x40xf32, #tpu.memory_space<vmem_shared>> -> memref<3136x40xf32, #tpu.memory_space<vmem_shared>>
      tpu.wait_dma2 semaphore(%run_scoped3A : memref<!tpu.dma_semaphore, #tpu.memory_space<semaphore_mem>>) src(%dma_wait3A_62 : memref<3136x40xf32, #tpu.memory_space<vmem_shared>>) dst(%dma_wait3A_60 : memref<3136x40xf32, #tpu.memory_space<hbm>>)
      tpu.yield
    }) : () -> ()
    %barrier3A_40 = arith.constant 0 : index
    tpu.barrier barrier_id(%barrier3A_40)
    %mul3A_41 = arith.constant 3136 : i32
    %mul3A_42 = arith.muli %arg1, %mul3A_41 : i32
    "tpu.region"() ({
      %run_scoped3A = tpu.sem_alloc : memref<!tpu.dma_semaphore, #tpu.memory_space<semaphore_mem>>
      %dma_start3A = arith.constant 0 : i32
      %dma_start3A_55 = tpu.memref_slice %arg14[%mul3A_42, %dma_start3A] : memref<50176x40xf32, #tpu.memory_space<vmem_shared>> -> memref<3136x40xf32, #tpu.memory_space<vmem_shared>>
      tpu.enqueue_dma source(%arg7 : memref<3136x40xf32, #tpu.memory_space<hbm>>) target(%dma_start3A_55 : memref<3136x40xf32, #tpu.memory_space<vmem_shared>>) target_semaphore(%run_scoped3A : memref<!tpu.dma_semaphore, #tpu.memory_space<semaphore_mem>>)
      %dma_wait3A = arith.constant 0 : i32
      %dma_wait3A_56 = tpu.memref_slice %arg14[%mul3A_42, %dma_wait3A] : memref<50176x40xf32, #tpu.memory_space<vmem_shared>> -> memref<3136x40xf32, #tpu.memory_space<vmem_shared>>
      tpu.wait_dma2 semaphore(%run_scoped3A : memref<!tpu.dma_semaphore, #tpu.memory_space<semaphore_mem>>) src(%arg7 : memref<3136x40xf32, #tpu.memory_space<hbm>>) dst(%dma_wait3A_56 : memref<3136x40xf32, #tpu.memory_space<vmem_shared>>)
      tpu.yield
    }) : () -> ()
    %barrier3A_43 = arith.constant 0 : index
    tpu.barrier barrier_id(%barrier3A_43)
    %scan3A_44 = arith.constant 0 : i32
    %scan3A_45 = arith.constant 208 : i32
    %scan3A_46 = arith.addi %scan3A_44, %scan3A_45 : i32
    %scan3A_47 = arith.constant 1 : i32
    scf.for %scan3A_55 = %scan3A_44 to %scan3A_46 step %scan3A_47  : i32 {
      %mul3A_56 = arith.constant 1 : i32
      %mul3A_57 = arith.muli %scan3A_55, %mul3A_56 : i32
      %add3A_58 = arith.constant 0 : i32
      %add3A_59 = arith.addi %add3A_58, %mul3A_57 : i32
      %mul3A_60 = arith.constant 26624 : i32
      %mul3A_61 = arith.muli %add3A, %mul3A_60 : i32
      %mul3A_62 = arith.constant 128 : i32
      %mul3A_63 = arith.muli %add3A_59, %mul3A_62 : i32
      %add3A_64 = arith.addi %mul3A_61, %mul3A_63 : i32
      "tpu.region"() ({
        %run_scoped3A = tpu.sem_alloc : memref<!tpu.dma_semaphore, #tpu.memory_space<semaphore_mem>>
        %dma_start3A = tpu.memref_slice %arg2[%add3A_64] : memref<851968xi32, #tpu.memory_space<hbm>> -> memref<128xi32, #tpu.memory_space<hbm>>
        %dma_start3A_65 = tpu.memref_slice %arg2[%add3A_64] : memref<851968xi32, #tpu.memory_space<hbm>> -> memref<128xi32, #tpu.memory_space<hbm>>
        tpu.enqueue_dma source(%dma_start3A_65 : memref<128xi32, #tpu.memory_space<hbm>>) target(%arg12 : memref<128xi32, #tpu.memory_space<vmem>>) target_semaphore(%run_scoped3A : memref<!tpu.dma_semaphore, #tpu.memory_space<semaphore_mem>>)
        %dma_wait3A = tpu.memref_slice %arg2[%add3A_64] : memref<851968xi32, #tpu.memory_space<hbm>> -> memref<128xi32, #tpu.memory_space<hbm>>
        %dma_wait3A_66 = tpu.memref_slice %arg2[%add3A_64] : memref<851968xi32, #tpu.memory_space<hbm>> -> memref<128xi32, #tpu.memory_space<hbm>>
        tpu.wait_dma2 semaphore(%run_scoped3A : memref<!tpu.dma_semaphore, #tpu.memory_space<semaphore_mem>>) src(%dma_wait3A_66 : memref<128xi32, #tpu.memory_space<hbm>>) dst(%arg12 : memref<128xi32, #tpu.memory_space<vmem>>)
        tpu.yield
      }) : () -> ()
      "tpu.region"() ({
        %run_scoped3A = tpu.sem_alloc : memref<!tpu.dma_semaphore, #tpu.memory_space<semaphore_mem>>
        %dma_start3A = arith.constant 0 : i32
        %dma_start3A_65 = tpu.memref_slice %arg6[%add3A_64, %dma_start3A] : memref<851968x40xf32, #tpu.memory_space<hbm>> -> memref<128x40xf32, #tpu.memory_space<hbm>>
        %dma_start3A_66 = arith.constant 0 : i32
        %dma_start3A_67 = tpu.memref_slice %arg6[%add3A_64, %dma_start3A_66] : memref<851968x40xf32, #tpu.memory_space<hbm>> -> memref<128x40xf32, #tpu.memory_space<hbm>>
        tpu.enqueue_dma source(%dma_start3A_67 : memref<128x40xf32, #tpu.memory_space<hbm>>) target(%arg13 : memref<128x40xf32, #tpu.memory_space<vmem>>) target_semaphore(%run_scoped3A : memref<!tpu.dma_semaphore, #tpu.memory_space<semaphore_mem>>)
        %dma_wait3A = arith.constant 0 : i32
        %dma_wait3A_68 = tpu.memref_slice %arg6[%add3A_64, %dma_wait3A] : memref<851968x40xf32, #tpu.memory_space<hbm>> -> memref<128x40xf32, #tpu.memory_space<hbm>>
        %dma_wait3A_69 = arith.constant 0 : i32
        %dma_wait3A_70 = tpu.memref_slice %arg6[%add3A_64, %dma_wait3A_69] : memref<851968x40xf32, #tpu.memory_space<hbm>> -> memref<128x40xf32, #tpu.memory_space<hbm>>
        tpu.wait_dma2 semaphore(%run_scoped3A : memref<!tpu.dma_semaphore, #tpu.memory_space<semaphore_mem>>) src(%dma_wait3A_70 : memref<128x40xf32, #tpu.memory_space<hbm>>) dst(%arg13 : memref<128x40xf32, #tpu.memory_space<vmem>>)
        tpu.yield
      }) : () -> ()
      "tpu.region"() ({
        %run_scoped3A = tpu.sem_alloc : memref<!tpu.dma_semaphore, #tpu.memory_space<semaphore_mem>>
        %dma_start3A = arith.constant 0 : i32
        %dma_start3A_65 = arith.constant 0 : i32
        %dma_start3A_66 = tpu.memref_slice %arg14[%dma_start3A, %dma_start3A_65] : memref<50176x40xf32, #tpu.memory_space<vmem_shared>> -> memref<50176x40xf32, #tpu.memory_space<vmem_shared>>
        tpu.enqueue_indirect_dma source(%arg13 : memref<128x40xf32, #tpu.memory_space<vmem>>) target(%dma_start3A_66 : memref<50176x40xf32, #tpu.memory_space<vmem_shared>>) offsets(%arg12 : memref<128xi32, #tpu.memory_space<vmem>>) semaphore(%run_scoped3A : memref<!tpu.dma_semaphore, #tpu.memory_space<semaphore_mem>>) {add = true}
        %dma_wait3A = arith.constant 0 : i32
        %dma_wait3A_67 = arith.constant 0 : i32
        %dma_wait3A_68 = tpu.memref_slice %arg14[%dma_wait3A, %dma_wait3A_67] : memref<50176x40xf32, #tpu.memory_space<vmem_shared>> -> memref<50176x40xf32, #tpu.memory_space<vmem_shared>>
        tpu.wait_indirect_dma semaphore(%run_scoped3A : memref<!tpu.dma_semaphore, #tpu.memory_space<semaphore_mem>>) src(%arg13 : memref<128x40xf32, #tpu.memory_space<vmem>>) dst(%dma_wait3A_68 : memref<50176x40xf32, #tpu.memory_space<vmem_shared>>)
        tpu.yield
      }) : () -> ()
    }
    %scan3A_48 = arith.constant 208 : i32
    %barrier3A_49 = arith.constant 0 : index
    tpu.barrier barrier_id(%barrier3A_49)
    %mul3A_50 = arith.constant 3136 : i32
    %mul3A_51 = arith.muli %arg1, %mul3A_50 : i32
    %mul3A_52 = arith.constant 3136 : i32
    %mul3A_53 = arith.muli %arg1, %mul3A_52 : i32
    "tpu.region"() ({
      %run_scoped3A = tpu.sem_alloc : memref<!tpu.dma_semaphore, #tpu.memory_space<semaphore_mem>>
      %dma_start3A = arith.constant 0 : i32
      %dma_start3A_55 = tpu.memref_slice %arg11[%arg0, %mul3A_53, %dma_start3A] : memref<2x50176x40xf32, #tpu.memory_space<hbm>> -> memref<1x3136x40xf32, #tpu.memory_space<hbm>>
      %dma_start3A_56 = tpu.memref_squeeze %dma_start3A_55 : memref<1x3136x40xf32, #tpu.memory_space<hbm>> -> memref<3136x40xf32, #tpu.memory_space<hbm>>
      %dma_start3A_57 = arith.constant 0 : i32
      %dma_start3A_58 = tpu.memref_slice %arg14[%mul3A_51, %dma_start3A_57] : memref<50176x40xf32, #tpu.memory_space<vmem_shared>> -> memref<3136x40xf32, #tpu.memory_space<vmem_shared>>
      tpu.enqueue_dma source(%dma_start3A_58 : memref<3136x40xf32, #tpu.memory_space<vmem_shared>>) target(%dma_start3A_56 : memref<3136x40xf32, #tpu.memory_space<hbm>>) target_semaphore(%run_scoped3A : memref<!tpu.dma_semaphore, #tpu.memory_space<semaphore_mem>>)
      %dma_wait3A = arith.constant 0 : i32
      %dma_wait3A_59 = tpu.memref_slice %arg11[%arg0, %mul3A_53, %dma_wait3A] : memref<2x50176x40xf32, #tpu.memory_space<hbm>> -> memref<1x3136x40xf32, #tpu.memory_space<hbm>>
      %dma_wait3A_60 = tpu.memref_squeeze %dma_wait3A_59 : memref<1x3136x40xf32, #tpu.memory_space<hbm>> -> memref<3136x40xf32, #tpu.memory_space<hbm>>
      %dma_wait3A_61 = arith.constant 0 : i32
      %dma_wait3A_62 = tpu.memref_slice %arg14[%mul3A_51, %dma_wait3A_61] : memref<50176x40xf32, #tpu.memory_space<vmem_shared>> -> memref<3136x40xf32, #tpu.memory_space<vmem_shared>>
      tpu.wait_dma2 semaphore(%run_scoped3A : memref<!tpu.dma_semaphore, #tpu.memory_space<semaphore_mem>>) src(%dma_wait3A_62 : memref<3136x40xf32, #tpu.memory_space<vmem_shared>>) dst(%dma_wait3A_60 : memref<3136x40xf32, #tpu.memory_space<hbm>>)
      tpu.yield
    }) : () -> ()
    %barrier3A_54 = arith.constant 0 : index
    tpu.barrier barrier_id(%barrier3A_54)
    return
  }
}

module attributes {stable_mosaic.version = 14 : i64} {
  func.func @_tc_vocab_body(%arg0: i32, %arg1: memref<512x64xf32, #tpu.memory_space<vmem>>, %arg2: memref<64x128xf32, #tpu.memory_space<vmem>>, %arg3: memref<128x8xf32, #tpu.memory_space<vmem>>, %arg4: memref<512x128xf32, #tpu.memory_space<vmem>>, %arg5: memref<512x8xf32, #tpu.memory_space<vmem>>) attributes {dimension_semantics = [#tpu.dimension_semantics<arbitrary>], iteration_bounds = array<i64: 20>, scalar_prefetch = 0 : i64, scratch_operands = 0 : i64, tpu.core_type = #tpu.core_type<tc>, window_params = [{transform_indices = @transform_0, window_bounds = array<i64: 512, 64>}, {pipeline_mode = #tpu.pipeline_mode<synchronous>, transform_indices = @transform_1, window_bounds = array<i64: 64, 128>}, {pipeline_mode = #tpu.pipeline_mode<synchronous>, transform_indices = @transform_2, window_bounds = array<i64: 128, 8>}, {transform_indices = @transform_3, window_bounds = array<i64: 512, 128>}, {transform_indices = @transform_4, window_bounds = array<i64: 512, 8>}]} {
    %get3A = arith.constant 0 : index
    %get3A_0 = arith.constant 0 : index
    %get3A_1 = vector.load %arg1[%get3A, %get3A_0] : memref<512x64xf32, #tpu.memory_space<vmem>>, vector<512x64xf32>
    %get3A_2 = arith.constant 0 : index
    %get3A_3 = arith.constant 0 : index
    %get3A_4 = vector.load %arg2[%get3A_2, %get3A_3] : memref<64x128xf32, #tpu.memory_space<vmem>>, vector<64x128xf32>
    %dot_general3A = arith.constant dense<0.000000e+00> : vector<512x128xf32>
    %dot_general3A_5 = tpu.matmul %get3A_1, %get3A_4, %dot_general3A {dimension_numbers = #tpu.dot_dimension_numbers<[1], [0], [0], [1], [0, 0, 1, 1], [], []>, transpose_lhs_hint = false} : vector<512x64xf32>, vector<64x128xf32>, vector<512x128xf32> -> vector<512x128xf32>
    %swap3A = arith.constant 0 : index
    %swap3A_6 = arith.constant 0 : index
    %swap3A_7 = vector.load %arg4[%swap3A, %swap3A_6] : memref<512x128xf32, #tpu.memory_space<vmem>>, vector<512x128xf32>
    tpu.vector_store %arg4[%swap3A, %swap3A_6], %dot_general3A_5 {strides = array<i32>} : memref<512x128xf32, #tpu.memory_space<vmem>>, vector<512x128xf32>,
    %get3A_8 = arith.constant 0 : index
    %get3A_9 = arith.constant 0 : index
    %get3A_10 = vector.load %arg3[%get3A_8, %get3A_9] : memref<128x8xf32, #tpu.memory_space<vmem>>, vector<128x8xf32>
    %dot_general3A_11 = arith.constant dense<0.000000e+00> : vector<512x8xf32>
    %dot_general3A_12 = tpu.matmul %dot_general3A_5, %get3A_10, %dot_general3A_11 {dimension_numbers = #tpu.dot_dimension_numbers<[1], [0], [0], [1], [0, 0, 1, 1], [], []>, transpose_lhs_hint = false} : vector<512x128xf32>, vector<128x8xf32>, vector<512x8xf32> -> vector<512x8xf32>
    %swap3A_13 = arith.constant 0 : index
    %swap3A_14 = arith.constant 0 : index
    %swap3A_15 = vector.load %arg5[%swap3A_13, %swap3A_14] : memref<512x8xf32, #tpu.memory_space<vmem>>, vector<512x8xf32>
    tpu.vector_store %arg5[%swap3A_13, %swap3A_14], %dot_general3A_12 {strides = array<i32>} : memref<512x8xf32, #tpu.memory_space<vmem>>, vector<512x8xf32>,
    return
  }
  func.func @transform_0(%arg0: i32) -> (i32, i32) {
    %c0_i32 = arith.constant 0 : i32
    %c0_i32_0 = arith.constant 0 : i32
    return %arg0, %c0_i32 : i32, i32
  }
  func.func @transform_1(%arg0: i32) -> (i32, i32) {
    %c0_i32 = arith.constant 0 : i32
    %c0_i32_0 = arith.constant 0 : i32
    %c0_i32_1 = arith.constant 0 : i32
    return %c0_i32, %c0_i32_0 : i32, i32
  }
  func.func @transform_2(%arg0: i32) -> (i32, i32) {
    %c0_i32 = arith.constant 0 : i32
    %c0_i32_0 = arith.constant 0 : i32
    %c0_i32_1 = arith.constant 0 : i32
    return %c0_i32, %c0_i32_0 : i32, i32
  }
  func.func @transform_3(%arg0: i32) -> (i32, i32) {
    %c0_i32 = arith.constant 0 : i32
    %c0_i32_0 = arith.constant 0 : i32
    return %arg0, %c0_i32 : i32, i32
  }
  func.func @transform_4(%arg0: i32) -> (i32, i32) {
    %c0_i32 = arith.constant 0 : i32
    %c0_i32_0 = arith.constant 0 : i32
    return %arg0, %c0_i32 : i32, i32
  }
}

module attributes {stable_mosaic.version = 14 : i64} {
  func.func @_tc_edge_body(%arg0: i32, %arg1: memref<2048x8xf32, #tpu.memory_space<vmem>>, %arg2: memref<2048x8xf32, #tpu.memory_space<vmem>>, %arg3: memref<2048x128xf32, #tpu.memory_space<vmem>>, %arg4: memref<2048x40xf32, #tpu.memory_space<vmem>>, %arg5: memref<2048x40xf32, #tpu.memory_space<vmem>>, %arg6: memref<2048x40xf32, #tpu.memory_space<vmem>>, %arg7: memref<2048x40xf32, #tpu.memory_space<vmem>>) attributes {dimension_semantics = [#tpu.dimension_semantics<arbitrary>], iteration_bounds = array<i64: 416>, scalar_prefetch = 0 : i64, scratch_operands = 0 : i64, tpu.core_type = #tpu.core_type<tc>, window_params = [{transform_indices = @transform_0, window_bounds = array<i64: 2048, 8>}, {transform_indices = @transform_1, window_bounds = array<i64: 2048, 8>}, {transform_indices = @transform_2, window_bounds = array<i64: 2048, 128>}, {transform_indices = @transform_3, window_bounds = array<i64: 2048, 40>}, {transform_indices = @transform_4, window_bounds = array<i64: 2048, 40>}, {transform_indices = @transform_5, window_bounds = array<i64: 2048, 40>}, {transform_indices = @transform_6, window_bounds = array<i64: 2048, 40>}]} {
    %get3A = arith.constant 0 : index
    %get3A_0 = arith.constant 0 : index
    %get3A_1 = vector.load %arg1[%get3A, %get3A_0] : memref<2048x8xf32, #tpu.memory_space<vmem>>, vector<2048x8xf32>
    %slice3A = vector.extract_strided_slice %get3A_1 {offsets = [0, 0], sizes = [2048, 4], strides = [1, 1]} : vector<2048x8xf32> to vector<2048x4xf32>
    %get3A_2 = arith.constant 0 : index
    %get3A_3 = arith.constant 0 : index
    %get3A_4 = vector.load %arg2[%get3A_2, %get3A_3] : memref<2048x8xf32, #tpu.memory_space<vmem>>, vector<2048x8xf32>
    %slice3A_5 = vector.extract_strided_slice %get3A_4 {offsets = [0, 4], sizes = [2048, 4], strides = [1, 1]} : vector<2048x8xf32> to vector<2048x4xf32>
    %add3A = arith.addf %slice3A, %slice3A_5 : vector<2048x4xf32>
    %mul3A = arith.constant 2.000000e-01 : f32
    %mul3A_6 = vector.broadcast %mul3A : f32 to vector<2048x4xf32>
    %mul3A_7 = arith.mulf %mul3A_6, %add3A : vector<2048x4xf32>
    %max3A = arith.maximumf %add3A, %mul3A_7 : vector<2048x4xf32>
    %exp3A = math.exp %max3A : vector<2048x4xf32>
    %get3A_8 = arith.constant 0 : index
    %get3A_9 = arith.constant 0 : index
    %get3A_10 = vector.load %arg3[%get3A_8, %get3A_9] : memref<2048x128xf32, #tpu.memory_space<vmem>>, vector<2048x128xf32>
    %broadcast_in_dim3A = arith.constant 0.000000e+00 : f32
    %broadcast_in_dim3A_11 = vector.broadcast %broadcast_in_dim3A : f32 to vector<2048x4xf32>
    %slice3A_12 = vector.extract_strided_slice %get3A_10 {offsets = [0, 0], sizes = [2048, 32], strides = [1, 1]} : vector<2048x128xf32> to vector<2048x32xf32>
    %slice3A_13 = vector.extract_strided_slice %exp3A {offsets = [0, 0], sizes = [2048, 1], strides = [1, 1]} : vector<2048x4xf32> to vector<2048x1xf32>
    %mul3A_14 = vector.broadcast %slice3A_13 : vector<2048x1xf32> to vector<2048x32xf32>
    %mul3A_15 = arith.mulf %slice3A_12, %mul3A_14 : vector<2048x32xf32>
    %concatenate3A = tpu.concatenate %mul3A_15, %exp3A, %broadcast_in_dim3A_11 in 1 : vector<2048x32xf32>, vector<2048x4xf32>, vector<2048x4xf32> -> vector<2048x40xf32>
    %swap3A = arith.constant 0 : index
    %swap3A_16 = arith.constant 0 : index
    %swap3A_17 = vector.load %arg4[%swap3A, %swap3A_16] : memref<2048x40xf32, #tpu.memory_space<vmem>>, vector<2048x40xf32>
    tpu.vector_store %arg4[%swap3A, %swap3A_16], %concatenate3A {strides = array<i32>} : memref<2048x40xf32, #tpu.memory_space<vmem>>, vector<2048x40xf32>,
    %slice3A_18 = vector.extract_strided_slice %get3A_10 {offsets = [0, 32], sizes = [2048, 32], strides = [1, 1]} : vector<2048x128xf32> to vector<2048x32xf32>
    %slice3A_19 = vector.extract_strided_slice %exp3A {offsets = [0, 1], sizes = [2048, 1], strides = [1, 1]} : vector<2048x4xf32> to vector<2048x1xf32>
    %mul3A_20 = vector.broadcast %slice3A_19 : vector<2048x1xf32> to vector<2048x32xf32>
    %mul3A_21 = arith.mulf %slice3A_18, %mul3A_20 : vector<2048x32xf32>
    %concatenate3A_22 = tpu.concatenate %mul3A_21, %exp3A, %broadcast_in_dim3A_11 in 1 : vector<2048x32xf32>, vector<2048x4xf32>, vector<2048x4xf32> -> vector<2048x40xf32>
    %swap3A_23 = arith.constant 0 : index
    %swap3A_24 = arith.constant 0 : index
    %swap3A_25 = vector.load %arg5[%swap3A_23, %swap3A_24] : memref<2048x40xf32, #tpu.memory_space<vmem>>, vector<2048x40xf32>
    tpu.vector_store %arg5[%swap3A_23, %swap3A_24], %concatenate3A_22 {strides = array<i32>} : memref<2048x40xf32, #tpu.memory_space<vmem>>, vector<2048x40xf32>,
    %slice3A_26 = vector.extract_strided_slice %get3A_10 {offsets = [0, 64], sizes = [2048, 32], strides = [1, 1]} : vector<2048x128xf32> to vector<2048x32xf32>
    %slice3A_27 = vector.extract_strided_slice %exp3A {offsets = [0, 2], sizes = [2048, 1], strides = [1, 1]} : vector<2048x4xf32> to vector<2048x1xf32>
    %mul3A_28 = vector.broadcast %slice3A_27 : vector<2048x1xf32> to vector<2048x32xf32>
    %mul3A_29 = arith.mulf %slice3A_26, %mul3A_28 : vector<2048x32xf32>
    %concatenate3A_30 = tpu.concatenate %mul3A_29, %exp3A, %broadcast_in_dim3A_11 in 1 : vector<2048x32xf32>, vector<2048x4xf32>, vector<2048x4xf32> -> vector<2048x40xf32>
    %swap3A_31 = arith.constant 0 : index
    %swap3A_32 = arith.constant 0 : index
    %swap3A_33 = vector.load %arg6[%swap3A_31, %swap3A_32] : memref<2048x40xf32, #tpu.memory_space<vmem>>, vector<2048x40xf32>
    tpu.vector_store %arg6[%swap3A_31, %swap3A_32], %concatenate3A_30 {strides = array<i32>} : memref<2048x40xf32, #tpu.memory_space<vmem>>, vector<2048x40xf32>,
    %slice3A_34 = vector.extract_strided_slice %get3A_10 {offsets = [0, 96], sizes = [2048, 32], strides = [1, 1]} : vector<2048x128xf32> to vector<2048x32xf32>
    %slice3A_35 = vector.extract_strided_slice %exp3A {offsets = [0, 3], sizes = [2048, 1], strides = [1, 1]} : vector<2048x4xf32> to vector<2048x1xf32>
    %mul3A_36 = vector.broadcast %slice3A_35 : vector<2048x1xf32> to vector<2048x32xf32>
    %mul3A_37 = arith.mulf %slice3A_34, %mul3A_36 : vector<2048x32xf32>
    %concatenate3A_38 = tpu.concatenate %mul3A_37, %exp3A, %broadcast_in_dim3A_11 in 1 : vector<2048x32xf32>, vector<2048x4xf32>, vector<2048x4xf32> -> vector<2048x40xf32>
    %swap3A_39 = arith.constant 0 : index
    %swap3A_40 = arith.constant 0 : index
    %swap3A_41 = vector.load %arg7[%swap3A_39, %swap3A_40] : memref<2048x40xf32, #tpu.memory_space<vmem>>, vector<2048x40xf32>
    tpu.vector_store %arg7[%swap3A_39, %swap3A_40], %concatenate3A_38 {strides = array<i32>} : memref<2048x40xf32, #tpu.memory_space<vmem>>, vector<2048x40xf32>,
    return
  }
  func.func @transform_0(%arg0: i32) -> (i32, i32) {
    %c0_i32 = arith.constant 0 : i32
    %c0_i32_0 = arith.constant 0 : i32
    return %arg0, %c0_i32 : i32, i32
  }
  func.func @transform_1(%arg0: i32) -> (i32, i32) {
    %c0_i32 = arith.constant 0 : i32
    %c0_i32_0 = arith.constant 0 : i32
    return %arg0, %c0_i32 : i32, i32
  }
  func.func @transform_2(%arg0: i32) -> (i32, i32) {
    %c0_i32 = arith.constant 0 : i32
    %c0_i32_0 = arith.constant 0 : i32
    return %arg0, %c0_i32 : i32, i32
  }
  func.func @transform_3(%arg0: i32) -> (i32, i32) {
    %c0_i32 = arith.constant 0 : i32
    %c0_i32_0 = arith.constant 0 : i32
    return %arg0, %c0_i32 : i32, i32
  }
  func.func @transform_4(%arg0: i32) -> (i32, i32) {
    %c0_i32 = arith.constant 0 : i32
    %c0_i32_0 = arith.constant 0 : i32
    return %arg0, %c0_i32 : i32, i32
  }
  func.func @transform_5(%arg0: i32) -> (i32, i32) {
    %c0_i32 = arith.constant 0 : i32
    %c0_i32_0 = arith.constant 0 : i32
    return %arg0, %c0_i32 : i32, i32
  }
  func.func @transform_6(%arg0: i32) -> (i32, i32) {
    %c0_i32 = arith.constant 0 : i32
    %c0_i32_0 = arith.constant 0 : i32
    return %arg0, %c0_i32 : i32, i32
  }
}

module attributes {stable_mosaic.version = 14 : i64} {
  func.func @_tc_prep_body(%arg0: i32, %arg1: memref<2x512x40xf32, #tpu.memory_space<vmem>>, %arg2: memref<2x512x40xf32, #tpu.memory_space<vmem>>, %arg3: memref<2x512x40xf32, #tpu.memory_space<vmem>>, %arg4: memref<2x512x40xf32, #tpu.memory_space<vmem>>, %arg5: memref<1x128xf32, #tpu.memory_space<vmem>>, %arg6: memref<128x128xf32, #tpu.memory_space<vmem>>, %arg7: memref<128x8xf32, #tpu.memory_space<vmem>>, %arg8: memref<512x128xf32, #tpu.memory_space<vmem>>, %arg9: memref<512x8xf32, #tpu.memory_space<vmem>>) attributes {dimension_semantics = [#tpu.dimension_semantics<arbitrary>], iteration_bounds = array<i64: 98>, scalar_prefetch = 0 : i64, scratch_operands = 0 : i64, tpu.core_type = #tpu.core_type<tc>, window_params = [{transform_indices = @transform_0, window_bounds = array<i64: 2, 512, 40>}, {transform_indices = @transform_1, window_bounds = array<i64: 2, 512, 40>}, {transform_indices = @transform_2, window_bounds = array<i64: 2, 512, 40>}, {transform_indices = @transform_3, window_bounds = array<i64: 2, 512, 40>}, {pipeline_mode = #tpu.pipeline_mode<synchronous>, transform_indices = @transform_4, window_bounds = array<i64: 1, 128>}, {pipeline_mode = #tpu.pipeline_mode<synchronous>, transform_indices = @transform_5, window_bounds = array<i64: 128, 128>}, {pipeline_mode = #tpu.pipeline_mode<synchronous>, transform_indices = @transform_6, window_bounds = array<i64: 128, 8>}, {transform_indices = @transform_7, window_bounds = array<i64: 512, 128>}, {transform_indices = @transform_8, window_bounds = array<i64: 512, 8>}]} {
    %get3A = arith.constant 0 : index
    %get3A_0 = arith.constant 0 : index
    %get3A_1 = arith.constant 0 : index
    %get3A_2 = vector.load %arg1[%get3A, %get3A_0, %get3A_1] : memref<2x512x40xf32, #tpu.memory_space<vmem>>, vector<1x512x40xf32>
    %get3A_3 = vector.shape_cast %get3A_2 : vector<1x512x40xf32> to vector<512x40xf32>
    %get3A_4 = arith.constant 1 : index
    %get3A_5 = arith.constant 0 : index
    %get3A_6 = arith.constant 0 : index
    %get3A_7 = vector.load %arg1[%get3A_4, %get3A_5, %get3A_6] : memref<2x512x40xf32, #tpu.memory_space<vmem>>, vector<1x512x40xf32>
    %get3A_8 = vector.shape_cast %get3A_7 : vector<1x512x40xf32> to vector<512x40xf32>
    %add3A = arith.addf %get3A_3, %get3A_8 : vector<512x40xf32>
    %slice3A = vector.extract_strided_slice %add3A {offsets = [0, 32], sizes = [512, 1], strides = [1, 1]} : vector<512x40xf32> to vector<512x1xf32>
    %add3A_9 = arith.constant 1.000000e-16 : f32
    %add3A_10 = vector.broadcast %add3A_9 : f32 to vector<512x1xf32>
    %add3A_11 = arith.addf %slice3A, %add3A_10 : vector<512x1xf32>
    %slice3A_12 = vector.extract_strided_slice %add3A {offsets = [0, 0], sizes = [512, 32], strides = [1, 1]} : vector<512x40xf32> to vector<512x32xf32>
    %div3A = vector.broadcast %add3A_11 : vector<512x1xf32> to vector<512x32xf32>
    %div3A_13 = arith.divf %slice3A_12, %div3A : vector<512x32xf32>
    %get3A_14 = arith.constant 0 : index
    %get3A_15 = arith.constant 0 : index
    %get3A_16 = arith.constant 0 : index
    %get3A_17 = vector.load %arg2[%get3A_14, %get3A_15, %get3A_16] : memref<2x512x40xf32, #tpu.memory_space<vmem>>, vector<1x512x40xf32>
    %get3A_18 = vector.shape_cast %get3A_17 : vector<1x512x40xf32> to vector<512x40xf32>
    %get3A_19 = arith.constant 1 : index
    %get3A_20 = arith.constant 0 : index
    %get3A_21 = arith.constant 0 : index
    %get3A_22 = vector.load %arg2[%get3A_19, %get3A_20, %get3A_21] : memref<2x512x40xf32, #tpu.memory_space<vmem>>, vector<1x512x40xf32>
    %get3A_23 = vector.shape_cast %get3A_22 : vector<1x512x40xf32> to vector<512x40xf32>
    %add3A_24 = arith.addf %get3A_18, %get3A_23 : vector<512x40xf32>
    %slice3A_25 = vector.extract_strided_slice %add3A_24 {offsets = [0, 33], sizes = [512, 1], strides = [1, 1]} : vector<512x40xf32> to vector<512x1xf32>
    %add3A_26 = arith.constant 1.000000e-16 : f32
    %add3A_27 = vector.broadcast %add3A_26 : f32 to vector<512x1xf32>
    %add3A_28 = arith.addf %slice3A_25, %add3A_27 : vector<512x1xf32>
    %slice3A_29 = vector.extract_strided_slice %add3A_24 {offsets = [0, 0], sizes = [512, 32], strides = [1, 1]} : vector<512x40xf32> to vector<512x32xf32>
    %div3A_30 = vector.broadcast %add3A_28 : vector<512x1xf32> to vector<512x32xf32>
    %div3A_31 = arith.divf %slice3A_29, %div3A_30 : vector<512x32xf32>
    %get3A_32 = arith.constant 0 : index
    %get3A_33 = arith.constant 0 : index
    %get3A_34 = arith.constant 0 : index
    %get3A_35 = vector.load %arg3[%get3A_32, %get3A_33, %get3A_34] : memref<2x512x40xf32, #tpu.memory_space<vmem>>, vector<1x512x40xf32>
    %get3A_36 = vector.shape_cast %get3A_35 : vector<1x512x40xf32> to vector<512x40xf32>
    %get3A_37 = arith.constant 1 : index
    %get3A_38 = arith.constant 0 : index
    %get3A_39 = arith.constant 0 : index
    %get3A_40 = vector.load %arg3[%get3A_37, %get3A_38, %get3A_39] : memref<2x512x40xf32, #tpu.memory_space<vmem>>, vector<1x512x40xf32>
    %get3A_41 = vector.shape_cast %get3A_40 : vector<1x512x40xf32> to vector<512x40xf32>
    %add3A_42 = arith.addf %get3A_36, %get3A_41 : vector<512x40xf32>
    %slice3A_43 = vector.extract_strided_slice %add3A_42 {offsets = [0, 34], sizes = [512, 1], strides = [1, 1]} : vector<512x40xf32> to vector<512x1xf32>
    %add3A_44 = arith.constant 1.000000e-16 : f32
    %add3A_45 = vector.broadcast %add3A_44 : f32 to vector<512x1xf32>
    %add3A_46 = arith.addf %slice3A_43, %add3A_45 : vector<512x1xf32>
    %slice3A_47 = vector.extract_strided_slice %add3A_42 {offsets = [0, 0], sizes = [512, 32], strides = [1, 1]} : vector<512x40xf32> to vector<512x32xf32>
    %div3A_48 = vector.broadcast %add3A_46 : vector<512x1xf32> to vector<512x32xf32>
    %div3A_49 = arith.divf %slice3A_47, %div3A_48 : vector<512x32xf32>
    %get3A_50 = arith.constant 0 : index
    %get3A_51 = arith.constant 0 : index
    %get3A_52 = arith.constant 0 : index
    %get3A_53 = vector.load %arg4[%get3A_50, %get3A_51, %get3A_52] : memref<2x512x40xf32, #tpu.memory_space<vmem>>, vector<1x512x40xf32>
    %get3A_54 = vector.shape_cast %get3A_53 : vector<1x512x40xf32> to vector<512x40xf32>
    %get3A_55 = arith.constant 1 : index
    %get3A_56 = arith.constant 0 : index
    %get3A_57 = arith.constant 0 : index
    %get3A_58 = vector.load %arg4[%get3A_55, %get3A_56, %get3A_57] : memref<2x512x40xf32, #tpu.memory_space<vmem>>, vector<1x512x40xf32>
    %get3A_59 = vector.shape_cast %get3A_58 : vector<1x512x40xf32> to vector<512x40xf32>
    %add3A_60 = arith.addf %get3A_54, %get3A_59 : vector<512x40xf32>
    %slice3A_61 = vector.extract_strided_slice %add3A_60 {offsets = [0, 35], sizes = [512, 1], strides = [1, 1]} : vector<512x40xf32> to vector<512x1xf32>
    %add3A_62 = arith.constant 1.000000e-16 : f32
    %add3A_63 = vector.broadcast %add3A_62 : f32 to vector<512x1xf32>
    %add3A_64 = arith.addf %slice3A_61, %add3A_63 : vector<512x1xf32>
    %slice3A_65 = vector.extract_strided_slice %add3A_60 {offsets = [0, 0], sizes = [512, 32], strides = [1, 1]} : vector<512x40xf32> to vector<512x32xf32>
    %div3A_66 = vector.broadcast %add3A_64 : vector<512x1xf32> to vector<512x32xf32>
    %div3A_67 = arith.divf %slice3A_65, %div3A_66 : vector<512x32xf32>
    %concatenate3A = tpu.concatenate %div3A_13, %div3A_31, %div3A_49, %div3A_67 in 1 : vector<512x32xf32>, vector<512x32xf32>, vector<512x32xf32>, vector<512x32xf32> -> vector<512x128xf32>
    %get3A_68 = arith.constant 0 : index
    %get3A_69 = arith.constant 0 : index
    %get3A_70 = vector.load %arg5[%get3A_68, %get3A_69] : memref<1x128xf32, #tpu.memory_space<vmem>>, vector<1x128xf32>
    %add3A_71 = vector.broadcast %get3A_70 : vector<1x128xf32> to vector<512x128xf32>
    %add3A_72 = arith.addf %concatenate3A, %add3A_71 : vector<512x128xf32>
    %max3A = arith.constant 0.000000e+00 : f32
    %max3A_73 = vector.broadcast %max3A : f32 to vector<512x128xf32>
    %max3A_74 = arith.maximumf %add3A_72, %max3A_73 : vector<512x128xf32>
    %get3A_75 = arith.constant 0 : index
    %get3A_76 = arith.constant 0 : index
    %get3A_77 = vector.load %arg6[%get3A_75, %get3A_76] : memref<128x128xf32, #tpu.memory_space<vmem>>, vector<128x128xf32>
    %dot_general3A = arith.constant dense<0.000000e+00> : vector<512x128xf32>
    %dot_general3A_78 = tpu.matmul %max3A_74, %get3A_77, %dot_general3A {dimension_numbers = #tpu.dot_dimension_numbers<[1], [0], [0], [1], [0, 0, 1, 1], [], []>, transpose_lhs_hint = false} : vector<512x128xf32>, vector<128x128xf32>, vector<512x128xf32> -> vector<512x128xf32>
    %swap3A = arith.constant 0 : index
    %swap3A_79 = arith.constant 0 : index
    %swap3A_80 = vector.load %arg8[%swap3A, %swap3A_79] : memref<512x128xf32, #tpu.memory_space<vmem>>, vector<512x128xf32>
    tpu.vector_store %arg8[%swap3A, %swap3A_79], %dot_general3A_78 {strides = array<i32>} : memref<512x128xf32, #tpu.memory_space<vmem>>, vector<512x128xf32>,
    %get3A_81 = arith.constant 0 : index
    %get3A_82 = arith.constant 0 : index
    %get3A_83 = vector.load %arg7[%get3A_81, %get3A_82] : memref<128x8xf32, #tpu.memory_space<vmem>>, vector<128x8xf32>
    %dot_general3A_84 = arith.constant dense<0.000000e+00> : vector<512x8xf32>
    %dot_general3A_85 = tpu.matmul %dot_general3A_78, %get3A_83, %dot_general3A_84 {dimension_numbers = #tpu.dot_dimension_numbers<[1], [0], [0], [1], [0, 0, 1, 1], [], []>, transpose_lhs_hint = false} : vector<512x128xf32>, vector<128x8xf32>, vector<512x8xf32> -> vector<512x8xf32>
    %swap3A_86 = arith.constant 0 : index
    %swap3A_87 = arith.constant 0 : index
    %swap3A_88 = vector.load %arg9[%swap3A_86, %swap3A_87] : memref<512x8xf32, #tpu.memory_space<vmem>>, vector<512x8xf32>
    tpu.vector_store %arg9[%swap3A_86, %swap3A_87], %dot_general3A_85 {strides = array<i32>} : memref<512x8xf32, #tpu.memory_space<vmem>>, vector<512x8xf32>,
    return
  }
  func.func @transform_0(%arg0: i32) -> (i32, i32, i32) {
    %c0_i32 = arith.constant 0 : i32
    %c0_i32_0 = arith.constant 0 : i32
    %c0_i32_1 = arith.constant 0 : i32
    return %c0_i32, %arg0, %c0_i32_0 : i32, i32, i32
  }
  func.func @transform_1(%arg0: i32) -> (i32, i32, i32) {
    %c0_i32 = arith.constant 0 : i32
    %c0_i32_0 = arith.constant 0 : i32
    %c0_i32_1 = arith.constant 0 : i32
    return %c0_i32, %arg0, %c0_i32_0 : i32, i32, i32
  }
  func.func @transform_2(%arg0: i32) -> (i32, i32, i32) {
    %c0_i32 = arith.constant 0 : i32
    %c0_i32_0 = arith.constant 0 : i32
    %c0_i32_1 = arith.constant 0 : i32
    return %c0_i32, %arg0, %c0_i32_0 : i32, i32, i32
  }
  func.func @transform_3(%arg0: i32) -> (i32, i32, i32) {
    %c0_i32 = arith.constant 0 : i32
    %c0_i32_0 = arith.constant 0 : i32
    %c0_i32_1 = arith.constant 0 : i32
    return %c0_i32, %arg0, %c0_i32_0 : i32, i32, i32
  }
  func.func @transform_4(%arg0: i32) -> (i32, i32) {
    %c0_i32 = arith.constant 0 : i32
    %c0_i32_0 = arith.constant 0 : i32
    %c0_i32_1 = arith.constant 0 : i32
    return %c0_i32, %c0_i32_0 : i32, i32
  }
  func.func @transform_5(%arg0: i32) -> (i32, i32) {
    %c0_i32 = arith.constant 0 : i32
    %c0_i32_0 = arith.constant 0 : i32
    %c0_i32_1 = arith.constant 0 : i32
    return %c0_i32, %c0_i32_0 : i32, i32
  }
  func.func @transform_6(%arg0: i32) -> (i32, i32) {
    %c0_i32 = arith.constant 0 : i32
    %c0_i32_0 = arith.constant 0 : i32
    %c0_i32_1 = arith.constant 0 : i32
    return %c0_i32, %c0_i32_0 : i32, i32
  }
  func.func @transform_7(%arg0: i32) -> (i32, i32) {
    %c0_i32 = arith.constant 0 : i32
    %c0_i32_0 = arith.constant 0 : i32
    return %arg0, %c0_i32 : i32, i32
  }
  func.func @transform_8(%arg0: i32) -> (i32, i32) {
    %c0_i32 = arith.constant 0 : i32
    %c0_i32_0 = arith.constant 0 : i32
    return %arg0, %c0_i32 : i32, i32
  }
}

module attributes {stable_mosaic.version = 14 : i64} {
  func.func @_tc_pool_body(%arg0: i32, %arg1: memref<2x512x40xf32, #tpu.memory_space<vmem>>, %arg2: memref<2x512x40xf32, #tpu.memory_space<vmem>>, %arg3: memref<2x512x40xf32, #tpu.memory_space<vmem>>, %arg4: memref<2x512x40xf32, #tpu.memory_space<vmem>>, %arg5: memref<1x128xf32, #tpu.memory_space<vmem>>, %arg6: memref<512x1xi32, #tpu.memory_space<vmem>>, %arg7: memref<128x128xf32, #tpu.memory_space<vmem>>, %arg8: memref<1x128xf32, #tpu.memory_space<vmem>>, %arg9: memref<64x128xf32, #tpu.memory_space<vmem>>, %arg10: memref<64x128xf32, #tpu.memory_space<vmem>>, %arg11: memref<64x128xf32, #tpu.memory_space<vmem>>) attributes {dimension_semantics = [#tpu.dimension_semantics<arbitrary>], iteration_bounds = array<i64: 98>, scalar_prefetch = 0 : i64, scratch_operands = 2 : i64, tpu.core_type = #tpu.core_type<tc>, window_params = [{transform_indices = @transform_0, window_bounds = array<i64: 2, 512, 40>}, {transform_indices = @transform_1, window_bounds = array<i64: 2, 512, 40>}, {transform_indices = @transform_2, window_bounds = array<i64: 2, 512, 40>}, {transform_indices = @transform_3, window_bounds = array<i64: 2, 512, 40>}, {pipeline_mode = #tpu.pipeline_mode<synchronous>, transform_indices = @transform_4, window_bounds = array<i64: 1, 128>}, {transform_indices = @transform_5, window_bounds = array<i64: 512, 1>}, {pipeline_mode = #tpu.pipeline_mode<synchronous>, transform_indices = @transform_6, window_bounds = array<i64: 128, 128>}, {pipeline_mode = #tpu.pipeline_mode<synchronous>, transform_indices = @transform_7, window_bounds = array<i64: 1, 128>}, {pipeline_mode = #tpu.pipeline_mode<synchronous>, transform_indices = @transform_8, window_bounds = array<i64: 64, 128>}]} {
    %get3A = arith.constant 0 : index
    %get3A_0 = arith.constant 0 : index
    %get3A_1 = arith.constant 0 : index
    %get3A_2 = vector.load %arg1[%get3A, %get3A_0, %get3A_1] : memref<2x512x40xf32, #tpu.memory_space<vmem>>, vector<1x512x40xf32>
    %get3A_3 = vector.shape_cast %get3A_2 : vector<1x512x40xf32> to vector<512x40xf32>
    %get3A_4 = arith.constant 1 : index
    %get3A_5 = arith.constant 0 : index
    %get3A_6 = arith.constant 0 : index
    %get3A_7 = vector.load %arg1[%get3A_4, %get3A_5, %get3A_6] : memref<2x512x40xf32, #tpu.memory_space<vmem>>, vector<1x512x40xf32>
    %get3A_8 = vector.shape_cast %get3A_7 : vector<1x512x40xf32> to vector<512x40xf32>
    %add3A = arith.addf %get3A_3, %get3A_8 : vector<512x40xf32>
    %slice3A = vector.extract_strided_slice %add3A {offsets = [0, 32], sizes = [512, 1], strides = [1, 1]} : vector<512x40xf32> to vector<512x1xf32>
    %add3A_9 = arith.constant 1.000000e-16 : f32
    %add3A_10 = vector.broadcast %add3A_9 : f32 to vector<512x1xf32>
    %add3A_11 = arith.addf %slice3A, %add3A_10 : vector<512x1xf32>
    %slice3A_12 = vector.extract_strided_slice %add3A {offsets = [0, 0], sizes = [512, 32], strides = [1, 1]} : vector<512x40xf32> to vector<512x32xf32>
    %div3A = vector.broadcast %add3A_11 : vector<512x1xf32> to vector<512x32xf32>
    %div3A_13 = arith.divf %slice3A_12, %div3A : vector<512x32xf32>
    %get3A_14 = arith.constant 0 : index
    %get3A_15 = arith.constant 0 : index
    %get3A_16 = arith.constant 0 : index
    %get3A_17 = vector.load %arg2[%get3A_14, %get3A_15, %get3A_16] : memref<2x512x40xf32, #tpu.memory_space<vmem>>, vector<1x512x40xf32>
    %get3A_18 = vector.shape_cast %get3A_17 : vector<1x512x40xf32> to vector<512x40xf32>
    %get3A_19 = arith.constant 1 : index
    %get3A_20 = arith.constant 0 : index
    %get3A_21 = arith.constant 0 : index
    %get3A_22 = vector.load %arg2[%get3A_19, %get3A_20, %get3A_21] : memref<2x512x40xf32, #tpu.memory_space<vmem>>, vector<1x512x40xf32>
    %get3A_23 = vector.shape_cast %get3A_22 : vector<1x512x40xf32> to vector<512x40xf32>
    %add3A_24 = arith.addf %get3A_18, %get3A_23 : vector<512x40xf32>
    %slice3A_25 = vector.extract_strided_slice %add3A_24 {offsets = [0, 33], sizes = [512, 1], strides = [1, 1]} : vector<512x40xf32> to vector<512x1xf32>
    %add3A_26 = arith.constant 1.000000e-16 : f32
    %add3A_27 = vector.broadcast %add3A_26 : f32 to vector<512x1xf32>
    %add3A_28 = arith.addf %slice3A_25, %add3A_27 : vector<512x1xf32>
    %slice3A_29 = vector.extract_strided_slice %add3A_24 {offsets = [0, 0], sizes = [512, 32], strides = [1, 1]} : vector<512x40xf32> to vector<512x32xf32>
    %div3A_30 = vector.broadcast %add3A_28 : vector<512x1xf32> to vector<512x32xf32>
    %div3A_31 = arith.divf %slice3A_29, %div3A_30 : vector<512x32xf32>
    %get3A_32 = arith.constant 0 : index
    %get3A_33 = arith.constant 0 : index
    %get3A_34 = arith.constant 0 : index
    %get3A_35 = vector.load %arg3[%get3A_32, %get3A_33, %get3A_34] : memref<2x512x40xf32, #tpu.memory_space<vmem>>, vector<1x512x40xf32>
    %get3A_36 = vector.shape_cast %get3A_35 : vector<1x512x40xf32> to vector<512x40xf32>
    %get3A_37 = arith.constant 1 : index
    %get3A_38 = arith.constant 0 : index
    %get3A_39 = arith.constant 0 : index
    %get3A_40 = vector.load %arg3[%get3A_37, %get3A_38, %get3A_39] : memref<2x512x40xf32, #tpu.memory_space<vmem>>, vector<1x512x40xf32>
    %get3A_41 = vector.shape_cast %get3A_40 : vector<1x512x40xf32> to vector<512x40xf32>
    %add3A_42 = arith.addf %get3A_36, %get3A_41 : vector<512x40xf32>
    %slice3A_43 = vector.extract_strided_slice %add3A_42 {offsets = [0, 34], sizes = [512, 1], strides = [1, 1]} : vector<512x40xf32> to vector<512x1xf32>
    %add3A_44 = arith.constant 1.000000e-16 : f32
    %add3A_45 = vector.broadcast %add3A_44 : f32 to vector<512x1xf32>
    %add3A_46 = arith.addf %slice3A_43, %add3A_45 : vector<512x1xf32>
    %slice3A_47 = vector.extract_strided_slice %add3A_42 {offsets = [0, 0], sizes = [512, 32], strides = [1, 1]} : vector<512x40xf32> to vector<512x32xf32>
    %div3A_48 = vector.broadcast %add3A_46 : vector<512x1xf32> to vector<512x32xf32>
    %div3A_49 = arith.divf %slice3A_47, %div3A_48 : vector<512x32xf32>
    %get3A_50 = arith.constant 0 : index
    %get3A_51 = arith.constant 0 : index
    %get3A_52 = arith.constant 0 : index
    %get3A_53 = vector.load %arg4[%get3A_50, %get3A_51, %get3A_52] : memref<2x512x40xf32, #tpu.memory_space<vmem>>, vector<1x512x40xf32>
    %get3A_54 = vector.shape_cast %get3A_53 : vector<1x512x40xf32> to vector<512x40xf32>
    %get3A_55 = arith.constant 1 : index
    %get3A_56 = arith.constant 0 : index
    %get3A_57 = arith.constant 0 : index
    %get3A_58 = vector.load %arg4[%get3A_55, %get3A_56, %get3A_57] : memref<2x512x40xf32, #tpu.memory_space<vmem>>, vector<1x512x40xf32>
    %get3A_59 = vector.shape_cast %get3A_58 : vector<1x512x40xf32> to vector<512x40xf32>
    %add3A_60 = arith.addf %get3A_54, %get3A_59 : vector<512x40xf32>
    %slice3A_61 = vector.extract_strided_slice %add3A_60 {offsets = [0, 35], sizes = [512, 1], strides = [1, 1]} : vector<512x40xf32> to vector<512x1xf32>
    %add3A_62 = arith.constant 1.000000e-16 : f32
    %add3A_63 = vector.broadcast %add3A_62 : f32 to vector<512x1xf32>
    %add3A_64 = arith.addf %slice3A_61, %add3A_63 : vector<512x1xf32>
    %slice3A_65 = vector.extract_strided_slice %add3A_60 {offsets = [0, 0], sizes = [512, 32], strides = [1, 1]} : vector<512x40xf32> to vector<512x32xf32>
    %div3A_66 = vector.broadcast %add3A_64 : vector<512x1xf32> to vector<512x32xf32>
    %div3A_67 = arith.divf %slice3A_65, %div3A_66 : vector<512x32xf32>
    %concatenate3A = tpu.concatenate %div3A_13, %div3A_31, %div3A_49, %div3A_67 in 1 : vector<512x32xf32>, vector<512x32xf32>, vector<512x32xf32>, vector<512x32xf32> -> vector<512x128xf32>
    %get3A_68 = arith.constant 0 : index
    %get3A_69 = arith.constant 0 : index
    %get3A_70 = vector.load %arg5[%get3A_68, %get3A_69] : memref<1x128xf32, #tpu.memory_space<vmem>>, vector<1x128xf32>
    %add3A_71 = vector.broadcast %get3A_70 : vector<1x128xf32> to vector<512x128xf32>
    %add3A_72 = arith.addf %concatenate3A, %add3A_71 : vector<512x128xf32>
    %max3A = arith.constant 0.000000e+00 : f32
    %max3A_73 = vector.broadcast %max3A : f32 to vector<512x128xf32>
    %max3A_74 = arith.maximumf %add3A_72, %max3A_73 : vector<512x128xf32>
    %iota3A = tpu.iota {dimensions = array<i32: 1>} : vector<512x64xi32>
    %get3A_75 = arith.constant 0 : index
    %get3A_76 = arith.constant 0 : index
    %get3A_77 = vector.load %arg6[%get3A_75, %get3A_76] : memref<512x1xi32, #tpu.memory_space<vmem>>, vector<512x1xi32>
    %eq3A = vector.broadcast %get3A_77 : vector<512x1xi32> to vector<512x64xi32>
    %eq3A_78 = arith.cmpi eq, %eq3A, %iota3A : vector<512x64xi32>
    %convert_element_type3A = arith.extui %eq3A_78 : vector<512x64xi1> to vector<512x64xi32>
    %convert_element_type3A_79 = arith.sitofp %convert_element_type3A : vector<512x64xi32> to vector<512x64xf32>
    %dot_general3A = arith.constant dense<0.000000e+00> : vector<64x128xf32>
    %dot_general3A_80 = tpu.matmul %convert_element_type3A_79, %max3A_74, %dot_general3A {dimension_numbers = #tpu.dot_dimension_numbers<[0], [0], [1], [1], [0, 1, 1, 1], [], []>, transpose_lhs_hint = false} : vector<512x64xf32>, vector<512x128xf32>, vector<64x128xf32> -> vector<64x128xf32>
    %broadcast_in_dim3A = arith.constant 1.000000e+00 : f32
    %broadcast_in_dim3A_81 = vector.broadcast %broadcast_in_dim3A : f32 to vector<512x128xf32>
    %dot_general3A_82 = arith.constant dense<0.000000e+00> : vector<64x128xf32>
    %dot_general3A_83 = tpu.matmul %convert_element_type3A_79, %broadcast_in_dim3A_81, %dot_general3A_82 {dimension_numbers = #tpu.dot_dimension_numbers<[0], [0], [1], [1], [0, 1, 1, 1], [], []>, transpose_lhs_hint = false} : vector<512x64xf32>, vector<512x128xf32>, vector<64x128xf32> -> vector<64x128xf32>
    %eq3A_84 = arith.constant 0 : i32
    %eq3A_85 = arith.cmpi eq, %arg0, %eq3A_84 : i32
    %convert_element_type3A_86 = arith.extui %eq3A_85 : i1 to i32
    %cond3A = arith.constant 0 : i32
    %cond3A_87 = arith.cmpi ne, %convert_element_type3A_86, %cond3A : i32
    scf.if %cond3A_87 {
      %broadcast_in_dim3A_106 = arith.constant 0.000000e+00 : f32
      %broadcast_in_dim3A_107 = vector.broadcast %broadcast_in_dim3A_106 : f32 to vector<64x128xf32>
      %swap3A_108 = arith.constant 0 : index
      %swap3A_109 = arith.constant 0 : index
      %swap3A_110 = vector.load %arg10[%swap3A_108, %swap3A_109] : memref<64x128xf32, #tpu.memory_space<vmem>>, vector<64x128xf32>
      tpu.vector_store %arg10[%swap3A_108, %swap3A_109], %broadcast_in_dim3A_107 {strides = array<i32>} : memref<64x128xf32, #tpu.memory_space<vmem>>, vector<64x128xf32>,
      %broadcast_in_dim3A_111 = arith.constant 0.000000e+00 : f32
      %broadcast_in_dim3A_112 = vector.broadcast %broadcast_in_dim3A_111 : f32 to vector<64x128xf32>
      %swap3A_113 = arith.constant 0 : index
      %swap3A_114 = arith.constant 0 : index
      %swap3A_115 = vector.load %arg11[%swap3A_113, %swap3A_114] : memref<64x128xf32, #tpu.memory_space<vmem>>, vector<64x128xf32>
      tpu.vector_store %arg11[%swap3A_113, %swap3A_114], %broadcast_in_dim3A_112 {strides = array<i32>} : memref<64x128xf32, #tpu.memory_space<vmem>>, vector<64x128xf32>,
    } else {
    }
    %get3A_88 = arith.constant 0 : index
    %get3A_89 = arith.constant 0 : index
    %get3A_90 = vector.load %arg10[%get3A_88, %get3A_89] : memref<64x128xf32, #tpu.memory_space<vmem>>, vector<64x128xf32>
    %add3A_91 = arith.addf %get3A_90, %dot_general3A_80 : vector<64x128xf32>
    %swap3A = arith.constant 0 : index
    %swap3A_92 = arith.constant 0 : index
    %swap3A_93 = vector.load %arg10[%swap3A, %swap3A_92] : memref<64x128xf32, #tpu.memory_space<vmem>>, vector<64x128xf32>
    tpu.vector_store %arg10[%swap3A, %swap3A_92], %add3A_91 {strides = array<i32>} : memref<64x128xf32, #tpu.memory_space<vmem>>, vector<64x128xf32>,
    %get3A_94 = arith.constant 0 : index
    %get3A_95 = arith.constant 0 : index
    %get3A_96 = vector.load %arg11[%get3A_94, %get3A_95] : memref<64x128xf32, #tpu.memory_space<vmem>>, vector<64x128xf32>
    %add3A_97 = arith.addf %get3A_96, %dot_general3A_83 : vector<64x128xf32>
    %swap3A_98 = arith.constant 0 : index
    %swap3A_99 = arith.constant 0 : index
    %swap3A_100 = vector.load %arg11[%swap3A_98, %swap3A_99] : memref<64x128xf32, #tpu.memory_space<vmem>>, vector<64x128xf32>
    tpu.vector_store %arg11[%swap3A_98, %swap3A_99], %add3A_97 {strides = array<i32>} : memref<64x128xf32, #tpu.memory_space<vmem>>, vector<64x128xf32>,
    %eq3A_101 = arith.constant 97 : i32
    %eq3A_102 = arith.cmpi eq, %arg0, %eq3A_101 : i32
    %convert_element_type3A_103 = arith.extui %eq3A_102 : i1 to i32
    %cond3A_104 = arith.constant 0 : i32
    %cond3A_105 = arith.cmpi ne, %convert_element_type3A_103, %cond3A_104 : i32
    scf.if %cond3A_105 {
      %get3A_106 = arith.constant 0 : index
      %get3A_107 = arith.constant 0 : index
      %get3A_108 = vector.load %arg10[%get3A_106, %get3A_107] : memref<64x128xf32, #tpu.memory_space<vmem>>, vector<64x128xf32>
      %get3A_109 = arith.constant 0 : index
      %get3A_110 = arith.constant 0 : index
      %get3A_111 = vector.load %arg11[%get3A_109, %get3A_110] : memref<64x128xf32, #tpu.memory_space<vmem>>, vector<64x128xf32>
      %max3A_112 = arith.constant 1.000000e+00 : f32
      %max3A_113 = vector.broadcast %max3A_112 : f32 to vector<64x128xf32>
      %max3A_114 = arith.maximumf %get3A_111, %max3A_113 : vector<64x128xf32>
      %div3A_115 = arith.divf %get3A_108, %max3A_114 : vector<64x128xf32>
      %get3A_116 = arith.constant 0 : index
      %get3A_117 = arith.constant 0 : index
      %get3A_118 = vector.load %arg7[%get3A_116, %get3A_117] : memref<128x128xf32, #tpu.memory_space<vmem>>, vector<128x128xf32>
      %dot_general3A_119 = arith.constant dense<0.000000e+00> : vector<64x128xf32>
      %dot_general3A_120 = tpu.matmul %div3A_115, %get3A_118, %dot_general3A_119 {dimension_numbers = #tpu.dot_dimension_numbers<[1], [0], [0], [1], [0, 0, 1, 1], [], []>, transpose_lhs_hint = false} : vector<64x128xf32>, vector<128x128xf32>, vector<64x128xf32> -> vector<64x128xf32>
      %get3A_121 = arith.constant 0 : index
      %get3A_122 = arith.constant 0 : index
      %get3A_123 = vector.load %arg8[%get3A_121, %get3A_122] : memref<1x128xf32, #tpu.memory_space<vmem>>, vector<1x128xf32>
      %add3A_124 = vector.broadcast %get3A_123 : vector<1x128xf32> to vector<64x128xf32>
      %add3A_125 = arith.addf %dot_general3A_120, %add3A_124 : vector<64x128xf32>
      %swap3A_126 = arith.constant 0 : index
      %swap3A_127 = arith.constant 0 : index
      %swap3A_128 = vector.load %arg9[%swap3A_126, %swap3A_127] : memref<64x128xf32, #tpu.memory_space<vmem>>, vector<64x128xf32>
      tpu.vector_store %arg9[%swap3A_126, %swap3A_127], %add3A_125 {strides = array<i32>} : memref<64x128xf32, #tpu.memory_space<vmem>>, vector<64x128xf32>,
    } else {
    }
    return
  }
  func.func @transform_0(%arg0: i32) -> (i32, i32, i32) {
    %c0_i32 = arith.constant 0 : i32
    %c0_i32_0 = arith.constant 0 : i32
    %c0_i32_1 = arith.constant 0 : i32
    return %c0_i32, %arg0, %c0_i32_0 : i32, i32, i32
  }
  func.func @transform_1(%arg0: i32) -> (i32, i32, i32) {
    %c0_i32 = arith.constant 0 : i32
    %c0_i32_0 = arith.constant 0 : i32
    %c0_i32_1 = arith.constant 0 : i32
    return %c0_i32, %arg0, %c0_i32_0 : i32, i32, i32
  }
  func.func @transform_2(%arg0: i32) -> (i32, i32, i32) {
    %c0_i32 = arith.constant 0 : i32
    %c0_i32_0 = arith.constant 0 : i32
    %c0_i32_1 = arith.constant 0 : i32
    return %c0_i32, %arg0, %c0_i32_0 : i32, i32, i32
  }
  func.func @transform_3(%arg0: i32) -> (i32, i32, i32) {
    %c0_i32 = arith.constant 0 : i32
    %c0_i32_0 = arith.constant 0 : i32
    %c0_i32_1 = arith.constant 0 : i32
    return %c0_i32, %arg0, %c0_i32_0 : i32, i32, i32
  }
  func.func @transform_4(%arg0: i32) -> (i32, i32) {
    %c0_i32 = arith.constant 0 : i32
    %c0_i32_0 = arith.constant 0 : i32
    %c0_i32_1 = arith.constant 0 : i32
    return %c0_i32, %c0_i32_0 : i32, i32
  }
  func.func @transform_5(%arg0: i32) -> (i32, i32) {
    %c0_i32 = arith.constant 0 : i32
    %c0_i32_0 = arith.constant 0 : i32
    return %arg0, %c0_i32 : i32, i32
  }
  func.func @transform_6(%arg0: i32) -> (i32, i32) {
    %c0_i32 = arith.constant 0 : i32
    %c0_i32_0 = arith.constant 0 : i32
    %c0_i32_1 = arith.constant 0 : i32
    return %c0_i32, %c0_i32_0 : i32, i32
  }
  func.func @transform_7(%arg0: i32) -> (i32, i32) {
    %c0_i32 = arith.constant 0 : i32
    %c0_i32_0 = arith.constant 0 : i32
    %c0_i32_1 = arith.constant 0 : i32
    return %c0_i32, %c0_i32_0 : i32, i32
  }
  func.func @transform_8(%arg0: i32) -> (i32, i32) {
    %c0_i32 = arith.constant 0 : i32
    %c0_i32_0 = arith.constant 0 : i32
    %c0_i32_1 = arith.constant 0 : i32
    return %c0_i32, %c0_i32_0 : i32, i32
  }
}

</mosaic_0001>

<sc_bundles>
// kernel: kernel.16.cloned.1.call-start
scs
__scs_entry_jumppad:
0x0: {  	(pc) =	sbr.rel $0x88, $3  }
0x1: {  	(tag) =	ssettag $0x0;
	lr =	simm.s32 $0x1  }
0x2: {  	[smem:$0x3F8F] =	sst lr;
	_ =	strace $0xD0000000  }
0x3: {  	_ = 	snop  }
0x4: {  	_ = 	snop  }
0x5: {  	_ = 	snop  }
0x6: {  	_ = 	snop  }
0x7: {  	_ = 	snop  }
__scs_overlays_trampoline_lowered:
0x8: {  	[smem:$0x3F9E] =	sst s0  }
0x9: {  	[smem:$0x3F9F] =	sst s1  }
0xa: {  	[smem:$0x3FA0] =	sst s2  }
0xb: {  	[smem:$0x3FA1] =	sst s3  }
0xc: {  	[smem:$0x3FA2] =	sst s4  }
0xd: {  	[smem:$0x3FA3] =	sst s5  }
0xe: {  	[smem:$0x3FA4] =	sst s6  }
0xf: {  	[smem:$0x3FA5] =	sst s7  }
0x10: {  	[smem:$0x3FA6] =	sst s8  }
0x11: {  	[smem:$0x3FA7] =	sst s9;
	s0 =	simm.s32 @!p0 $0x0  }
0x12: {  	s1 =	sld [smem:$0x3F8D];
	s0 =	simm.s32 @p0 $0x1  }
0x13: {  	[smem:$0x3FA8] =	sst s0;
	s0 =	simm.s32 @!p1 $0x0  }
0x14: {  	s2 =	sld [smem:$0x3F8C];
	s0 =	simm.s32 @p1 $0x1  }
0x15: {  	[smem:$0x3FA9] =	sst s0;
	s0 =	simm.s32 @!p2 $0x0  }
0x16: {  	s3 =	sld [smem:$0x3FDB];
	s0 =	simm.s32 @p2 $0x1  }
0x17: {  	s4 =	simm.s32 $0x1BF5;
	[smem:$0x3FAB] =	sst s0  }
0x18: {  	s0 =	sld [smem:$0x3F8E];
	_ =	swait.ge [sflag:s4], $0x0  }
0x19: {  	s7 =	sld [smem:$0x3F8F]  }
0x1a: {  	s8 =	sadd.s32 $0xFFFFE003, lr  }
0x1b: {  	s9 =	sadd.s32 $0xFFFFFEF7, lr;
	s5 =	simm.s32 $0xFFFFFFFF;
	p2 =	slt.u32 s8, $0xFFFFF086  }
0x1c: {  	p1 =	slt.u32 s9, $0xF7A;
	s5 =	simm.s32 @!p2 $0x0  }
0x1d: {  	s5 =	simm.s32 @p1 $0x1;
	p0 =	seq.s32 s7, s2  }
0x1e: {  	s7 =	smul.u32 @!p0 $0xF7A, s2;
	p2 =	seq.s32 @!p0 s5, $0x0  }
0x1f: {  	s9 =	smul.u32 $0xF7A, s1;
	s8 =	simm.s32 @!p0 $0x1BF5;
	p2 =	por !p2, p0  }
0x20: {  	[sflag:s8] =	ssyncset.s32 @!p0 $0xFFFFF086;
	s6 =	sadd.s32 @!p0 s3, s7;
	s7 =	simm.s32 @!p0 $0x108  }
0x21: {  	s3 =	sadd.s32 s3, s9;
	s6 =	sadd.s32 @!p0 $0x88, s6;
	s7 =	simm.s32 @p2 $0x1082  }
0x22: {  	[simem:s7], [sflag:s8] =	dma.local @!p0 [hbm:s6], $0xF7A  }
0x23: {  	s9 =	sor.u32 $0xD0000000, s2;
	s6 =	simm.s32 $0x108;
	_ =	swait.ge @!p0 [sflag:s8], $0x0  }
0x24: {  	s3 =	sadd.s32 $0x88, s3;
	s6 =	simm.s32 @!p1 $0x1082;
	[sflag:s4] =	ssyncset.s32 $0xFFFFF086  }
0x25: {  	[simem:s6], [sflag:s4] =	dma.local [hbm:s3], $0xF7A  }
0x26: {  	[smem:$0x3F8F] =	sst s1;
	(tag) =	ssettag s2;
	_ =	strace s9  }
0x27: {  	s1 =	sld [smem:$0x3F9F]  }
0x28: {  	s2 =	sld [smem:$0x3FA0]  }
0x29: {  	s4 =	sld [smem:$0x3FA2]  }
0x2a: {  	p0 =	seq.s32 s5, $0x0;
	s5 =	sld [smem:$0x3FA3]  }
0x2b: {  	s6 =	sld [smem:$0x3FA4]  }
0x2c: {  	s7 =	sld [smem:$0x3FA5]  }
0x2d: {  	s3 =	simm.s32 $0x108;
	s8 =	sld [smem:$0x3FA6]  }
0x2e: {  	s3 =	simm.s32 @!p0 $0x1082;
	s9 =	sld [smem:$0x3FA7]  }
0x2f: {  	lr =	sadd.s32 s0, s3;
	s0 =	sld [smem:$0x3F9E]  }
0x30: {  	s3 =	sld [smem:$0x3FA1]  }
0x31: {  	[smem:$0x3FAA] =	sst s10  }
0x32: {  	s10 =	sld [smem:$0x3FA8];
	_ =	sdelay $0x3  }
0x33: {  	p0 =	seq.s32 s10, $0x1;
	s10 =	sld [smem:$0x3FAA];
	_ =	sdelay $0x3  }
0x34: {  	[smem:$0x3FAA] =	sst s10  }
0x35: {  	s10 =	sld [smem:$0x3FA9];
	_ =	sdelay $0x3  }
0x36: {  	p1 =	seq.s32 s10, $0x1;
	s10 =	sld [smem:$0x3FAA];
	_ =	sdelay $0x3  }
0x37: {  	[smem:$0x3FAA] =	sst s10  }
0x38: {  	s10 =	sld [smem:$0x3FAB]  }
0x39: {  	_ = 	snop;
	(pc) =	sbr.ind lr, $3  }
0x3a: {  	_ = 	snop  }
0x3b: {  	_ = 	snop  }
0x3c: {  	p2 =	seq.s32 s10, $0x1;
	s10 =	sld [smem:$0x3FAA]  }
0x3d: {  	_ =	shalt  }
0x3e: {  	_ =	shalt  }
0x3f: {  	_ =	shalt  }
0x40: {  	_ =	shalt  }
0x41: {  	_ =	shalt  }
0x42: {  	_ =	shalt  }
0x43: {  	_ =	shalt  }
0x44: {  	_ =	shalt  }
0x45: {  	_ =	shalt  }
0x46: {  	_ =	shalt  }
0x47: {  	_ =	shalt  }
0x48: {  	_ =	shalt  }
0x49: {  	_ =	shalt  }
0x4a: {  	_ =	shalt  }
0x4b: {  	_ =	shalt  }
0x4c: {  	_ =	shalt  }
0x4d: {  	_ =	shalt  }
0x4e: {  	_ =	shalt  }
0x4f: {  	_ =	shalt  }
0x50: {  	_ =	shalt  }
0x51: {  	_ =	shalt  }
0x52: {  	_ =	shalt  }
0x53: {  	_ =	shalt  }
0x54: {  	_ =	shalt  }
0x55: {  	_ =	shalt  }
0x56: {  	_ =	shalt  }
0x57: {  	_ =	shalt  }
0x58: {  	_ =	shalt  }
0x59: {  	_ =	shalt  }
0x5a: {  	_ =	shalt  }
0x5b: {  	_ =	shalt  }
0x5c: {  	_ =	shalt  }
0x5d: {  	_ =	shalt  }
0x5e: {  	_ =	shalt  }
0x5f: {  	_ =	shalt  }
0x60: {  	_ =	shalt  }
0x61: {  	_ =	shalt  }
0x62: {  	_ =	shalt  }
0x63: {  	_ =	shalt  }
0x64: {  	_ =	shalt  }
0x65: {  	_ =	shalt  }
0x66: {  	_ =	shalt  }
0x67: {  	_ =	shalt  }
0x68: {  	_ =	shalt  }
0x69: {  	_ =	shalt  }
0x6a: {  	_ =	shalt  }
0x6b: {  	_ =	shalt  }
0x6c: {  	_ =	shalt  }
0x6d: {  	_ =	shalt  }
0x6e: {  	_ =	shalt  }
0x6f: {  	_ =	shalt  }
0x70: {  	_ =	shalt  }
0x71: {  	_ =	shalt  }
0x72: {  	_ =	shalt  }
0x73: {  	_ =	shalt  }
0x74: {  	_ =	shalt  }
0x75: {  	_ =	shalt  }
0x76: {  	_ =	shalt  }
0x77: {  	_ =	shalt  }
0x78: {  	_ =	shalt  }
0x79: {  	_ =	shalt  }
0x7a: {  	_ =	shalt  }
0x7b: {  	_ =	shalt  }
0x7c: {  	_ =	shalt  }
0x7d: {  	_ =	shalt  }
0x7e: {  	_ =	shalt  }
0x7f: {  	_ =	shalt  }
0x80: {  	_ =	shalt  }
0x81: {  	_ =	shalt  }
0x82: {  	_ =	shalt  }
0x83: {  	_ =	shalt  }
0x84: {  	_ =	shalt  }
0x85: {  	_ =	shalt  }
0x86: {  	_ =	shalt  }
0x87: {  	_ =	shalt  }
.Lfunc_end0:
.L_simem_size_0:
called_computation_lowered:
.L_overlay_start_0:
0x88: {  	s2 =	sld [smem:$0x3FD9]  }
0x89: {  	s3 =	sld [smem:$0x3FFE];
	_ =	sdelay $0x1  }
0x8a: {  	s1 =	srdreg.scid  }
0x8b: {  	s0 =	sand.u32 $0x1, s1  }
0x8c: {  	s16 =	sshll.u32 s0, $0xA;
	s2 =	sadd.s32 s3, s2  }
0x8d: {  	s2 =	sadd.s32 s2, s16  }
0x8e: {  	[smem:$0x3FB6] =	sst s2  }
0x8f: {  	_ = 	snop  }
0x90: {  	(tm) =	ssettm $0x1  }
0x91: {  	s17 =	sld [smem:$0x3FFB];
	_ =	sdelay $0x3  }
0x92: {  	_ =	strace s17  }
0x93: {  	s2 =	sld [smem:$0x3FFC];
	_ =	sdelay $0x3  }
0x94: {  	_ =	strace s2  }
0x95: {  	s2 =	sld [smem:$0x3FFD];
	_ =	sdelay $0x3  }
0x96: {  	_ =	strace s2  }
0x97: {  	_ =	strace $0x8FFFFFFF  }
0x98: {  	s18 =	sld [smem:$0x3FDB];
	_ =	sdelay $0x1  }
0x99: {  	s19 =	simm.s32 $_scs_section_size  }
0x9a: {  	s4 =	simm.s32 $_size__tile_overlayer_lowered;
	s5 =	simm.s32 $_tile_overlayer_lowered  }
0x9b: {  	s22 =	simm.s32 $0x1BFF;
	s21 =	sshll.u32 s5, $0x1;
	s2 =	sadd.s32 s19, s18  }
0x9c: {  	s6 =	simm.s32 $0x0;
	s20 =	sshll.u32 s4, $0x1;
	s4 =	sadd.s32 s21, s2  }
0x9d: {  	[timem:s6], [sflag:s22] =	dma.local [hbm:s4], s20  }
0x9e: {  	_ =	swait.ge [sflag:s22], s20  }
0x9f: {  	s3 =	ssub.s32 $0x0, s20;
	[sflag:s22] =	ssyncset.done $0x0  }
0xa0: {  	[sflag:s22] =	ssyncadd.s32 s3;
	_ =	sdelay $0x1  }
0xa1: {  	s23 =	simm.s32 $0x1B8B  }
0xa2: {  	_ =	swait.ge [sflag:s23], $0x1  }
0xa3: {  	[sflag:s23] =	ssyncset.done $0x0  }
0xa4: {  	s25 =	simm.s32 $0x1B8E;
	s24 =	sld [smem:$0x3FFE];
	[sflag:s23] =	ssyncadd.s32 $0xFFFFFFFF  }
0xa5: {  	s26 =	simm.s32 $execute0_lowered;
	[smem:$0x3FD2] =	sst s25  }
0xa6: {  	s4 =	sshll.u32 s26, $0x1;
	_ =	strace $0x80000046;
	[dreg:$0x1] =	wrdreg $0xFFFFFFFF  }
0xa7: {  	s28 =	simm.s32 $_size_execute0_lowered;
	s2 =	sadd.s32 s2, s4;
	[dreg:$0x0] =	wrdreg $0x0  }
0xa8: {  	s4 =	sshll.u32 s28, $0x1;
	[dreg:$0x2] =	wrdreg s2  }
0xa9: {  	[dreg:$0x3] =	wrdreg s4  }
0xaa: {  	[dreg:$0x4] =	wrdreg $0xC0  }
0xab: {  	_ =	task [dreg:s6], $0x5FFFF  }
0xac: {  	[dreg:$0x1] =	wrdreg $0xFFFFFFFF  }
0xad: {  	[dreg:$0x0] =	wrdreg $0x60  }
0xae: {  	[dreg:$0x2] =	wrdreg s24  }
0xaf: {  	[dreg:$0x3] =	wrdreg $0x9  }
0xb0: {  	_ =	task.clear_ibuf [dreg:s6], $0x4FFFF;
	_ =	strace $0x90000046  }
0xb1: {  	s29 =	simm.s32 $0x9;
	_ =	strace $0x80000048  }
0xb2: {  	_ =	swait.ge [sflag:s29], $0x1  }
0xb3: {  	[sflag:s29] =	ssyncadd.s32 $0xFFFFFFFF  }
0xb4: {  	_ =	strace $0x90000048  }
0xb5: {  	_ =	sfence  }
0xb6: {  	s30 =	sld [smem:$0x0];
	_ =	sdelay $0x2  }
0xb7: {  	s31 =	sshll.u32 s1, $0xD;
	s1 =	sshrl.u32 s1, $0x2  }
0xb8: {  	s3 =	sand.u32 $0x4000, s31;
	s1 =	sadd.s32 s1, s30  }
0xb9: {  	s0 =	sor.u32 s3, s0;
	s1 =	sshll.u32 s1, $0x11  }
0xba: {  	s0 =	sor.u32 s1, s0  }
0xbb: {  	s0 =	sadd.s32 $0x8F2B, s0  }
0xbc: {  	[sflag:s0] =	ssyncadd.remote.s32 $0x1  }
0xbd: {  	_ =	sfence.sel $0xFFFF  }
0xbe: {  	[dreg:$0x0] =	wrdreg $0xFFFFFFFF;
	(pc) =	sbr.abs _section_cstart, $3  }
0xbf: {  	[dreg:$0x1] =	wrdreg $0xFFFFFFFF  }
0xc0: {  	_ =	task.clear_ibuf [dreg:s6], $0x2FFFF;
	_ =	strace $0x9FFFFFFF  }
0xc1: {  	(tm) =	ssettm $0x7FFFFFFF  }
tec
execute0_lowered:
.L_overlay_start_1:
0x0: {  	(tag) =	ssettag $0x1  }
0x1: {  	s1 =	srdreg.scid;
	s0 =	stileid.u32  }
0x2: {  	s6 =	rddreg [dreg:$0x0];
	s2 =	simm.s32 $0x0;
	s3 =	smul.u32 $0xC40, s0  }
0x3: {  	s5 =	sand.u32 $0x1, s1;
	s1 =	rddreg [dreg:$0x1];
	s9 =	smul.u32 $0xC400, s0  }
0x4: {  	[smem:$0x7FF] =	sst s2;
	s4 =	smul.u32 $0x620, s5  }
0x5: {  	_ =	strace $0x80000047;
	s10 =	ssub.s32 $0x2, s5;
	s12 =	smul.u32 $0x6200, s5  }
0x6: {  	s11 =	sshrl.u32 s10, $0x1;
	s9 =	sadd.s32 s9, s6;
	s7 =	sadd.s32 s4, s3  }
0x7: {  	s4 =	sadd.s32 $0x2EC00, s6;
	s30 =	ssub.s32 s10, s11;
	s31 =	sadd.s32 s12, s9  }
0x8: {  	s9 =	simm.s32 $0x1;
	s10 =	simm.s32 $0x70;
	s11 =	simm.s32 $0x3870  }
0x9: {  	s12 =	simm.s32 $0x0;
	s3 =	sshrl.u32 s7, $0x3;
	s5 =	smax.u32 s30, $0x1  }
0xa: {  	s8 =	sadd.s32 s3, s6;
	s3 =	sadd.s32 $0x6C00, s6;
	s6 =	sadd.s32 s7, s6  }
0xb: {  	s7 =	sadd.s32 $0x32E00, s31;
	s6 =	sadd.s32 $0xF6E00, s6;
	s8 =	sadd.s32 $0x31400, s8  }
.LBB2_1:
0xc: {  	s13 =	sadd.s32 $0x0, s8  }
0xd: {  	[tilespmem:s2], [sflag:$0x1] =	stream.linear.gather [hbm4b:s13+s2], $0x70, $0x38;
	[tilespmem:$0x3BF0] =	vst v63  }
0xe: {  	_ =	swait.ge [sflag:s9], $0x70  }
0xf: {  	[sflag:s9] =	ssyncset.done $0x0  }
0x10: {  	[sflag:s9] =	ssyncadd.s32 $0xFFFFFF90  }
0x11: {  	[tilespmem:s10], [sflag:$0x1] =	stream.indirect.gather [hbm4b:s3+s10], $0x80, s2, s10, $0xb8;
	[tilespmem:$0x3BF0] =	vst v63  }
0x12: {  	_ =	swait.ge [sflag:s9], $0x3800  }
0x13: {  	[sflag:s9] =	ssyncset.done $0x0  }
0x14: {  	[sflag:s9] =	ssyncadd.s32 $0xFFFFC800  }
0x15: {  	[hbm4b:s7+s2] =	stream.linear.scatter [tilespmem:s10], [sflag:$0x1], $0x3800, $0x38;
	[tilespmem:$0x3BF0] =	vst v63  }
0x16: {  	_ =	swait.ge [sflag:s9], $0x3800  }
0x17: {  	[sflag:s9] =	ssyncset.done $0x0  }
0x18: {  	[sflag:s9] =	ssyncadd.s32 $0xFFFFC800  }
0x19: {  	[tilespmem:s11], [sflag:$0x1] =	stream.indirect.gather [hbm4b:s4+s10], $0x8, s2, s10, $0xb8;
	[tilespmem:$0x3BF0] =	vst v63  }
0x1a: {  	_ =	swait.ge [sflag:s9], $0x380  }
0x1b: {  	[sflag:s9] =	ssyncset.done $0x0  }
0x1c: {  	[sflag:s9] =	ssyncadd.s32 $0xFFFFFC80  }
0x1d: {  	[hbm4b:s6+s2] =	stream.linear.scatter [tilespmem:s11], [sflag:$0x1], $0x380, $0x38;
	[tilespmem:$0x3BF0] =	vst v63  }
0x1e: {  	s15 =	simm.s32 $0xE;
	s16 =	simm.s32 $0x1C;
	_ =	swait.ge [sflag:s9], $0x380  }
0x1f: {  	s14 =	sadd.s32 $0x700, s7;
	s13 =	sadd.s32 $0x70, s6;
	[sflag:s9] =	ssyncset.done $0x0  }
.LBB2_2:
0x20: {  	s17 =	sadd.s32 s15, s8  }
0x21: {  	[sflag:s9] =	ssyncadd.s32 $0xFFFFFC80;
	s15 =	smov.u32 s16;
	s18 =	sadd.s32 $0xE, s16  }
0x22: {  	[tilespmem:s2], [sflag:$0x1] =	stream.linear.gather [hbm4b:s17+s2], $0x70, $0x38;
	[tilespmem:$0x3BF0] =	vst v63  }
0x23: {  	p0 =	sne.s32 s16, $0xB6;
	_ =	swait.ge [sflag:s9], $0x70  }
0x24: {  	[sflag:s9] =	ssyncset.done $0x0  }
0x25: {  	[sflag:s9] =	ssyncadd.s32 $0xFFFFFF90  }
0x26: {  	[tilespmem:s10], [sflag:$0x1] =	stream.indirect.gather [hbm4b:s3+s10], $0x80, s2, s10, $0xb8;
	[tilespmem:$0x3BF0] =	vst v63  }
0x27: {  	_ =	swait.ge [sflag:s9], $0x3800  }
0x28: {  	[sflag:s9] =	ssyncset.done $0x0  }
0x29: {  	[sflag:s9] =	ssyncadd.s32 $0xFFFFC800  }
0x2a: {  	[hbm4b:s14+s2] =	stream.linear.scatter [tilespmem:s10], [sflag:$0x1], $0x3800, $0x38;
	[tilespmem:$0x3BF0] =	vst v63  }
0x2b: {  	_ =	swait.ge [sflag:s9], $0x3800  }
0x2c: {  	[sflag:s9] =	ssyncset.done $0x0  }
0x2d: {  	[sflag:s9] =	ssyncadd.s32 $0xFFFFC800  }
0x2e: {  	[tilespmem:s11], [sflag:$0x1] =	stream.indirect.gather [hbm4b:s4+s10], $0x8, s2, s10, $0xb8;
	[tilespmem:$0x3BF0] =	vst v63  }
0x2f: {  	_ =	swait.ge [sflag:s9], $0x380  }
.Ltmp0:
0x30: {  	[sflag:s9] =	ssyncset.done $0x0;
	(pc) =	sbr.rel @p0 .LBB2_2-.Ltmp0, $4  }
0x31: {  	[sflag:s9] =	ssyncadd.s32 $0xFFFFFC80  }
0x32: {  	[hbm4b:s13+s2] =	stream.linear.scatter [tilespmem:s11], [sflag:$0x1], $0x380, $0x38;
	[tilespmem:$0x3BF0] =	vst v63  }
0x33: {  	s16 =	smov.u32 s18;
	_ =	swait.ge [sflag:s9], $0x380  }
0x34: {  	s14 =	sadd.s32 $0x700, s14;
	s13 =	sadd.s32 $0x70, s13;
	[sflag:s9] =	ssyncset.done $0x0  }
0x35: {  	s15 =	sadd.s32 s15, s8;
	[sflag:s9] =	ssyncadd.s32 $0xFFFFFC80  }
0x36: {  	[tilespmem:s2], [sflag:$0x1] =	stream.linear.gather [hbm4b:s15+s2], $0x70, $0x38;
	[tilespmem:$0x3BF0] =	vst v63  }
0x37: {  	_ =	swait.ge [sflag:s9], $0x70  }
0x38: {  	[sflag:s9] =	ssyncset.done $0x0  }
0x39: {  	[sflag:s9] =	ssyncadd.s32 $0xFFFFFF90  }
0x3a: {  	[tilespmem:s10], [sflag:$0x1] =	stream.indirect.gather [hbm4b:s3+s10], $0x80, s2, s10, $0xb8;
	[tilespmem:$0x3BF0] =	vst v63  }
0x3b: {  	_ =	swait.ge [sflag:s9], $0x3800  }
0x3c: {  	[sflag:s9] =	ssyncset.done $0x0  }
0x3d: {  	[sflag:s9] =	ssyncadd.s32 $0xFFFFC800  }
0x3e: {  	[hbm4b:s14+s2] =	stream.linear.scatter [tilespmem:s10], [sflag:$0x1], $0x3800, $0x38;
	[tilespmem:$0x3BF0] =	vst v63  }
0x3f: {  	_ =	swait.ge [sflag:s9], $0x3800  }
0x40: {  	[sflag:s9] =	ssyncset.done $0x0  }
0x41: {  	[sflag:s9] =	ssyncadd.s32 $0xFFFFC800  }
0x42: {  	[tilespmem:s11], [sflag:$0x1] =	stream.indirect.gather [hbm4b:s4+s10], $0x8, s2, s10, $0xb8;
	[tilespmem:$0x3BF0] =	vst v63  }
0x43: {  	s12 =	sadd.s32 $0x1, s12;
	_ =	swait.ge [sflag:s9], $0x380  }
0x44: {  	p0 =	sne.s32 s12, s5;
	[sflag:s9] =	ssyncset.done $0x0  }
.Ltmp1:
0x45: {  	[sflag:s9] =	ssyncadd.s32 $0xFFFFFC80;
	(pc) =	sbr.rel @p0 .LBB2_1-.Ltmp1, $4  }
0x46: {  	[hbm4b:s13+s2] =	stream.linear.scatter [tilespmem:s11], [sflag:$0x1], $0x380, $0x38;
	[tilespmem:$0x3BF0] =	vst v63  }
0x47: {  	_ =	swait.ge [sflag:s9], $0x380  }
0x48: {  	[sflag:s9] =	ssyncset.done $0x0  }
0x49: {  	[sflag:s9] =	ssyncadd.s32 $0xFFFFFC80  }
0x4a: {  	_ =	sfence.sel $0x180000  }
0x4b: {  	[bflag:$0x0] =	sbarrier.arrive $0xFFFF  }
0x4c: {  	p0 =	sne.s32 s0, $0x0;
	_ =	strace $0x90000047  }
0x4d: {  	s0 =	sadd.s32 @!p0 $0x100000, s1;
	[bflag:$0x2] =	sbarrier.arrive $0xFFFF  }
0x4e: {  	[sflag:s0] =	ssyncadd.tile.s32 @!p0 $0x1;
	_ =	shalt  }
.Lfunc_end2:
_tile_overlayer_lowered:
.L_overlay_start_2:
0x4f: {  	(tag) =	ssettag $0x2  }
0x50: {  	s0 =	rddreg [dreg:$0x0];
	s2 =	stileid.u32  }
0x51: {  	s1 =	rddreg [dreg:$0x1];
	p0 =	sne.s32 s2, $0x0  }
0x52: {  	s3 =	rddreg [dreg:$0x2];
	[bflag:$0x3] =	sbarrier.arrive $0xFFFF;
	s2 =	simm.s32 @!p0 $0x1C01  }
0x53: {  	[timem:s3], [sflag:s2] =	dma.local @!p0 [hbm:s0], s1  }
0x54: {  	s0 =	simm.s32 @!p0 $0x1  }
0x55: {  	_ =	swait.ge @!p0 [sflag:s0], s1  }
0x56: {  	s1 =	ssub.s32 @!p0 $0x0, s1;
	[sflag:s0] =	ssyncset.done @!p0 $0x0  }
0x57: {  	[sflag:s0] =	ssyncadd.s32 @!p0 s1  }
0x58: {  	[bflag:$0x3] =	sbarrier.arrive $0xFFFF  }
0x59: {  	_ =	shalt  }

// kernel: kernel.19.cloned.1.call-start
scs
__scs_entry_jumppad:
0x0: {  	(pc) =	sbr.rel $0x88, $3  }
0x1: {  	(tag) =	ssettag $0x0;
	lr =	simm.s32 $0x1  }
0x2: {  	[smem:$0x3F8F] =	sst lr;
	_ =	strace $0xD0000000  }
0x3: {  	_ = 	snop  }
0x4: {  	_ = 	snop  }
0x5: {  	_ = 	snop  }
0x6: {  	_ = 	snop  }
0x7: {  	_ = 	snop  }
__scs_overlays_trampoline_lowered:
0x8: {  	[smem:$0x3F9E] =	sst s0  }
0x9: {  	[smem:$0x3F9F] =	sst s1  }
0xa: {  	[smem:$0x3FA0] =	sst s2  }
0xb: {  	[smem:$0x3FA1] =	sst s3  }
0xc: {  	[smem:$0x3FA2] =	sst s4  }
0xd: {  	[smem:$0x3FA3] =	sst s5  }
0xe: {  	[smem:$0x3FA4] =	sst s6  }
0xf: {  	[smem:$0x3FA5] =	sst s7  }
0x10: {  	[smem:$0x3FA6] =	sst s8  }
0x11: {  	[smem:$0x3FA7] =	sst s9;
	s0 =	simm.s32 @!p0 $0x0  }
0x12: {  	s1 =	sld [smem:$0x3F8D];
	s0 =	simm.s32 @p0 $0x1  }
0x13: {  	[smem:$0x3FA8] =	sst s0;
	s0 =	simm.s32 @!p1 $0x0  }
0x14: {  	s2 =	sld [smem:$0x3F8C];
	s0 =	simm.s32 @p1 $0x1  }
0x15: {  	[smem:$0x3FA9] =	sst s0;
	s0 =	simm.s32 @!p2 $0x0  }
0x16: {  	s3 =	sld [smem:$0x3FDB];
	s0 =	simm.s32 @p2 $0x1  }
0x17: {  	s4 =	simm.s32 $0x1BF5;
	[smem:$0x3FAB] =	sst s0  }
0x18: {  	s0 =	sld [smem:$0x3F8E];
	_ =	swait.ge [sflag:s4], $0x0  }
0x19: {  	s7 =	sld [smem:$0x3F8F]  }
0x1a: {  	s8 =	sadd.s32 $0xFFFFE003, lr  }
0x1b: {  	s9 =	sadd.s32 $0xFFFFFEF7, lr;
	s5 =	simm.s32 $0xFFFFFFFF;
	p2 =	slt.u32 s8, $0xFFFFF086  }
0x1c: {  	p1 =	slt.u32 s9, $0xF7A;
	s5 =	simm.s32 @!p2 $0x0  }
0x1d: {  	s5 =	simm.s32 @p1 $0x1;
	p0 =	seq.s32 s7, s2  }
0x1e: {  	s7 =	smul.u32 @!p0 $0xF7A, s2;
	p2 =	seq.s32 @!p0 s5, $0x0  }
0x1f: {  	s9 =	smul.u32 $0xF7A, s1;
	s8 =	simm.s32 @!p0 $0x1BF5;
	p2 =	por !p2, p0  }
0x20: {  	[sflag:s8] =	ssyncset.s32 @!p0 $0xFFFFF086;
	s6 =	sadd.s32 @!p0 s3, s7;
	s7 =	simm.s32 @!p0 $0x108  }
0x21: {  	s3 =	sadd.s32 s3, s9;
	s6 =	sadd.s32 @!p0 $0x88, s6;
	s7 =	simm.s32 @p2 $0x1082  }
0x22: {  	[simem:s7], [sflag:s8] =	dma.local @!p0 [hbm:s6], $0xF7A  }
0x23: {  	s9 =	sor.u32 $0xD0000000, s2;
	s6 =	simm.s32 $0x108;
	_ =	swait.ge @!p0 [sflag:s8], $0x0  }
0x24: {  	s3 =	sadd.s32 $0x88, s3;
	s6 =	simm.s32 @!p1 $0x1082;
	[sflag:s4] =	ssyncset.s32 $0xFFFFF086  }
0x25: {  	[simem:s6], [sflag:s4] =	dma.local [hbm:s3], $0xF7A  }
0x26: {  	[smem:$0x3F8F] =	sst s1;
	(tag) =	ssettag s2;
	_ =	strace s9  }
0x27: {  	s1 =	sld [smem:$0x3F9F]  }
0x28: {  	s2 =	sld [smem:$0x3FA0]  }
0x29: {  	s4 =	sld [smem:$0x3FA2]  }
0x2a: {  	p0 =	seq.s32 s5, $0x0;
	s5 =	sld [smem:$0x3FA3]  }
0x2b: {  	s6 =	sld [smem:$0x3FA4]  }
0x2c: {  	s7 =	sld [smem:$0x3FA5]  }
0x2d: {  	s3 =	simm.s32 $0x108;
	s8 =	sld [smem:$0x3FA6]  }
0x2e: {  	s3 =	simm.s32 @!p0 $0x1082;
	s9 =	sld [smem:$0x3FA7]  }
0x2f: {  	lr =	sadd.s32 s0, s3;
	s0 =	sld [smem:$0x3F9E]  }
0x30: {  	s3 =	sld [smem:$0x3FA1]  }
0x31: {  	[smem:$0x3FAA] =	sst s10  }
0x32: {  	s10 =	sld [smem:$0x3FA8];
	_ =	sdelay $0x3  }
0x33: {  	p0 =	seq.s32 s10, $0x1;
	s10 =	sld [smem:$0x3FAA];
	_ =	sdelay $0x3  }
0x34: {  	[smem:$0x3FAA] =	sst s10  }
0x35: {  	s10 =	sld [smem:$0x3FA9];
	_ =	sdelay $0x3  }
0x36: {  	p1 =	seq.s32 s10, $0x1;
	s10 =	sld [smem:$0x3FAA];
	_ =	sdelay $0x3  }
0x37: {  	[smem:$0x3FAA] =	sst s10  }
0x38: {  	s10 =	sld [smem:$0x3FAB]  }
0x39: {  	_ = 	snop;
	(pc) =	sbr.ind lr, $3  }
0x3a: {  	_ = 	snop  }
0x3b: {  	_ = 	snop  }
0x3c: {  	p2 =	seq.s32 s10, $0x1;
	s10 =	sld [smem:$0x3FAA]  }
0x3d: {  	_ =	shalt  }
0x3e: {  	_ =	shalt  }
0x3f: {  	_ =	shalt  }
0x40: {  	_ =	shalt  }
0x41: {  	_ =	shalt  }
0x42: {  	_ =	shalt  }
0x43: {  	_ =	shalt  }
0x44: {  	_ =	shalt  }
0x45: {  	_ =	shalt  }
0x46: {  	_ =	shalt  }
0x47: {  	_ =	shalt  }
0x48: {  	_ =	shalt  }
0x49: {  	_ =	shalt  }
0x4a: {  	_ =	shalt  }
0x4b: {  	_ =	shalt  }
0x4c: {  	_ =	shalt  }
0x4d: {  	_ =	shalt  }
0x4e: {  	_ =	shalt  }
0x4f: {  	_ =	shalt  }
0x50: {  	_ =	shalt  }
0x51: {  	_ =	shalt  }
0x52: {  	_ =	shalt  }
0x53: {  	_ =	shalt  }
0x54: {  	_ =	shalt  }
0x55: {  	_ =	shalt  }
0x56: {  	_ =	shalt  }
0x57: {  	_ =	shalt  }
0x58: {  	_ =	shalt  }
0x59: {  	_ =	shalt  }
0x5a: {  	_ =	shalt  }
0x5b: {  	_ =	shalt  }
0x5c: {  	_ =	shalt  }
0x5d: {  	_ =	shalt  }
0x5e: {  	_ =	shalt  }
0x5f: {  	_ =	shalt  }
0x60: {  	_ =	shalt  }
0x61: {  	_ =	shalt  }
0x62: {  	_ =	shalt  }
0x63: {  	_ =	shalt  }
0x64: {  	_ =	shalt  }
0x65: {  	_ =	shalt  }
0x66: {  	_ =	shalt  }
0x67: {  	_ =	shalt  }
0x68: {  	_ =	shalt  }
0x69: {  	_ =	shalt  }
0x6a: {  	_ =	shalt  }
0x6b: {  	_ =	shalt  }
0x6c: {  	_ =	shalt  }
0x6d: {  	_ =	shalt  }
0x6e: {  	_ =	shalt  }
0x6f: {  	_ =	shalt  }
0x70: {  	_ =	shalt  }
0x71: {  	_ =	shalt  }
0x72: {  	_ =	shalt  }
0x73: {  	_ =	shalt  }
0x74: {  	_ =	shalt  }
0x75: {  	_ =	shalt  }
0x76: {  	_ =	shalt  }
0x77: {  	_ =	shalt  }
0x78: {  	_ =	shalt  }
0x79: {  	_ =	shalt  }
0x7a: {  	_ =	shalt  }
0x7b: {  	_ =	shalt  }
0x7c: {  	_ =	shalt  }
0x7d: {  	_ =	shalt  }
0x7e: {  	_ =	shalt  }
0x7f: {  	_ =	shalt  }
0x80: {  	_ =	shalt  }
0x81: {  	_ =	shalt  }
0x82: {  	_ =	shalt  }
0x83: {  	_ =	shalt  }
0x84: {  	_ =	shalt  }
0x85: {  	_ =	shalt  }
0x86: {  	_ =	shalt  }
0x87: {  	_ =	shalt  }
.Lfunc_end0:
.L_simem_size_0:
called_computation.1_lowered:
.L_overlay_start_0:
0x88: {  	s2 =	sld [smem:$0x3FD9]  }
0x89: {  	s3 =	sld [smem:$0x3FFE];
	_ =	sdelay $0x1  }
0x8a: {  	s1 =	srdreg.scid  }
0x8b: {  	s0 =	sand.u32 $0x1, s1  }
0x8c: {  	s16 =	sshll.u32 s0, $0xA;
	s2 =	sadd.s32 s3, s2  }
0x8d: {  	s2 =	sadd.s32 s2, s16  }
0x8e: {  	[smem:$0x3FB6] =	sst s2  }
0x8f: {  	_ = 	snop  }
0x90: {  	(tm) =	ssettm $0x1  }
0x91: {  	s17 =	sld [smem:$0x3FFB];
	_ =	sdelay $0x3  }
0x92: {  	_ =	strace s17  }
0x93: {  	s2 =	sld [smem:$0x3FFC];
	_ =	sdelay $0x3  }
0x94: {  	_ =	strace s2  }
0x95: {  	s2 =	sld [smem:$0x3FFD];
	_ =	sdelay $0x3  }
0x96: {  	_ =	strace s2  }
0x97: {  	_ =	strace $0x8FFFFFFF  }
0x98: {  	s18 =	sld [smem:$0x3FDB];
	_ =	sdelay $0x1  }
0x99: {  	s19 =	simm.s32 $_scs_section_size  }
0x9a: {  	s4 =	simm.s32 $_size__tile_overlayer_lowered;
	s5 =	simm.s32 $_tile_overlayer_lowered  }
0x9b: {  	s22 =	simm.s32 $0x1BFF;
	s21 =	sshll.u32 s5, $0x1;
	s2 =	sadd.s32 s19, s18  }
0x9c: {  	s6 =	simm.s32 $0x0;
	s20 =	sshll.u32 s4, $0x1;
	s4 =	sadd.s32 s21, s2  }
0x9d: {  	[timem:s6], [sflag:s22] =	dma.local [hbm:s4], s20  }
0x9e: {  	_ =	swait.ge [sflag:s22], s20  }
0x9f: {  	s3 =	ssub.s32 $0x0, s20;
	[sflag:s22] =	ssyncset.done $0x0  }
0xa0: {  	[sflag:s22] =	ssyncadd.s32 s3;
	_ =	sdelay $0x1  }
0xa1: {  	s23 =	simm.s32 $0x1B8B  }
0xa2: {  	_ =	swait.ge [sflag:s23], $0x1  }
0xa3: {  	[sflag:s23] =	ssyncset.done $0x0  }
0xa4: {  	s25 =	simm.s32 $0x1B8E;
	s24 =	sld [smem:$0x3FFE];
	[sflag:s23] =	ssyncadd.s32 $0xFFFFFFFF  }
0xa5: {  	s26 =	simm.s32 $execute0_lowered;
	[smem:$0x3FD2] =	sst s25  }
0xa6: {  	s4 =	sshll.u32 s26, $0x1;
	_ =	strace $0x80000049;
	[dreg:$0x1] =	wrdreg $0xFFFFFFFF  }
0xa7: {  	s28 =	simm.s32 $_size_execute0_lowered;
	s2 =	sadd.s32 s2, s4;
	[dreg:$0x0] =	wrdreg $0x0  }
0xa8: {  	s4 =	sshll.u32 s28, $0x1;
	[dreg:$0x2] =	wrdreg s2  }
0xa9: {  	[dreg:$0x3] =	wrdreg s4  }
0xaa: {  	[dreg:$0x4] =	wrdreg $0xC0  }
0xab: {  	_ =	task [dreg:s6], $0x5FFFF  }
0xac: {  	[dreg:$0x1] =	wrdreg $0xFFFFFFFF  }
0xad: {  	[dreg:$0x0] =	wrdreg $0x60  }
0xae: {  	[dreg:$0x2] =	wrdreg s24  }
0xaf: {  	[dreg:$0x3] =	wrdreg $0x9  }
0xb0: {  	_ =	task.clear_ibuf [dreg:s6], $0x4FFFF;
	_ =	strace $0x90000049  }
0xb1: {  	s29 =	simm.s32 $0x9;
	_ =	strace $0x8000004B  }
0xb2: {  	_ =	swait.ge [sflag:s29], $0x1  }
0xb3: {  	[sflag:s29] =	ssyncadd.s32 $0xFFFFFFFF  }
0xb4: {  	_ =	strace $0x9000004B  }
0xb5: {  	_ =	sfence  }
0xb6: {  	s30 =	sld [smem:$0x0];
	_ =	sdelay $0x2  }
0xb7: {  	s31 =	sshll.u32 s1, $0xD;
	s1 =	sshrl.u32 s1, $0x2  }
0xb8: {  	s3 =	sand.u32 $0x4000, s31;
	s1 =	sadd.s32 s1, s30  }
0xb9: {  	s0 =	sor.u32 s3, s0;
	s1 =	sshll.u32 s1, $0x11  }
0xba: {  	s0 =	sor.u32 s1, s0  }
0xbb: {  	s0 =	sadd.s32 $0x8F2B, s0  }
0xbc: {  	[sflag:s0] =	ssyncadd.remote.s32 $0x1  }
0xbd: {  	_ =	sfence.sel $0xFFFF  }
0xbe: {  	[dreg:$0x0] =	wrdreg $0xFFFFFFFF;
	(pc) =	sbr.abs _section_cstart, $3  }
0xbf: {  	[dreg:$0x1] =	wrdreg $0xFFFFFFFF  }
0xc0: {  	_ =	task.clear_ibuf [dreg:s6], $0x2FFFF;
	_ =	strace $0x9FFFFFFF  }
0xc1: {  	(tm) =	ssettm $0x7FFFFFFF  }
tec
execute0_lowered:
.L_overlay_start_1:
0x0: {  	(tag) =	ssettag $0x1  }
0x1: {  	s1 =	srdreg.scid;
	s0 =	stileid.u32  }
0x2: {  	s6 =	rddreg [dreg:$0x0];
	s2 =	simm.s32 $0x0;
	s12 =	simm.s32 $0x80  }
0x3: {  	s13 =	simm.s32 $0x100;
	s14 =	simm.s32 $0x500;
	s15 =	simm.s32 $0x900  }
0x4: {  	s5 =	sand.u32 $0x1, s1;
	s3 =	smul.u32 $0xD000, s0;
	s1 =	rddreg [dreg:$0x1]  }
0x5: {  	s16 =	simm.s32 $0x0;
	[smem:$0x7FF] =	sst s2;
	s4 =	smul.u32 $0x6800, s5  }
0x6: {  	s8 =	smul.u32 $0xD0000, s0;
	_ =	strace $0x8000004A;
	s31 =	ssub.s32 $0x2, s5  }
0x7: {  	s9 =	smul.u32 $0x68000, s5;
	s11 =	sshrl.u32 s31, $0x1;
	s7 =	sadd.s32 s4, s3  }
0x8: {  	s4 =	sadd.s32 $0x32E00, s6;
	s3 =	sshrl.u32 s7, $0x3;
	s7 =	sadd.s32 s7, s6  }
0x9: {  	s10 =	sadd.s32 s3, s6;
	s3 =	sadd.s32 $0xF6E00, s6;
	s6 =	sadd.s32 s8, s6  }
0xa: {  	s5 =	sadd.s32 $0x137200, s7;
	s8 =	ssub.s32 s31, s11;
	s9 =	sadd.s32 s9, s6  }
0xb: {  	s11 =	simm.s32 $0x1;
	s6 =	sadd.s32 $0x207200, s7;
	s7 =	sadd.s32 $0x2D7200, s9  }
0xc: {  	s8 =	smax.u32 s8, $0x1;
	s9 =	sadd.s32 $0x103200, s10;
	s10 =	sadd.s32 $0x11D200, s10  }
.LBB2_1:
0xd: {  	s17 =	sadd.s32 $0x0, s10  }
0xe: {  	[tilespmem:s2], [sflag:$0x1] =	stream.linear.gather [hbm4b:s17+s2], $0x80, $0x38;
	[tilespmem:$0x4900] =	vst v63  }
0xf: {  	_ =	swait.ge [sflag:s11], $0x80  }
0x10: {  	[sflag:s11] =	ssyncset.done $0x0  }
0x11: {  	s31 =	sadd.s32 $0x0, s9;
	[sflag:s11] =	ssyncadd.s32 $0xFFFFFF80  }
0x12: {  	[tilespmem:s12], [sflag:$0x1] =	stream.linear.gather [hbm4b:s31+s2], $0x80, $0x38;
	[tilespmem:$0x4900] =	vst v63  }
0x13: {  	_ =	swait.ge [sflag:s11], $0x80  }
0x14: {  	[sflag:s11] =	ssyncset.done $0x0  }
0x15: {  	[sflag:s11] =	ssyncadd.s32 $0xFFFFFF80  }
0x16: {  	[tilespmem:s13], [sflag:$0x1] =	stream.indirect.gather [hbm4b:s3+s12], $0x8, s2, s12, $0xb8;
	[tilespmem:$0x4900] =	vst v63  }
0x17: {  	_ =	swait.ge [sflag:s11], $0x400  }
0x18: {  	[sflag:s11] =	ssyncset.done $0x0  }
0x19: {  	[sflag:s11] =	ssyncadd.s32 $0xFFFFFC00  }
0x1a: {  	[hbm4b:s6+s2] =	stream.linear.scatter [tilespmem:s13], [sflag:$0x1], $0x400, $0x38;
	[tilespmem:$0x4900] =	vst v63  }
0x1b: {  	_ =	swait.ge [sflag:s11], $0x400  }
0x1c: {  	[sflag:s11] =	ssyncset.done $0x0  }
0x1d: {  	[sflag:s11] =	ssyncadd.s32 $0xFFFFFC00  }
0x1e: {  	[tilespmem:s14], [sflag:$0x1] =	stream.indirect.gather [hbm4b:s3+s12], $0x8, s12, s12, $0xb8;
	[tilespmem:$0x4900] =	vst v63  }
0x1f: {  	_ =	swait.ge [sflag:s11], $0x400  }
0x20: {  	[sflag:s11] =	ssyncset.done $0x0  }
0x21: {  	[sflag:s11] =	ssyncadd.s32 $0xFFFFFC00  }
0x22: {  	[hbm4b:s5+s2] =	stream.linear.scatter [tilespmem:s14], [sflag:$0x1], $0x400, $0x38;
	[tilespmem:$0x4900] =	vst v63  }
0x23: {  	_ =	swait.ge [sflag:s11], $0x400  }
0x24: {  	[sflag:s11] =	ssyncset.done $0x0  }
0x25: {  	[sflag:s11] =	ssyncadd.s32 $0xFFFFFC00  }
0x26: {  	[tilespmem:s15], [sflag:$0x1] =	stream.indirect.gather [hbm4b:s4+s12], $0x80, s2, s12, $0xb8;
	[tilespmem:$0x4900] =	vst v63  }
0x27: {  	_ =	swait.ge [sflag:s11], $0x4000  }
0x28: {  	[sflag:s11] =	ssyncset.done $0x0  }
0x29: {  	s20 =	simm.s32 $0x10;
	[sflag:s11] =	ssyncadd.s32 $0xFFFFC000  }
0x2a: {  	[hbm4b:s7+s2] =	stream.linear.scatter [tilespmem:s15], [sflag:$0x1], $0x4000, $0x38;
	[tilespmem:$0x4900] =	vst v63  }
0x2b: {  	s22 =	simm.s32 $0x20;
	s18 =	sadd.s32 $0x80, s5;
	_ =	swait.ge [sflag:s11], $0x4000  }
0x2c: {  	s19 =	sadd.s32 $0x80, s6;
	s17 =	sadd.s32 $0x800, s7;
	[sflag:s11] =	ssyncset.done $0x0  }
.LBB2_2:
0x2d: {  	s23 =	sadd.s32 s20, s10  }
0x2e: {  	[sflag:s11] =	ssyncadd.s32 $0xFFFFC000;
	s24 =	smov.u32 s22;
	s21 =	sadd.s32 $0x10, s22  }
0x2f: {  	[tilespmem:s2], [sflag:$0x1] =	stream.linear.gather [hbm4b:s23+s2], $0x80, $0x38;
	[tilespmem:$0x4900] =	vst v63  }
0x30: {  	p0 =	sne.s32 s22, $0xCF0;
	_ =	swait.ge [sflag:s11], $0x80  }
0x31: {  	[sflag:s11] =	ssyncset.done $0x0  }
0x32: {  	s22 =	sadd.s32 s20, s9;
	s20 =	smov.u32 s24;
	[sflag:s11] =	ssyncadd.s32 $0xFFFFFF80  }
0x33: {  	[tilespmem:s12], [sflag:$0x1] =	stream.linear.gather [hbm4b:s22+s2], $0x80, $0x38;
	[tilespmem:$0x4900] =	vst v63  }
0x34: {  	_ =	swait.ge [sflag:s11], $0x80  }
0x35: {  	[sflag:s11] =	ssyncset.done $0x0  }
0x36: {  	[sflag:s11] =	ssyncadd.s32 $0xFFFFFF80  }
0x37: {  	[tilespmem:s13], [sflag:$0x1] =	stream.indirect.gather [hbm4b:s3+s12], $0x8, s2, s12, $0xb8;
	[tilespmem:$0x4900] =	vst v63  }
0x38: {  	_ =	swait.ge [sflag:s11], $0x400  }
0x39: {  	[sflag:s11] =	ssyncset.done $0x0  }
0x3a: {  	[sflag:s11] =	ssyncadd.s32 $0xFFFFFC00  }
0x3b: {  	[hbm4b:s19+s2] =	stream.linear.scatter [tilespmem:s13], [sflag:$0x1], $0x400, $0x38;
	[tilespmem:$0x4900] =	vst v63  }
0x3c: {  	_ =	swait.ge [sflag:s11], $0x400  }
0x3d: {  	[sflag:s11] =	ssyncset.done $0x0  }
0x3e: {  	[sflag:s11] =	ssyncadd.s32 $0xFFFFFC00  }
0x3f: {  	[tilespmem:s14], [sflag:$0x1] =	stream.indirect.gather [hbm4b:s3+s12], $0x8, s12, s12, $0xb8;
	[tilespmem:$0x4900] =	vst v63  }
0x40: {  	_ =	swait.ge [sflag:s11], $0x400  }
0x41: {  	[sflag:s11] =	ssyncset.done $0x0  }
0x42: {  	[sflag:s11] =	ssyncadd.s32 $0xFFFFFC00  }
0x43: {  	[hbm4b:s18+s2] =	stream.linear.scatter [tilespmem:s14], [sflag:$0x1], $0x400, $0x38;
	[tilespmem:$0x4900] =	vst v63  }
0x44: {  	_ =	swait.ge [sflag:s11], $0x400  }
0x45: {  	[sflag:s11] =	ssyncset.done $0x0  }
0x46: {  	[sflag:s11] =	ssyncadd.s32 $0xFFFFFC00  }
0x47: {  	[tilespmem:s15], [sflag:$0x1] =	stream.indirect.gather [hbm4b:s4+s12], $0x80, s2, s12, $0xb8;
	[tilespmem:$0x4900] =	vst v63  }
0x48: {  	_ =	swait.ge [sflag:s11], $0x4000  }
.Ltmp0:
0x49: {  	[sflag:s11] =	ssyncset.done $0x0;
	(pc) =	sbr.rel @p0 .LBB2_2-.Ltmp0, $4  }
0x4a: {  	[sflag:s11] =	ssyncadd.s32 $0xFFFFC000  }
0x4b: {  	[hbm4b:s17+s2] =	stream.linear.scatter [tilespmem:s15], [sflag:$0x1], $0x4000, $0x38;
	[tilespmem:$0x4900] =	vst v63  }
0x4c: {  	s22 =	smov.u32 s21;
	s17 =	sadd.s32 $0x800, s17;
	_ =	swait.ge [sflag:s11], $0x4000  }
0x4d: {  	s19 =	sadd.s32 $0x80, s19;
	s18 =	sadd.s32 $0x80, s18;
	[sflag:s11] =	ssyncset.done $0x0  }
0x4e: {  	s21 =	sadd.s32 s20, s10;
	[sflag:s11] =	ssyncadd.s32 $0xFFFFC000  }
0x4f: {  	[tilespmem:s2], [sflag:$0x1] =	stream.linear.gather [hbm4b:s21+s2], $0x80, $0x38;
	[tilespmem:$0x4900] =	vst v63  }
0x50: {  	_ =	swait.ge [sflag:s11], $0x80  }
0x51: {  	[sflag:s11] =	ssyncset.done $0x0  }
0x52: {  	s31 =	sadd.s32 s20, s9;
	[sflag:s11] =	ssyncadd.s32 $0xFFFFFF80  }
0x53: {  	[tilespmem:s12], [sflag:$0x1] =	stream.linear.gather [hbm4b:s31+s2], $0x80, $0x38;
	[tilespmem:$0x4900] =	vst v63  }
0x54: {  	_ =	swait.ge [sflag:s11], $0x80  }
0x55: {  	[sflag:s11] =	ssyncset.done $0x0  }
0x56: {  	[sflag:s11] =	ssyncadd.s32 $0xFFFFFF80  }
0x57: {  	[tilespmem:s13], [sflag:$0x1] =	stream.indirect.gather [hbm4b:s3+s12], $0x8, s2, s12, $0xb8;
	[tilespmem:$0x4900] =	vst v63  }
0x58: {  	_ =	swait.ge [sflag:s11], $0x400  }
0x59: {  	[sflag:s11] =	ssyncset.done $0x0  }
0x5a: {  	[sflag:s11] =	ssyncadd.s32 $0xFFFFFC00  }
0x5b: {  	[hbm4b:s19+s2] =	stream.linear.scatter [tilespmem:s13], [sflag:$0x1], $0x400, $0x38;
	[tilespmem:$0x4900] =	vst v63  }
0x5c: {  	_ =	swait.ge [sflag:s11], $0x400  }
0x5d: {  	[sflag:s11] =	ssyncset.done $0x0  }
0x5e: {  	[sflag:s11] =	ssyncadd.s32 $0xFFFFFC00  }
0x5f: {  	[tilespmem:s14], [sflag:$0x1] =	stream.indirect.gather [hbm4b:s3+s12], $0x8, s12, s12, $0xb8;
	[tilespmem:$0x4900] =	vst v63  }
0x60: {  	_ =	swait.ge [sflag:s11], $0x400  }
0x61: {  	[sflag:s11] =	ssyncset.done $0x0  }
0x62: {  	[sflag:s11] =	ssyncadd.s32 $0xFFFFFC00  }
0x63: {  	[hbm4b:s18+s2] =	stream.linear.scatter [tilespmem:s14], [sflag:$0x1], $0x400, $0x38;
	[tilespmem:$0x4900] =	vst v63  }
0x64: {  	_ =	swait.ge [sflag:s11], $0x400  }
0x65: {  	[sflag:s11] =	ssyncset.done $0x0  }
0x66: {  	[sflag:s11] =	ssyncadd.s32 $0xFFFFFC00  }
0x67: {  	[tilespmem:s15], [sflag:$0x1] =	stream.indirect.gather [hbm4b:s4+s12], $0x80, s2, s12, $0xb8;
	[tilespmem:$0x4900] =	vst v63  }
0x68: {  	s16 =	sadd.s32 $0x1, s16;
	_ =	swait.ge [sflag:s11], $0x4000  }
0x69: {  	p0 =	sne.s32 s16, s8;
	[sflag:s11] =	ssyncset.done $0x0  }
.Ltmp1:
0x6a: {  	[sflag:s11] =	ssyncadd.s32 $0xFFFFC000;
	(pc) =	sbr.rel @p0 .LBB2_1-.Ltmp1, $4  }
0x6b: {  	[hbm4b:s17+s2] =	stream.linear.scatter [tilespmem:s15], [sflag:$0x1], $0x4000, $0x38;
	[tilespmem:$0x4900] =	vst v63  }
0x6c: {  	_ =	swait.ge [sflag:s11], $0x4000  }
0x6d: {  	[sflag:s11] =	ssyncset.done $0x0  }
0x6e: {  	[sflag:s11] =	ssyncadd.s32 $0xFFFFC000  }
0x6f: {  	_ =	sfence.sel $0x180000  }
0x70: {  	[bflag:$0x0] =	sbarrier.arrive $0xFFFF  }
0x71: {  	p0 =	sne.s32 s0, $0x0;
	_ =	strace $0x9000004A  }
0x72: {  	s0 =	sadd.s32 @!p0 $0x100000, s1;
	[bflag:$0x2] =	sbarrier.arrive $0xFFFF  }
0x73: {  	[sflag:s0] =	ssyncadd.tile.s32 @!p0 $0x1;
	_ =	shalt  }
.Lfunc_end2:
_tile_overlayer_lowered:
.L_overlay_start_2:
0x74: {  	(tag) =	ssettag $0x2  }
0x75: {  	s0 =	rddreg [dreg:$0x0];
	s2 =	stileid.u32  }
0x76: {  	s1 =	rddreg [dreg:$0x1];
	p0 =	sne.s32 s2, $0x0  }
0x77: {  	s3 =	rddreg [dreg:$0x2];
	[bflag:$0x3] =	sbarrier.arrive $0xFFFF;
	s2 =	simm.s32 @!p0 $0x1C01  }
0x78: {  	[timem:s3], [sflag:s2] =	dma.local @!p0 [hbm:s0], s1  }
0x79: {  	s0 =	simm.s32 @!p0 $0x1  }
0x7a: {  	_ =	swait.ge @!p0 [sflag:s0], s1  }
0x7b: {  	s1 =	ssub.s32 @!p0 $0x0, s1;
	[sflag:s0] =	ssyncset.done @!p0 $0x0  }
0x7c: {  	[sflag:s0] =	ssyncadd.s32 @!p0 s1  }
0x7d: {  	[bflag:$0x3] =	sbarrier.arrive $0xFFFF  }
0x7e: {  	_ =	shalt  }

// kernel: kernel.22.cloned.1.call-start
scs
__scs_entry_jumppad:
0x0: {  	(pc) =	sbr.rel $0x88, $3  }
0x1: {  	(tag) =	ssettag $0x0;
	lr =	simm.s32 $0x1  }
0x2: {  	[smem:$0x3F8F] =	sst lr;
	_ =	strace $0xD0000000  }
0x3: {  	_ = 	snop  }
0x4: {  	_ = 	snop  }
0x5: {  	_ = 	snop  }
0x6: {  	_ = 	snop  }
0x7: {  	_ = 	snop  }
__scs_overlays_trampoline_lowered:
0x8: {  	[smem:$0x3F9E] =	sst s0  }
0x9: {  	[smem:$0x3F9F] =	sst s1  }
0xa: {  	[smem:$0x3FA0] =	sst s2  }
0xb: {  	[smem:$0x3FA1] =	sst s3  }
0xc: {  	[smem:$0x3FA2] =	sst s4  }
0xd: {  	[smem:$0x3FA3] =	sst s5  }
0xe: {  	[smem:$0x3FA4] =	sst s6  }
0xf: {  	[smem:$0x3FA5] =	sst s7  }
0x10: {  	[smem:$0x3FA6] =	sst s8  }
0x11: {  	[smem:$0x3FA7] =	sst s9;
	s0 =	simm.s32 @!p0 $0x0  }
0x12: {  	s1 =	sld [smem:$0x3F8D];
	s0 =	simm.s32 @p0 $0x1  }
0x13: {  	[smem:$0x3FA8] =	sst s0;
	s0 =	simm.s32 @!p1 $0x0  }
0x14: {  	s2 =	sld [smem:$0x3F8C];
	s0 =	simm.s32 @p1 $0x1  }
0x15: {  	[smem:$0x3FA9] =	sst s0;
	s0 =	simm.s32 @!p2 $0x0  }
0x16: {  	s3 =	sld [smem:$0x3FDB];
	s0 =	simm.s32 @p2 $0x1  }
0x17: {  	s4 =	simm.s32 $0x1BF5;
	[smem:$0x3FAB] =	sst s0  }
0x18: {  	s0 =	sld [smem:$0x3F8E];
	_ =	swait.ge [sflag:s4], $0x0  }
0x19: {  	s7 =	sld [smem:$0x3F8F]  }
0x1a: {  	s8 =	sadd.s32 $0xFFFFE003, lr  }
0x1b: {  	s9 =	sadd.s32 $0xFFFFFEF7, lr;
	s5 =	simm.s32 $0xFFFFFFFF;
	p2 =	slt.u32 s8, $0xFFFFF086  }
0x1c: {  	p1 =	slt.u32 s9, $0xF7A;
	s5 =	simm.s32 @!p2 $0x0  }
0x1d: {  	s5 =	simm.s32 @p1 $0x1;
	p0 =	seq.s32 s7, s2  }
0x1e: {  	s7 =	smul.u32 @!p0 $0xF7A, s2;
	p2 =	seq.s32 @!p0 s5, $0x0  }
0x1f: {  	s9 =	smul.u32 $0xF7A, s1;
	s8 =	simm.s32 @!p0 $0x1BF5;
	p2 =	por !p2, p0  }
0x20: {  	[sflag:s8] =	ssyncset.s32 @!p0 $0xFFFFF086;
	s6 =	sadd.s32 @!p0 s3, s7;
	s7 =	simm.s32 @!p0 $0x108  }
0x21: {  	s3 =	sadd.s32 s3, s9;
	s6 =	sadd.s32 @!p0 $0x88, s6;
	s7 =	simm.s32 @p2 $0x1082  }
0x22: {  	[simem:s7], [sflag:s8] =	dma.local @!p0 [hbm:s6], $0xF7A  }
0x23: {  	s9 =	sor.u32 $0xD0000000, s2;
	s6 =	simm.s32 $0x108;
	_ =	swait.ge @!p0 [sflag:s8], $0x0  }
0x24: {  	s3 =	sadd.s32 $0x88, s3;
	s6 =	simm.s32 @!p1 $0x1082;
	[sflag:s4] =	ssyncset.s32 $0xFFFFF086  }
0x25: {  	[simem:s6], [sflag:s4] =	dma.local [hbm:s3], $0xF7A  }
0x26: {  	[smem:$0x3F8F] =	sst s1;
	(tag) =	ssettag s2;
	_ =	strace s9  }
0x27: {  	s1 =	sld [smem:$0x3F9F]  }
0x28: {  	s2 =	sld [smem:$0x3FA0]  }
0x29: {  	s4 =	sld [smem:$0x3FA2]  }
0x2a: {  	p0 =	seq.s32 s5, $0x0;
	s5 =	sld [smem:$0x3FA3]  }
0x2b: {  	s6 =	sld [smem:$0x3FA4]  }
0x2c: {  	s7 =	sld [smem:$0x3FA5]  }
0x2d: {  	s3 =	simm.s32 $0x108;
	s8 =	sld [smem:$0x3FA6]  }
0x2e: {  	s3 =	simm.s32 @!p0 $0x1082;
	s9 =	sld [smem:$0x3FA7]  }
0x2f: {  	lr =	sadd.s32 s0, s3;
	s0 =	sld [smem:$0x3F9E]  }
0x30: {  	s3 =	sld [smem:$0x3FA1]  }
0x31: {  	[smem:$0x3FAA] =	sst s10  }
0x32: {  	s10 =	sld [smem:$0x3FA8];
	_ =	sdelay $0x3  }
0x33: {  	p0 =	seq.s32 s10, $0x1;
	s10 =	sld [smem:$0x3FAA];
	_ =	sdelay $0x3  }
0x34: {  	[smem:$0x3FAA] =	sst s10  }
0x35: {  	s10 =	sld [smem:$0x3FA9];
	_ =	sdelay $0x3  }
0x36: {  	p1 =	seq.s32 s10, $0x1;
	s10 =	sld [smem:$0x3FAA];
	_ =	sdelay $0x3  }
0x37: {  	[smem:$0x3FAA] =	sst s10  }
0x38: {  	s10 =	sld [smem:$0x3FAB]  }
0x39: {  	_ = 	snop;
	(pc) =	sbr.ind lr, $3  }
0x3a: {  	_ = 	snop  }
0x3b: {  	_ = 	snop  }
0x3c: {  	p2 =	seq.s32 s10, $0x1;
	s10 =	sld [smem:$0x3FAA]  }
0x3d: {  	_ =	shalt  }
0x3e: {  	_ =	shalt  }
0x3f: {  	_ =	shalt  }
0x40: {  	_ =	shalt  }
0x41: {  	_ =	shalt  }
0x42: {  	_ =	shalt  }
0x43: {  	_ =	shalt  }
0x44: {  	_ =	shalt  }
0x45: {  	_ =	shalt  }
0x46: {  	_ =	shalt  }
0x47: {  	_ =	shalt  }
0x48: {  	_ =	shalt  }
0x49: {  	_ =	shalt  }
0x4a: {  	_ =	shalt  }
0x4b: {  	_ =	shalt  }
0x4c: {  	_ =	shalt  }
0x4d: {  	_ =	shalt  }
0x4e: {  	_ =	shalt  }
0x4f: {  	_ =	shalt  }
0x50: {  	_ =	shalt  }
0x51: {  	_ =	shalt  }
0x52: {  	_ =	shalt  }
0x53: {  	_ =	shalt  }
0x54: {  	_ =	shalt  }
0x55: {  	_ =	shalt  }
0x56: {  	_ =	shalt  }
0x57: {  	_ =	shalt  }
0x58: {  	_ =	shalt  }
0x59: {  	_ =	shalt  }
0x5a: {  	_ =	shalt  }
0x5b: {  	_ =	shalt  }
0x5c: {  	_ =	shalt  }
0x5d: {  	_ =	shalt  }
0x5e: {  	_ =	shalt  }
0x5f: {  	_ =	shalt  }
0x60: {  	_ =	shalt  }
0x61: {  	_ =	shalt  }
0x62: {  	_ =	shalt  }
0x63: {  	_ =	shalt  }
0x64: {  	_ =	shalt  }
0x65: {  	_ =	shalt  }
0x66: {  	_ =	shalt  }
0x67: {  	_ =	shalt  }
0x68: {  	_ =	shalt  }
0x69: {  	_ =	shalt  }
0x6a: {  	_ =	shalt  }
0x6b: {  	_ =	shalt  }
0x6c: {  	_ =	shalt  }
0x6d: {  	_ =	shalt  }
0x6e: {  	_ =	shalt  }
0x6f: {  	_ =	shalt  }
0x70: {  	_ =	shalt  }
0x71: {  	_ =	shalt  }
0x72: {  	_ =	shalt  }
0x73: {  	_ =	shalt  }
0x74: {  	_ =	shalt  }
0x75: {  	_ =	shalt  }
0x76: {  	_ =	shalt  }
0x77: {  	_ =	shalt  }
0x78: {  	_ =	shalt  }
0x79: {  	_ =	shalt  }
0x7a: {  	_ =	shalt  }
0x7b: {  	_ =	shalt  }
0x7c: {  	_ =	shalt  }
0x7d: {  	_ =	shalt  }
0x7e: {  	_ =	shalt  }
0x7f: {  	_ =	shalt  }
0x80: {  	_ =	shalt  }
0x81: {  	_ =	shalt  }
0x82: {  	_ =	shalt  }
0x83: {  	_ =	shalt  }
0x84: {  	_ =	shalt  }
0x85: {  	_ =	shalt  }
0x86: {  	_ =	shalt  }
0x87: {  	_ =	shalt  }
.Lfunc_end0:
.L_simem_size_0:
called_computation.2_lowered:
.L_overlay_start_0:
0x88: {  	s2 =	sld [smem:$0x3FD9]  }
0x89: {  	s3 =	sld [smem:$0x3FFE];
	_ =	sdelay $0x1  }
0x8a: {  	s1 =	srdreg.scid  }
0x8b: {  	s0 =	sand.u32 $0x1, s1  }
0x8c: {  	s16 =	sshll.u32 s0, $0xA;
	s2 =	sadd.s32 s3, s2  }
0x8d: {  	s2 =	sadd.s32 s2, s16  }
0x8e: {  	[smem:$0x3FB6] =	sst s2  }
0x8f: {  	_ = 	snop  }
0x90: {  	(tm) =	ssettm $0x1  }
0x91: {  	s17 =	sld [smem:$0x3FFB];
	_ =	sdelay $0x3  }
0x92: {  	_ =	strace s17  }
0x93: {  	s2 =	sld [smem:$0x3FFC];
	_ =	sdelay $0x3  }
0x94: {  	_ =	strace s2  }
0x95: {  	s2 =	sld [smem:$0x3FFD];
	_ =	sdelay $0x3  }
0x96: {  	_ =	strace s2  }
0x97: {  	_ =	strace $0x8FFFFFFF  }
0x98: {  	s18 =	sld [smem:$0x3FDB];
	_ =	sdelay $0x1  }
0x99: {  	s19 =	simm.s32 $_scs_section_size  }
0x9a: {  	s4 =	simm.s32 $_size__tile_overlayer_lowered;
	s5 =	simm.s32 $_tile_overlayer_lowered  }
0x9b: {  	s22 =	simm.s32 $0x1BFF;
	s21 =	sshll.u32 s5, $0x1;
	s2 =	sadd.s32 s19, s18  }
0x9c: {  	s6 =	simm.s32 $0x0;
	s20 =	sshll.u32 s4, $0x1;
	s4 =	sadd.s32 s21, s2  }
0x9d: {  	[timem:s6], [sflag:s22] =	dma.local [hbm:s4], s20  }
0x9e: {  	_ =	swait.ge [sflag:s22], s20  }
0x9f: {  	s3 =	ssub.s32 $0x0, s20;
	[sflag:s22] =	ssyncset.done $0x0  }
0xa0: {  	[sflag:s22] =	ssyncadd.s32 s3;
	_ =	sdelay $0x1  }
0xa1: {  	s23 =	simm.s32 $0x1B8B  }
0xa2: {  	_ =	swait.ge [sflag:s23], $0x1  }
0xa3: {  	[sflag:s23] =	ssyncset.done $0x0  }
0xa4: {  	s25 =	simm.s32 $0x1B8E;
	s24 =	sld [smem:$0x3FFE];
	[sflag:s23] =	ssyncadd.s32 $0xFFFFFFFF  }
0xa5: {  	s26 =	simm.s32 $execute0_lowered;
	[smem:$0x3FD2] =	sst s25  }
0xa6: {  	s4 =	sshll.u32 s26, $0x1;
	_ =	strace $0x8000004C;
	[dreg:$0x1] =	wrdreg $0xFFFFFFFF  }
0xa7: {  	s28 =	simm.s32 $_size_execute0_lowered;
	s2 =	sadd.s32 s2, s4;
	[dreg:$0x0] =	wrdreg $0x0  }
0xa8: {  	s4 =	sshll.u32 s28, $0x1;
	[dreg:$0x2] =	wrdreg s2  }
0xa9: {  	[dreg:$0x3] =	wrdreg s4  }
0xaa: {  	[dreg:$0x4] =	wrdreg $0xC0  }
0xab: {  	_ =	task [dreg:s6], $0x5FFFF  }
0xac: {  	[dreg:$0x1] =	wrdreg $0xFFFFFFFF  }
0xad: {  	[dreg:$0x0] =	wrdreg $0x60  }
0xae: {  	[dreg:$0x2] =	wrdreg s24  }
0xaf: {  	[dreg:$0x3] =	wrdreg $0x14800  }
0xb0: {  	[dreg:$0x4] =	wrdreg $0x9  }
0xb1: {  	_ =	task.clear_ibuf [dreg:s6], $0x5FFFF;
	_ =	strace $0x9000004C  }
0xb2: {  	s29 =	simm.s32 $0x9;
	_ =	strace $0x8000004E  }
0xb3: {  	_ =	swait.ge [sflag:s29], $0x1  }
0xb4: {  	[sflag:s29] =	ssyncadd.s32 $0xFFFFFFFF  }
0xb5: {  	_ =	strace $0x9000004E  }
0xb6: {  	_ =	sfence  }
0xb7: {  	s30 =	sld [smem:$0x0];
	_ =	sdelay $0x2  }
0xb8: {  	s31 =	sshll.u32 s1, $0xD;
	s1 =	sshrl.u32 s1, $0x2  }
0xb9: {  	s3 =	sand.u32 $0x4000, s31;
	s1 =	sadd.s32 s1, s30  }
0xba: {  	s0 =	sor.u32 s3, s0;
	s1 =	sshll.u32 s1, $0x11  }
0xbb: {  	s0 =	sor.u32 s1, s0  }
0xbc: {  	s0 =	sadd.s32 $0x8F2B, s0  }
0xbd: {  	[sflag:s0] =	ssyncadd.remote.s32 $0x1  }
0xbe: {  	_ =	sfence.sel $0xFFFF  }
0xbf: {  	[dreg:$0x0] =	wrdreg $0xFFFFFFFF;
	(pc) =	sbr.abs _section_cstart, $3  }
0xc0: {  	[dreg:$0x1] =	wrdreg $0xFFFFFFFF  }
0xc1: {  	_ =	task.clear_ibuf [dreg:s6], $0x2FFFF;
	_ =	strace $0x9FFFFFFF  }
0xc2: {  	(tm) =	ssettm $0x7FFFFFFF  }
0xc3: {  	_ =	shalt  }
tec
execute0_lowered:
.L_overlay_start_1:
0x0: {  	(tag) =	ssettag $0x1  }
0x1: {  	s1 =	srdreg.scid  }
0x2: {  	s0 =	stileid.u32;
	s6 =	rddreg [dreg:$0x0]  }
0x3: {  	s2 =	rddreg [dreg:$0x1];
	s4 =	smul.u32 $0xD000, s0  }
0x4: {  	s3 =	simm.s32 $0x0;
	s17 =	simm.s32 $0x1;
	s8 =	smul.u32 $0x1EA00, s0  }
0x5: {  	s18 =	simm.s32 $0x80;
	s5 =	sand.u32 $0x1, s1;
	s28 =	smul.u32 $0x41000, s0  }
0x6: {  	s19 =	simm.s32 $0x0;
	s1 =	rddreg [dreg:$0x2];
	s7 =	smul.u32 $0x6800, s5  }
0x7: {  	[smem:$0x7FF] =	sst s3;
	s11 =	sshll.u32 s0, $0x6;
	s9 =	smul.u32 $0x1EA000, s5  }
0x8: {  	_ =	strace $0x8000004D;
	s30 =	ssub.s32 $0x2, s5;
	s13 =	smul.u32 $0x20800, s5  }
0x9: {  	s5 =	sor.u32 $0x1C01, s11;
	s10 =	sadd.s32 s28, s6;
	s31 =	sshrl.u32 s30, $0x1  }
0xa: {  	s16 =	sadd.s32 s8, s2;
	s4 =	sadd.s32 s7, s4;
	s9 =	sadd.s32 s8, s9  }
0xb: {  	s14 =	ssub.s32 s30, s31;
	s15 =	sadd.s32 s13, s10;
	s4 =	sshrl.u32 s4, $0x3  }
0xc: {  	s29 =	sshrl.u32 s9, $0x3;
	s10 =	sadd.s32 $0xD67200, s15;
	s13 =	sadd.s32 $0x957200, s15  }
0xd: {  	s11 =	smax.u32 s14, $0x1;
	s14 =	sadd.s32 $0x547200, s15;
	s15 =	sadd.s32 $0x137200, s15  }
0xe: {  	s12 =	sadd.s32 s4, s6;
	s4 =	sadd.s32 $0x6C00, s6;
	s9 =	sadd.s32 s29, s6  }
0xf: {  	s16 =	sshrl.u32 s16, $0x3;
	s6 =	sadd.s32 $0x11F1A00, s9;
	s7 =	sadd.s32 $0x1177200, s9  }
0x10: {  	s8 =	sadd.s32 $0x85200, s9;
	s9 =	sadd.s32 $0xAA00, s9;
	s12 =	sadd.s32 $0x103200, s12  }
.LBB2_1:
0x11: {  	[spmem:s16], [sflag:s5] =	dma.local [hbm:s4], $0x3D40  }
0x12: {  	_ =	swait.ge [sflag:s17], $0x3D40  }
0x13: {  	[sflag:s17] =	ssyncset.done $0x0  }
0x14: {  	[sflag:s17] =	ssyncadd.s32 $0xFFFFC2C0  }
0x15: {  	s20 =	sadd.s32 $0x0, s12;
	[bflag:$0x0] =	sbarrier.arrive $0xFFFF  }
0x16: {  	[tilespmem:s3], [sflag:$0x1] =	stream.linear.gather [hbm4b:s20+s3], $0x80, $0x38;
	[tilespmem:$0x1FE80] =	vst v63  }
0x17: {  	_ =	swait.ge [sflag:s17], $0x80  }
0x18: {  	[sflag:s17] =	ssyncset.done $0x0  }
0x19: {  	[sflag:s17] =	ssyncadd.s32 $0xFFFFFF80  }
0x1a: {  	[tilespmem:s18], [sflag:$0x1] =	stream.linear.gather [hbm4b:s10+s3], $0x1400, $0x38;
	[tilespmem:$0x1FE80] =	vst v63  }
0x1b: {  	_ =	swait.ge [sflag:s17], $0x1400  }
0x1c: {  	[sflag:s17] =	ssyncset.done $0x0  }
0x1d: {  	[sflag:s17] =	ssyncadd.s32 $0xFFFFEC00  }
0x1e: {  	[spmem:s2] =	stream.indirect.scatter.add.f32 [tilespmem:s18], [sflag:$0x1], $0x28, s3, s18, $0xb8;
	[tilespmem:$0x1FE80] =	vst v63  }
0x1f: {  	s21 =	simm.s32 $0x10;
	_ =	swait.ge [sflag:s17], $0x1400  }
0x20: {  	s22 =	simm.s32 $0x20;
	s20 =	sadd.s32 $0x280, s10;
	[sflag:s17] =	ssyncset.done $0x0  }
.LBB2_2:
0x21: {  	s23 =	sadd.s32 s21, s12  }
0x22: {  	[sflag:s17] =	ssyncadd.s32 $0xFFFFEC00;
	s21 =	smov.u32 s22;
	s24 =	sadd.s32 $0x10, s22  }
0x23: {  	[tilespmem:s3], [sflag:$0x1] =	stream.linear.gather [hbm4b:s23+s3], $0x80, $0x38;
	[tilespmem:$0x1FE80] =	vst v63  }
0x24: {  	p0 =	sne.s32 s22, $0xCF0;
	_ =	swait.ge [sflag:s17], $0x80  }
0x25: {  	[sflag:s17] =	ssyncset.done $0x0  }
0x26: {  	[sflag:s17] =	ssyncadd.s32 $0xFFFFFF80  }
0x27: {  	[tilespmem:s18], [sflag:$0x1] =	stream.linear.gather [hbm4b:s20+s3], $0x1400, $0x38;
	[tilespmem:$0x1FE80] =	vst v63  }
0x28: {  	_ =	swait.ge [sflag:s17], $0x1400  }
.Ltmp0:
0x29: {  	[sflag:s17] =	ssyncset.done $0x0;
	(pc) =	sbr.rel @p0 .LBB2_2-.Ltmp0, $4  }
0x2a: {  	[sflag:s17] =	ssyncadd.s32 $0xFFFFEC00  }
0x2b: {  	[spmem:s2] =	stream.indirect.scatter.add.f32 [tilespmem:s18], [sflag:$0x1], $0x28, s3, s18, $0xb8;
	[tilespmem:$0x1FE80] =	vst v63  }
0x2c: {  	_ =	swait.ge [sflag:s17], $0x1400  }
0x2d: {  	s22 =	smov.u32 s24;
	s20 =	sadd.s32 $0x280, s20;
	[sflag:s17] =	ssyncset.done $0x0  }
0x2e: {  	s21 =	sadd.s32 s21, s12;
	[sflag:s17] =	ssyncadd.s32 $0xFFFFEC00  }
0x2f: {  	[tilespmem:s3], [sflag:$0x1] =	stream.linear.gather [hbm4b:s21+s3], $0x80, $0x38;
	[tilespmem:$0x1FE80] =	vst v63  }
0x30: {  	_ =	swait.ge [sflag:s17], $0x80  }
0x31: {  	[sflag:s17] =	ssyncset.done $0x0  }
0x32: {  	[sflag:s17] =	ssyncadd.s32 $0xFFFFFF80  }
0x33: {  	[tilespmem:s18], [sflag:$0x1] =	stream.linear.gather [hbm4b:s20+s3], $0x1400, $0x38;
	[tilespmem:$0x1FE80] =	vst v63  }
0x34: {  	_ =	swait.ge [sflag:s17], $0x1400  }
0x35: {  	[sflag:s17] =	ssyncset.done $0x0  }
0x36: {  	[sflag:s17] =	ssyncadd.s32 $0xFFFFEC00  }
0x37: {  	[spmem:s2] =	stream.indirect.scatter.add.f32 [tilespmem:s18], [sflag:$0x1], $0x28, s3, s18, $0xb8;
	[tilespmem:$0x1FE80] =	vst v63  }
0x38: {  	_ =	swait.ge [sflag:s17], $0x1400  }
0x39: {  	[sflag:s17] =	ssyncset.done $0x0  }
0x3a: {  	[sflag:s17] =	ssyncadd.s32 $0xFFFFEC00  }
0x3b: {  	[bflag:$0x0] =	sbarrier.arrive $0xFFFF  }
0x3c: {  	[hbm:s6], [sflag:s5] =	dma.local [spmem:s16], $0x3D40  }
0x3d: {  	_ =	swait.ge [sflag:s17], $0x3D40  }
0x3e: {  	[sflag:s17] =	ssyncset.done $0x0  }
0x3f: {  	[sflag:s17] =	ssyncadd.s32 $0xFFFFC2C0  }
0x40: {  	[bflag:$0x0] =	sbarrier.arrive $0xFFFF  }
0x41: {  	[spmem:s16], [sflag:s5] =	dma.local [hbm:s4], $0x3D40  }
0x42: {  	_ =	swait.ge [sflag:s17], $0x3D40  }
0x43: {  	[sflag:s17] =	ssyncset.done $0x0  }
0x44: {  	[sflag:s17] =	ssyncadd.s32 $0xFFFFC2C0  }
0x45: {  	s31 =	sadd.s32 $0x0, s12;
	[bflag:$0x0] =	sbarrier.arrive $0xFFFF  }
0x46: {  	[tilespmem:s3], [sflag:$0x1] =	stream.linear.gather [hbm4b:s31+s3], $0x80, $0x38;
	[tilespmem:$0x1FE80] =	vst v63  }
0x47: {  	_ =	swait.ge [sflag:s17], $0x80  }
0x48: {  	[sflag:s17] =	ssyncset.done $0x0  }
0x49: {  	[sflag:s17] =	ssyncadd.s32 $0xFFFFFF80  }
0x4a: {  	[tilespmem:s18], [sflag:$0x1] =	stream.linear.gather [hbm4b:s13+s3], $0x1400, $0x38;
	[tilespmem:$0x1FE80] =	vst v63  }
0x4b: {  	_ =	swait.ge [sflag:s17], $0x1400  }
0x4c: {  	[sflag:s17] =	ssyncset.done $0x0  }
0x4d: {  	[sflag:s17] =	ssyncadd.s32 $0xFFFFEC00  }
0x4e: {  	[spmem:s2] =	stream.indirect.scatter.add.f32 [tilespmem:s18], [sflag:$0x1], $0x28, s3, s18, $0xb8;
	[tilespmem:$0x1FE80] =	vst v63  }
0x4f: {  	s22 =	simm.s32 $0x20;
	_ =	swait.ge [sflag:s17], $0x1400  }
0x50: {  	s21 =	simm.s32 $0x10;
	s20 =	sadd.s32 $0x280, s13;
	[sflag:s17] =	ssyncset.done $0x0  }
.LBB2_4:
0x51: {  	s23 =	sadd.s32 s21, s12  }
0x52: {  	[sflag:s17] =	ssyncadd.s32 $0xFFFFEC00;
	s21 =	smov.u32 s22;
	s24 =	sadd.s32 $0x10, s22  }
0x53: {  	[tilespmem:s3], [sflag:$0x1] =	stream.linear.gather [hbm4b:s23+s3], $0x80, $0x38;
	[tilespmem:$0x1FE80] =	vst v63  }
0x54: {  	p0 =	sne.s32 s22, $0xCF0;
	_ =	swait.ge [sflag:s17], $0x80  }
0x55: {  	[sflag:s17] =	ssyncset.done $0x0  }
0x56: {  	[sflag:s17] =	ssyncadd.s32 $0xFFFFFF80  }
0x57: {  	[tilespmem:s18], [sflag:$0x1] =	stream.linear.gather [hbm4b:s20+s3], $0x1400, $0x38;
	[tilespmem:$0x1FE80] =	vst v63  }
0x58: {  	_ =	swait.ge [sflag:s17], $0x1400  }
.Ltmp1:
0x59: {  	[sflag:s17] =	ssyncset.done $0x0;
	(pc) =	sbr.rel @p0 .LBB2_4-.Ltmp1, $4  }
0x5a: {  	[sflag:s17] =	ssyncadd.s32 $0xFFFFEC00  }
0x5b: {  	[spmem:s2] =	stream.indirect.scatter.add.f32 [tilespmem:s18], [sflag:$0x1], $0x28, s3, s18, $0xb8;
	[tilespmem:$0x1FE80] =	vst v63  }
0x5c: {  	_ =	swait.ge [sflag:s17], $0x1400  }
0x5d: {  	s22 =	smov.u32 s24;
	s20 =	sadd.s32 $0x280, s20;
	[sflag:s17] =	ssyncset.done $0x0  }
0x5e: {  	s21 =	sadd.s32 s21, s12;
	[sflag:s17] =	ssyncadd.s32 $0xFFFFEC00  }
0x5f: {  	[tilespmem:s3], [sflag:$0x1] =	stream.linear.gather [hbm4b:s21+s3], $0x80, $0x38;
	[tilespmem:$0x1FE80] =	vst v63  }
0x60: {  	_ =	swait.ge [sflag:s17], $0x80  }
0x61: {  	[sflag:s17] =	ssyncset.done $0x0  }
0x62: {  	[sflag:s17] =	ssyncadd.s32 $0xFFFFFF80  }
0x63: {  	[tilespmem:s18], [sflag:$0x1] =	stream.linear.gather [hbm4b:s20+s3], $0x1400, $0x38;
	[tilespmem:$0x1FE80] =	vst v63  }
0x64: {  	_ =	swait.ge [sflag:s17], $0x1400  }
0x65: {  	[sflag:s17] =	ssyncset.done $0x0  }
0x66: {  	[sflag:s17] =	ssyncadd.s32 $0xFFFFEC00  }
0x67: {  	[spmem:s2] =	stream.indirect.scatter.add.f32 [tilespmem:s18], [sflag:$0x1], $0x28, s3, s18, $0xb8;
	[tilespmem:$0x1FE80] =	vst v63  }
0x68: {  	_ =	swait.ge [sflag:s17], $0x1400  }
0x69: {  	[sflag:s17] =	ssyncset.done $0x0  }
0x6a: {  	[sflag:s17] =	ssyncadd.s32 $0xFFFFEC00  }
0x6b: {  	[bflag:$0x0] =	sbarrier.arrive $0xFFFF  }
0x6c: {  	[hbm:s7], [sflag:s5] =	dma.local [spmem:s16], $0x3D40  }
0x6d: {  	_ =	swait.ge [sflag:s17], $0x3D40  }
0x6e: {  	[sflag:s17] =	ssyncset.done $0x0  }
0x6f: {  	[sflag:s17] =	ssyncadd.s32 $0xFFFFC2C0  }
0x70: {  	[bflag:$0x0] =	sbarrier.arrive $0xFFFF  }
0x71: {  	[spmem:s16], [sflag:s5] =	dma.local [hbm:s4], $0x3D40  }
0x72: {  	_ =	swait.ge [sflag:s17], $0x3D40  }
0x73: {  	[sflag:s17] =	ssyncset.done $0x0  }
0x74: {  	[sflag:s17] =	ssyncadd.s32 $0xFFFFC2C0  }
0x75: {  	s31 =	sadd.s32 $0x0, s12;
	[bflag:$0x0] =	sbarrier.arrive $0xFFFF  }
0x76: {  	[tilespmem:s3], [sflag:$0x1] =	stream.linear.gather [hbm4b:s31+s3], $0x80, $0x38;
	[tilespmem:$0x1FE80] =	vst v63  }
0x77: {  	_ =	swait.ge [sflag:s17], $0x80  }
0x78: {  	[sflag:s17] =	ssyncset.done $0x0  }
0x79: {  	[sflag:s17] =	ssyncadd.s32 $0xFFFFFF80  }
0x7a: {  	[tilespmem:s18], [sflag:$0x1] =	stream.linear.gather [hbm4b:s14+s3], $0x1400, $0x38;
	[tilespmem:$0x1FE80] =	vst v63  }
0x7b: {  	_ =	swait.ge [sflag:s17], $0x1400  }
0x7c: {  	[sflag:s17] =	ssyncset.done $0x0  }
0x7d: {  	[sflag:s17] =	ssyncadd.s32 $0xFFFFEC00  }
0x7e: {  	[spmem:s2] =	stream.indirect.scatter.add.f32 [tilespmem:s18], [sflag:$0x1], $0x28, s3, s18, $0xb8;
	[tilespmem:$0x1FE80] =	vst v63  }
0x7f: {  	s22 =	simm.s32 $0x20;
	_ =	swait.ge [sflag:s17], $0x1400  }
0x80: {  	s21 =	simm.s32 $0x10;
	s20 =	sadd.s32 $0x280, s14;
	[sflag:s17] =	ssyncset.done $0x0  }
.LBB2_6:
0x81: {  	s23 =	sadd.s32 s21, s12  }
0x82: {  	[sflag:s17] =	ssyncadd.s32 $0xFFFFEC00;
	s21 =	smov.u32 s22;
	s24 =	sadd.s32 $0x10, s22  }
0x83: {  	[tilespmem:s3], [sflag:$0x1] =	stream.linear.gather [hbm4b:s23+s3], $0x80, $0x38;
	[tilespmem:$0x1FE80] =	vst v63  }
0x84: {  	p0 =	sne.s32 s22, $0xCF0;
	_ =	swait.ge [sflag:s17], $0x80  }
0x85: {  	[sflag:s17] =	ssyncset.done $0x0  }
0x86: {  	[sflag:s17] =	ssyncadd.s32 $0xFFFFFF80  }
0x87: {  	[tilespmem:s18], [sflag:$0x1] =	stream.linear.gather [hbm4b:s20+s3], $0x1400, $0x38;
	[tilespmem:$0x1FE80] =	vst v63  }
0x88: {  	_ =	swait.ge [sflag:s17], $0x1400  }
.Ltmp2:
0x89: {  	[sflag:s17] =	ssyncset.done $0x0;
	(pc) =	sbr.rel @p0 .LBB2_6-.Ltmp2, $4  }
0x8a: {  	[sflag:s17] =	ssyncadd.s32 $0xFFFFEC00  }
0x8b: {  	[spmem:s2] =	stream.indirect.scatter.add.f32 [tilespmem:s18], [sflag:$0x1], $0x28, s3, s18, $0xb8;
	[tilespmem:$0x1FE80] =	vst v63  }
0x8c: {  	_ =	swait.ge [sflag:s17], $0x1400  }
0x8d: {  	s22 =	smov.u32 s24;
	s20 =	sadd.s32 $0x280, s20;
	[sflag:s17] =	ssyncset.done $0x0  }
0x8e: {  	s21 =	sadd.s32 s21, s12;
	[sflag:s17] =	ssyncadd.s32 $0xFFFFEC00  }
0x8f: {  	[tilespmem:s3], [sflag:$0x1] =	stream.linear.gather [hbm4b:s21+s3], $0x80, $0x38;
	[tilespmem:$0x1FE80] =	vst v63  }
0x90: {  	_ =	swait.ge [sflag:s17], $0x80  }
0x91: {  	[sflag:s17] =	ssyncset.done $0x0  }
0x92: {  	[sflag:s17] =	ssyncadd.s32 $0xFFFFFF80  }
0x93: {  	[tilespmem:s18], [sflag:$0x1] =	stream.linear.gather [hbm4b:s20+s3], $0x1400, $0x38;
	[tilespmem:$0x1FE80] =	vst v63  }
0x94: {  	_ =	swait.ge [sflag:s17], $0x1400  }
0x95: {  	[sflag:s17] =	ssyncset.done $0x0  }
0x96: {  	[sflag:s17] =	ssyncadd.s32 $0xFFFFEC00  }
0x97: {  	[spmem:s2] =	stream.indirect.scatter.add.f32 [tilespmem:s18], [sflag:$0x1], $0x28, s3, s18, $0xb8;
	[tilespmem:$0x1FE80] =	vst v63  }
0x98: {  	_ =	swait.ge [sflag:s17], $0x1400  }
0x99: {  	[sflag:s17] =	ssyncset.done $0x0  }
0x9a: {  	[sflag:s17] =	ssyncadd.s32 $0xFFFFEC00  }
0x9b: {  	[bflag:$0x0] =	sbarrier.arrive $0xFFFF  }
0x9c: {  	[hbm:s8], [sflag:s5] =	dma.local [spmem:s16], $0x3D40  }
0x9d: {  	_ =	swait.ge [sflag:s17], $0x3D40  }
0x9e: {  	[sflag:s17] =	ssyncset.done $0x0  }
0x9f: {  	[sflag:s17] =	ssyncadd.s32 $0xFFFFC2C0  }
0xa0: {  	[bflag:$0x0] =	sbarrier.arrive $0xFFFF  }
0xa1: {  	[spmem:s16], [sflag:s5] =	dma.local [hbm:s4], $0x3D40  }
0xa2: {  	_ =	swait.ge [sflag:s17], $0x3D40  }
0xa3: {  	[sflag:s17] =	ssyncset.done $0x0  }
0xa4: {  	[sflag:s17] =	ssyncadd.s32 $0xFFFFC2C0  }
0xa5: {  	s31 =	sadd.s32 $0x0, s12;
	[bflag:$0x0] =	sbarrier.arrive $0xFFFF  }
0xa6: {  	[tilespmem:s3], [sflag:$0x1] =	stream.linear.gather [hbm4b:s31+s3], $0x80, $0x38;
	[tilespmem:$0x1FE80] =	vst v63  }
0xa7: {  	_ =	swait.ge [sflag:s17], $0x80  }
0xa8: {  	[sflag:s17] =	ssyncset.done $0x0  }
0xa9: {  	[sflag:s17] =	ssyncadd.s32 $0xFFFFFF80  }
0xaa: {  	[tilespmem:s18], [sflag:$0x1] =	stream.linear.gather [hbm4b:s15+s3], $0x1400, $0x38;
	[tilespmem:$0x1FE80] =	vst v63  }
0xab: {  	_ =	swait.ge [sflag:s17], $0x1400  }
0xac: {  	[sflag:s17] =	ssyncset.done $0x0  }
0xad: {  	[sflag:s17] =	ssyncadd.s32 $0xFFFFEC00  }
0xae: {  	[spmem:s2] =	stream.indirect.scatter.add.f32 [tilespmem:s18], [sflag:$0x1], $0x28, s3, s18, $0xb8;
	[tilespmem:$0x1FE80] =	vst v63  }
0xaf: {  	s22 =	simm.s32 $0x20;
	_ =	swait.ge [sflag:s17], $0x1400  }
0xb0: {  	s21 =	simm.s32 $0x10;
	s20 =	sadd.s32 $0x280, s15;
	[sflag:s17] =	ssyncset.done $0x0  }
.LBB2_8:
0xb1: {  	s23 =	sadd.s32 s21, s12  }
0xb2: {  	[sflag:s17] =	ssyncadd.s32 $0xFFFFEC00;
	s21 =	smov.u32 s22;
	s24 =	sadd.s32 $0x10, s22  }
0xb3: {  	[tilespmem:s3], [sflag:$0x1] =	stream.linear.gather [hbm4b:s23+s3], $0x80, $0x38;
	[tilespmem:$0x1FE80] =	vst v63  }
0xb4: {  	p0 =	sne.s32 s22, $0xCF0;
	_ =	swait.ge [sflag:s17], $0x80  }
0xb5: {  	[sflag:s17] =	ssyncset.done $0x0  }
0xb6: {  	[sflag:s17] =	ssyncadd.s32 $0xFFFFFF80  }
0xb7: {  	[tilespmem:s18], [sflag:$0x1] =	stream.linear.gather [hbm4b:s20+s3], $0x1400, $0x38;
	[tilespmem:$0x1FE80] =	vst v63  }
0xb8: {  	_ =	swait.ge [sflag:s17], $0x1400  }
.Ltmp3:
0xb9: {  	[sflag:s17] =	ssyncset.done $0x0;
	(pc) =	sbr.rel @p0 .LBB2_8-.Ltmp3, $4  }
0xba: {  	[sflag:s17] =	ssyncadd.s32 $0xFFFFEC00  }
0xbb: {  	[spmem:s2] =	stream.indirect.scatter.add.f32 [tilespmem:s18], [sflag:$0x1], $0x28, s3, s18, $0xb8;
	[tilespmem:$0x1FE80] =	vst v63  }
0xbc: {  	_ =	swait.ge [sflag:s17], $0x1400  }
0xbd: {  	s22 =	smov.u32 s24;
	s20 =	sadd.s32 $0x280, s20;
	[sflag:s17] =	ssyncset.done $0x0  }
0xbe: {  	s21 =	sadd.s32 s21, s12;
	[sflag:s17] =	ssyncadd.s32 $0xFFFFEC00  }
0xbf: {  	[tilespmem:s3], [sflag:$0x1] =	stream.linear.gather [hbm4b:s21+s3], $0x80, $0x38;
	[tilespmem:$0x1FE80] =	vst v63  }
0xc0: {  	_ =	swait.ge [sflag:s17], $0x80  }
0xc1: {  	[sflag:s17] =	ssyncset.done $0x0  }
0xc2: {  	[sflag:s17] =	ssyncadd.s32 $0xFFFFFF80  }
0xc3: {  	[tilespmem:s18], [sflag:$0x1] =	stream.linear.gather [hbm4b:s20+s3], $0x1400, $0x38;
	[tilespmem:$0x1FE80] =	vst v63  }
0xc4: {  	_ =	swait.ge [sflag:s17], $0x1400  }
0xc5: {  	[sflag:s17] =	ssyncset.done $0x0  }
0xc6: {  	[sflag:s17] =	ssyncadd.s32 $0xFFFFEC00  }
0xc7: {  	[spmem:s2] =	stream.indirect.scatter.add.f32 [tilespmem:s18], [sflag:$0x1], $0x28, s3, s18, $0xb8;
	[tilespmem:$0x1FE80] =	vst v63  }
0xc8: {  	_ =	swait.ge [sflag:s17], $0x1400  }
0xc9: {  	[sflag:s17] =	ssyncset.done $0x0  }
0xca: {  	s19 =	sadd.s32 $0x1, s19;
	[sflag:s17] =	ssyncadd.s32 $0xFFFFEC00  }
0xcb: {  	p0 =	sne.s32 s19, s11;
	[bflag:$0x0] =	sbarrier.arrive $0xFFFF  }
0xcc: {  	[hbm:s9], [sflag:s5] =	dma.local [spmem:s16], $0x3D40  }
.Ltmp4:
0xcd: {  	_ =	swait.ge [sflag:s17], $0x3D40;
	(pc) =	sbr.rel @p0 .LBB2_1-.Ltmp4, $3  }
0xce: {  	[sflag:s17] =	ssyncset.done $0x0  }
0xcf: {  	[sflag:s17] =	ssyncadd.s32 $0xFFFFC2C0  }
0xd0: {  	[bflag:$0x0] =	sbarrier.arrive $0xFFFF;
	_ =	sdelay $0x1  }
0xd1: {  	_ =	sfence.sel $0x180000  }
0xd2: {  	[bflag:$0x0] =	sbarrier.arrive $0xFFFF  }
0xd3: {  	p0 =	sne.s32 s0, $0x0;
	_ =	strace $0x9000004D  }
0xd4: {  	s0 =	sadd.s32 @!p0 $0x100000, s1;
	[bflag:$0x2] =	sbarrier.arrive $0xFFFF  }
0xd5: {  	[sflag:s0] =	ssyncadd.tile.s32 @!p0 $0x1;
	_ =	shalt  }
.Lfunc_end2:
_tile_overlayer_lowered:
.L_overlay_start_2:
0xd6: {  	(tag) =	ssettag $0x2  }
0xd7: {  	s0 =	rddreg [dreg:$0x0];
	s2 =	stileid.u32  }
0xd8: {  	s1 =	rddreg [dreg:$0x1];
	p0 =	sne.s32 s2, $0x0  }
0xd9: {  	s3 =	rddreg [dreg:$0x2];
	[bflag:$0x3] =	sbarrier.arrive $0xFFFF;
	s2 =	simm.s32 @!p0 $0x1C01  }
0xda: {  	[timem:s3], [sflag:s2] =	dma.local @!p0 [hbm:s0], s1  }
0xdb: {  	s0 =	simm.s32 @!p0 $0x1  }
0xdc: {  	_ =	swait.ge @!p0 [sflag:s0], s1  }
0xdd: {  	s1 =	ssub.s32 @!p0 $0x0, s1;
	[sflag:s0] =	ssyncset.done @!p0 $0x0  }
0xde: {  	[sflag:s0] =	ssyncadd.s32 @!p0 s1  }
0xdf: {  	[bflag:$0x3] =	sbarrier.arrive $0xFFFF  }
0xe0: {  	_ =	shalt  }

// kernel: kernel.25.cloned.1.call-start
scs
__scs_entry_jumppad:
0x0: {  	(pc) =	sbr.rel $0x88, $3  }
0x1: {  	(tag) =	ssettag $0x0;
	lr =	simm.s32 $0x1  }
0x2: {  	[smem:$0x3F8F] =	sst lr;
	_ =	strace $0xD0000000  }
0x3: {  	_ = 	snop  }
0x4: {  	_ = 	snop  }
0x5: {  	_ = 	snop  }
0x6: {  	_ = 	snop  }
0x7: {  	_ = 	snop  }
__scs_overlays_trampoline_lowered:
0x8: {  	[smem:$0x3F9E] =	sst s0  }
0x9: {  	[smem:$0x3F9F] =	sst s1  }
0xa: {  	[smem:$0x3FA0] =	sst s2  }
0xb: {  	[smem:$0x3FA1] =	sst s3  }
0xc: {  	[smem:$0x3FA2] =	sst s4  }
0xd: {  	[smem:$0x3FA3] =	sst s5  }
0xe: {  	[smem:$0x3FA4] =	sst s6  }
0xf: {  	[smem:$0x3FA5] =	sst s7  }
0x10: {  	[smem:$0x3FA6] =	sst s8  }
0x11: {  	[smem:$0x3FA7] =	sst s9;
	s0 =	simm.s32 @!p0 $0x0  }
0x12: {  	s1 =	sld [smem:$0x3F8D];
	s0 =	simm.s32 @p0 $0x1  }
0x13: {  	[smem:$0x3FA8] =	sst s0;
	s0 =	simm.s32 @!p1 $0x0  }
0x14: {  	s2 =	sld [smem:$0x3F8C];
	s0 =	simm.s32 @p1 $0x1  }
0x15: {  	[smem:$0x3FA9] =	sst s0;
	s0 =	simm.s32 @!p2 $0x0  }
0x16: {  	s3 =	sld [smem:$0x3FDB];
	s0 =	simm.s32 @p2 $0x1  }
0x17: {  	s4 =	simm.s32 $0x1BF5;
	[smem:$0x3FAB] =	sst s0  }
0x18: {  	s0 =	sld [smem:$0x3F8E];
	_ =	swait.ge [sflag:s4], $0x0  }
0x19: {  	s7 =	sld [smem:$0x3F8F]  }
0x1a: {  	s8 =	sadd.s32 $0xFFFFE003, lr  }
0x1b: {  	s9 =	sadd.s32 $0xFFFFFEF7, lr;
	s5 =	simm.s32 $0xFFFFFFFF;
	p2 =	slt.u32 s8, $0xFFFFF086  }
0x1c: {  	p1 =	slt.u32 s9, $0xF7A;
	s5 =	simm.s32 @!p2 $0x0  }
0x1d: {  	s5 =	simm.s32 @p1 $0x1;
	p0 =	seq.s32 s7, s2  }
0x1e: {  	s7 =	smul.u32 @!p0 $0xF7A, s2;
	p2 =	seq.s32 @!p0 s5, $0x0  }
0x1f: {  	s9 =	smul.u32 $0xF7A, s1;
	s8 =	simm.s32 @!p0 $0x1BF5;
	p2 =	por !p2, p0  }
0x20: {  	[sflag:s8] =	ssyncset.s32 @!p0 $0xFFFFF086;
	s6 =	sadd.s32 @!p0 s3, s7;
	s7 =	simm.s32 @!p0 $0x108  }
0x21: {  	s3 =	sadd.s32 s3, s9;
	s6 =	sadd.s32 @!p0 $0x88, s6;
	s7 =	simm.s32 @p2 $0x1082  }
0x22: {  	[simem:s7], [sflag:s8] =	dma.local @!p0 [hbm:s6], $0xF7A  }
0x23: {  	s9 =	sor.u32 $0xD0000000, s2;
	s6 =	simm.s32 $0x108;
	_ =	swait.ge @!p0 [sflag:s8], $0x0  }
0x24: {  	s3 =	sadd.s32 $0x88, s3;
	s6 =	simm.s32 @!p1 $0x1082;
	[sflag:s4] =	ssyncset.s32 $0xFFFFF086  }
0x25: {  	[simem:s6], [sflag:s4] =	dma.local [hbm:s3], $0xF7A  }
0x26: {  	[smem:$0x3F8F] =	sst s1;
	(tag) =	ssettag s2;
	_ =	strace s9  }
0x27: {  	s1 =	sld [smem:$0x3F9F]  }
0x28: {  	s2 =	sld [smem:$0x3FA0]  }
0x29: {  	s4 =	sld [smem:$0x3FA2]  }
0x2a: {  	p0 =	seq.s32 s5, $0x0;
	s5 =	sld [smem:$0x3FA3]  }
0x2b: {  	s6 =	sld [smem:$0x3FA4]  }
0x2c: {  	s7 =	sld [smem:$0x3FA5]  }
0x2d: {  	s3 =	simm.s32 $0x108;
	s8 =	sld [smem:$0x3FA6]  }
0x2e: {  	s3 =	simm.s32 @!p0 $0x1082;
	s9 =	sld [smem:$0x3FA7]  }
0x2f: {  	lr =	sadd.s32 s0, s3;
	s0 =	sld [smem:$0x3F9E]  }
0x30: {  	s3 =	sld [smem:$0x3FA1]  }
0x31: {  	[smem:$0x3FAA] =	sst s10  }
0x32: {  	s10 =	sld [smem:$0x3FA8];
	_ =	sdelay $0x3  }
0x33: {  	p0 =	seq.s32 s10, $0x1;
	s10 =	sld [smem:$0x3FAA];
	_ =	sdelay $0x3  }
0x34: {  	[smem:$0x3FAA] =	sst s10  }
0x35: {  	s10 =	sld [smem:$0x3FA9];
	_ =	sdelay $0x3  }
0x36: {  	p1 =	seq.s32 s10, $0x1;
	s10 =	sld [smem:$0x3FAA];
	_ =	sdelay $0x3  }
0x37: {  	[smem:$0x3FAA] =	sst s10  }
0x38: {  	s10 =	sld [smem:$0x3FAB]  }
0x39: {  	_ = 	snop;
	(pc) =	sbr.ind lr, $3  }
0x3a: {  	_ = 	snop  }
0x3b: {  	_ = 	snop  }
0x3c: {  	p2 =	seq.s32 s10, $0x1;
	s10 =	sld [smem:$0x3FAA]  }
0x3d: {  	_ =	shalt  }
0x3e: {  	_ =	shalt  }
0x3f: {  	_ =	shalt  }
0x40: {  	_ =	shalt  }
0x41: {  	_ =	shalt  }
0x42: {  	_ =	shalt  }
0x43: {  	_ =	shalt  }
0x44: {  	_ =	shalt  }
0x45: {  	_ =	shalt  }
0x46: {  	_ =	shalt  }
0x47: {  	_ =	shalt  }
0x48: {  	_ =	shalt  }
0x49: {  	_ =	shalt  }
0x4a: {  	_ =	shalt  }
0x4b: {  	_ =	shalt  }
0x4c: {  	_ =	shalt  }
0x4d: {  	_ =	shalt  }
0x4e: {  	_ =	shalt  }
0x4f: {  	_ =	shalt  }
0x50: {  	_ =	shalt  }
0x51: {  	_ =	shalt  }
0x52: {  	_ =	shalt  }
0x53: {  	_ =	shalt  }
0x54: {  	_ =	shalt  }
0x55: {  	_ =	shalt  }
0x56: {  	_ =	shalt  }
0x57: {  	_ =	shalt  }
0x58: {  	_ =	shalt  }
0x59: {  	_ =	shalt  }
0x5a: {  	_ =	shalt  }
0x5b: {  	_ =	shalt  }
0x5c: {  	_ =	shalt  }
0x5d: {  	_ =	shalt  }
0x5e: {  	_ =	shalt  }
0x5f: {  	_ =	shalt  }
0x60: {  	_ =	shalt  }
0x61: {  	_ =	shalt  }
0x62: {  	_ =	shalt  }
0x63: {  	_ =	shalt  }
0x64: {  	_ =	shalt  }
0x65: {  	_ =	shalt  }
0x66: {  	_ =	shalt  }
0x67: {  	_ =	shalt  }
0x68: {  	_ =	shalt  }
0x69: {  	_ =	shalt  }
0x6a: {  	_ =	shalt  }
0x6b: {  	_ =	shalt  }
0x6c: {  	_ =	shalt  }
0x6d: {  	_ =	shalt  }
0x6e: {  	_ =	shalt  }
0x6f: {  	_ =	shalt  }
0x70: {  	_ =	shalt  }
0x71: {  	_ =	shalt  }
0x72: {  	_ =	shalt  }
0x73: {  	_ =	shalt  }
0x74: {  	_ =	shalt  }
0x75: {  	_ =	shalt  }
0x76: {  	_ =	shalt  }
0x77: {  	_ =	shalt  }
0x78: {  	_ =	shalt  }
0x79: {  	_ =	shalt  }
0x7a: {  	_ =	shalt  }
0x7b: {  	_ =	shalt  }
0x7c: {  	_ =	shalt  }
0x7d: {  	_ =	shalt  }
0x7e: {  	_ =	shalt  }
0x7f: {  	_ =	shalt  }
0x80: {  	_ =	shalt  }
0x81: {  	_ =	shalt  }
0x82: {  	_ =	shalt  }
0x83: {  	_ =	shalt  }
0x84: {  	_ =	shalt  }
0x85: {  	_ =	shalt  }
0x86: {  	_ =	shalt  }
0x87: {  	_ =	shalt  }
.Lfunc_end0:
.L_simem_size_0:
called_computation.3_lowered:
.L_overlay_start_0:
0x88: {  	s2 =	sld [smem:$0x3FD9]  }
0x89: {  	s3 =	sld [smem:$0x3FFE];
	_ =	sdelay $0x1  }
0x8a: {  	s1 =	srdreg.scid  }
0x8b: {  	s0 =	sand.u32 $0x1, s1  }
0x8c: {  	s16 =	sshll.u32 s0, $0xA;
	s2 =	sadd.s32 s3, s2  }
0x8d: {  	s2 =	sadd.s32 s2, s16  }
0x8e: {  	[smem:$0x3FB6] =	sst s2  }
0x8f: {  	_ = 	snop  }
0x90: {  	(tm) =	ssettm $0x1  }
0x91: {  	s17 =	sld [smem:$0x3FFB];
	_ =	sdelay $0x3  }
0x92: {  	_ =	strace s17  }
0x93: {  	s2 =	sld [smem:$0x3FFC];
	_ =	sdelay $0x3  }
0x94: {  	_ =	strace s2  }
0x95: {  	s2 =	sld [smem:$0x3FFD];
	_ =	sdelay $0x3  }
0x96: {  	_ =	strace s2  }
0x97: {  	_ =	strace $0x8FFFFFFF  }
0x98: {  	s18 =	sld [smem:$0x3FDB];
	_ =	sdelay $0x1  }
0x99: {  	s19 =	simm.s32 $_scs_section_size  }
0x9a: {  	s4 =	simm.s32 $_size__tile_overlayer_lowered;
	s5 =	simm.s32 $_tile_overlayer_lowered  }
0x9b: {  	s22 =	simm.s32 $0x1BFF;
	s21 =	sshll.u32 s5, $0x1;
	s2 =	sadd.s32 s19, s18  }
0x9c: {  	s6 =	simm.s32 $0x0;
	s20 =	sshll.u32 s4, $0x1;
	s4 =	sadd.s32 s21, s2  }
0x9d: {  	[timem:s6], [sflag:s22] =	dma.local [hbm:s4], s20  }
0x9e: {  	_ =	swait.ge [sflag:s22], s20  }
0x9f: {  	s3 =	ssub.s32 $0x0, s20;
	[sflag:s22] =	ssyncset.done $0x0  }
0xa0: {  	[sflag:s22] =	ssyncadd.s32 s3;
	_ =	sdelay $0x1  }
0xa1: {  	s23 =	simm.s32 $0x1B8B  }
0xa2: {  	_ =	swait.ge [sflag:s23], $0x1  }
0xa3: {  	[sflag:s23] =	ssyncset.done $0x0  }
0xa4: {  	s25 =	simm.s32 $0x1B8E;
	s24 =	sld [smem:$0x3FFE];
	[sflag:s23] =	ssyncadd.s32 $0xFFFFFFFF  }
0xa5: {  	s26 =	simm.s32 $execute0_lowered;
	[smem:$0x3FD2] =	sst s25  }
0xa6: {  	s4 =	sshll.u32 s26, $0x1;
	_ =	strace $0x8000004F;
	[dreg:$0x1] =	wrdreg $0xFFFFFFFF  }
0xa7: {  	s28 =	simm.s32 $_size_execute0_lowered;
	s2 =	sadd.s32 s2, s4;
	[dreg:$0x0] =	wrdreg $0x0  }
0xa8: {  	s4 =	sshll.u32 s28, $0x1;
	[dreg:$0x2] =	wrdreg s2  }
0xa9: {  	[dreg:$0x3] =	wrdreg s4  }
0xaa: {  	[dreg:$0x4] =	wrdreg $0xC0  }
0xab: {  	_ =	task [dreg:s6], $0x5FFFF  }
0xac: {  	[dreg:$0x1] =	wrdreg $0xFFFFFFFF  }
0xad: {  	[dreg:$0x0] =	wrdreg $0x60  }
0xae: {  	[dreg:$0x2] =	wrdreg s24  }
0xaf: {  	[dreg:$0x3] =	wrdreg $0x9  }
0xb0: {  	_ =	task.clear_ibuf [dreg:s6], $0x4FFFF;
	_ =	strace $0x9000004F  }
0xb1: {  	s29 =	simm.s32 $0x9;
	_ =	strace $0x80000051  }
0xb2: {  	_ =	swait.ge [sflag:s29], $0x1  }
0xb3: {  	[sflag:s29] =	ssyncadd.s32 $0xFFFFFFFF  }
0xb4: {  	_ =	strace $0x90000051  }
0xb5: {  	_ =	sfence  }
0xb6: {  	s30 =	sld [smem:$0x0];
	_ =	sdelay $0x2  }
0xb7: {  	s31 =	sshll.u32 s1, $0xD;
	s1 =	sshrl.u32 s1, $0x2  }
0xb8: {  	s3 =	sand.u32 $0x4000, s31;
	s1 =	sadd.s32 s1, s30  }
0xb9: {  	s0 =	sor.u32 s3, s0;
	s1 =	sshll.u32 s1, $0x11  }
0xba: {  	s0 =	sor.u32 s1, s0  }
0xbb: {  	s0 =	sadd.s32 $0x8F2B, s0  }
0xbc: {  	[sflag:s0] =	ssyncadd.remote.s32 $0x1  }
0xbd: {  	_ =	sfence.sel $0xFFFF  }
0xbe: {  	[dreg:$0x0] =	wrdreg $0xFFFFFFFF;
	(pc) =	sbr.abs _section_cstart, $3  }
0xbf: {  	[dreg:$0x1] =	wrdreg $0xFFFFFFFF  }
0xc0: {  	_ =	task.clear_ibuf [dreg:s6], $0x2FFFF;
	_ =	strace $0x9FFFFFFF  }
0xc1: {  	(tm) =	ssettm $0x7FFFFFFF  }
tec
execute0_lowered:
.L_overlay_start_1:
0x0: {  	(tag) =	ssettag $0x1  }
0x1: {  	s1 =	srdreg.scid;
	s0 =	stileid.u32  }
0x2: {  	s6 =	rddreg [dreg:$0x0];
	s2 =	simm.s32 $0x0;
	s12 =	simm.s32 $0x80  }
0x3: {  	s13 =	simm.s32 $0x100;
	s14 =	simm.s32 $0x500;
	s15 =	simm.s32 $0x900  }
0x4: {  	s5 =	sand.u32 $0x1, s1;
	s3 =	smul.u32 $0xD000, s0;
	s1 =	rddreg [dreg:$0x1]  }
0x5: {  	s16 =	simm.s32 $0x0;
	[smem:$0x7FF] =	sst s2;
	s4 =	smul.u32 $0x6800, s5  }
0x6: {  	s8 =	smul.u32 $0xD0000, s0;
	_ =	strace $0x80000050;
	s31 =	ssub.s32 $0x2, s5  }
0x7: {  	s9 =	smul.u32 $0x68000, s5;
	s11 =	sshrl.u32 s31, $0x1;
	s7 =	sadd.s32 s4, s3  }
0x8: {  	s4 =	sadd.s32 $0x757200, s6;
	s3 =	sshrl.u32 s7, $0x3;
	s7 =	sadd.s32 s7, s6  }
0x9: {  	s10 =	sadd.s32 s3, s6;
	s3 =	sadd.s32 $0xCEA00, s6;
	s6 =	sadd.s32 s8, s6  }
0xa: {  	s5 =	sadd.s32 $0x137200, s7;
	s8 =	ssub.s32 s31, s11;
	s9 =	sadd.s32 s9, s6  }
0xb: {  	s11 =	simm.s32 $0x1;
	s6 =	sadd.s32 $0x207200, s7;
	s7 =	sadd.s32 $0x81B200, s9  }
0xc: {  	s8 =	smax.u32 s8, $0x1;
	s9 =	sadd.s32 $0x103200, s10;
	s10 =	sadd.s32 $0x11D200, s10  }
.LBB2_1:
0xd: {  	s17 =	sadd.s32 $0x0, s10  }
0xe: {  	[tilespmem:s2], [sflag:$0x1] =	stream.linear.gather [hbm4b:s17+s2], $0x80, $0x38;
	[tilespmem:$0x4900] =	vst v63  }
0xf: {  	_ =	swait.ge [sflag:s11], $0x80  }
0x10: {  	[sflag:s11] =	ssyncset.done $0x0  }
0x11: {  	s31 =	sadd.s32 $0x0, s9;
	[sflag:s11] =	ssyncadd.s32 $0xFFFFFF80  }
0x12: {  	[tilespmem:s12], [sflag:$0x1] =	stream.linear.gather [hbm4b:s31+s2], $0x80, $0x38;
	[tilespmem:$0x4900] =	vst v63  }
0x13: {  	_ =	swait.ge [sflag:s11], $0x80  }
0x14: {  	[sflag:s11] =	ssyncset.done $0x0  }
0x15: {  	[sflag:s11] =	ssyncadd.s32 $0xFFFFFF80  }
0x16: {  	[tilespmem:s13], [sflag:$0x1] =	stream.indirect.gather [hbm4b:s3+s12], $0x8, s2, s12, $0xb8;
	[tilespmem:$0x4900] =	vst v63  }
0x17: {  	_ =	swait.ge [sflag:s11], $0x400  }
0x18: {  	[sflag:s11] =	ssyncset.done $0x0  }
0x19: {  	[sflag:s11] =	ssyncadd.s32 $0xFFFFFC00  }
0x1a: {  	[hbm4b:s6+s2] =	stream.linear.scatter [tilespmem:s13], [sflag:$0x1], $0x400, $0x38;
	[tilespmem:$0x4900] =	vst v63  }
0x1b: {  	_ =	swait.ge [sflag:s11], $0x400  }
0x1c: {  	[sflag:s11] =	ssyncset.done $0x0  }
0x1d: {  	[sflag:s11] =	ssyncadd.s32 $0xFFFFFC00  }
0x1e: {  	[tilespmem:s14], [sflag:$0x1] =	stream.indirect.gather [hbm4b:s3+s12], $0x8, s12, s12, $0xb8;
	[tilespmem:$0x4900] =	vst v63  }
0x1f: {  	_ =	swait.ge [sflag:s11], $0x400  }
0x20: {  	[sflag:s11] =	ssyncset.done $0x0  }
0x21: {  	[sflag:s11] =	ssyncadd.s32 $0xFFFFFC00  }
0x22: {  	[hbm4b:s5+s2] =	stream.linear.scatter [tilespmem:s14], [sflag:$0x1], $0x400, $0x38;
	[tilespmem:$0x4900] =	vst v63  }
0x23: {  	_ =	swait.ge [sflag:s11], $0x400  }
0x24: {  	[sflag:s11] =	ssyncset.done $0x0  }
0x25: {  	[sflag:s11] =	ssyncadd.s32 $0xFFFFFC00  }
0x26: {  	[tilespmem:s15], [sflag:$0x1] =	stream.indirect.gather [hbm4b:s4+s12], $0x80, s2, s12, $0xb8;
	[tilespmem:$0x4900] =	vst v63  }
0x27: {  	_ =	swait.ge [sflag:s11], $0x4000  }
0x28: {  	[sflag:s11] =	ssyncset.done $0x0  }
0x29: {  	s20 =	simm.s32 $0x10;
	[sflag:s11] =	ssyncadd.s32 $0xFFFFC000  }
0x2a: {  	[hbm4b:s7+s2] =	stream.linear.scatter [tilespmem:s15], [sflag:$0x1], $0x4000, $0x38;
	[tilespmem:$0x4900] =	vst v63  }
0x2b: {  	s22 =	simm.s32 $0x20;
	s18 =	sadd.s32 $0x80, s5;
	_ =	swait.ge [sflag:s11], $0x4000  }
0x2c: {  	s19 =	sadd.s32 $0x80, s6;
	s17 =	sadd.s32 $0x800, s7;
	[sflag:s11] =	ssyncset.done $0x0  }
.LBB2_2:
0x2d: {  	s23 =	sadd.s32 s20, s10  }
0x2e: {  	[sflag:s11] =	ssyncadd.s32 $0xFFFFC000;
	s24 =	smov.u32 s22;
	s21 =	sadd.s32 $0x10, s22  }
0x2f: {  	[tilespmem:s2], [sflag:$0x1] =	stream.linear.gather [hbm4b:s23+s2], $0x80, $0x38;
	[tilespmem:$0x4900] =	vst v63  }
0x30: {  	p0 =	sne.s32 s22, $0xCF0;
	_ =	swait.ge [sflag:s11], $0x80  }
0x31: {  	[sflag:s11] =	ssyncset.done $0x0  }
0x32: {  	s22 =	sadd.s32 s20, s9;
	s20 =	smov.u32 s24;
	[sflag:s11] =	ssyncadd.s32 $0xFFFFFF80  }
0x33: {  	[tilespmem:s12], [sflag:$0x1] =	stream.linear.gather [hbm4b:s22+s2], $0x80, $0x38;
	[tilespmem:$0x4900] =	vst v63  }
0x34: {  	_ =	swait.ge [sflag:s11], $0x80  }
0x35: {  	[sflag:s11] =	ssyncset.done $0x0  }
0x36: {  	[sflag:s11] =	ssyncadd.s32 $0xFFFFFF80  }
0x37: {  	[tilespmem:s13], [sflag:$0x1] =	stream.indirect.gather [hbm4b:s3+s12], $0x8, s2, s12, $0xb8;
	[tilespmem:$0x4900] =	vst v63  }
0x38: {  	_ =	swait.ge [sflag:s11], $0x400  }
0x39: {  	[sflag:s11] =	ssyncset.done $0x0  }
0x3a: {  	[sflag:s11] =	ssyncadd.s32 $0xFFFFFC00  }
0x3b: {  	[hbm4b:s19+s2] =	stream.linear.scatter [tilespmem:s13], [sflag:$0x1], $0x400, $0x38;
	[tilespmem:$0x4900] =	vst v63  }
0x3c: {  	_ =	swait.ge [sflag:s11], $0x400  }
0x3d: {  	[sflag:s11] =	ssyncset.done $0x0  }
0x3e: {  	[sflag:s11] =	ssyncadd.s32 $0xFFFFFC00  }
0x3f: {  	[tilespmem:s14], [sflag:$0x1] =	stream.indirect.gather [hbm4b:s3+s12], $0x8, s12, s12, $0xb8;
	[tilespmem:$0x4900] =	vst v63  }
0x40: {  	_ =	swait.ge [sflag:s11], $0x400  }
0x41: {  	[sflag:s11] =	ssyncset.done $0x0  }
0x42: {  	[sflag:s11] =	ssyncadd.s32 $0xFFFFFC00  }
0x43: {  	[hbm4b:s18+s2] =	stream.linear.scatter [tilespmem:s14], [sflag:$0x1], $0x400, $0x38;
	[tilespmem:$0x4900] =	vst v63  }
0x44: {  	_ =	swait.ge [sflag:s11], $0x400  }
0x45: {  	[sflag:s11] =	ssyncset.done $0x0  }
0x46: {  	[sflag:s11] =	ssyncadd.s32 $0xFFFFFC00  }
0x47: {  	[tilespmem:s15], [sflag:$0x1] =	stream.indirect.gather [hbm4b:s4+s12], $0x80, s2, s12, $0xb8;
	[tilespmem:$0x4900] =	vst v63  }
0x48: {  	_ =	swait.ge [sflag:s11], $0x4000  }
.Ltmp0:
0x49: {  	[sflag:s11] =	ssyncset.done $0x0;
	(pc) =	sbr.rel @p0 .LBB2_2-.Ltmp0, $4  }
0x4a: {  	[sflag:s11] =	ssyncadd.s32 $0xFFFFC000  }
0x4b: {  	[hbm4b:s17+s2] =	stream.linear.scatter [tilespmem:s15], [sflag:$0x1], $0x4000, $0x38;
	[tilespmem:$0x4900] =	vst v63  }
0x4c: {  	s22 =	smov.u32 s21;
	s17 =	sadd.s32 $0x800, s17;
	_ =	swait.ge [sflag:s11], $0x4000  }
0x4d: {  	s19 =	sadd.s32 $0x80, s19;
	s18 =	sadd.s32 $0x80, s18;
	[sflag:s11] =	ssyncset.done $0x0  }
0x4e: {  	s21 =	sadd.s32 s20, s10;
	[sflag:s11] =	ssyncadd.s32 $0xFFFFC000  }
0x4f: {  	[tilespmem:s2], [sflag:$0x1] =	stream.linear.gather [hbm4b:s21+s2], $0x80, $0x38;
	[tilespmem:$0x4900] =	vst v63  }
0x50: {  	_ =	swait.ge [sflag:s11], $0x80  }
0x51: {  	[sflag:s11] =	ssyncset.done $0x0  }
0x52: {  	s31 =	sadd.s32 s20, s9;
	[sflag:s11] =	ssyncadd.s32 $0xFFFFFF80  }
0x53: {  	[tilespmem:s12], [sflag:$0x1] =	stream.linear.gather [hbm4b:s31+s2], $0x80, $0x38;
	[tilespmem:$0x4900] =	vst v63  }
0x54: {  	_ =	swait.ge [sflag:s11], $0x80  }
0x55: {  	[sflag:s11] =	ssyncset.done $0x0  }
0x56: {  	[sflag:s11] =	ssyncadd.s32 $0xFFFFFF80  }
0x57: {  	[tilespmem:s13], [sflag:$0x1] =	stream.indirect.gather [hbm4b:s3+s12], $0x8, s2, s12, $0xb8;
	[tilespmem:$0x4900] =	vst v63  }
0x58: {  	_ =	swait.ge [sflag:s11], $0x400  }
0x59: {  	[sflag:s11] =	ssyncset.done $0x0  }
0x5a: {  	[sflag:s11] =	ssyncadd.s32 $0xFFFFFC00  }
0x5b: {  	[hbm4b:s19+s2] =	stream.linear.scatter [tilespmem:s13], [sflag:$0x1], $0x400, $0x38;
	[tilespmem:$0x4900] =	vst v63  }
0x5c: {  	_ =	swait.ge [sflag:s11], $0x400  }
0x5d: {  	[sflag:s11] =	ssyncset.done $0x0  }
0x5e: {  	[sflag:s11] =	ssyncadd.s32 $0xFFFFFC00  }
0x5f: {  	[tilespmem:s14], [sflag:$0x1] =	stream.indirect.gather [hbm4b:s3+s12], $0x8, s12, s12, $0xb8;
	[tilespmem:$0x4900] =	vst v63  }
0x60: {  	_ =	swait.ge [sflag:s11], $0x400  }
0x61: {  	[sflag:s11] =	ssyncset.done $0x0  }
0x62: {  	[sflag:s11] =	ssyncadd.s32 $0xFFFFFC00  }
0x63: {  	[hbm4b:s18+s2] =	stream.linear.scatter [tilespmem:s14], [sflag:$0x1], $0x400, $0x38;
	[tilespmem:$0x4900] =	vst v63  }
0x64: {  	_ =	swait.ge [sflag:s11], $0x400  }
0x65: {  	[sflag:s11] =	ssyncset.done $0x0  }
0x66: {  	[sflag:s11] =	ssyncadd.s32 $0xFFFFFC00  }
0x67: {  	[tilespmem:s15], [sflag:$0x1] =	stream.indirect.gather [hbm4b:s4+s12], $0x80, s2, s12, $0xb8;
	[tilespmem:$0x4900] =	vst v63  }
0x68: {  	s16 =	sadd.s32 $0x1, s16;
	_ =	swait.ge [sflag:s11], $0x4000  }
0x69: {  	p0 =	sne.s32 s16, s8;
	[sflag:s11] =	ssyncset.done $0x0  }
.Ltmp1:
0x6a: {  	[sflag:s11] =	ssyncadd.s32 $0xFFFFC000;
	(pc) =	sbr.rel @p0 .LBB2_1-.Ltmp1, $4  }
0x6b: {  	[hbm4b:s17+s2] =	stream.linear.scatter [tilespmem:s15], [sflag:$0x1], $0x4000, $0x38;
	[tilespmem:$0x4900] =	vst v63  }
0x6c: {  	_ =	swait.ge [sflag:s11], $0x4000  }
0x6d: {  	[sflag:s11] =	ssyncset.done $0x0  }
0x6e: {  	[sflag:s11] =	ssyncadd.s32 $0xFFFFC000  }
0x6f: {  	_ =	sfence.sel $0x180000  }
0x70: {  	[bflag:$0x0] =	sbarrier.arrive $0xFFFF  }
0x71: {  	p0 =	sne.s32 s0, $0x0;
	_ =	strace $0x90000050  }
0x72: {  	s0 =	sadd.s32 @!p0 $0x100000, s1;
	[bflag:$0x2] =	sbarrier.arrive $0xFFFF  }
0x73: {  	[sflag:s0] =	ssyncadd.tile.s32 @!p0 $0x1;
	_ =	shalt  }
.Lfunc_end2:
_tile_overlayer_lowered:
.L_overlay_start_2:
0x74: {  	(tag) =	ssettag $0x2  }
0x75: {  	s0 =	rddreg [dreg:$0x0];
	s2 =	stileid.u32  }
0x76: {  	s1 =	rddreg [dreg:$0x1];
	p0 =	sne.s32 s2, $0x0  }
0x77: {  	s3 =	rddreg [dreg:$0x2];
	[bflag:$0x3] =	sbarrier.arrive $0xFFFF;
	s2 =	simm.s32 @!p0 $0x1C01  }
0x78: {  	[timem:s3], [sflag:s2] =	dma.local @!p0 [hbm:s0], s1  }
0x79: {  	s0 =	simm.s32 @!p0 $0x1  }
0x7a: {  	_ =	swait.ge @!p0 [sflag:s0], s1  }
0x7b: {  	s1 =	ssub.s32 @!p0 $0x0, s1;
	[sflag:s0] =	ssyncset.done @!p0 $0x0  }
0x7c: {  	[sflag:s0] =	ssyncadd.s32 @!p0 s1  }
0x7d: {  	[bflag:$0x3] =	sbarrier.arrive $0xFFFF  }
0x7e: {  	_ =	shalt  }

// kernel: kernel.28.cloned.1.call-start
scs
__scs_entry_jumppad:
0x0: {  	(pc) =	sbr.rel $0x88, $3  }
0x1: {  	(tag) =	ssettag $0x0;
	lr =	simm.s32 $0x1  }
0x2: {  	[smem:$0x3F8F] =	sst lr;
	_ =	strace $0xD0000000  }
0x3: {  	_ = 	snop  }
0x4: {  	_ = 	snop  }
0x5: {  	_ = 	snop  }
0x6: {  	_ = 	snop  }
0x7: {  	_ = 	snop  }
__scs_overlays_trampoline_lowered:
0x8: {  	[smem:$0x3F9E] =	sst s0  }
0x9: {  	[smem:$0x3F9F] =	sst s1  }
0xa: {  	[smem:$0x3FA0] =	sst s2  }
0xb: {  	[smem:$0x3FA1] =	sst s3  }
0xc: {  	[smem:$0x3FA2] =	sst s4  }
0xd: {  	[smem:$0x3FA3] =	sst s5  }
0xe: {  	[smem:$0x3FA4] =	sst s6  }
0xf: {  	[smem:$0x3FA5] =	sst s7  }
0x10: {  	[smem:$0x3FA6] =	sst s8  }
0x11: {  	[smem:$0x3FA7] =	sst s9;
	s0 =	simm.s32 @!p0 $0x0  }
0x12: {  	s1 =	sld [smem:$0x3F8D];
	s0 =	simm.s32 @p0 $0x1  }
0x13: {  	[smem:$0x3FA8] =	sst s0;
	s0 =	simm.s32 @!p1 $0x0  }
0x14: {  	s2 =	sld [smem:$0x3F8C];
	s0 =	simm.s32 @p1 $0x1  }
0x15: {  	[smem:$0x3FA9] =	sst s0;
	s0 =	simm.s32 @!p2 $0x0  }
0x16: {  	s3 =	sld [smem:$0x3FDB];
	s0 =	simm.s32 @p2 $0x1  }
0x17: {  	s4 =	simm.s32 $0x1BF5;
	[smem:$0x3FAB] =	sst s0  }
0x18: {  	s0 =	sld [smem:$0x3F8E];
	_ =	swait.ge [sflag:s4], $0x0  }
0x19: {  	s7 =	sld [smem:$0x3F8F]  }
0x1a: {  	s8 =	sadd.s32 $0xFFFFE003, lr  }
0x1b: {  	s9 =	sadd.s32 $0xFFFFFEF7, lr;
	s5 =	simm.s32 $0xFFFFFFFF;
	p2 =	slt.u32 s8, $0xFFFFF086  }
0x1c: {  	p1 =	slt.u32 s9, $0xF7A;
	s5 =	simm.s32 @!p2 $0x0  }
0x1d: {  	s5 =	simm.s32 @p1 $0x1;
	p0 =	seq.s32 s7, s2  }
0x1e: {  	s7 =	smul.u32 @!p0 $0xF7A, s2;
	p2 =	seq.s32 @!p0 s5, $0x0  }
0x1f: {  	s9 =	smul.u32 $0xF7A, s1;
	s8 =	simm.s32 @!p0 $0x1BF5;
	p2 =	por !p2, p0  }
0x20: {  	[sflag:s8] =	ssyncset.s32 @!p0 $0xFFFFF086;
	s6 =	sadd.s32 @!p0 s3, s7;
	s7 =	simm.s32 @!p0 $0x108  }
0x21: {  	s3 =	sadd.s32 s3, s9;
	s6 =	sadd.s32 @!p0 $0x88, s6;
	s7 =	simm.s32 @p2 $0x1082  }
0x22: {  	[simem:s7], [sflag:s8] =	dma.local @!p0 [hbm:s6], $0xF7A  }
0x23: {  	s9 =	sor.u32 $0xD0000000, s2;
	s6 =	simm.s32 $0x108;
	_ =	swait.ge @!p0 [sflag:s8], $0x0  }
0x24: {  	s3 =	sadd.s32 $0x88, s3;
	s6 =	simm.s32 @!p1 $0x1082;
	[sflag:s4] =	ssyncset.s32 $0xFFFFF086  }
0x25: {  	[simem:s6], [sflag:s4] =	dma.local [hbm:s3], $0xF7A  }
0x26: {  	[smem:$0x3F8F] =	sst s1;
	(tag) =	ssettag s2;
	_ =	strace s9  }
0x27: {  	s1 =	sld [smem:$0x3F9F]  }
0x28: {  	s2 =	sld [smem:$0x3FA0]  }
0x29: {  	s4 =	sld [smem:$0x3FA2]  }
0x2a: {  	p0 =	seq.s32 s5, $0x0;
	s5 =	sld [smem:$0x3FA3]  }
0x2b: {  	s6 =	sld [smem:$0x3FA4]  }
0x2c: {  	s7 =	sld [smem:$0x3FA5]  }
0x2d: {  	s3 =	simm.s32 $0x108;
	s8 =	sld [smem:$0x3FA6]  }
0x2e: {  	s3 =	simm.s32 @!p0 $0x1082;
	s9 =	sld [smem:$0x3FA7]  }
0x2f: {  	lr =	sadd.s32 s0, s3;
	s0 =	sld [smem:$0x3F9E]  }
0x30: {  	s3 =	sld [smem:$0x3FA1]  }
0x31: {  	[smem:$0x3FAA] =	sst s10  }
0x32: {  	s10 =	sld [smem:$0x3FA8];
	_ =	sdelay $0x3  }
0x33: {  	p0 =	seq.s32 s10, $0x1;
	s10 =	sld [smem:$0x3FAA];
	_ =	sdelay $0x3  }
0x34: {  	[smem:$0x3FAA] =	sst s10  }
0x35: {  	s10 =	sld [smem:$0x3FA9];
	_ =	sdelay $0x3  }
0x36: {  	p1 =	seq.s32 s10, $0x1;
	s10 =	sld [smem:$0x3FAA];
	_ =	sdelay $0x3  }
0x37: {  	[smem:$0x3FAA] =	sst s10  }
0x38: {  	s10 =	sld [smem:$0x3FAB]  }
0x39: {  	_ = 	snop;
	(pc) =	sbr.ind lr, $3  }
0x3a: {  	_ = 	snop  }
0x3b: {  	_ = 	snop  }
0x3c: {  	p2 =	seq.s32 s10, $0x1;
	s10 =	sld [smem:$0x3FAA]  }
0x3d: {  	_ =	shalt  }
0x3e: {  	_ =	shalt  }
0x3f: {  	_ =	shalt  }
0x40: {  	_ =	shalt  }
0x41: {  	_ =	shalt  }
0x42: {  	_ =	shalt  }
0x43: {  	_ =	shalt  }
0x44: {  	_ =	shalt  }
0x45: {  	_ =	shalt  }
0x46: {  	_ =	shalt  }
0x47: {  	_ =	shalt  }
0x48: {  	_ =	shalt  }
0x49: {  	_ =	shalt  }
0x4a: {  	_ =	shalt  }
0x4b: {  	_ =	shalt  }
0x4c: {  	_ =	shalt  }
0x4d: {  	_ =	shalt  }
0x4e: {  	_ =	shalt  }
0x4f: {  	_ =	shalt  }
0x50: {  	_ =	shalt  }
0x51: {  	_ =	shalt  }
0x52: {  	_ =	shalt  }
0x53: {  	_ =	shalt  }
0x54: {  	_ =	shalt  }
0x55: {  	_ =	shalt  }
0x56: {  	_ =	shalt  }
0x57: {  	_ =	shalt  }
0x58: {  	_ =	shalt  }
0x59: {  	_ =	shalt  }
0x5a: {  	_ =	shalt  }
0x5b: {  	_ =	shalt  }
0x5c: {  	_ =	shalt  }
0x5d: {  	_ =	shalt  }
0x5e: {  	_ =	shalt  }
0x5f: {  	_ =	shalt  }
0x60: {  	_ =	shalt  }
0x61: {  	_ =	shalt  }
0x62: {  	_ =	shalt  }
0x63: {  	_ =	shalt  }
0x64: {  	_ =	shalt  }
0x65: {  	_ =	shalt  }
0x66: {  	_ =	shalt  }
0x67: {  	_ =	shalt  }
0x68: {  	_ =	shalt  }
0x69: {  	_ =	shalt  }
0x6a: {  	_ =	shalt  }
0x6b: {  	_ =	shalt  }
0x6c: {  	_ =	shalt  }
0x6d: {  	_ =	shalt  }
0x6e: {  	_ =	shalt  }
0x6f: {  	_ =	shalt  }
0x70: {  	_ =	shalt  }
0x71: {  	_ =	shalt  }
0x72: {  	_ =	shalt  }
0x73: {  	_ =	shalt  }
0x74: {  	_ =	shalt  }
0x75: {  	_ =	shalt  }
0x76: {  	_ =	shalt  }
0x77: {  	_ =	shalt  }
0x78: {  	_ =	shalt  }
0x79: {  	_ =	shalt  }
0x7a: {  	_ =	shalt  }
0x7b: {  	_ =	shalt  }
0x7c: {  	_ =	shalt  }
0x7d: {  	_ =	shalt  }
0x7e: {  	_ =	shalt  }
0x7f: {  	_ =	shalt  }
0x80: {  	_ =	shalt  }
0x81: {  	_ =	shalt  }
0x82: {  	_ =	shalt  }
0x83: {  	_ =	shalt  }
0x84: {  	_ =	shalt  }
0x85: {  	_ =	shalt  }
0x86: {  	_ =	shalt  }
0x87: {  	_ =	shalt  }
.Lfunc_end0:
.L_simem_size_0:
called_computation.4_lowered:
.L_overlay_start_0:
0x88: {  	s2 =	sld [smem:$0x3FD9]  }
0x89: {  	s3 =	sld [smem:$0x3FFE];
	_ =	sdelay $0x1  }
0x8a: {  	s1 =	srdreg.scid  }
0x8b: {  	s0 =	sand.u32 $0x1, s1  }
0x8c: {  	s16 =	sshll.u32 s0, $0xA;
	s2 =	sadd.s32 s3, s2  }
0x8d: {  	s2 =	sadd.s32 s2, s16  }
0x8e: {  	[smem:$0x3FB6] =	sst s2  }
0x8f: {  	_ = 	snop  }
0x90: {  	(tm) =	ssettm $0x1  }
0x91: {  	s17 =	sld [smem:$0x3FFB];
	_ =	sdelay $0x3  }
0x92: {  	_ =	strace s17  }
0x93: {  	s2 =	sld [smem:$0x3FFC];
	_ =	sdelay $0x3  }
0x94: {  	_ =	strace s2  }
0x95: {  	s2 =	sld [smem:$0x3FFD];
	_ =	sdelay $0x3  }
0x96: {  	_ =	strace s2  }
0x97: {  	_ =	strace $0x8FFFFFFF  }
0x98: {  	s18 =	sld [smem:$0x3FDB];
	_ =	sdelay $0x1  }
0x99: {  	s19 =	simm.s32 $_scs_section_size  }
0x9a: {  	s4 =	simm.s32 $_size__tile_overlayer_lowered;
	s5 =	simm.s32 $_tile_overlayer_lowered  }
0x9b: {  	s22 =	simm.s32 $0x1BFF;
	s21 =	sshll.u32 s5, $0x1;
	s2 =	sadd.s32 s19, s18  }
0x9c: {  	s6 =	simm.s32 $0x0;
	s20 =	sshll.u32 s4, $0x1;
	s4 =	sadd.s32 s21, s2  }
0x9d: {  	[timem:s6], [sflag:s22] =	dma.local [hbm:s4], s20  }
0x9e: {  	_ =	swait.ge [sflag:s22], s20  }
0x9f: {  	s3 =	ssub.s32 $0x0, s20;
	[sflag:s22] =	ssyncset.done $0x0  }
0xa0: {  	[sflag:s22] =	ssyncadd.s32 s3;
	_ =	sdelay $0x1  }
0xa1: {  	s23 =	simm.s32 $0x1B8B  }
0xa2: {  	_ =	swait.ge [sflag:s23], $0x1  }
0xa3: {  	[sflag:s23] =	ssyncset.done $0x0  }
0xa4: {  	s25 =	simm.s32 $0x1B8E;
	s24 =	sld [smem:$0x3FFE];
	[sflag:s23] =	ssyncadd.s32 $0xFFFFFFFF  }
0xa5: {  	s26 =	simm.s32 $execute0_lowered;
	[smem:$0x3FD2] =	sst s25  }
0xa6: {  	s4 =	sshll.u32 s26, $0x1;
	_ =	strace $0x80000052;
	[dreg:$0x1] =	wrdreg $0xFFFFFFFF  }
0xa7: {  	s28 =	simm.s32 $_size_execute0_lowered;
	s2 =	sadd.s32 s2, s4;
	[dreg:$0x0] =	wrdreg $0x0  }
0xa8: {  	s4 =	sshll.u32 s28, $0x1;
	[dreg:$0x2] =	wrdreg s2  }
0xa9: {  	[dreg:$0x3] =	wrdreg s4  }
0xaa: {  	[dreg:$0x4] =	wrdreg $0xC0  }
0xab: {  	_ =	task [dreg:s6], $0x5FFFF  }
0xac: {  	[dreg:$0x1] =	wrdreg $0xFFFFFFFF  }
0xad: {  	[dreg:$0x0] =	wrdreg $0x60  }
0xae: {  	[dreg:$0x2] =	wrdreg s24  }
0xaf: {  	[dreg:$0x3] =	wrdreg $0x14800  }
0xb0: {  	[dreg:$0x4] =	wrdreg $0x9  }
0xb1: {  	_ =	task.clear_ibuf [dreg:s6], $0x5FFFF;
	_ =	strace $0x90000052  }
0xb2: {  	s29 =	simm.s32 $0x9;
	_ =	strace $0x80000054  }
0xb3: {  	_ =	swait.ge [sflag:s29], $0x1  }
0xb4: {  	[sflag:s29] =	ssyncadd.s32 $0xFFFFFFFF  }
0xb5: {  	_ =	strace $0x90000054  }
0xb6: {  	_ =	sfence  }
0xb7: {  	s30 =	sld [smem:$0x0];
	_ =	sdelay $0x2  }
0xb8: {  	s31 =	sshll.u32 s1, $0xD;
	s1 =	sshrl.u32 s1, $0x2  }
0xb9: {  	s3 =	sand.u32 $0x4000, s31;
	s1 =	sadd.s32 s1, s30  }
0xba: {  	s0 =	sor.u32 s3, s0;
	s1 =	sshll.u32 s1, $0x11  }
0xbb: {  	s0 =	sor.u32 s1, s0  }
0xbc: {  	s0 =	sadd.s32 $0x8F2B, s0  }
0xbd: {  	[sflag:s0] =	ssyncadd.remote.s32 $0x1  }
0xbe: {  	_ =	sfence.sel $0xFFFF  }
0xbf: {  	[dreg:$0x0] =	wrdreg $0xFFFFFFFF;
	(pc) =	sbr.abs _section_cstart, $3  }
0xc0: {  	[dreg:$0x1] =	wrdreg $0xFFFFFFFF  }
0xc1: {  	_ =	task.clear_ibuf [dreg:s6], $0x2FFFF;
	_ =	strace $0x9FFFFFFF  }
0xc2: {  	(tm) =	ssettm $0x7FFFFFFF  }
0xc3: {  	_ =	shalt  }
tec
execute0_lowered:
.L_overlay_start_1:
0x0: {  	(tag) =	ssettag $0x1  }
0x1: {  	s1 =	srdreg.scid  }
0x2: {  	s0 =	stileid.u32;
	s6 =	rddreg [dreg:$0x0]  }
0x3: {  	s2 =	rddreg [dreg:$0x1];
	s4 =	smul.u32 $0xD000, s0  }
0x4: {  	s3 =	simm.s32 $0x0;
	s17 =	simm.s32 $0x1;
	s8 =	smul.u32 $0x1EA00, s0  }
0x5: {  	s18 =	simm.s32 $0x80;
	s5 =	sand.u32 $0x1, s1;
	s28 =	smul.u32 $0x41000, s0  }
0x6: {  	s19 =	simm.s32 $0x0;
	s1 =	rddreg [dreg:$0x2];
	s7 =	smul.u32 $0x6800, s5  }
0x7: {  	[smem:$0x7FF] =	sst s3;
	s11 =	sshll.u32 s0, $0x6;
	s9 =	smul.u32 $0x1EA000, s5  }
0x8: {  	_ =	strace $0x80000053;
	s30 =	ssub.s32 $0x2, s5;
	s13 =	smul.u32 $0x20800, s5  }
0x9: {  	s5 =	sor.u32 $0x1C01, s11;
	s10 =	sadd.s32 s28, s6;
	s31 =	sshrl.u32 s30, $0x1  }
0xa: {  	s16 =	sadd.s32 s8, s2;
	s4 =	sadd.s32 s7, s4;
	s9 =	sadd.s32 s8, s9  }
0xb: {  	s14 =	ssub.s32 s30, s31;
	s15 =	sadd.s32 s13, s10;
	s4 =	sshrl.u32 s4, $0x3  }
0xc: {  	s29 =	sshrl.u32 s9, $0x3;
	s10 =	sadd.s32 $0xD67200, s15;
	s13 =	sadd.s32 $0x957200, s15  }
0xd: {  	s11 =	smax.u32 s14, $0x1;
	s14 =	sadd.s32 $0x547200, s15;
	s15 =	sadd.s32 $0x137200, s15  }
0xe: {  	s12 =	sadd.s32 s4, s6;
	s4 =	sadd.s32 $0x6C00, s6;
	s9 =	sadd.s32 s29, s6  }
0xf: {  	s16 =	sshrl.u32 s16, $0x3;
	s6 =	sadd.s32 $0x11F1A00, s9;
	s7 =	sadd.s32 $0x1177200, s9  }
0x10: {  	s8 =	sadd.s32 $0x85200, s9;
	s9 =	sadd.s32 $0xAA00, s9;
	s12 =	sadd.s32 $0x103200, s12  }
.LBB2_1:
0x11: {  	[spmem:s16], [sflag:s5] =	dma.local [hbm:s4], $0x3D40  }
0x12: {  	_ =	swait.ge [sflag:s17], $0x3D40  }
0x13: {  	[sflag:s17] =	ssyncset.done $0x0  }
0x14: {  	[sflag:s17] =	ssyncadd.s32 $0xFFFFC2C0  }
0x15: {  	s20 =	sadd.s32 $0x0, s12;
	[bflag:$0x0] =	sbarrier.arrive $0xFFFF  }
0x16: {  	[tilespmem:s3], [sflag:$0x1] =	stream.linear.gather [hbm4b:s20+s3], $0x80, $0x38;
	[tilespmem:$0x1FE80] =	vst v63  }
0x17: {  	_ =	swait.ge [sflag:s17], $0x80  }
0x18: {  	[sflag:s17] =	ssyncset.done $0x0  }
0x19: {  	[sflag:s17] =	ssyncadd.s32 $0xFFFFFF80  }
0x1a: {  	[tilespmem:s18], [sflag:$0x1] =	stream.linear.gather [hbm4b:s10+s3], $0x1400, $0x38;
	[tilespmem:$0x1FE80] =	vst v63  }
0x1b: {  	_ =	swait.ge [sflag:s17], $0x1400  }
0x1c: {  	[sflag:s17] =	ssyncset.done $0x0  }
0x1d: {  	[sflag:s17] =	ssyncadd.s32 $0xFFFFEC00  }
0x1e: {  	[spmem:s2] =	stream.indirect.scatter.add.f32 [tilespmem:s18], [sflag:$0x1], $0x28, s3, s18, $0xb8;
	[tilespmem:$0x1FE80] =	vst v63  }
0x1f: {  	s21 =	simm.s32 $0x10;
	_ =	swait.ge [sflag:s17], $0x1400  }
0x20: {  	s22 =	simm.s32 $0x20;
	s20 =	sadd.s32 $0x280, s10;
	[sflag:s17] =	ssyncset.done $0x0  }
.LBB2_2:
0x21: {  	s23 =	sadd.s32 s21, s12  }
0x22: {  	[sflag:s17] =	ssyncadd.s32 $0xFFFFEC00;
	s21 =	smov.u32 s22;
	s24 =	sadd.s32 $0x10, s22  }
0x23: {  	[tilespmem:s3], [sflag:$0x1] =	stream.linear.gather [hbm4b:s23+s3], $0x80, $0x38;
	[tilespmem:$0x1FE80] =	vst v63  }
0x24: {  	p0 =	sne.s32 s22, $0xCF0;
	_ =	swait.ge [sflag:s17], $0x80  }
0x25: {  	[sflag:s17] =	ssyncset.done $0x0  }
0x26: {  	[sflag:s17] =	ssyncadd.s32 $0xFFFFFF80  }
0x27: {  	[tilespmem:s18], [sflag:$0x1] =	stream.linear.gather [hbm4b:s20+s3], $0x1400, $0x38;
	[tilespmem:$0x1FE80] =	vst v63  }
0x28: {  	_ =	swait.ge [sflag:s17], $0x1400  }
.Ltmp0:
0x29: {  	[sflag:s17] =	ssyncset.done $0x0;
	(pc) =	sbr.rel @p0 .LBB2_2-.Ltmp0, $4  }
0x2a: {  	[sflag:s17] =	ssyncadd.s32 $0xFFFFEC00  }
0x2b: {  	[spmem:s2] =	stream.indirect.scatter.add.f32 [tilespmem:s18], [sflag:$0x1], $0x28, s3, s18, $0xb8;
	[tilespmem:$0x1FE80] =	vst v63  }
0x2c: {  	_ =	swait.ge [sflag:s17], $0x1400  }
0x2d: {  	s22 =	smov.u32 s24;
	s20 =	sadd.s32 $0x280, s20;
	[sflag:s17] =	ssyncset.done $0x0  }
0x2e: {  	s21 =	sadd.s32 s21, s12;
	[sflag:s17] =	ssyncadd.s32 $0xFFFFEC00  }
0x2f: {  	[tilespmem:s3], [sflag:$0x1] =	stream.linear.gather [hbm4b:s21+s3], $0x80, $0x38;
	[tilespmem:$0x1FE80] =	vst v63  }
0x30: {  	_ =	swait.ge [sflag:s17], $0x80  }
0x31: {  	[sflag:s17] =	ssyncset.done $0x0  }
0x32: {  	[sflag:s17] =	ssyncadd.s32 $0xFFFFFF80  }
0x33: {  	[tilespmem:s18], [sflag:$0x1] =	stream.linear.gather [hbm4b:s20+s3], $0x1400, $0x38;
	[tilespmem:$0x1FE80] =	vst v63  }
0x34: {  	_ =	swait.ge [sflag:s17], $0x1400  }
0x35: {  	[sflag:s17] =	ssyncset.done $0x0  }
0x36: {  	[sflag:s17] =	ssyncadd.s32 $0xFFFFEC00  }
0x37: {  	[spmem:s2] =	stream.indirect.scatter.add.f32 [tilespmem:s18], [sflag:$0x1], $0x28, s3, s18, $0xb8;
	[tilespmem:$0x1FE80] =	vst v63  }
0x38: {  	_ =	swait.ge [sflag:s17], $0x1400  }
0x39: {  	[sflag:s17] =	ssyncset.done $0x0  }
0x3a: {  	[sflag:s17] =	ssyncadd.s32 $0xFFFFEC00  }
0x3b: {  	[bflag:$0x0] =	sbarrier.arrive $0xFFFF  }
0x3c: {  	[hbm:s6], [sflag:s5] =	dma.local [spmem:s16], $0x3D40  }
0x3d: {  	_ =	swait.ge [sflag:s17], $0x3D40  }
0x3e: {  	[sflag:s17] =	ssyncset.done $0x0  }
0x3f: {  	[sflag:s17] =	ssyncadd.s32 $0xFFFFC2C0  }
0x40: {  	[bflag:$0x0] =	sbarrier.arrive $0xFFFF  }
0x41: {  	[spmem:s16], [sflag:s5] =	dma.local [hbm:s4], $0x3D40  }
0x42: {  	_ =	swait.ge [sflag:s17], $0x3D40  }
0x43: {  	[sflag:s17] =	ssyncset.done $0x0  }
0x44: {  	[sflag:s17] =	ssyncadd.s32 $0xFFFFC2C0  }
0x45: {  	s31 =	sadd.s32 $0x0, s12;
	[bflag:$0x0] =	sbarrier.arrive $0xFFFF  }
0x46: {  	[tilespmem:s3], [sflag:$0x1] =	stream.linear.gather [hbm4b:s31+s3], $0x80, $0x38;
	[tilespmem:$0x1FE80] =	vst v63  }
0x47: {  	_ =	swait.ge [sflag:s17], $0x80  }
0x48: {  	[sflag:s17] =	ssyncset.done $0x0  }
0x49: {  	[sflag:s17] =	ssyncadd.s32 $0xFFFFFF80  }
0x4a: {  	[tilespmem:s18], [sflag:$0x1] =	stream.linear.gather [hbm4b:s13+s3], $0x1400, $0x38;
	[tilespmem:$0x1FE80] =	vst v63  }
0x4b: {  	_ =	swait.ge [sflag:s17], $0x1400  }
0x4c: {  	[sflag:s17] =	ssyncset.done $0x0  }
0x4d: {  	[sflag:s17] =	ssyncadd.s32 $0xFFFFEC00  }
0x4e: {  	[spmem:s2] =	stream.indirect.scatter.add.f32 [tilespmem:s18], [sflag:$0x1], $0x28, s3, s18, $0xb8;
	[tilespmem:$0x1FE80] =	vst v63  }
0x4f: {  	s22 =	simm.s32 $0x20;
	_ =	swait.ge [sflag:s17], $0x1400  }
0x50: {  	s21 =	simm.s32 $0x10;
	s20 =	sadd.s32 $0x280, s13;
	[sflag:s17] =	ssyncset.done $0x0  }
.LBB2_4:
0x51: {  	s23 =	sadd.s32 s21, s12  }
0x52: {  	[sflag:s17] =	ssyncadd.s32 $0xFFFFEC00;
	s21 =	smov.u32 s22;
	s24 =	sadd.s32 $0x10, s22  }
0x53: {  	[tilespmem:s3], [sflag:$0x1] =	stream.linear.gather [hbm4b:s23+s3], $0x80, $0x38;
	[tilespmem:$0x1FE80] =	vst v63  }
0x54: {  	p0 =	sne.s32 s22, $0xCF0;
	_ =	swait.ge [sflag:s17], $0x80  }
0x55: {  	[sflag:s17] =	ssyncset.done $0x0  }
0x56: {  	[sflag:s17] =	ssyncadd.s32 $0xFFFFFF80  }
0x57: {  	[tilespmem:s18], [sflag:$0x1] =	stream.linear.gather [hbm4b:s20+s3], $0x1400, $0x38;
	[tilespmem:$0x1FE80] =	vst v63  }
0x58: {  	_ =	swait.ge [sflag:s17], $0x1400  }
.Ltmp1:
0x59: {  	[sflag:s17] =	ssyncset.done $0x0;
	(pc) =	sbr.rel @p0 .LBB2_4-.Ltmp1, $4  }
0x5a: {  	[sflag:s17] =	ssyncadd.s32 $0xFFFFEC00  }
0x5b: {  	[spmem:s2] =	stream.indirect.scatter.add.f32 [tilespmem:s18], [sflag:$0x1], $0x28, s3, s18, $0xb8;
	[tilespmem:$0x1FE80] =	vst v63  }
0x5c: {  	_ =	swait.ge [sflag:s17], $0x1400  }
0x5d: {  	s22 =	smov.u32 s24;
	s20 =	sadd.s32 $0x280, s20;
	[sflag:s17] =	ssyncset.done $0x0  }
0x5e: {  	s21 =	sadd.s32 s21, s12;
	[sflag:s17] =	ssyncadd.s32 $0xFFFFEC00  }
0x5f: {  	[tilespmem:s3], [sflag:$0x1] =	stream.linear.gather [hbm4b:s21+s3], $0x80, $0x38;
	[tilespmem:$0x1FE80] =	vst v63  }
0x60: {  	_ =	swait.ge [sflag:s17], $0x80  }
0x61: {  	[sflag:s17] =	ssyncset.done $0x0  }
0x62: {  	[sflag:s17] =	ssyncadd.s32 $0xFFFFFF80  }
0x63: {  	[tilespmem:s18], [sflag:$0x1] =	stream.linear.gather [hbm4b:s20+s3], $0x1400, $0x38;
	[tilespmem:$0x1FE80] =	vst v63  }
0x64: {  	_ =	swait.ge [sflag:s17], $0x1400  }
0x65: {  	[sflag:s17] =	ssyncset.done $0x0  }
0x66: {  	[sflag:s17] =	ssyncadd.s32 $0xFFFFEC00  }
0x67: {  	[spmem:s2] =	stream.indirect.scatter.add.f32 [tilespmem:s18], [sflag:$0x1], $0x28, s3, s18, $0xb8;
	[tilespmem:$0x1FE80] =	vst v63  }
0x68: {  	_ =	swait.ge [sflag:s17], $0x1400  }
0x69: {  	[sflag:s17] =	ssyncset.done $0x0  }
0x6a: {  	[sflag:s17] =	ssyncadd.s32 $0xFFFFEC00  }
0x6b: {  	[bflag:$0x0] =	sbarrier.arrive $0xFFFF  }
0x6c: {  	[hbm:s7], [sflag:s5] =	dma.local [spmem:s16], $0x3D40  }
0x6d: {  	_ =	swait.ge [sflag:s17], $0x3D40  }
0x6e: {  	[sflag:s17] =	ssyncset.done $0x0  }
0x6f: {  	[sflag:s17] =	ssyncadd.s32 $0xFFFFC2C0  }
0x70: {  	[bflag:$0x0] =	sbarrier.arrive $0xFFFF  }
0x71: {  	[spmem:s16], [sflag:s5] =	dma.local [hbm:s4], $0x3D40  }
0x72: {  	_ =	swait.ge [sflag:s17], $0x3D40  }
0x73: {  	[sflag:s17] =	ssyncset.done $0x0  }
0x74: {  	[sflag:s17] =	ssyncadd.s32 $0xFFFFC2C0  }
0x75: {  	s31 =	sadd.s32 $0x0, s12;
	[bflag:$0x0] =	sbarrier.arrive $0xFFFF  }
0x76: {  	[tilespmem:s3], [sflag:$0x1] =	stream.linear.gather [hbm4b:s31+s3], $0x80, $0x38;
	[tilespmem:$0x1FE80] =	vst v63  }
0x77: {  	_ =	swait.ge [sflag:s17], $0x80  }
0x78: {  	[sflag:s17] =	ssyncset.done $0x0  }
0x79: {  	[sflag:s17] =	ssyncadd.s32 $0xFFFFFF80  }
0x7a: {  	[tilespmem:s18], [sflag:$0x1] =	stream.linear.gather [hbm4b:s14+s3], $0x1400, $0x38;
	[tilespmem:$0x1FE80] =	vst v63  }
0x7b: {  	_ =	swait.ge [sflag:s17], $0x1400  }
0x7c: {  	[sflag:s17] =	ssyncset.done $0x0  }
0x7d: {  	[sflag:s17] =	ssyncadd.s32 $0xFFFFEC00  }
0x7e: {  	[spmem:s2] =	stream.indirect.scatter.add.f32 [tilespmem:s18], [sflag:$0x1], $0x28, s3, s18, $0xb8;
	[tilespmem:$0x1FE80] =	vst v63  }
0x7f: {  	s22 =	simm.s32 $0x20;
	_ =	swait.ge [sflag:s17], $0x1400  }
0x80: {  	s21 =	simm.s32 $0x10;
	s20 =	sadd.s32 $0x280, s14;
	[sflag:s17] =	ssyncset.done $0x0  }
.LBB2_6:
0x81: {  	s23 =	sadd.s32 s21, s12  }
0x82: {  	[sflag:s17] =	ssyncadd.s32 $0xFFFFEC00;
	s21 =	smov.u32 s22;
	s24 =	sadd.s32 $0x10, s22  }
0x83: {  	[tilespmem:s3], [sflag:$0x1] =	stream.linear.gather [hbm4b:s23+s3], $0x80, $0x38;
	[tilespmem:$0x1FE80] =	vst v63  }
0x84: {  	p0 =	sne.s32 s22, $0xCF0;
	_ =	swait.ge [sflag:s17], $0x80  }
0x85: {  	[sflag:s17] =	ssyncset.done $0x0  }
0x86: {  	[sflag:s17] =	ssyncadd.s32 $0xFFFFFF80  }
0x87: {  	[tilespmem:s18], [sflag:$0x1] =	stream.linear.gather [hbm4b:s20+s3], $0x1400, $0x38;
	[tilespmem:$0x1FE80] =	vst v63  }
0x88: {  	_ =	swait.ge [sflag:s17], $0x1400  }
.Ltmp2:
0x89: {  	[sflag:s17] =	ssyncset.done $0x0;
	(pc) =	sbr.rel @p0 .LBB2_6-.Ltmp2, $4  }
0x8a: {  	[sflag:s17] =	ssyncadd.s32 $0xFFFFEC00  }
0x8b: {  	[spmem:s2] =	stream.indirect.scatter.add.f32 [tilespmem:s18], [sflag:$0x1], $0x28, s3, s18, $0xb8;
	[tilespmem:$0x1FE80] =	vst v63  }
0x8c: {  	_ =	swait.ge [sflag:s17], $0x1400  }
0x8d: {  	s22 =	smov.u32 s24;
	s20 =	sadd.s32 $0x280, s20;
	[sflag:s17] =	ssyncset.done $0x0  }
0x8e: {  	s21 =	sadd.s32 s21, s12;
	[sflag:s17] =	ssyncadd.s32 $0xFFFFEC00  }
0x8f: {  	[tilespmem:s3], [sflag:$0x1] =	stream.linear.gather [hbm4b:s21+s3], $0x80, $0x38;
	[tilespmem:$0x1FE80] =	vst v63  }
0x90: {  	_ =	swait.ge [sflag:s17], $0x80  }
0x91: {  	[sflag:s17] =	ssyncset.done $0x0  }
0x92: {  	[sflag:s17] =	ssyncadd.s32 $0xFFFFFF80  }
0x93: {  	[tilespmem:s18], [sflag:$0x1] =	stream.linear.gather [hbm4b:s20+s3], $0x1400, $0x38;
	[tilespmem:$0x1FE80] =	vst v63  }
0x94: {  	_ =	swait.ge [sflag:s17], $0x1400  }
0x95: {  	[sflag:s17] =	ssyncset.done $0x0  }
0x96: {  	[sflag:s17] =	ssyncadd.s32 $0xFFFFEC00  }
0x97: {  	[spmem:s2] =	stream.indirect.scatter.add.f32 [tilespmem:s18], [sflag:$0x1], $0x28, s3, s18, $0xb8;
	[tilespmem:$0x1FE80] =	vst v63  }
0x98: {  	_ =	swait.ge [sflag:s17], $0x1400  }
0x99: {  	[sflag:s17] =	ssyncset.done $0x0  }
0x9a: {  	[sflag:s17] =	ssyncadd.s32 $0xFFFFEC00  }
0x9b: {  	[bflag:$0x0] =	sbarrier.arrive $0xFFFF  }
0x9c: {  	[hbm:s8], [sflag:s5] =	dma.local [spmem:s16], $0x3D40  }
0x9d: {  	_ =	swait.ge [sflag:s17], $0x3D40  }
0x9e: {  	[sflag:s17] =	ssyncset.done $0x0  }
0x9f: {  	[sflag:s17] =	ssyncadd.s32 $0xFFFFC2C0  }
0xa0: {  	[bflag:$0x0] =	sbarrier.arrive $0xFFFF  }
0xa1: {  	[spmem:s16], [sflag:s5] =	dma.local [hbm:s4], $0x3D40  }
0xa2: {  	_ =	swait.ge [sflag:s17], $0x3D40  }
0xa3: {  	[sflag:s17] =	ssyncset.done $0x0  }
0xa4: {  	[sflag:s17] =	ssyncadd.s32 $0xFFFFC2C0  }
0xa5: {  	s31 =	sadd.s32 $0x0, s12;
	[bflag:$0x0] =	sbarrier.arrive $0xFFFF  }
0xa6: {  	[tilespmem:s3], [sflag:$0x1] =	stream.linear.gather [hbm4b:s31+s3], $0x80, $0x38;
	[tilespmem:$0x1FE80] =	vst v63  }
0xa7: {  	_ =	swait.ge [sflag:s17], $0x80  }
0xa8: {  	[sflag:s17] =	ssyncset.done $0x0  }
0xa9: {  	[sflag:s17] =	ssyncadd.s32 $0xFFFFFF80  }
0xaa: {  	[tilespmem:s18], [sflag:$0x1] =	stream.linear.gather [hbm4b:s15+s3], $0x1400, $0x38;
	[tilespmem:$0x1FE80] =	vst v63  }
0xab: {  	_ =	swait.ge [sflag:s17], $0x1400  }
0xac: {  	[sflag:s17] =	ssyncset.done $0x0  }
0xad: {  	[sflag:s17] =	ssyncadd.s32 $0xFFFFEC00  }
0xae: {  	[spmem:s2] =	stream.indirect.scatter.add.f32 [tilespmem:s18], [sflag:$0x1], $0x28, s3, s18, $0xb8;
	[tilespmem:$0x1FE80] =	vst v63  }
0xaf: {  	s22 =	simm.s32 $0x20;
	_ =	swait.ge [sflag:s17], $0x1400  }
0xb0: {  	s21 =	simm.s32 $0x10;
	s20 =	sadd.s32 $0x280, s15;
	[sflag:s17] =	ssyncset.done $0x0  }
.LBB2_8:
0xb1: {  	s23 =	sadd.s32 s21, s12  }
0xb2: {  	[sflag:s17] =	ssyncadd.s32 $0xFFFFEC00;
	s21 =	smov.u32 s22;
	s24 =	sadd.s32 $0x10, s22  }
0xb3: {  	[tilespmem:s3], [sflag:$0x1] =	stream.linear.gather [hbm4b:s23+s3], $0x80, $0x38;
	[tilespmem:$0x1FE80] =	vst v63  }
0xb4: {  	p0 =	sne.s32 s22, $0xCF0;
	_ =	swait.ge [sflag:s17], $0x80  }
0xb5: {  	[sflag:s17] =	ssyncset.done $0x0  }
0xb6: {  	[sflag:s17] =	ssyncadd.s32 $0xFFFFFF80  }
0xb7: {  	[tilespmem:s18], [sflag:$0x1] =	stream.linear.gather [hbm4b:s20+s3], $0x1400, $0x38;
	[tilespmem:$0x1FE80] =	vst v63  }
0xb8: {  	_ =	swait.ge [sflag:s17], $0x1400  }
.Ltmp3:
0xb9: {  	[sflag:s17] =	ssyncset.done $0x0;
	(pc) =	sbr.rel @p0 .LBB2_8-.Ltmp3, $4  }
0xba: {  	[sflag:s17] =	ssyncadd.s32 $0xFFFFEC00  }
0xbb: {  	[spmem:s2] =	stream.indirect.scatter.add.f32 [tilespmem:s18], [sflag:$0x1], $0x28, s3, s18, $0xb8;
	[tilespmem:$0x1FE80] =	vst v63  }
0xbc: {  	_ =	swait.ge [sflag:s17], $0x1400  }
0xbd: {  	s22 =	smov.u32 s24;
	s20 =	sadd.s32 $0x280, s20;
	[sflag:s17] =	ssyncset.done $0x0  }
0xbe: {  	s21 =	sadd.s32 s21, s12;
	[sflag:s17] =	ssyncadd.s32 $0xFFFFEC00  }
0xbf: {  	[tilespmem:s3], [sflag:$0x1] =	stream.linear.gather [hbm4b:s21+s3], $0x80, $0x38;
	[tilespmem:$0x1FE80] =	vst v63  }
0xc0: {  	_ =	swait.ge [sflag:s17], $0x80  }
0xc1: {  	[sflag:s17] =	ssyncset.done $0x0  }
0xc2: {  	[sflag:s17] =	ssyncadd.s32 $0xFFFFFF80  }
0xc3: {  	[tilespmem:s18], [sflag:$0x1] =	stream.linear.gather [hbm4b:s20+s3], $0x1400, $0x38;
	[tilespmem:$0x1FE80] =	vst v63  }
0xc4: {  	_ =	swait.ge [sflag:s17], $0x1400  }
0xc5: {  	[sflag:s17] =	ssyncset.done $0x0  }
0xc6: {  	[sflag:s17] =	ssyncadd.s32 $0xFFFFEC00  }
0xc7: {  	[spmem:s2] =	stream.indirect.scatter.add.f32 [tilespmem:s18], [sflag:$0x1], $0x28, s3, s18, $0xb8;
	[tilespmem:$0x1FE80] =	vst v63  }
0xc8: {  	_ =	swait.ge [sflag:s17], $0x1400  }
0xc9: {  	[sflag:s17] =	ssyncset.done $0x0  }
0xca: {  	s19 =	sadd.s32 $0x1, s19;
	[sflag:s17] =	ssyncadd.s32 $0xFFFFEC00  }
0xcb: {  	p0 =	sne.s32 s19, s11;
	[bflag:$0x0] =	sbarrier.arrive $0xFFFF  }
0xcc: {  	[hbm:s9], [sflag:s5] =	dma.local [spmem:s16], $0x3D40  }
.Ltmp4:
0xcd: {  	_ =	swait.ge [sflag:s17], $0x3D40;
	(pc) =	sbr.rel @p0 .LBB2_1-.Ltmp4, $3  }
0xce: {  	[sflag:s17] =	ssyncset.done $0x0  }
0xcf: {  	[sflag:s17] =	ssyncadd.s32 $0xFFFFC2C0  }
0xd0: {  	[bflag:$0x0] =	sbarrier.arrive $0xFFFF;
	_ =	sdelay $0x1  }
0xd1: {  	_ =	sfence.sel $0x180000  }
0xd2: {  	[bflag:$0x0] =	sbarrier.arrive $0xFFFF  }
0xd3: {  	p0 =	sne.s32 s0, $0x0;
	_ =	strace $0x90000053  }
0xd4: {  	s0 =	sadd.s32 @!p0 $0x100000, s1;
	[bflag:$0x2] =	sbarrier.arrive $0xFFFF  }
0xd5: {  	[sflag:s0] =	ssyncadd.tile.s32 @!p0 $0x1;
	_ =	shalt  }
.Lfunc_end2:
_tile_overlayer_lowered:
.L_overlay_start_2:
0xd6: {  	(tag) =	ssettag $0x2  }
0xd7: {  	s0 =	rddreg [dreg:$0x0];
	s2 =	stileid.u32  }
0xd8: {  	s1 =	rddreg [dreg:$0x1];
	p0 =	sne.s32 s2, $0x0  }
0xd9: {  	s3 =	rddreg [dreg:$0x2];
	[bflag:$0x3] =	sbarrier.arrive $0xFFFF;
	s2 =	simm.s32 @!p0 $0x1C01  }
0xda: {  	[timem:s3], [sflag:s2] =	dma.local @!p0 [hbm:s0], s1  }
0xdb: {  	s0 =	simm.s32 @!p0 $0x1  }
0xdc: {  	_ =	swait.ge @!p0 [sflag:s0], s1  }
0xdd: {  	s1 =	ssub.s32 @!p0 $0x0, s1;
	[sflag:s0] =	ssyncset.done @!p0 $0x0  }
0xde: {  	[sflag:s0] =	ssyncadd.s32 @!p0 s1  }
0xdf: {  	[bflag:$0x3] =	sbarrier.arrive $0xFFFF  }
0xe0: {  	_ =	shalt  }

// kernel: kernel.31.cloned.1.call-start
scs
__scs_entry_jumppad:
0x0: {  	(pc) =	sbr.rel $0x88, $3  }
0x1: {  	(tag) =	ssettag $0x0;
	lr =	simm.s32 $0x1  }
0x2: {  	[smem:$0x3F8F] =	sst lr;
	_ =	strace $0xD0000000  }
0x3: {  	_ = 	snop  }
0x4: {  	_ = 	snop  }
0x5: {  	_ = 	snop  }
0x6: {  	_ = 	snop  }
0x7: {  	_ = 	snop  }
__scs_overlays_trampoline_lowered:
0x8: {  	[smem:$0x3F9E] =	sst s0  }
0x9: {  	[smem:$0x3F9F] =	sst s1  }
0xa: {  	[smem:$0x3FA0] =	sst s2  }
0xb: {  	[smem:$0x3FA1] =	sst s3  }
0xc: {  	[smem:$0x3FA2] =	sst s4  }
0xd: {  	[smem:$0x3FA3] =	sst s5  }
0xe: {  	[smem:$0x3FA4] =	sst s6  }
0xf: {  	[smem:$0x3FA5] =	sst s7  }
0x10: {  	[smem:$0x3FA6] =	sst s8  }
0x11: {  	[smem:$0x3FA7] =	sst s9;
	s0 =	simm.s32 @!p0 $0x0  }
0x12: {  	s1 =	sld [smem:$0x3F8D];
	s0 =	simm.s32 @p0 $0x1  }
0x13: {  	[smem:$0x3FA8] =	sst s0;
	s0 =	simm.s32 @!p1 $0x0  }
0x14: {  	s2 =	sld [smem:$0x3F8C];
	s0 =	simm.s32 @p1 $0x1  }
0x15: {  	[smem:$0x3FA9] =	sst s0;
	s0 =	simm.s32 @!p2 $0x0  }
0x16: {  	s3 =	sld [smem:$0x3FDB];
	s0 =	simm.s32 @p2 $0x1  }
0x17: {  	s4 =	simm.s32 $0x1BF5;
	[smem:$0x3FAB] =	sst s0  }
0x18: {  	s0 =	sld [smem:$0x3F8E];
	_ =	swait.ge [sflag:s4], $0x0  }
0x19: {  	s7 =	sld [smem:$0x3F8F]  }
0x1a: {  	s8 =	sadd.s32 $0xFFFFE003, lr  }
0x1b: {  	s9 =	sadd.s32 $0xFFFFFEF7, lr;
	s5 =	simm.s32 $0xFFFFFFFF;
	p2 =	slt.u32 s8, $0xFFFFF086  }
0x1c: {  	p1 =	slt.u32 s9, $0xF7A;
	s5 =	simm.s32 @!p2 $0x0  }
0x1d: {  	s5 =	simm.s32 @p1 $0x1;
	p0 =	seq.s32 s7, s2  }
0x1e: {  	s7 =	smul.u32 @!p0 $0xF7A, s2;
	p2 =	seq.s32 @!p0 s5, $0x0  }
0x1f: {  	s9 =	smul.u32 $0xF7A, s1;
	s8 =	simm.s32 @!p0 $0x1BF5;
	p2 =	por !p2, p0  }
0x20: {  	[sflag:s8] =	ssyncset.s32 @!p0 $0xFFFFF086;
	s6 =	sadd.s32 @!p0 s3, s7;
	s7 =	simm.s32 @!p0 $0x108  }
0x21: {  	s3 =	sadd.s32 s3, s9;
	s6 =	sadd.s32 @!p0 $0x88, s6;
	s7 =	simm.s32 @p2 $0x1082  }
0x22: {  	[simem:s7], [sflag:s8] =	dma.local @!p0 [hbm:s6], $0xF7A  }
0x23: {  	s9 =	sor.u32 $0xD0000000, s2;
	s6 =	simm.s32 $0x108;
	_ =	swait.ge @!p0 [sflag:s8], $0x0  }
0x24: {  	s3 =	sadd.s32 $0x88, s3;
	s6 =	simm.s32 @!p1 $0x1082;
	[sflag:s4] =	ssyncset.s32 $0xFFFFF086  }
0x25: {  	[simem:s6], [sflag:s4] =	dma.local [hbm:s3], $0xF7A  }
0x26: {  	[smem:$0x3F8F] =	sst s1;
	(tag) =	ssettag s2;
	_ =	strace s9  }
0x27: {  	s1 =	sld [smem:$0x3F9F]  }
0x28: {  	s2 =	sld [smem:$0x3FA0]  }
0x29: {  	s4 =	sld [smem:$0x3FA2]  }
0x2a: {  	p0 =	seq.s32 s5, $0x0;
	s5 =	sld [smem:$0x3FA3]  }
0x2b: {  	s6 =	sld [smem:$0x3FA4]  }
0x2c: {  	s7 =	sld [smem:$0x3FA5]  }
0x2d: {  	s3 =	simm.s32 $0x108;
	s8 =	sld [smem:$0x3FA6]  }
0x2e: {  	s3 =	simm.s32 @!p0 $0x1082;
	s9 =	sld [smem:$0x3FA7]  }
0x2f: {  	lr =	sadd.s32 s0, s3;
	s0 =	sld [smem:$0x3F9E]  }
0x30: {  	s3 =	sld [smem:$0x3FA1]  }
0x31: {  	[smem:$0x3FAA] =	sst s10  }
0x32: {  	s10 =	sld [smem:$0x3FA8];
	_ =	sdelay $0x3  }
0x33: {  	p0 =	seq.s32 s10, $0x1;
	s10 =	sld [smem:$0x3FAA];
	_ =	sdelay $0x3  }
0x34: {  	[smem:$0x3FAA] =	sst s10  }
0x35: {  	s10 =	sld [smem:$0x3FA9];
	_ =	sdelay $0x3  }
0x36: {  	p1 =	seq.s32 s10, $0x1;
	s10 =	sld [smem:$0x3FAA];
	_ =	sdelay $0x3  }
0x37: {  	[smem:$0x3FAA] =	sst s10  }
0x38: {  	s10 =	sld [smem:$0x3FAB]  }
0x39: {  	_ = 	snop;
	(pc) =	sbr.ind lr, $3  }
0x3a: {  	_ = 	snop  }
0x3b: {  	_ = 	snop  }
0x3c: {  	p2 =	seq.s32 s10, $0x1;
	s10 =	sld [smem:$0x3FAA]  }
0x3d: {  	_ =	shalt  }
0x3e: {  	_ =	shalt  }
0x3f: {  	_ =	shalt  }
0x40: {  	_ =	shalt  }
0x41: {  	_ =	shalt  }
0x42: {  	_ =	shalt  }
0x43: {  	_ =	shalt  }
0x44: {  	_ =	shalt  }
0x45: {  	_ =	shalt  }
0x46: {  	_ =	shalt  }
0x47: {  	_ =	shalt  }
0x48: {  	_ =	shalt  }
0x49: {  	_ =	shalt  }
0x4a: {  	_ =	shalt  }
0x4b: {  	_ =	shalt  }
0x4c: {  	_ =	shalt  }
0x4d: {  	_ =	shalt  }
0x4e: {  	_ =	shalt  }
0x4f: {  	_ =	shalt  }
0x50: {  	_ =	shalt  }
0x51: {  	_ =	shalt  }
0x52: {  	_ =	shalt  }
0x53: {  	_ =	shalt  }
0x54: {  	_ =	shalt  }
0x55: {  	_ =	shalt  }
0x56: {  	_ =	shalt  }
0x57: {  	_ =	shalt  }
0x58: {  	_ =	shalt  }
0x59: {  	_ =	shalt  }
0x5a: {  	_ =	shalt  }
0x5b: {  	_ =	shalt  }
0x5c: {  	_ =	shalt  }
0x5d: {  	_ =	shalt  }
0x5e: {  	_ =	shalt  }
0x5f: {  	_ =	shalt  }
0x60: {  	_ =	shalt  }
0x61: {  	_ =	shalt  }
0x62: {  	_ =	shalt  }
0x63: {  	_ =	shalt  }
0x64: {  	_ =	shalt  }
0x65: {  	_ =	shalt  }
0x66: {  	_ =	shalt  }
0x67: {  	_ =	shalt  }
0x68: {  	_ =	shalt  }
0x69: {  	_ =	shalt  }
0x6a: {  	_ =	shalt  }
0x6b: {  	_ =	shalt  }
0x6c: {  	_ =	shalt  }
0x6d: {  	_ =	shalt  }
0x6e: {  	_ =	shalt  }
0x6f: {  	_ =	shalt  }
0x70: {  	_ =	shalt  }
0x71: {  	_ =	shalt  }
0x72: {  	_ =	shalt  }
0x73: {  	_ =	shalt  }
0x74: {  	_ =	shalt  }
0x75: {  	_ =	shalt  }
0x76: {  	_ =	shalt  }
0x77: {  	_ =	shalt  }
0x78: {  	_ =	shalt  }
0x79: {  	_ =	shalt  }
0x7a: {  	_ =	shalt  }
0x7b: {  	_ =	shalt  }
0x7c: {  	_ =	shalt  }
0x7d: {  	_ =	shalt  }
0x7e: {  	_ =	shalt  }
0x7f: {  	_ =	shalt  }
0x80: {  	_ =	shalt  }
0x81: {  	_ =	shalt  }
0x82: {  	_ =	shalt  }
0x83: {  	_ =	shalt  }
0x84: {  	_ =	shalt  }
0x85: {  	_ =	shalt  }
0x86: {  	_ =	shalt  }
0x87: {  	_ =	shalt  }
.Lfunc_end0:
.L_simem_size_0:
called_computation.5_lowered:
.L_overlay_start_0:
0x88: {  	s2 =	sld [smem:$0x3FD9]  }
0x89: {  	s3 =	sld [smem:$0x3FFE];
	_ =	sdelay $0x1  }
0x8a: {  	s1 =	srdreg.scid  }
0x8b: {  	s0 =	sand.u32 $0x1, s1  }
0x8c: {  	s16 =	sshll.u32 s0, $0xA;
	s2 =	sadd.s32 s3, s2  }
0x8d: {  	s2 =	sadd.s32 s2, s16  }
0x8e: {  	[smem:$0x3FB6] =	sst s2  }
0x8f: {  	_ = 	snop  }
0x90: {  	(tm) =	ssettm $0x1  }
0x91: {  	s17 =	sld [smem:$0x3FFB];
	_ =	sdelay $0x3  }
0x92: {  	_ =	strace s17  }
0x93: {  	s2 =	sld [smem:$0x3FFC];
	_ =	sdelay $0x3  }
0x94: {  	_ =	strace s2  }
0x95: {  	s2 =	sld [smem:$0x3FFD];
	_ =	sdelay $0x3  }
0x96: {  	_ =	strace s2  }
0x97: {  	_ =	strace $0x8FFFFFFF  }
0x98: {  	s18 =	sld [smem:$0x3FDB];
	_ =	sdelay $0x1  }
0x99: {  	s19 =	simm.s32 $_scs_section_size  }
0x9a: {  	s4 =	simm.s32 $_size__tile_overlayer_lowered;
	s5 =	simm.s32 $_tile_overlayer_lowered  }
0x9b: {  	s22 =	simm.s32 $0x1BFF;
	s21 =	sshll.u32 s5, $0x1;
	s2 =	sadd.s32 s19, s18  }
0x9c: {  	s6 =	simm.s32 $0x0;
	s20 =	sshll.u32 s4, $0x1;
	s4 =	sadd.s32 s21, s2  }
0x9d: {  	[timem:s6], [sflag:s22] =	dma.local [hbm:s4], s20  }
0x9e: {  	_ =	swait.ge [sflag:s22], s20  }
0x9f: {  	s3 =	ssub.s32 $0x0, s20;
	[sflag:s22] =	ssyncset.done $0x0  }
0xa0: {  	[sflag:s22] =	ssyncadd.s32 s3;
	_ =	sdelay $0x1  }
0xa1: {  	s23 =	simm.s32 $0x1B8B  }
0xa2: {  	_ =	swait.ge [sflag:s23], $0x1  }
0xa3: {  	[sflag:s23] =	ssyncset.done $0x0  }
0xa4: {  	s25 =	simm.s32 $0x1B8E;
	s24 =	sld [smem:$0x3FFE];
	[sflag:s23] =	ssyncadd.s32 $0xFFFFFFFF  }
0xa5: {  	s26 =	simm.s32 $execute0_lowered;
	[smem:$0x3FD2] =	sst s25  }
0xa6: {  	s4 =	sshll.u32 s26, $0x1;
	_ =	strace $0x80000055;
	[dreg:$0x1] =	wrdreg $0xFFFFFFFF  }
0xa7: {  	s28 =	simm.s32 $_size_execute0_lowered;
	s2 =	sadd.s32 s2, s4;
	[dreg:$0x0] =	wrdreg $0x0  }
0xa8: {  	s4 =	sshll.u32 s28, $0x1;
	[dreg:$0x2] =	wrdreg s2  }
0xa9: {  	[dreg:$0x3] =	wrdreg s4  }
0xaa: {  	[dreg:$0x4] =	wrdreg $0xC0  }
0xab: {  	_ =	task [dreg:s6], $0x5FFFF  }
0xac: {  	[dreg:$0x1] =	wrdreg $0xFFFFFFFF  }
0xad: {  	[dreg:$0x0] =	wrdreg $0x60  }
0xae: {  	[dreg:$0x2] =	wrdreg s24  }
0xaf: {  	[dreg:$0x3] =	wrdreg $0x9  }
0xb0: {  	_ =	task.clear_ibuf [dreg:s6], $0x4FFFF;
	_ =	strace $0x90000055  }
0xb1: {  	s29 =	simm.s32 $0x9;
	_ =	strace $0x80000057  }
0xb2: {  	_ =	swait.ge [sflag:s29], $0x1  }
0xb3: {  	[sflag:s29] =	ssyncadd.s32 $0xFFFFFFFF  }
0xb4: {  	_ =	strace $0x90000057  }
0xb5: {  	_ =	sfence  }
0xb6: {  	s30 =	sld [smem:$0x0];
	_ =	sdelay $0x2  }
0xb7: {  	s31 =	sshll.u32 s1, $0xD;
	s1 =	sshrl.u32 s1, $0x2  }
0xb8: {  	s3 =	sand.u32 $0x4000, s31;
	s1 =	sadd.s32 s1, s30  }
0xb9: {  	s0 =	sor.u32 s3, s0;
	s1 =	sshll.u32 s1, $0x11  }
0xba: {  	s0 =	sor.u32 s1, s0  }
0xbb: {  	s0 =	sadd.s32 $0x8F2B, s0  }
0xbc: {  	[sflag:s0] =	ssyncadd.remote.s32 $0x1  }
0xbd: {  	_ =	sfence.sel $0xFFFF  }
0xbe: {  	[dreg:$0x0] =	wrdreg $0xFFFFFFFF;
	(pc) =	sbr.abs _section_cstart, $3  }
0xbf: {  	[dreg:$0x1] =	wrdreg $0xFFFFFFFF  }
0xc0: {  	_ =	task.clear_ibuf [dreg:s6], $0x2FFFF;
	_ =	strace $0x9FFFFFFF  }
0xc1: {  	(tm) =	ssettm $0x7FFFFFFF  }
tec
execute0_lowered:
.L_overlay_start_1:
0x0: {  	(tag) =	ssettag $0x1  }
0x1: {  	s1 =	srdreg.scid;
	s0 =	stileid.u32  }
0x2: {  	s6 =	rddreg [dreg:$0x0];
	s2 =	simm.s32 $0x0;
	s12 =	simm.s32 $0x80  }
0x3: {  	s13 =	simm.s32 $0x100;
	s14 =	simm.s32 $0x500;
	s15 =	simm.s32 $0x900  }
0x4: {  	s5 =	sand.u32 $0x1, s1;
	s3 =	smul.u32 $0xD000, s0;
	s1 =	rddreg [dreg:$0x1]  }
0x5: {  	s16 =	simm.s32 $0x0;
	[smem:$0x7FF] =	sst s2;
	s4 =	smul.u32 $0x6800, s5  }
0x6: {  	s8 =	smul.u32 $0xD0000, s0;
	_ =	strace $0x80000056;
	s31 =	ssub.s32 $0x2, s5  }
0x7: {  	s9 =	smul.u32 $0x68000, s5;
	s11 =	sshrl.u32 s31, $0x1;
	s7 =	sadd.s32 s4, s3  }
0x8: {  	s4 =	sadd.s32 $0x757200, s6;
	s3 =	sshrl.u32 s7, $0x3;
	s7 =	sadd.s32 s7, s6  }
0x9: {  	s10 =	sadd.s32 s3, s6;
	s3 =	sadd.s32 $0xCEA00, s6;
	s6 =	sadd.s32 s8, s6  }
0xa: {  	s5 =	sadd.s32 $0x137200, s7;
	s8 =	ssub.s32 s31, s11;
	s9 =	sadd.s32 s9, s6  }
0xb: {  	s11 =	simm.s32 $0x1;
	s6 =	sadd.s32 $0x207200, s7;
	s7 =	sadd.s32 $0x81B200, s9  }
0xc: {  	s8 =	smax.u32 s8, $0x1;
	s9 =	sadd.s32 $0x103200, s10;
	s10 =	sadd.s32 $0x11D200, s10  }
.LBB2_1:
0xd: {  	s17 =	sadd.s32 $0x0, s10  }
0xe: {  	[tilespmem:s2], [sflag:$0x1] =	stream.linear.gather [hbm4b:s17+s2], $0x80, $0x38;
	[tilespmem:$0x4900] =	vst v63  }
0xf: {  	_ =	swait.ge [sflag:s11], $0x80  }
0x10: {  	[sflag:s11] =	ssyncset.done $0x0  }
0x11: {  	s31 =	sadd.s32 $0x0, s9;
	[sflag:s11] =	ssyncadd.s32 $0xFFFFFF80  }
0x12: {  	[tilespmem:s12], [sflag:$0x1] =	stream.linear.gather [hbm4b:s31+s2], $0x80, $0x38;
	[tilespmem:$0x4900] =	vst v63  }
0x13: {  	_ =	swait.ge [sflag:s11], $0x80  }
0x14: {  	[sflag:s11] =	ssyncset.done $0x0  }
0x15: {  	[sflag:s11] =	ssyncadd.s32 $0xFFFFFF80  }
0x16: {  	[tilespmem:s13], [sflag:$0x1] =	stream.indirect.gather [hbm4b:s3+s12], $0x8, s2, s12, $0xb8;
	[tilespmem:$0x4900] =	vst v63  }
0x17: {  	_ =	swait.ge [sflag:s11], $0x400  }
0x18: {  	[sflag:s11] =	ssyncset.done $0x0  }
0x19: {  	[sflag:s11] =	ssyncadd.s32 $0xFFFFFC00  }
0x1a: {  	[hbm4b:s6+s2] =	stream.linear.scatter [tilespmem:s13], [sflag:$0x1], $0x400, $0x38;
	[tilespmem:$0x4900] =	vst v63  }
0x1b: {  	_ =	swait.ge [sflag:s11], $0x400  }
0x1c: {  	[sflag:s11] =	ssyncset.done $0x0  }
0x1d: {  	[sflag:s11] =	ssyncadd.s32 $0xFFFFFC00  }
0x1e: {  	[tilespmem:s14], [sflag:$0x1] =	stream.indirect.gather [hbm4b:s3+s12], $0x8, s12, s12, $0xb8;
	[tilespmem:$0x4900] =	vst v63  }
0x1f: {  	_ =	swait.ge [sflag:s11], $0x400  }
0x20: {  	[sflag:s11] =	ssyncset.done $0x0  }
0x21: {  	[sflag:s11] =	ssyncadd.s32 $0xFFFFFC00  }
0x22: {  	[hbm4b:s5+s2] =	stream.linear.scatter [tilespmem:s14], [sflag:$0x1], $0x400, $0x38;
	[tilespmem:$0x4900] =	vst v63  }
0x23: {  	_ =	swait.ge [sflag:s11], $0x400  }
0x24: {  	[sflag:s11] =	ssyncset.done $0x0  }
0x25: {  	[sflag:s11] =	ssyncadd.s32 $0xFFFFFC00  }
0x26: {  	[tilespmem:s15], [sflag:$0x1] =	stream.indirect.gather [hbm4b:s4+s12], $0x80, s2, s12, $0xb8;
	[tilespmem:$0x4900] =	vst v63  }
0x27: {  	_ =	swait.ge [sflag:s11], $0x4000  }
0x28: {  	[sflag:s11] =	ssyncset.done $0x0  }
0x29: {  	s20 =	simm.s32 $0x10;
	[sflag:s11] =	ssyncadd.s32 $0xFFFFC000  }
0x2a: {  	[hbm4b:s7+s2] =	stream.linear.scatter [tilespmem:s15], [sflag:$0x1], $0x4000, $0x38;
	[tilespmem:$0x4900] =	vst v63  }
0x2b: {  	s22 =	simm.s32 $0x20;
	s18 =	sadd.s32 $0x80, s5;
	_ =	swait.ge [sflag:s11], $0x4000  }
0x2c: {  	s19 =	sadd.s32 $0x80, s6;
	s17 =	sadd.s32 $0x800, s7;
	[sflag:s11] =	ssyncset.done $0x0  }
.LBB2_2:
0x2d: {  	s23 =	sadd.s32 s20, s10  }
0x2e: {  	[sflag:s11] =	ssyncadd.s32 $0xFFFFC000;
	s24 =	smov.u32 s22;
	s21 =	sadd.s32 $0x10, s22  }
0x2f: {  	[tilespmem:s2], [sflag:$0x1] =	stream.linear.gather [hbm4b:s23+s2], $0x80, $0x38;
	[tilespmem:$0x4900] =	vst v63  }
0x30: {  	p0 =	sne.s32 s22, $0xCF0;
	_ =	swait.ge [sflag:s11], $0x80  }
0x31: {  	[sflag:s11] =	ssyncset.done $0x0  }
0x32: {  	s22 =	sadd.s32 s20, s9;
	s20 =	smov.u32 s24;
	[sflag:s11] =	ssyncadd.s32 $0xFFFFFF80  }
0x33: {  	[tilespmem:s12], [sflag:$0x1] =	stream.linear.gather [hbm4b:s22+s2], $0x80, $0x38;
	[tilespmem:$0x4900] =	vst v63  }
0x34: {  	_ =	swait.ge [sflag:s11], $0x80  }
0x35: {  	[sflag:s11] =	ssyncset.done $0x0  }
0x36: {  	[sflag:s11] =	ssyncadd.s32 $0xFFFFFF80  }
0x37: {  	[tilespmem:s13], [sflag:$0x1] =	stream.indirect.gather [hbm4b:s3+s12], $0x8, s2, s12, $0xb8;
	[tilespmem:$0x4900] =	vst v63  }
0x38: {  	_ =	swait.ge [sflag:s11], $0x400  }
0x39: {  	[sflag:s11] =	ssyncset.done $0x0  }
0x3a: {  	[sflag:s11] =	ssyncadd.s32 $0xFFFFFC00  }
0x3b: {  	[hbm4b:s19+s2] =	stream.linear.scatter [tilespmem:s13], [sflag:$0x1], $0x400, $0x38;
	[tilespmem:$0x4900] =	vst v63  }
0x3c: {  	_ =	swait.ge [sflag:s11], $0x400  }
0x3d: {  	[sflag:s11] =	ssyncset.done $0x0  }
0x3e: {  	[sflag:s11] =	ssyncadd.s32 $0xFFFFFC00  }
0x3f: {  	[tilespmem:s14], [sflag:$0x1] =	stream.indirect.gather [hbm4b:s3+s12], $0x8, s12, s12, $0xb8;
	[tilespmem:$0x4900] =	vst v63  }
0x40: {  	_ =	swait.ge [sflag:s11], $0x400  }
0x41: {  	[sflag:s11] =	ssyncset.done $0x0  }
0x42: {  	[sflag:s11] =	ssyncadd.s32 $0xFFFFFC00  }
0x43: {  	[hbm4b:s18+s2] =	stream.linear.scatter [tilespmem:s14], [sflag:$0x1], $0x400, $0x38;
	[tilespmem:$0x4900] =	vst v63  }
0x44: {  	_ =	swait.ge [sflag:s11], $0x400  }
0x45: {  	[sflag:s11] =	ssyncset.done $0x0  }
0x46: {  	[sflag:s11] =	ssyncadd.s32 $0xFFFFFC00  }
0x47: {  	[tilespmem:s15], [sflag:$0x1] =	stream.indirect.gather [hbm4b:s4+s12], $0x80, s2, s12, $0xb8;
	[tilespmem:$0x4900] =	vst v63  }
0x48: {  	_ =	swait.ge [sflag:s11], $0x4000  }
.Ltmp0:
0x49: {  	[sflag:s11] =	ssyncset.done $0x0;
	(pc) =	sbr.rel @p0 .LBB2_2-.Ltmp0, $4  }
0x4a: {  	[sflag:s11] =	ssyncadd.s32 $0xFFFFC000  }
0x4b: {  	[hbm4b:s17+s2] =	stream.linear.scatter [tilespmem:s15], [sflag:$0x1], $0x4000, $0x38;
	[tilespmem:$0x4900] =	vst v63  }
0x4c: {  	s22 =	smov.u32 s21;
	s17 =	sadd.s32 $0x800, s17;
	_ =	swait.ge [sflag:s11], $0x4000  }
0x4d: {  	s19 =	sadd.s32 $0x80, s19;
	s18 =	sadd.s32 $0x80, s18;
	[sflag:s11] =	ssyncset.done $0x0  }
0x4e: {  	s21 =	sadd.s32 s20, s10;
	[sflag:s11] =	ssyncadd.s32 $0xFFFFC000  }
0x4f: {  	[tilespmem:s2], [sflag:$0x1] =	stream.linear.gather [hbm4b:s21+s2], $0x80, $0x38;
	[tilespmem:$0x4900] =	vst v63  }
0x50: {  	_ =	swait.ge [sflag:s11], $0x80  }
0x51: {  	[sflag:s11] =	ssyncset.done $0x0  }
0x52: {  	s31 =	sadd.s32 s20, s9;
	[sflag:s11] =	ssyncadd.s32 $0xFFFFFF80  }
0x53: {  	[tilespmem:s12], [sflag:$0x1] =	stream.linear.gather [hbm4b:s31+s2], $0x80, $0x38;
	[tilespmem:$0x4900] =	vst v63  }
0x54: {  	_ =	swait.ge [sflag:s11], $0x80  }
0x55: {  	[sflag:s11] =	ssyncset.done $0x0  }
0x56: {  	[sflag:s11] =	ssyncadd.s32 $0xFFFFFF80  }
0x57: {  	[tilespmem:s13], [sflag:$0x1] =	stream.indirect.gather [hbm4b:s3+s12], $0x8, s2, s12, $0xb8;
	[tilespmem:$0x4900] =	vst v63  }
0x58: {  	_ =	swait.ge [sflag:s11], $0x400  }
0x59: {  	[sflag:s11] =	ssyncset.done $0x0  }
0x5a: {  	[sflag:s11] =	ssyncadd.s32 $0xFFFFFC00  }
0x5b: {  	[hbm4b:s19+s2] =	stream.linear.scatter [tilespmem:s13], [sflag:$0x1], $0x400, $0x38;
	[tilespmem:$0x4900] =	vst v63  }
0x5c: {  	_ =	swait.ge [sflag:s11], $0x400  }
0x5d: {  	[sflag:s11] =	ssyncset.done $0x0  }
0x5e: {  	[sflag:s11] =	ssyncadd.s32 $0xFFFFFC00  }
0x5f: {  	[tilespmem:s14], [sflag:$0x1] =	stream.indirect.gather [hbm4b:s3+s12], $0x8, s12, s12, $0xb8;
	[tilespmem:$0x4900] =	vst v63  }
0x60: {  	_ =	swait.ge [sflag:s11], $0x400  }
0x61: {  	[sflag:s11] =	ssyncset.done $0x0  }
0x62: {  	[sflag:s11] =	ssyncadd.s32 $0xFFFFFC00  }
0x63: {  	[hbm4b:s18+s2] =	stream.linear.scatter [tilespmem:s14], [sflag:$0x1], $0x400, $0x38;
	[tilespmem:$0x4900] =	vst v63  }
0x64: {  	_ =	swait.ge [sflag:s11], $0x400  }
0x65: {  	[sflag:s11] =	ssyncset.done $0x0  }
0x66: {  	[sflag:s11] =	ssyncadd.s32 $0xFFFFFC00  }
0x67: {  	[tilespmem:s15], [sflag:$0x1] =	stream.indirect.gather [hbm4b:s4+s12], $0x80, s2, s12, $0xb8;
	[tilespmem:$0x4900] =	vst v63  }
0x68: {  	s16 =	sadd.s32 $0x1, s16;
	_ =	swait.ge [sflag:s11], $0x4000  }
0x69: {  	p0 =	sne.s32 s16, s8;
	[sflag:s11] =	ssyncset.done $0x0  }
.Ltmp1:
0x6a: {  	[sflag:s11] =	ssyncadd.s32 $0xFFFFC000;
	(pc) =	sbr.rel @p0 .LBB2_1-.Ltmp1, $4  }
0x6b: {  	[hbm4b:s17+s2] =	stream.linear.scatter [tilespmem:s15], [sflag:$0x1], $0x4000, $0x38;
	[tilespmem:$0x4900] =	vst v63  }
0x6c: {  	_ =	swait.ge [sflag:s11], $0x4000  }
0x6d: {  	[sflag:s11] =	ssyncset.done $0x0  }
0x6e: {  	[sflag:s11] =	ssyncadd.s32 $0xFFFFC000  }
0x6f: {  	_ =	sfence.sel $0x180000  }
0x70: {  	[bflag:$0x0] =	sbarrier.arrive $0xFFFF  }
0x71: {  	p0 =	sne.s32 s0, $0x0;
	_ =	strace $0x90000056  }
0x72: {  	s0 =	sadd.s32 @!p0 $0x100000, s1;
	[bflag:$0x2] =	sbarrier.arrive $0xFFFF  }
0x73: {  	[sflag:s0] =	ssyncadd.tile.s32 @!p0 $0x1;
	_ =	shalt  }
.Lfunc_end2:
_tile_overlayer_lowered:
.L_overlay_start_2:
0x74: {  	(tag) =	ssettag $0x2  }
0x75: {  	s0 =	rddreg [dreg:$0x0];
	s2 =	stileid.u32  }
0x76: {  	s1 =	rddreg [dreg:$0x1];
	p0 =	sne.s32 s2, $0x0  }
0x77: {  	s3 =	rddreg [dreg:$0x2];
	[bflag:$0x3] =	sbarrier.arrive $0xFFFF;
	s2 =	simm.s32 @!p0 $0x1C01  }
0x78: {  	[timem:s3], [sflag:s2] =	dma.local @!p0 [hbm:s0], s1  }
0x79: {  	s0 =	simm.s32 @!p0 $0x1  }
0x7a: {  	_ =	swait.ge @!p0 [sflag:s0], s1  }
0x7b: {  	s1 =	ssub.s32 @!p0 $0x0, s1;
	[sflag:s0] =	ssyncset.done @!p0 $0x0  }
0x7c: {  	[sflag:s0] =	ssyncadd.s32 @!p0 s1  }
0x7d: {  	[bflag:$0x3] =	sbarrier.arrive $0xFFFF  }
0x7e: {  	_ =	shalt  }

// kernel: kernel.34.cloned.1.call-start
scs
__scs_entry_jumppad:
0x0: {  	(pc) =	sbr.rel $0x88, $3  }
0x1: {  	(tag) =	ssettag $0x0;
	lr =	simm.s32 $0x1  }
0x2: {  	[smem:$0x3F8F] =	sst lr;
	_ =	strace $0xD0000000  }
0x3: {  	_ = 	snop  }
0x4: {  	_ = 	snop  }
0x5: {  	_ = 	snop  }
0x6: {  	_ = 	snop  }
0x7: {  	_ = 	snop  }
__scs_overlays_trampoline_lowered:
0x8: {  	[smem:$0x3F9E] =	sst s0  }
0x9: {  	[smem:$0x3F9F] =	sst s1  }
0xa: {  	[smem:$0x3FA0] =	sst s2  }
0xb: {  	[smem:$0x3FA1] =	sst s3  }
0xc: {  	[smem:$0x3FA2] =	sst s4  }
0xd: {  	[smem:$0x3FA3] =	sst s5  }
0xe: {  	[smem:$0x3FA4] =	sst s6  }
0xf: {  	[smem:$0x3FA5] =	sst s7  }
0x10: {  	[smem:$0x3FA6] =	sst s8  }
0x11: {  	[smem:$0x3FA7] =	sst s9;
	s0 =	simm.s32 @!p0 $0x0  }
0x12: {  	s1 =	sld [smem:$0x3F8D];
	s0 =	simm.s32 @p0 $0x1  }
0x13: {  	[smem:$0x3FA8] =	sst s0;
	s0 =	simm.s32 @!p1 $0x0  }
0x14: {  	s2 =	sld [smem:$0x3F8C];
	s0 =	simm.s32 @p1 $0x1  }
0x15: {  	[smem:$0x3FA9] =	sst s0;
	s0 =	simm.s32 @!p2 $0x0  }
0x16: {  	s3 =	sld [smem:$0x3FDB];
	s0 =	simm.s32 @p2 $0x1  }
0x17: {  	s4 =	simm.s32 $0x1BF5;
	[smem:$0x3FAB] =	sst s0  }
0x18: {  	s0 =	sld [smem:$0x3F8E];
	_ =	swait.ge [sflag:s4], $0x0  }
0x19: {  	s7 =	sld [smem:$0x3F8F]  }
0x1a: {  	s8 =	sadd.s32 $0xFFFFE003, lr  }
0x1b: {  	s9 =	sadd.s32 $0xFFFFFEF7, lr;
	s5 =	simm.s32 $0xFFFFFFFF;
	p2 =	slt.u32 s8, $0xFFFFF086  }
0x1c: {  	p1 =	slt.u32 s9, $0xF7A;
	s5 =	simm.s32 @!p2 $0x0  }
0x1d: {  	s5 =	simm.s32 @p1 $0x1;
	p0 =	seq.s32 s7, s2  }
0x1e: {  	s7 =	smul.u32 @!p0 $0xF7A, s2;
	p2 =	seq.s32 @!p0 s5, $0x0  }
0x1f: {  	s9 =	smul.u32 $0xF7A, s1;
	s8 =	simm.s32 @!p0 $0x1BF5;
	p2 =	por !p2, p0  }
0x20: {  	[sflag:s8] =	ssyncset.s32 @!p0 $0xFFFFF086;
	s6 =	sadd.s32 @!p0 s3, s7;
	s7 =	simm.s32 @!p0 $0x108  }
0x21: {  	s3 =	sadd.s32 s3, s9;
	s6 =	sadd.s32 @!p0 $0x88, s6;
	s7 =	simm.s32 @p2 $0x1082  }
0x22: {  	[simem:s7], [sflag:s8] =	dma.local @!p0 [hbm:s6], $0xF7A  }
0x23: {  	s9 =	sor.u32 $0xD0000000, s2;
	s6 =	simm.s32 $0x108;
	_ =	swait.ge @!p0 [sflag:s8], $0x0  }
0x24: {  	s3 =	sadd.s32 $0x88, s3;
	s6 =	simm.s32 @!p1 $0x1082;
	[sflag:s4] =	ssyncset.s32 $0xFFFFF086  }
0x25: {  	[simem:s6], [sflag:s4] =	dma.local [hbm:s3], $0xF7A  }
0x26: {  	[smem:$0x3F8F] =	sst s1;
	(tag) =	ssettag s2;
	_ =	strace s9  }
0x27: {  	s1 =	sld [smem:$0x3F9F]  }
0x28: {  	s2 =	sld [smem:$0x3FA0]  }
0x29: {  	s4 =	sld [smem:$0x3FA2]  }
0x2a: {  	p0 =	seq.s32 s5, $0x0;
	s5 =	sld [smem:$0x3FA3]  }
0x2b: {  	s6 =	sld [smem:$0x3FA4]  }
0x2c: {  	s7 =	sld [smem:$0x3FA5]  }
0x2d: {  	s3 =	simm.s32 $0x108;
	s8 =	sld [smem:$0x3FA6]  }
0x2e: {  	s3 =	simm.s32 @!p0 $0x1082;
	s9 =	sld [smem:$0x3FA7]  }
0x2f: {  	lr =	sadd.s32 s0, s3;
	s0 =	sld [smem:$0x3F9E]  }
0x30: {  	s3 =	sld [smem:$0x3FA1]  }
0x31: {  	[smem:$0x3FAA] =	sst s10  }
0x32: {  	s10 =	sld [smem:$0x3FA8];
	_ =	sdelay $0x3  }
0x33: {  	p0 =	seq.s32 s10, $0x1;
	s10 =	sld [smem:$0x3FAA];
	_ =	sdelay $0x3  }
0x34: {  	[smem:$0x3FAA] =	sst s10  }
0x35: {  	s10 =	sld [smem:$0x3FA9];
	_ =	sdelay $0x3  }
0x36: {  	p1 =	seq.s32 s10, $0x1;
	s10 =	sld [smem:$0x3FAA];
	_ =	sdelay $0x3  }
0x37: {  	[smem:$0x3FAA] =	sst s10  }
0x38: {  	s10 =	sld [smem:$0x3FAB]  }
0x39: {  	_ = 	snop;
	(pc) =	sbr.ind lr, $3  }
0x3a: {  	_ = 	snop  }
0x3b: {  	_ = 	snop  }
0x3c: {  	p2 =	seq.s32 s10, $0x1;
	s10 =	sld [smem:$0x3FAA]  }
0x3d: {  	_ =	shalt  }
0x3e: {  	_ =	shalt  }
0x3f: {  	_ =	shalt  }
0x40: {  	_ =	shalt  }
0x41: {  	_ =	shalt  }
0x42: {  	_ =	shalt  }
0x43: {  	_ =	shalt  }
0x44: {  	_ =	shalt  }
0x45: {  	_ =	shalt  }
0x46: {  	_ =	shalt  }
0x47: {  	_ =	shalt  }
0x48: {  	_ =	shalt  }
0x49: {  	_ =	shalt  }
0x4a: {  	_ =	shalt  }
0x4b: {  	_ =	shalt  }
0x4c: {  	_ =	shalt  }
0x4d: {  	_ =	shalt  }
0x4e: {  	_ =	shalt  }
0x4f: {  	_ =	shalt  }
0x50: {  	_ =	shalt  }
0x51: {  	_ =	shalt  }
0x52: {  	_ =	shalt  }
0x53: {  	_ =	shalt  }
0x54: {  	_ =	shalt  }
0x55: {  	_ =	shalt  }
0x56: {  	_ =	shalt  }
0x57: {  	_ =	shalt  }
0x58: {  	_ =	shalt  }
0x59: {  	_ =	shalt  }
0x5a: {  	_ =	shalt  }
0x5b: {  	_ =	shalt  }
0x5c: {  	_ =	shalt  }
0x5d: {  	_ =	shalt  }
0x5e: {  	_ =	shalt  }
0x5f: {  	_ =	shalt  }
0x60: {  	_ =	shalt  }
0x61: {  	_ =	shalt  }
0x62: {  	_ =	shalt  }
0x63: {  	_ =	shalt  }
0x64: {  	_ =	shalt  }
0x65: {  	_ =	shalt  }
0x66: {  	_ =	shalt  }
0x67: {  	_ =	shalt  }
0x68: {  	_ =	shalt  }
0x69: {  	_ =	shalt  }
0x6a: {  	_ =	shalt  }
0x6b: {  	_ =	shalt  }
0x6c: {  	_ =	shalt  }
0x6d: {  	_ =	shalt  }
0x6e: {  	_ =	shalt  }
0x6f: {  	_ =	shalt  }
0x70: {  	_ =	shalt  }
0x71: {  	_ =	shalt  }
0x72: {  	_ =	shalt  }
0x73: {  	_ =	shalt  }
0x74: {  	_ =	shalt  }
0x75: {  	_ =	shalt  }
0x76: {  	_ =	shalt  }
0x77: {  	_ =	shalt  }
0x78: {  	_ =	shalt  }
0x79: {  	_ =	shalt  }
0x7a: {  	_ =	shalt  }
0x7b: {  	_ =	shalt  }
0x7c: {  	_ =	shalt  }
0x7d: {  	_ =	shalt  }
0x7e: {  	_ =	shalt  }
0x7f: {  	_ =	shalt  }
0x80: {  	_ =	shalt  }
0x81: {  	_ =	shalt  }
0x82: {  	_ =	shalt  }
0x83: {  	_ =	shalt  }
0x84: {  	_ =	shalt  }
0x85: {  	_ =	shalt  }
0x86: {  	_ =	shalt  }
0x87: {  	_ =	shalt  }
.Lfunc_end0:
.L_simem_size_0:
called_computation.6_lowered:
.L_overlay_start_0:
0x88: {  	s2 =	sld [smem:$0x3FD9]  }
0x89: {  	s3 =	sld [smem:$0x3FFE];
	_ =	sdelay $0x1  }
0x8a: {  	s1 =	srdreg.scid  }
0x8b: {  	s0 =	sand.u32 $0x1, s1  }
0x8c: {  	s16 =	sshll.u32 s0, $0xA;
	s2 =	sadd.s32 s3, s2  }
0x8d: {  	s2 =	sadd.s32 s2, s16  }
0x8e: {  	[smem:$0x3FB6] =	sst s2  }
0x8f: {  	_ = 	snop  }
0x90: {  	(tm) =	ssettm $0x1  }
0x91: {  	s17 =	sld [smem:$0x3FFB];
	_ =	sdelay $0x3  }
0x92: {  	_ =	strace s17  }
0x93: {  	s2 =	sld [smem:$0x3FFC];
	_ =	sdelay $0x3  }
0x94: {  	_ =	strace s2  }
0x95: {  	s2 =	sld [smem:$0x3FFD];
	_ =	sdelay $0x3  }
0x96: {  	_ =	strace s2  }
0x97: {  	_ =	strace $0x8FFFFFFF  }
0x98: {  	s18 =	sld [smem:$0x3FDB];
	_ =	sdelay $0x1  }
0x99: {  	s19 =	simm.s32 $_scs_section_size  }
0x9a: {  	s4 =	simm.s32 $_size__tile_overlayer_lowered;
	s5 =	simm.s32 $_tile_overlayer_lowered  }
0x9b: {  	s22 =	simm.s32 $0x1BFF;
	s21 =	sshll.u32 s5, $0x1;
	s2 =	sadd.s32 s19, s18  }
0x9c: {  	s6 =	simm.s32 $0x0;
	s20 =	sshll.u32 s4, $0x1;
	s4 =	sadd.s32 s21, s2  }
0x9d: {  	[timem:s6], [sflag:s22] =	dma.local [hbm:s4], s20  }
0x9e: {  	_ =	swait.ge [sflag:s22], s20  }
0x9f: {  	s3 =	ssub.s32 $0x0, s20;
	[sflag:s22] =	ssyncset.done $0x0  }
0xa0: {  	[sflag:s22] =	ssyncadd.s32 s3;
	_ =	sdelay $0x1  }
0xa1: {  	s23 =	simm.s32 $0x1B8B  }
0xa2: {  	_ =	swait.ge [sflag:s23], $0x1  }
0xa3: {  	[sflag:s23] =	ssyncset.done $0x0  }
0xa4: {  	s25 =	simm.s32 $0x1B8E;
	s24 =	sld [smem:$0x3FFE];
	[sflag:s23] =	ssyncadd.s32 $0xFFFFFFFF  }
0xa5: {  	s26 =	simm.s32 $execute0_lowered;
	[smem:$0x3FD2] =	sst s25  }
0xa6: {  	s4 =	sshll.u32 s26, $0x1;
	_ =	strace $0x80000058;
	[dreg:$0x1] =	wrdreg $0xFFFFFFFF  }
0xa7: {  	s28 =	simm.s32 $_size_execute0_lowered;
	s2 =	sadd.s32 s2, s4;
	[dreg:$0x0] =	wrdreg $0x0  }
0xa8: {  	s4 =	sshll.u32 s28, $0x1;
	[dreg:$0x2] =	wrdreg s2  }
0xa9: {  	[dreg:$0x3] =	wrdreg s4  }
0xaa: {  	[dreg:$0x4] =	wrdreg $0xC0  }
0xab: {  	_ =	task [dreg:s6], $0x5FFFF  }
0xac: {  	[dreg:$0x1] =	wrdreg $0xFFFFFFFF  }
0xad: {  	[dreg:$0x0] =	wrdreg $0x60  }
0xae: {  	[dreg:$0x2] =	wrdreg s24  }
0xaf: {  	[dreg:$0x3] =	wrdreg $0x14800  }
0xb0: {  	[dreg:$0x4] =	wrdreg $0x9  }
0xb1: {  	_ =	task.clear_ibuf [dreg:s6], $0x5FFFF;
	_ =	strace $0x90000058  }
0xb2: {  	s29 =	simm.s32 $0x9;
	_ =	strace $0x8000005A  }
0xb3: {  	_ =	swait.ge [sflag:s29], $0x1  }
0xb4: {  	[sflag:s29] =	ssyncadd.s32 $0xFFFFFFFF  }
0xb5: {  	_ =	strace $0x9000005A  }
0xb6: {  	_ =	sfence  }
0xb7: {  	s30 =	sld [smem:$0x0];
	_ =	sdelay $0x2  }
0xb8: {  	s31 =	sshll.u32 s1, $0xD;
	s1 =	sshrl.u32 s1, $0x2  }
0xb9: {  	s3 =	sand.u32 $0x4000, s31;
	s1 =	sadd.s32 s1, s30  }
0xba: {  	s0 =	sor.u32 s3, s0;
	s1 =	sshll.u32 s1, $0x11  }
0xbb: {  	s0 =	sor.u32 s1, s0  }
0xbc: {  	s0 =	sadd.s32 $0x8F2B, s0  }
0xbd: {  	[sflag:s0] =	ssyncadd.remote.s32 $0x1  }
0xbe: {  	_ =	sfence.sel $0xFFFF  }
0xbf: {  	[dreg:$0x0] =	wrdreg $0xFFFFFFFF;
	(pc) =	sbr.abs _section_cstart, $3  }
0xc0: {  	[dreg:$0x1] =	wrdreg $0xFFFFFFFF  }
0xc1: {  	_ =	task.clear_ibuf [dreg:s6], $0x2FFFF;
	_ =	strace $0x9FFFFFFF  }
0xc2: {  	(tm) =	ssettm $0x7FFFFFFF  }
0xc3: {  	_ =	shalt  }
tec
execute0_lowered:
.L_overlay_start_1:
0x0: {  	(tag) =	ssettag $0x1  }
0x1: {  	s1 =	srdreg.scid  }
0x2: {  	s0 =	stileid.u32;
	s6 =	rddreg [dreg:$0x0]  }
0x3: {  	s2 =	rddreg [dreg:$0x1];
	s4 =	smul.u32 $0xD000, s0  }
0x4: {  	s3 =	simm.s32 $0x0;
	s17 =	simm.s32 $0x1;
	s8 =	smul.u32 $0x1EA00, s0  }
0x5: {  	s18 =	simm.s32 $0x80;
	s5 =	sand.u32 $0x1, s1;
	s28 =	smul.u32 $0x41000, s0  }
0x6: {  	s19 =	simm.s32 $0x0;
	s1 =	rddreg [dreg:$0x2];
	s7 =	smul.u32 $0x6800, s5  }
0x7: {  	[smem:$0x7FF] =	sst s3;
	s11 =	sshll.u32 s0, $0x6;
	s9 =	smul.u32 $0x1EA000, s5  }
0x8: {  	_ =	strace $0x80000059;
	s30 =	ssub.s32 $0x2, s5;
	s13 =	smul.u32 $0x20800, s5  }
0x9: {  	s5 =	sor.u32 $0x1C01, s11;
	s10 =	sadd.s32 s28, s6;
	s31 =	sshrl.u32 s30, $0x1  }
0xa: {  	s16 =	sadd.s32 s8, s2;
	s4 =	sadd.s32 s7, s4;
	s9 =	sadd.s32 s8, s9  }
0xb: {  	s14 =	ssub.s32 s30, s31;
	s15 =	sadd.s32 s13, s10;
	s4 =	sshrl.u32 s4, $0x3  }
0xc: {  	s29 =	sshrl.u32 s9, $0x3;
	s10 =	sadd.s32 $0xD4D200, s15;
	s13 =	sadd.s32 $0x93D200, s15  }
0xd: {  	s11 =	smax.u32 s14, $0x1;
	s14 =	sadd.s32 $0x52D200, s15;
	s15 =	sadd.s32 $0x11D200, s15  }
0xe: {  	s12 =	sadd.s32 s4, s6;
	s4 =	sadd.s32 $0x6C00, s6;
	s9 =	sadd.s32 s29, s6  }
0xf: {  	s16 =	sshrl.u32 s16, $0x3;
	s6 =	sadd.s32 $0x11D7A00, s9;
	s7 =	sadd.s32 $0x115D200, s9  }
0x10: {  	s8 =	sadd.s32 $0x85200, s9;
	s9 =	sadd.s32 $0xAA00, s9;
	s12 =	sadd.s32 $0x103200, s12  }
.LBB2_1:
0x11: {  	[spmem:s16], [sflag:s5] =	dma.local [hbm:s4], $0x3D40  }
0x12: {  	_ =	swait.ge [sflag:s17], $0x3D40  }
0x13: {  	[sflag:s17] =	ssyncset.done $0x0  }
0x14: {  	[sflag:s17] =	ssyncadd.s32 $0xFFFFC2C0  }
0x15: {  	s20 =	sadd.s32 $0x0, s12;
	[bflag:$0x0] =	sbarrier.arrive $0xFFFF  }
0x16: {  	[tilespmem:s3], [sflag:$0x1] =	stream.linear.gather [hbm4b:s20+s3], $0x80, $0x38;
	[tilespmem:$0x1FE80] =	vst v63  }
0x17: {  	_ =	swait.ge [sflag:s17], $0x80  }
0x18: {  	[sflag:s17] =	ssyncset.done $0x0  }
0x19: {  	[sflag:s17] =	ssyncadd.s32 $0xFFFFFF80  }
0x1a: {  	[tilespmem:s18], [sflag:$0x1] =	stream.linear.gather [hbm4b:s10+s3], $0x1400, $0x38;
	[tilespmem:$0x1FE80] =	vst v63  }
0x1b: {  	_ =	swait.ge [sflag:s17], $0x1400  }
0x1c: {  	[sflag:s17] =	ssyncset.done $0x0  }
0x1d: {  	[sflag:s17] =	ssyncadd.s32 $0xFFFFEC00  }
0x1e: {  	[spmem:s2] =	stream.indirect.scatter.add.f32 [tilespmem:s18], [sflag:$0x1], $0x28, s3, s18, $0xb8;
	[tilespmem:$0x1FE80] =	vst v63  }
0x1f: {  	s21 =	simm.s32 $0x10;
	_ =	swait.ge [sflag:s17], $0x1400  }
0x20: {  	s22 =	simm.s32 $0x20;
	s20 =	sadd.s32 $0x280, s10;
	[sflag:s17] =	ssyncset.done $0x0  }
.LBB2_2:
0x21: {  	s23 =	sadd.s32 s21, s12  }
0x22: {  	[sflag:s17] =	ssyncadd.s32 $0xFFFFEC00;
	s21 =	smov.u32 s22;
	s24 =	sadd.s32 $0x10, s22  }
0x23: {  	[tilespmem:s3], [sflag:$0x1] =	stream.linear.gather [hbm4b:s23+s3], $0x80, $0x38;
	[tilespmem:$0x1FE80] =	vst v63  }
0x24: {  	p0 =	sne.s32 s22, $0xCF0;
	_ =	swait.ge [sflag:s17], $0x80  }
0x25: {  	[sflag:s17] =	ssyncset.done $0x0  }
0x26: {  	[sflag:s17] =	ssyncadd.s32 $0xFFFFFF80  }
0x27: {  	[tilespmem:s18], [sflag:$0x1] =	stream.linear.gather [hbm4b:s20+s3], $0x1400, $0x38;
	[tilespmem:$0x1FE80] =	vst v63  }
0x28: {  	_ =	swait.ge [sflag:s17], $0x1400  }
.Ltmp0:
0x29: {  	[sflag:s17] =	ssyncset.done $0x0;
	(pc) =	sbr.rel @p0 .LBB2_2-.Ltmp0, $4  }
0x2a: {  	[sflag:s17] =	ssyncadd.s32 $0xFFFFEC00  }
0x2b: {  	[spmem:s2] =	stream.indirect.scatter.add.f32 [tilespmem:s18], [sflag:$0x1], $0x28, s3, s18, $0xb8;
	[tilespmem:$0x1FE80] =	vst v63  }
0x2c: {  	_ =	swait.ge [sflag:s17], $0x1400  }
0x2d: {  	s22 =	smov.u32 s24;
	s20 =	sadd.s32 $0x280, s20;
	[sflag:s17] =	ssyncset.done $0x0  }
0x2e: {  	s21 =	sadd.s32 s21, s12;
	[sflag:s17] =	ssyncadd.s32 $0xFFFFEC00  }
0x2f: {  	[tilespmem:s3], [sflag:$0x1] =	stream.linear.gather [hbm4b:s21+s3], $0x80, $0x38;
	[tilespmem:$0x1FE80] =	vst v63  }
0x30: {  	_ =	swait.ge [sflag:s17], $0x80  }
0x31: {  	[sflag:s17] =	ssyncset.done $0x0  }
0x32: {  	[sflag:s17] =	ssyncadd.s32 $0xFFFFFF80  }
0x33: {  	[tilespmem:s18], [sflag:$0x1] =	stream.linear.gather [hbm4b:s20+s3], $0x1400, $0x38;
	[tilespmem:$0x1FE80] =	vst v63  }
0x34: {  	_ =	swait.ge [sflag:s17], $0x1400  }
0x35: {  	[sflag:s17] =	ssyncset.done $0x0  }
0x36: {  	[sflag:s17] =	ssyncadd.s32 $0xFFFFEC00  }
0x37: {  	[spmem:s2] =	stream.indirect.scatter.add.f32 [tilespmem:s18], [sflag:$0x1], $0x28, s3, s18, $0xb8;
	[tilespmem:$0x1FE80] =	vst v63  }
0x38: {  	_ =	swait.ge [sflag:s17], $0x1400  }
0x39: {  	[sflag:s17] =	ssyncset.done $0x0  }
0x3a: {  	[sflag:s17] =	ssyncadd.s32 $0xFFFFEC00  }
0x3b: {  	[bflag:$0x0] =	sbarrier.arrive $0xFFFF  }
0x3c: {  	[hbm:s6], [sflag:s5] =	dma.local [spmem:s16], $0x3D40  }
0x3d: {  	_ =	swait.ge [sflag:s17], $0x3D40  }
0x3e: {  	[sflag:s17] =	ssyncset.done $0x0  }
0x3f: {  	[sflag:s17] =	ssyncadd.s32 $0xFFFFC2C0  }
0x40: {  	[bflag:$0x0] =	sbarrier.arrive $0xFFFF  }
0x41: {  	[spmem:s16], [sflag:s5] =	dma.local [hbm:s4], $0x3D40  }
0x42: {  	_ =	swait.ge [sflag:s17], $0x3D40  }
0x43: {  	[sflag:s17] =	ssyncset.done $0x0  }
0x44: {  	[sflag:s17] =	ssyncadd.s32 $0xFFFFC2C0  }
0x45: {  	s31 =	sadd.s32 $0x0, s12;
	[bflag:$0x0] =	sbarrier.arrive $0xFFFF  }
0x46: {  	[tilespmem:s3], [sflag:$0x1] =	stream.linear.gather [hbm4b:s31+s3], $0x80, $0x38;
	[tilespmem:$0x1FE80] =	vst v63  }
0x47: {  	_ =	swait.ge [sflag:s17], $0x80  }
0x48: {  	[sflag:s17] =	ssyncset.done $0x0  }
0x49: {  	[sflag:s17] =	ssyncadd.s32 $0xFFFFFF80  }
0x4a: {  	[tilespmem:s18], [sflag:$0x1] =	stream.linear.gather [hbm4b:s13+s3], $0x1400, $0x38;
	[tilespmem:$0x1FE80] =	vst v63  }
0x4b: {  	_ =	swait.ge [sflag:s17], $0x1400  }
0x4c: {  	[sflag:s17] =	ssyncset.done $0x0  }
0x4d: {  	[sflag:s17] =	ssyncadd.s32 $0xFFFFEC00  }
0x4e: {  	[spmem:s2] =	stream.indirect.scatter.add.f32 [tilespmem:s18], [sflag:$0x1], $0x28, s3, s18, $0xb8;
	[tilespmem:$0x1FE80] =	vst v63  }
0x4f: {  	s22 =	simm.s32 $0x20;
	_ =	swait.ge [sflag:s17], $0x1400  }
0x50: {  	s21 =	simm.s32 $0x10;
	s20 =	sadd.s32 $0x280, s13;
	[sflag:s17] =	ssyncset.done $0x0  }
.LBB2_4:
0x51: {  	s23 =	sadd.s32 s21, s12  }
0x52: {  	[sflag:s17] =	ssyncadd.s32 $0xFFFFEC00;
	s21 =	smov.u32 s22;
	s24 =	sadd.s32 $0x10, s22  }
0x53: {  	[tilespmem:s3], [sflag:$0x1] =	stream.linear.gather [hbm4b:s23+s3], $0x80, $0x38;
	[tilespmem:$0x1FE80] =	vst v63  }
0x54: {  	p0 =	sne.s32 s22, $0xCF0;
	_ =	swait.ge [sflag:s17], $0x80  }
0x55: {  	[sflag:s17] =	ssyncset.done $0x0  }
0x56: {  	[sflag:s17] =	ssyncadd.s32 $0xFFFFFF80  }
0x57: {  	[tilespmem:s18], [sflag:$0x1] =	stream.linear.gather [hbm4b:s20+s3], $0x1400, $0x38;
	[tilespmem:$0x1FE80] =	vst v63  }
0x58: {  	_ =	swait.ge [sflag:s17], $0x1400  }
.Ltmp1:
0x59: {  	[sflag:s17] =	ssyncset.done $0x0;
	(pc) =	sbr.rel @p0 .LBB2_4-.Ltmp1, $4  }
0x5a: {  	[sflag:s17] =	ssyncadd.s32 $0xFFFFEC00  }
0x5b: {  	[spmem:s2] =	stream.indirect.scatter.add.f32 [tilespmem:s18], [sflag:$0x1], $0x28, s3, s18, $0xb8;
	[tilespmem:$0x1FE80] =	vst v63  }
0x5c: {  	_ =	swait.ge [sflag:s17], $0x1400  }
0x5d: {  	s22 =	smov.u32 s24;
	s20 =	sadd.s32 $0x280, s20;
	[sflag:s17] =	ssyncset.done $0x0  }
0x5e: {  	s21 =	sadd.s32 s21, s12;
	[sflag:s17] =	ssyncadd.s32 $0xFFFFEC00  }
0x5f: {  	[tilespmem:s3], [sflag:$0x1] =	stream.linear.gather [hbm4b:s21+s3], $0x80, $0x38;
	[tilespmem:$0x1FE80] =	vst v63  }
0x60: {  	_ =	swait.ge [sflag:s17], $0x80  }
0x61: {  	[sflag:s17] =	ssyncset.done $0x0  }
0x62: {  	[sflag:s17] =	ssyncadd.s32 $0xFFFFFF80  }
0x63: {  	[tilespmem:s18], [sflag:$0x1] =	stream.linear.gather [hbm4b:s20+s3], $0x1400, $0x38;
	[tilespmem:$0x1FE80] =	vst v63  }
0x64: {  	_ =	swait.ge [sflag:s17], $0x1400  }
0x65: {  	[sflag:s17] =	ssyncset.done $0x0  }
0x66: {  	[sflag:s17] =	ssyncadd.s32 $0xFFFFEC00  }
0x67: {  	[spmem:s2] =	stream.indirect.scatter.add.f32 [tilespmem:s18], [sflag:$0x1], $0x28, s3, s18, $0xb8;
	[tilespmem:$0x1FE80] =	vst v63  }
0x68: {  	_ =	swait.ge [sflag:s17], $0x1400  }
0x69: {  	[sflag:s17] =	ssyncset.done $0x0  }
0x6a: {  	[sflag:s17] =	ssyncadd.s32 $0xFFFFEC00  }
0x6b: {  	[bflag:$0x0] =	sbarrier.arrive $0xFFFF  }
0x6c: {  	[hbm:s7], [sflag:s5] =	dma.local [spmem:s16], $0x3D40  }
0x6d: {  	_ =	swait.ge [sflag:s17], $0x3D40  }
0x6e: {  	[sflag:s17] =	ssyncset.done $0x0  }
0x6f: {  	[sflag:s17] =	ssyncadd.s32 $0xFFFFC2C0  }
0x70: {  	[bflag:$0x0] =	sbarrier.arrive $0xFFFF  }
0x71: {  	[spmem:s16], [sflag:s5] =	dma.local [hbm:s4], $0x3D40  }
0x72: {  	_ =	swait.ge [sflag:s17], $0x3D40  }
0x73: {  	[sflag:s17] =	ssyncset.done $0x0  }
0x74: {  	[sflag:s17] =	ssyncadd.s32 $0xFFFFC2C0  }
0x75: {  	s31 =	sadd.s32 $0x0, s12;
	[bflag:$0x0] =	sbarrier.arrive $0xFFFF  }
0x76: {  	[tilespmem:s3], [sflag:$0x1] =	stream.linear.gather [hbm4b:s31+s3], $0x80, $0x38;
	[tilespmem:$0x1FE80] =	vst v63  }
0x77: {  	_ =	swait.ge [sflag:s17], $0x80  }
0x78: {  	[sflag:s17] =	ssyncset.done $0x0  }
0x79: {  	[sflag:s17] =	ssyncadd.s32 $0xFFFFFF80  }
0x7a: {  	[tilespmem:s18], [sflag:$0x1] =	stream.linear.gather [hbm4b:s14+s3], $0x1400, $0x38;
	[tilespmem:$0x1FE80] =	vst v63  }
0x7b: {  	_ =	swait.ge [sflag:s17], $0x1400  }
0x7c: {  	[sflag:s17] =	ssyncset.done $0x0  }
0x7d: {  	[sflag:s17] =	ssyncadd.s32 $0xFFFFEC00  }
0x7e: {  	[spmem:s2] =	stream.indirect.scatter.add.f32 [tilespmem:s18], [sflag:$0x1], $0x28, s3, s18, $0xb8;
	[tilespmem:$0x1FE80] =	vst v63  }
0x7f: {  	s22 =	simm.s32 $0x20;
	_ =	swait.ge [sflag:s17], $0x1400  }
0x80: {  	s21 =	simm.s32 $0x10;
	s20 =	sadd.s32 $0x280, s14;
	[sflag:s17] =	ssyncset.done $0x0  }
.LBB2_6:
0x81: {  	s23 =	sadd.s32 s21, s12  }
0x82: {  	[sflag:s17] =	ssyncadd.s32 $0xFFFFEC00;
	s21 =	smov.u32 s22;
	s24 =	sadd.s32 $0x10, s22  }
0x83: {  	[tilespmem:s3], [sflag:$0x1] =	stream.linear.gather [hbm4b:s23+s3], $0x80, $0x38;
	[tilespmem:$0x1FE80] =	vst v63  }
0x84: {  	p0 =	sne.s32 s22, $0xCF0;
	_ =	swait.ge [sflag:s17], $0x80  }
0x85: {  	[sflag:s17] =	ssyncset.done $0x0  }
0x86: {  	[sflag:s17] =	ssyncadd.s32 $0xFFFFFF80  }
0x87: {  	[tilespmem:s18], [sflag:$0x1] =	stream.linear.gather [hbm4b:s20+s3], $0x1400, $0x38;
	[tilespmem:$0x1FE80] =	vst v63  }
0x88: {  	_ =	swait.ge [sflag:s17], $0x1400  }
.Ltmp2:
0x89: {  	[sflag:s17] =	ssyncset.done $0x0;
	(pc) =	sbr.rel @p0 .LBB2_6-.Ltmp2, $4  }
0x8a: {  	[sflag:s17] =	ssyncadd.s32 $0xFFFFEC00  }
0x8b: {  	[spmem:s2] =	stream.indirect.scatter.add.f32 [tilespmem:s18], [sflag:$0x1], $0x28, s3, s18, $0xb8;
	[tilespmem:$0x1FE80] =	vst v63  }
0x8c: {  	_ =	swait.ge [sflag:s17], $0x1400  }
0x8d: {  	s22 =	smov.u32 s24;
	s20 =	sadd.s32 $0x280, s20;
	[sflag:s17] =	ssyncset.done $0x0  }
0x8e: {  	s21 =	sadd.s32 s21, s12;
	[sflag:s17] =	ssyncadd.s32 $0xFFFFEC00  }
0x8f: {  	[tilespmem:s3], [sflag:$0x1] =	stream.linear.gather [hbm4b:s21+s3], $0x80, $0x38;
	[tilespmem:$0x1FE80] =	vst v63  }
0x90: {  	_ =	swait.ge [sflag:s17], $0x80  }
0x91: {  	[sflag:s17] =	ssyncset.done $0x0  }
0x92: {  	[sflag:s17] =	ssyncadd.s32 $0xFFFFFF80  }
0x93: {  	[tilespmem:s18], [sflag:$0x1] =	stream.linear.gather [hbm4b:s20+s3], $0x1400, $0x38;
	[tilespmem:$0x1FE80] =	vst v63  }
0x94: {  	_ =	swait.ge [sflag:s17], $0x1400  }
0x95: {  	[sflag:s17] =	ssyncset.done $0x0  }
0x96: {  	[sflag:s17] =	ssyncadd.s32 $0xFFFFEC00  }
0x97: {  	[spmem:s2] =	stream.indirect.scatter.add.f32 [tilespmem:s18], [sflag:$0x1], $0x28, s3, s18, $0xb8;
	[tilespmem:$0x1FE80] =	vst v63  }
0x98: {  	_ =	swait.ge [sflag:s17], $0x1400  }
0x99: {  	[sflag:s17] =	ssyncset.done $0x0  }
0x9a: {  	[sflag:s17] =	ssyncadd.s32 $0xFFFFEC00  }
0x9b: {  	[bflag:$0x0] =	sbarrier.arrive $0xFFFF  }
0x9c: {  	[hbm:s8], [sflag:s5] =	dma.local [spmem:s16], $0x3D40  }
0x9d: {  	_ =	swait.ge [sflag:s17], $0x3D40  }
0x9e: {  	[sflag:s17] =	ssyncset.done $0x0  }
0x9f: {  	[sflag:s17] =	ssyncadd.s32 $0xFFFFC2C0  }
0xa0: {  	[bflag:$0x0] =	sbarrier.arrive $0xFFFF  }
0xa1: {  	[spmem:s16], [sflag:s5] =	dma.local [hbm:s4], $0x3D40  }
0xa2: {  	_ =	swait.ge [sflag:s17], $0x3D40  }
0xa3: {  	[sflag:s17] =	ssyncset.done $0x0  }
0xa4: {  	[sflag:s17] =	ssyncadd.s32 $0xFFFFC2C0  }
0xa5: {  	s31 =	sadd.s32 $0x0, s12;
	[bflag:$0x0] =	sbarrier.arrive $0xFFFF  }
0xa6: {  	[tilespmem:s3], [sflag:$0x1] =	stream.linear.gather [hbm4b:s31+s3], $0x80, $0x38;
	[tilespmem:$0x1FE80] =	vst v63  }
0xa7: {  	_ =	swait.ge [sflag:s17], $0x80  }
0xa8: {  	[sflag:s17] =	ssyncset.done $0x0  }
0xa9: {  	[sflag:s17] =	ssyncadd.s32 $0xFFFFFF80  }
0xaa: {  	[tilespmem:s18], [sflag:$0x1] =	stream.linear.gather [hbm4b:s15+s3], $0x1400, $0x38;
	[tilespmem:$0x1FE80] =	vst v63  }
0xab: {  	_ =	swait.ge [sflag:s17], $0x1400  }
0xac: {  	[sflag:s17] =	ssyncset.done $0x0  }
0xad: {  	[sflag:s17] =	ssyncadd.s32 $0xFFFFEC00  }
0xae: {  	[spmem:s2] =	stream.indirect.scatter.add.f32 [tilespmem:s18], [sflag:$0x1], $0x28, s3, s18, $0xb8;
	[tilespmem:$0x1FE80] =	vst v63  }
0xaf: {  	s22 =	simm.s32 $0x20;
	_ =	swait.ge [sflag:s17], $0x1400  }
0xb0: {  	s21 =	simm.s32 $0x10;
	s20 =	sadd.s32 $0x280, s15;
	[sflag:s17] =	ssyncset.done $0x0  }
.LBB2_8:
0xb1: {  	s23 =	sadd.s32 s21, s12  }
0xb2: {  	[sflag:s17] =	ssyncadd.s32 $0xFFFFEC00;
	s21 =	smov.u32 s22;
	s24 =	sadd.s32 $0x10, s22  }
0xb3: {  	[tilespmem:s3], [sflag:$0x1] =	stream.linear.gather [hbm4b:s23+s3], $0x80, $0x38;
	[tilespmem:$0x1FE80] =	vst v63  }
0xb4: {  	p0 =	sne.s32 s22, $0xCF0;
	_ =	swait.ge [sflag:s17], $0x80  }
0xb5: {  	[sflag:s17] =	ssyncset.done $0x0  }
0xb6: {  	[sflag:s17] =	ssyncadd.s32 $0xFFFFFF80  }
0xb7: {  	[tilespmem:s18], [sflag:$0x1] =	stream.linear.gather [hbm4b:s20+s3], $0x1400, $0x38;
	[tilespmem:$0x1FE80] =	vst v63  }
0xb8: {  	_ =	swait.ge [sflag:s17], $0x1400  }
.Ltmp3:
0xb9: {  	[sflag:s17] =	ssyncset.done $0x0;
	(pc) =	sbr.rel @p0 .LBB2_8-.Ltmp3, $4  }
0xba: {  	[sflag:s17] =	ssyncadd.s32 $0xFFFFEC00  }
0xbb: {  	[spmem:s2] =	stream.indirect.scatter.add.f32 [tilespmem:s18], [sflag:$0x1], $0x28, s3, s18, $0xb8;
	[tilespmem:$0x1FE80] =	vst v63  }
0xbc: {  	_ =	swait.ge [sflag:s17], $0x1400  }
0xbd: {  	s22 =	smov.u32 s24;
	s20 =	sadd.s32 $0x280, s20;
	[sflag:s17] =	ssyncset.done $0x0  }
0xbe: {  	s21 =	sadd.s32 s21, s12;
	[sflag:s17] =	ssyncadd.s32 $0xFFFFEC00  }
0xbf: {  	[tilespmem:s3], [sflag:$0x1] =	stream.linear.gather [hbm4b:s21+s3], $0x80, $0x38;
	[tilespmem:$0x1FE80] =	vst v63  }
0xc0: {  	_ =	swait.ge [sflag:s17], $0x80  }
0xc1: {  	[sflag:s17] =	ssyncset.done $0x0  }
0xc2: {  	[sflag:s17] =	ssyncadd.s32 $0xFFFFFF80  }
0xc3: {  	[tilespmem:s18], [sflag:$0x1] =	stream.linear.gather [hbm4b:s20+s3], $0x1400, $0x38;
	[tilespmem:$0x1FE80] =	vst v63  }
0xc4: {  	_ =	swait.ge [sflag:s17], $0x1400  }
0xc5: {  	[sflag:s17] =	ssyncset.done $0x0  }
0xc6: {  	[sflag:s17] =	ssyncadd.s32 $0xFFFFEC00  }
0xc7: {  	[spmem:s2] =	stream.indirect.scatter.add.f32 [tilespmem:s18], [sflag:$0x1], $0x28, s3, s18, $0xb8;
	[tilespmem:$0x1FE80] =	vst v63  }
0xc8: {  	_ =	swait.ge [sflag:s17], $0x1400  }
0xc9: {  	[sflag:s17] =	ssyncset.done $0x0  }
0xca: {  	s19 =	sadd.s32 $0x1, s19;
	[sflag:s17] =	ssyncadd.s32 $0xFFFFEC00  }
0xcb: {  	p0 =	sne.s32 s19, s11;
	[bflag:$0x0] =	sbarrier.arrive $0xFFFF  }
0xcc: {  	[hbm:s9], [sflag:s5] =	dma.local [spmem:s16], $0x3D40  }
.Ltmp4:
0xcd: {  	_ =	swait.ge [sflag:s17], $0x3D40;
	(pc) =	sbr.rel @p0 .LBB2_1-.Ltmp4, $3  }
0xce: {  	[sflag:s17] =	ssyncset.done $0x0  }
0xcf: {  	[sflag:s17] =	ssyncadd.s32 $0xFFFFC2C0  }
0xd0: {  	[bflag:$0x0] =	sbarrier.arrive $0xFFFF;
	_ =	sdelay $0x1  }
0xd1: {  	_ =	sfence.sel $0x180000  }
0xd2: {  	[bflag:$0x0] =	sbarrier.arrive $0xFFFF  }
0xd3: {  	p0 =	sne.s32 s0, $0x0;
	_ =	strace $0x90000059  }
0xd4: {  	s0 =	sadd.s32 @!p0 $0x100000, s1;
	[bflag:$0x2] =	sbarrier.arrive $0xFFFF  }
0xd5: {  	[sflag:s0] =	ssyncadd.tile.s32 @!p0 $0x1;
	_ =	shalt  }
.Lfunc_end2:
_tile_overlayer_lowered:
.L_overlay_start_2:
0xd6: {  	(tag) =	ssettag $0x2  }
0xd7: {  	s0 =	rddreg [dreg:$0x0];
	s2 =	stileid.u32  }
0xd8: {  	s1 =	rddreg [dreg:$0x1];
	p0 =	sne.s32 s2, $0x0  }
0xd9: {  	s3 =	rddreg [dreg:$0x2];
	[bflag:$0x3] =	sbarrier.arrive $0xFFFF;
	s2 =	simm.s32 @!p0 $0x1C01  }
0xda: {  	[timem:s3], [sflag:s2] =	dma.local @!p0 [hbm:s0], s1  }
0xdb: {  	s0 =	simm.s32 @!p0 $0x1  }
0xdc: {  	_ =	swait.ge @!p0 [sflag:s0], s1  }
0xdd: {  	s1 =	ssub.s32 @!p0 $0x0, s1;
	[sflag:s0] =	ssyncset.done @!p0 $0x0  }
0xde: {  	[sflag:s0] =	ssyncadd.s32 @!p0 s1  }
0xdf: {  	[bflag:$0x3] =	sbarrier.arrive $0xFFFF  }
0xe0: {  	_ =	shalt  }

</sc_bundles>
